<compile_context>
chip_gen: v7x
topology: tpu7x:2x2x1
jax: 0.10.2.dev20260603
libtpu: 0.0.44.dev20260713+nightly
codegen_flags: <defaults>
</compile_context>

<pallas_src>
import functools

import jax
import jax.numpy as jnp
from jax import lax
from jax.experimental import pallas as pl
from jax.experimental.pallas import tpu as pltpu
from jax.experimental.pallas import tpu_sc as plsc

T = 2048
H = 16
DH = 64
C = H * DH
WIN = 32
ROW = 4 * DH
BT = 256
BQ = 256
CK = BQ + 2 * WIN
PW = 512

NC = 2
NS = 16
NW = NC * NS
LANES = 16
CH = 128
ROWS_PER_W = (H * T) // NW
NCHUNK = ROWS_PER_W // CH


def _qkv_body(x_ref, w_ref, o_ref, w_scr):
    @pl.when(pl.program_id(0) == 0)
    def _():
        for hh in range(H):
            for part in range(3):
                w_scr[:, hh * ROW + part * DH:hh * ROW + (part + 1) * DH] = (
                    w_ref[:, part * C + hh * DH:part * C + (hh + 1) * DH]
                    .astype(jnp.bfloat16))
            w_scr[:, hh * ROW + 3 * DH:(hh + 1) * ROW] = jnp.zeros(
                (C, DH), jnp.bfloat16)

    mm = lax.dot_general(x_ref[...].astype(jnp.bfloat16), w_scr[...],
                         (((1,), (0,)), ((), ())),
                         preferred_element_type=jnp.float32)
    i = pl.program_id(0)
    pos = (i * BT + lax.broadcasted_iota(jnp.int32, mm.shape, 0)).astype(jnp.float32)
    lane = lax.broadcasted_iota(jnp.int32, mm.shape, 1)
    o_ref[...] = mm + jnp.where(lane % ROW >= 3 * DH, pos, 0.0)


def _attn_body(tab_ref, bias_ref, y_ref):
    nt = T // BQ

    def tile(qs, sel):
        s = pl.multiple_of(jnp.clip(qs - WIN, 0, T - CK), WIN)
        q = (tab_ref[0, pl.ds(qs, BQ), 0:DH] * 0.125).astype(jnp.bfloat16)
        posq = tab_ref[0, pl.ds(qs, BQ), 3 * DH:4 * DH]
        pos_q = jnp.min(posq, axis=1, keepdims=True)
        kc = tab_ref[0, pl.ds(s, CK), DH:2 * DH].astype(jnp.bfloat16)
        vc = tab_ref[0, pl.ds(s, CK), 2 * DH:3 * DH].astype(jnp.bfloat16)
        posk = tab_ref[0, pl.ds(s, CK), 3 * DH:4 * DH]
        pos_k = jnp.transpose(posk)[0:1, :]
        scores = lax.dot_general(q, kc, (((1,), (1,)), ((), ())),
                                 preferred_element_type=jnp.float32)
        bias = bias_ref[pl.ds(pl.multiple_of(sel * BQ, BQ), BQ), :]
        sm = jnp.where(pos_k <= pos_q, scores + bias, -1e30)
        mx = jnp.max(sm, axis=1, keepdims=True)
        e = jnp.exp(sm - mx)
        den = jnp.sum(e, axis=1, keepdims=True)
        y = lax.dot_general(e.astype(jnp.bfloat16), vc, (((1,), (0,)), ((), ())),
                            preferred_element_type=jnp.float32)
        y_ref[0, pl.ds(qs, BQ), 0:DH] = y / den

    def pair(pidx, _):
        base = pl.multiple_of(pidx * 2 * BQ, 2 * BQ)
        t0 = pidx * 2
        tile(base, jnp.where(t0 == 0, 0, 1))
        tile(pl.multiple_of(base + BQ, BQ), jnp.where(t0 + 1 == nt - 1, 2, 1))
        return 0

    lax.fori_loop(0, nt // 2, pair, 0)


def _out_body(y_ref, w_ref, o_ref, w_scr):
    @pl.when(pl.program_id(0) == 0)
    def _():
        w_scr[...] = w_ref[...].astype(jnp.bfloat16)

    yc = jnp.concatenate(
        [y_ref[:, h * 2 * DH:h * 2 * DH + DH] for h in range(H)],
        axis=1).astype(jnp.bfloat16)
    o_ref[...] = lax.dot_general(yc, w_scr[...], (((1,), (0,)), ((), ())),
                                 preferred_element_type=jnp.float32)


def _sc_permute_body(fwd, width, tab_ref, perm_ref, out_ref,
                     idx_v, buf0, buf1, sem0, sem1):
    wid = lax.axis_index("s") * NC + lax.axis_index("c")
    base = wid * ROWS_PER_W
    h = base // T
    pltpu.sync_copy(perm_ref.at[pl.ds(wid * NCHUNK, NCHUNK)], idx_v)
    for j in range(ROWS_PER_W // LANES):
        r, k = divmod(j * LANES, CH)
        v = idx_v[r, pl.ds(k, LANES)]
        idx_v[r, pl.ds(k, LANES)] = v * H + h
    bufs = (buf0, buf1)
    sems = (sem0, sem1)
    if fwd:
        cps = [pltpu.async_copy(tab_ref.at[idx_v.at[0]], bufs[0], sems[0])]
        for c in range(NCHUNK):
            if c + 1 < NCHUNK:
                cps.append(pltpu.async_copy(tab_ref.at[idx_v.at[c + 1]],
                                            bufs[(c + 1) % 2], sems[(c + 1) % 2]))
            cps[c].wait()
            pltpu.sync_copy(bufs[c % 2], out_ref.at[pl.ds(base + c * CH, CH)])
    else:
        cps = [pltpu.async_copy(tab_ref.at[pl.ds(base, CH)], bufs[0], sems[0])]
        for c in range(NCHUNK):
            if c + 1 < NCHUNK:
                cps.append(pltpu.async_copy(
                    tab_ref.at[pl.ds(base + (c + 1) * CH, CH)],
                    bufs[(c + 1) % 2], sems[(c + 1) % 2]))
            cps[c].wait()
            pltpu.async_copy(bufs[c % 2], out_ref.at[idx_v.at[c]],
                             sems[c % 2]).wait()


def _sc_permute(fwd, width, tab, perm2d):
    mesh = plsc.VectorSubcoreMesh(core_axis_name="c", subcore_axis_name="s",
                                  num_cores=NC, num_subcores=NS)
    fn = pl.kernel(
        functools.partial(_sc_permute_body, fwd, width),
        out_type=jax.ShapeDtypeStruct((H * T, width), jnp.float32),
        mesh=mesh,
        scratch_types=[
            pltpu.VMEM((NCHUNK, CH), jnp.int32),
            pltpu.VMEM((CH, width), jnp.float32),
            pltpu.VMEM((CH, width), jnp.float32),
            pltpu.SemaphoreType.DMA,
            pltpu.SemaphoreType.DMA,
        ],
    )
    return fn(tab, perm2d)


def kernel(x, W_qkv, W_out, W_r, perm):
    x2d = x[0]
    perm2d = perm.reshape((H * T) // CH, CH)

    dmat = (jnp.arange(CK, dtype=jnp.int32)[None, :]
            - jnp.arange(BQ, dtype=jnp.int32)[:, None])
    bias = jnp.concatenate([
        jnp.where((dmat >= -WIN) & (dmat <= WIN), 0.0, -1e30),
        jnp.where((dmat >= 0) & (dmat <= 2 * WIN), 0.0, -1e30),
        jnp.where((dmat >= WIN) & (dmat <= 3 * WIN), 0.0, -1e30),
    ], axis=0).astype(jnp.float32)

    table = pl.pallas_call(
        _qkv_body,
        grid=(T // BT,),
        in_specs=[
            pl.BlockSpec((BT, C), lambda i: (i, 0)),
            pl.BlockSpec((C, 3 * C), lambda i: (0, 0)),
        ],
        out_specs=pl.BlockSpec((BT, H * ROW), lambda i: (i, 0)),
        out_shape=jax.ShapeDtypeStruct((T, H * ROW), jnp.float32),
        scratch_shapes=[pltpu.VMEM((C, H * ROW), jnp.bfloat16)],
    )(x2d, W_qkv)

    tab_pi = _sc_permute(True, ROW, table.reshape(T * H, ROW), perm2d)
    tab_pi = tab_pi.reshape(H, T, ROW)

    y_pi = pl.pallas_call(
        _attn_body,
        grid=(H,),
        in_specs=[
            pl.BlockSpec((1, T, ROW), lambda hh: (hh, 0, 0)),
            pl.BlockSpec((3 * BQ, CK), lambda hh: (0, 0)),
        ],
        out_specs=pl.BlockSpec((1, T, 2 * DH), lambda hh: (hh, 0, 0)),
        out_shape=jax.ShapeDtypeStruct((H, T, 2 * DH), jnp.float32),
    )(tab_pi, bias)

    y2d = _sc_permute(False, 2 * DH, y_pi.reshape(H * T, 2 * DH), perm2d)
    y2d = y2d.reshape(T, 2 * C)

    out = pl.pallas_call(
        _out_body,
        grid=(T // BT,),
        in_specs=[
            pl.BlockSpec((BT, 2 * C), lambda i: (i, 0)),
            pl.BlockSpec((C, C), lambda i: (0, 0)),
        ],
        out_specs=pl.BlockSpec((BT, C), lambda i: (i, 0)),
        out_shape=jax.ShapeDtypeStruct((T, C), jnp.float32),
        scratch_shapes=[pltpu.VMEM((C, C), jnp.bfloat16)],
    )(y2d, W_out)
    return out.reshape(1, T, C)

# --- scband reference (transcript-rebuilt; emitter-appended) ---
"""Pipeline reference for scband-permuted-cycle-attention-53635551592657 (READ-ONLY COPY).

The authoritative reference and input builder live on the scoring server;
editing this copy changes nothing except your own understanding.
"""

import jax, jax.numpy as jnp
import numpy as np

N_EMBD = 1024
N_HEADS = 16
HEAD_DIM = 64
WINDOW = 32
B = 1
T = 2048


def setup_inputs(seed: int = 0) -> dict:
    key = jax.random.key(seed)
    ks = jax.random.split(key, 4)
    x = jax.random.normal(ks[0], (B, T, N_EMBD), dtype=jnp.float32)
    W_qkv = jax.random.normal(ks[1], (N_EMBD, 3 * N_EMBD), dtype=jnp.float32) * (1.0 / np.sqrt(N_EMBD))
    W_out = jax.random.normal(ks[2], (N_EMBD, N_EMBD), dtype=jnp.float32) * (1.0 / np.sqrt(N_EMBD))
    W_r = jax.random.normal(ks[3], (N_EMBD, N_HEADS * HEAD_DIM), dtype=jnp.float32) * (1.0 / np.sqrt(N_EMBD))
    # Per-head random cycle permutations (perm[pi_pos] = original_pos), seeded like the torch CPU generator.
    rng = np.random.default_rng(0)
    perm = jnp.asarray(np.stack([rng.permutation(T) for _ in range(N_HEADS)]), dtype=jnp.int32)
    return {"x": x, "W_qkv": W_qkv, "W_out": W_out, "W_r": W_r, "perm": perm}


def _head_attention(qh, kh, vh, perm):
    # qh, kh, vh: [B, T, dh]; perm: [T] int32
    Bq, Tq, dh = qh.shape
    inv_perm = jnp.zeros((Tq,), dtype=jnp.int32).at[perm].set(jnp.arange(Tq, dtype=jnp.int32))
    q_pi = qh[:, perm]
    k_pi = kh[:, perm]
    v_pi = vh[:, perm]
    offsets = jnp.arange(-WINDOW, WINDOW + 1)
    pi_idx = jnp.arange(Tq)[:, None] + offsets[None, :]          # [T, W]
    pi_c = jnp.clip(pi_idx, 0, Tq - 1)
    k_win = k_pi[:, pi_c]                                         # [B, T, W, dh] gather
    v_win = v_pi[:, pi_c]
    scores = (q_pi[:, :, None, :] * k_win).sum(-1) / jnp.sqrt(jnp.float32(dh))  # [B, T, W]
    # combined causal + window-validity mask in permuted order
    neigh_orig = perm[pi_c]                                       # [T, W]
    query_orig = perm[:, None]                                    # [T, 1]
    causal = neigh_orig <= query_orig
    valid = (pi_idx >= 0) & (pi_idx < Tq)
    mask = causal & valid
    scores = jnp.where(mask[None], scores, -jnp.inf)
    w = jax.nn.softmax(scores, axis=-1)
    y_pi = (w[..., None] * v_win).sum(axis=2)                     # [B, T, dh]
    return y_pi[:, inv_perm]


def _forward(x, W_qkv, W_out, W_r, perm):
    Bx, Tx, C = x.shape
    qkv = x @ W_qkv
    q, k, v = jnp.split(qkv, 3, axis=-1)
    q = q.reshape(Bx, Tx, N_HEADS, HEAD_DIM)
    k = k.reshape(Bx, Tx, N_HEADS, HEAD_DIM)
    v = v.reshape(Bx, Tx, N_HEADS, HEAD_DIM)
    # routing features (computed as in the torch module; unused for cycle='random')
    r_all = (x[0] @ W_r).reshape(Tx, N_HEADS, HEAD_DIM)
    ys = []
    for h in range(N_HEADS):
        ys.append(_head_attention(q[:, :, h], k[:, :, h], v[:, :, h], perm[h]))
    y = jnp.stack(ys, axis=2).reshape(Bx, Tx, C)
    return y @ W_out


def reference(x, W_qkv, W_out, W_r, perm):
    return _forward(x, W_qkv, W_out, W_r, perm)

if __name__ == "__main__":
    import jax
    _d = setup_inputs()
    print(jax.jit(kernel)(*tuple(_d.values())))

</pallas_src>

<mosaic_0001>
#map = affine_map<(d0, d1) -> (0, 0)>
module attributes {stable_mosaic.version = 14 : i64} {
  func.func @_sc_permute_body(%arg0: i32, %arg1: i32, %arg2: memref<32768x256xf32, #tpu.memory_space<hbm>>, %arg3: memref<256x128xi32, #tpu.memory_space<hbm>>, %arg4: memref<32768x256xf32, #tpu.memory_space<hbm>>, %arg5: memref<8x128xi32, #tpu.memory_space<vmem>>, %arg6: memref<128x256xf32, #tpu.memory_space<vmem>>, %arg7: memref<128x256xf32, #tpu.memory_space<vmem>>, %arg8: memref<!tpu.dma_semaphore, #tpu.memory_space<semaphore_mem>>, %arg9: memref<!tpu.dma_semaphore, #tpu.memory_space<semaphore_mem>>) attributes {dimension_semantics = [#tpu.dimension_semantics<core_parallel>, #tpu.dimension_semantics<subcore_parallel>], iteration_bounds = array<i64: 2, 16>, scalar_prefetch = 0 : i64, scratch_operands = 5 : i64, tpu.core_type = #tpu.core_type<sc_vector_subcore>, window_params = [{transform_indices = #map}, {transform_indices = #map}, {transform_indices = #map}]} {
    %mul3A = arith.constant 2 : i32
    %mul3A_0 = arith.muli %arg1, %mul3A : i32
    %add3A = arith.addi %mul3A_0, %arg0 : i32
    %mul3A_1 = arith.constant 1024 : i32
    %mul3A_2 = arith.muli %add3A, %mul3A_1 : i32
    %jit3A = arith.constant 2048 : i32
    %div3A = arith.divsi %mul3A_2, %jit3A : i32
    %sign3A = arith.constant 0 : i32
    %sign3A_3 = arith.cmpi sgt, %mul3A_2, %sign3A : i32
    %sign3A_4 = arith.extui %sign3A_3 : i1 to i32
    %sign3A_5 = arith.constant 0 : i32
    %sign3A_6 = arith.cmpi slt, %mul3A_2, %sign3A_5 : i32
    %sign3A_7 = arith.extui %sign3A_6 : i1 to i32
    %sign3A_8 = arith.subi %sign3A_4, %sign3A_7 : i32
    %sign3A_9 = arith.constant 0 : i32
    %sign3A_10 = arith.cmpi sgt, %jit3A, %sign3A_9 : i32
    %sign3A_11 = arith.extui %sign3A_10 : i1 to i32
    %sign3A_12 = arith.constant 0 : i32
    %sign3A_13 = arith.cmpi slt, %jit3A, %sign3A_12 : i32
    %sign3A_14 = arith.extui %sign3A_13 : i1 to i32
    %sign3A_15 = arith.subi %sign3A_11, %sign3A_14 : i32
    %ne3A = arith.cmpi ne, %sign3A_8, %sign3A_15 : i32
    %rem3A = arith.remsi %mul3A_2, %jit3A : i32
    %ne3A_16 = arith.constant 0 : i32
    %ne3A_17 = arith.cmpi ne, %rem3A, %ne3A_16 : i32
    %and3A = arith.andi %ne3A, %ne3A_17 : i1
    %sub3A = arith.constant 1 : i32
    %sub3A_18 = arith.subi %div3A, %sub3A : i32
    %select_n3A = arith.select %and3A, %sub3A_18, %div3A : i32
    %mul3A_19 = arith.constant 8 : i32
    %mul3A_20 = arith.muli %add3A, %mul3A_19 : i32
    "tpu.region"() ({
      %run_scoped3A = tpu.sem_alloc : memref<!tpu.dma_semaphore, #tpu.memory_space<semaphore_mem>>
      %dma_start3A_1169 = arith.constant 0 : i32
      %dma_start3A_1170 = tpu.memref_slice %arg3[%mul3A_20, %dma_start3A_1169] : memref<256x128xi32, #tpu.memory_space<hbm>> -> memref<8x128xi32, #tpu.memory_space<hbm>>
      %dma_start3A_1171 = arith.constant 0 : i32
      %dma_start3A_1172 = tpu.memref_slice %arg3[%mul3A_20, %dma_start3A_1171] : memref<256x128xi32, #tpu.memory_space<hbm>> -> memref<8x128xi32, #tpu.memory_space<hbm>>
      tpu.enqueue_dma source(%dma_start3A_1172 : memref<8x128xi32, #tpu.memory_space<hbm>>) target(%arg5 : memref<8x128xi32, #tpu.memory_space<vmem>>) target_semaphore(%run_scoped3A : memref<!tpu.dma_semaphore, #tpu.memory_space<semaphore_mem>>)
      %dma_wait3A_1173 = arith.constant 0 : i32
      %dma_wait3A_1174 = tpu.memref_slice %arg3[%mul3A_20, %dma_wait3A_1173] : memref<256x128xi32, #tpu.memory_space<hbm>> -> memref<8x128xi32, #tpu.memory_space<hbm>>
      %dma_wait3A_1175 = arith.constant 0 : i32
      %dma_wait3A_1176 = tpu.memref_slice %arg3[%mul3A_20, %dma_wait3A_1175] : memref<256x128xi32, #tpu.memory_space<hbm>> -> memref<8x128xi32, #tpu.memory_space<hbm>>
      tpu.wait_dma2 semaphore(%run_scoped3A : memref<!tpu.dma_semaphore, #tpu.memory_space<semaphore_mem>>) src(%dma_wait3A_1176 : memref<8x128xi32, #tpu.memory_space<hbm>>) dst(%arg5 : memref<8x128xi32, #tpu.memory_space<vmem>>)
      tpu.yield
    }) : () -> ()
    %get3A = arith.constant 0 : i32
    %get3A_21 = arith.index_cast %get3A : i32 to index
    %get3A_22 = arith.constant 0 : index
    %get3A_23 = tpu.vector_load %arg5[%get3A_21, %get3A_22] {strides = array<i32>} : memref<8x128xi32, #tpu.memory_space<vmem>>, vector<1x16xi32>,
    %get3A_24 = vector.shape_cast %get3A_23 : vector<1x16xi32> to vector<16xi32>
    %mul3A_25 = arith.constant 16 : i32
    %mul3A_26 = vector.broadcast %mul3A_25 : i32 to vector<16xi32>
    %mul3A_27 = arith.muli %get3A_24, %mul3A_26 : vector<16xi32>
    %add3A_28 = vector.broadcast %select_n3A : i32 to vector<16xi32>
    %add3A_29 = arith.addi %mul3A_27, %add3A_28 : vector<16xi32>
    %swap3A = arith.constant 0 : i32
    %swap3A_30 = arith.index_cast %swap3A : i32 to index
    %swap3A_31 = arith.constant 0 : index
    %swap3A_32 = tpu.vector_load %arg5[%swap3A_30, %swap3A_31] {strides = array<i32>} : memref<8x128xi32, #tpu.memory_space<vmem>>, vector<1x16xi32>,
    %swap3A_33 = vector.shape_cast %swap3A_32 : vector<1x16xi32> to vector<16xi32>
    %swap3A_34 = vector.shape_cast %add3A_29 : vector<16xi32> to vector<1x16xi32>
    tpu.vector_store %arg5[%swap3A_30, %swap3A_31], %swap3A_34 {strides = array<i32>} : memref<8x128xi32, #tpu.memory_space<vmem>>, vector<1x16xi32>,
    %get3A_35 = arith.constant 0 : i32
    %get3A_36 = arith.index_cast %get3A_35 : i32 to index
    %get3A_37 = arith.constant 16 : index
    %get3A_38 = tpu.vector_load %arg5[%get3A_36, %get3A_37] {strides = array<i32>} : memref<8x128xi32, #tpu.memory_space<vmem>>, vector<1x16xi32>,
    %get3A_39 = vector.shape_cast %get3A_38 : vector<1x16xi32> to vector<16xi32>
    %mul3A_40 = arith.constant 16 : i32
    %mul3A_41 = vector.broadcast %mul3A_40 : i32 to vector<16xi32>
    %mul3A_42 = arith.muli %get3A_39, %mul3A_41 : vector<16xi32>
    %add3A_43 = vector.broadcast %select_n3A : i32 to vector<16xi32>
    %add3A_44 = arith.addi %mul3A_42, %add3A_43 : vector<16xi32>
    %swap3A_45 = arith.constant 0 : i32
    %swap3A_46 = arith.index_cast %swap3A_45 : i32 to index
    %swap3A_47 = arith.constant 16 : index
    %swap3A_48 = tpu.vector_load %arg5[%swap3A_46, %swap3A_47] {strides = array<i32>} : memref<8x128xi32, #tpu.memory_space<vmem>>, vector<1x16xi32>,
    %swap3A_49 = vector.shape_cast %swap3A_48 : vector<1x16xi32> to vector<16xi32>
    %swap3A_50 = vector.shape_cast %add3A_44 : vector<16xi32> to vector<1x16xi32>
    tpu.vector_store %arg5[%swap3A_46, %swap3A_47], %swap3A_50 {strides = array<i32>} : memref<8x128xi32, #tpu.memory_space<vmem>>, vector<1x16xi32>,
    %get3A_51 = arith.constant 0 : i32
    %get3A_52 = arith.index_cast %get3A_51 : i32 to index
    %get3A_53 = arith.constant 32 : index
    %get3A_54 = tpu.vector_load %arg5[%get3A_52, %get3A_53] {strides = array<i32>} : memref<8x128xi32, #tpu.memory_space<vmem>>, vector<1x16xi32>,
    %get3A_55 = vector.shape_cast %get3A_54 : vector<1x16xi32> to vector<16xi32>
    %mul3A_56 = arith.constant 16 : i32
    %mul3A_57 = vector.broadcast %mul3A_56 : i32 to vector<16xi32>
    %mul3A_58 = arith.muli %get3A_55, %mul3A_57 : vector<16xi32>
    %add3A_59 = vector.broadcast %select_n3A : i32 to vector<16xi32>
    %add3A_60 = arith.addi %mul3A_58, %add3A_59 : vector<16xi32>
    %swap3A_61 = arith.constant 0 : i32
    %swap3A_62 = arith.index_cast %swap3A_61 : i32 to index
    %swap3A_63 = arith.constant 32 : index
    %swap3A_64 = tpu.vector_load %arg5[%swap3A_62, %swap3A_63] {strides = array<i32>} : memref<8x128xi32, #tpu.memory_space<vmem>>, vector<1x16xi32>,
    %swap3A_65 = vector.shape_cast %swap3A_64 : vector<1x16xi32> to vector<16xi32>
    %swap3A_66 = vector.shape_cast %add3A_60 : vector<16xi32> to vector<1x16xi32>
    tpu.vector_store %arg5[%swap3A_62, %swap3A_63], %swap3A_66 {strides = array<i32>} : memref<8x128xi32, #tpu.memory_space<vmem>>, vector<1x16xi32>,
    %get3A_67 = arith.constant 0 : i32
    %get3A_68 = arith.index_cast %get3A_67 : i32 to index
    %get3A_69 = arith.constant 48 : index
    %get3A_70 = tpu.vector_load %arg5[%get3A_68, %get3A_69] {strides = array<i32>} : memref<8x128xi32, #tpu.memory_space<vmem>>, vector<1x16xi32>,
    %get3A_71 = vector.shape_cast %get3A_70 : vector<1x16xi32> to vector<16xi32>
    %mul3A_72 = arith.constant 16 : i32
    %mul3A_73 = vector.broadcast %mul3A_72 : i32 to vector<16xi32>
    %mul3A_74 = arith.muli %get3A_71, %mul3A_73 : vector<16xi32>
    %add3A_75 = vector.broadcast %select_n3A : i32 to vector<16xi32>
    %add3A_76 = arith.addi %mul3A_74, %add3A_75 : vector<16xi32>
    %swap3A_77 = arith.constant 0 : i32
    %swap3A_78 = arith.index_cast %swap3A_77 : i32 to index
    %swap3A_79 = arith.constant 48 : index
    %swap3A_80 = tpu.vector_load %arg5[%swap3A_78, %swap3A_79] {strides = array<i32>} : memref<8x128xi32, #tpu.memory_space<vmem>>, vector<1x16xi32>,
    %swap3A_81 = vector.shape_cast %swap3A_80 : vector<1x16xi32> to vector<16xi32>
    %swap3A_82 = vector.shape_cast %add3A_76 : vector<16xi32> to vector<1x16xi32>
    tpu.vector_store %arg5[%swap3A_78, %swap3A_79], %swap3A_82 {strides = array<i32>} : memref<8x128xi32, #tpu.memory_space<vmem>>, vector<1x16xi32>,
    %get3A_83 = arith.constant 0 : i32
    %get3A_84 = arith.index_cast %get3A_83 : i32 to index
    %get3A_85 = arith.constant 64 : index
    %get3A_86 = tpu.vector_load %arg5[%get3A_84, %get3A_85] {strides = array<i32>} : memref<8x128xi32, #tpu.memory_space<vmem>>, vector<1x16xi32>,
    %get3A_87 = vector.shape_cast %get3A_86 : vector<1x16xi32> to vector<16xi32>
    %mul3A_88 = arith.constant 16 : i32
    %mul3A_89 = vector.broadcast %mul3A_88 : i32 to vector<16xi32>
    %mul3A_90 = arith.muli %get3A_87, %mul3A_89 : vector<16xi32>
    %add3A_91 = vector.broadcast %select_n3A : i32 to vector<16xi32>
    %add3A_92 = arith.addi %mul3A_90, %add3A_91 : vector<16xi32>
    %swap3A_93 = arith.constant 0 : i32
    %swap3A_94 = arith.index_cast %swap3A_93 : i32 to index
    %swap3A_95 = arith.constant 64 : index
    %swap3A_96 = tpu.vector_load %arg5[%swap3A_94, %swap3A_95] {strides = array<i32>} : memref<8x128xi32, #tpu.memory_space<vmem>>, vector<1x16xi32>,
    %swap3A_97 = vector.shape_cast %swap3A_96 : vector<1x16xi32> to vector<16xi32>
    %swap3A_98 = vector.shape_cast %add3A_92 : vector<16xi32> to vector<1x16xi32>
    tpu.vector_store %arg5[%swap3A_94, %swap3A_95], %swap3A_98 {strides = array<i32>} : memref<8x128xi32, #tpu.memory_space<vmem>>, vector<1x16xi32>,
    %get3A_99 = arith.constant 0 : i32
    %get3A_100 = arith.index_cast %get3A_99 : i32 to index
    %get3A_101 = arith.constant 80 : index
    %get3A_102 = tpu.vector_load %arg5[%get3A_100, %get3A_101] {strides = array<i32>} : memref<8x128xi32, #tpu.memory_space<vmem>>, vector<1x16xi32>,
    %get3A_103 = vector.shape_cast %get3A_102 : vector<1x16xi32> to vector<16xi32>
    %mul3A_104 = arith.constant 16 : i32
    %mul3A_105 = vector.broadcast %mul3A_104 : i32 to vector<16xi32>
    %mul3A_106 = arith.muli %get3A_103, %mul3A_105 : vector<16xi32>
    %add3A_107 = vector.broadcast %select_n3A : i32 to vector<16xi32>
    %add3A_108 = arith.addi %mul3A_106, %add3A_107 : vector<16xi32>
    %swap3A_109 = arith.constant 0 : i32
    %swap3A_110 = arith.index_cast %swap3A_109 : i32 to index
    %swap3A_111 = arith.constant 80 : index
    %swap3A_112 = tpu.vector_load %arg5[%swap3A_110, %swap3A_111] {strides = array<i32>} : memref<8x128xi32, #tpu.memory_space<vmem>>, vector<1x16xi32>,
    %swap3A_113 = vector.shape_cast %swap3A_112 : vector<1x16xi32> to vector<16xi32>
    %swap3A_114 = vector.shape_cast %add3A_108 : vector<16xi32> to vector<1x16xi32>
    tpu.vector_store %arg5[%swap3A_110, %swap3A_111], %swap3A_114 {strides = array<i32>} : memref<8x128xi32, #tpu.memory_space<vmem>>, vector<1x16xi32>,
    %get3A_115 = arith.constant 0 : i32
    %get3A_116 = arith.index_cast %get3A_115 : i32 to index
    %get3A_117 = arith.constant 96 : index
    %get3A_118 = tpu.vector_load %arg5[%get3A_116, %get3A_117] {strides = array<i32>} : memref<8x128xi32, #tpu.memory_space<vmem>>, vector<1x16xi32>,
    %get3A_119 = vector.shape_cast %get3A_118 : vector<1x16xi32> to vector<16xi32>
    %mul3A_120 = arith.constant 16 : i32
    %mul3A_121 = vector.broadcast %mul3A_120 : i32 to vector<16xi32>
    %mul3A_122 = arith.muli %get3A_119, %mul3A_121 : vector<16xi32>
    %add3A_123 = vector.broadcast %select_n3A : i32 to vector<16xi32>
    %add3A_124 = arith.addi %mul3A_122, %add3A_123 : vector<16xi32>
    %swap3A_125 = arith.constant 0 : i32
    %swap3A_126 = arith.index_cast %swap3A_125 : i32 to index
    %swap3A_127 = arith.constant 96 : index
    %swap3A_128 = tpu.vector_load %arg5[%swap3A_126, %swap3A_127] {strides = array<i32>} : memref<8x128xi32, #tpu.memory_space<vmem>>, vector<1x16xi32>,
    %swap3A_129 = vector.shape_cast %swap3A_128 : vector<1x16xi32> to vector<16xi32>
    %swap3A_130 = vector.shape_cast %add3A_124 : vector<16xi32> to vector<1x16xi32>
    tpu.vector_store %arg5[%swap3A_126, %swap3A_127], %swap3A_130 {strides = array<i32>} : memref<8x128xi32, #tpu.memory_space<vmem>>, vector<1x16xi32>,
    %get3A_131 = arith.constant 0 : i32
    %get3A_132 = arith.index_cast %get3A_131 : i32 to index
    %get3A_133 = arith.constant 112 : index
    %get3A_134 = tpu.vector_load %arg5[%get3A_132, %get3A_133] {strides = array<i32>} : memref<8x128xi32, #tpu.memory_space<vmem>>, vector<1x16xi32>,
    %get3A_135 = vector.shape_cast %get3A_134 : vector<1x16xi32> to vector<16xi32>
    %mul3A_136 = arith.constant 16 : i32
    %mul3A_137 = vector.broadcast %mul3A_136 : i32 to vector<16xi32>
    %mul3A_138 = arith.muli %get3A_135, %mul3A_137 : vector<16xi32>
    %add3A_139 = vector.broadcast %select_n3A : i32 to vector<16xi32>
    %add3A_140 = arith.addi %mul3A_138, %add3A_139 : vector<16xi32>
    %swap3A_141 = arith.constant 0 : i32
    %swap3A_142 = arith.index_cast %swap3A_141 : i32 to index
    %swap3A_143 = arith.constant 112 : index
    %swap3A_144 = tpu.vector_load %arg5[%swap3A_142, %swap3A_143] {strides = array<i32>} : memref<8x128xi32, #tpu.memory_space<vmem>>, vector<1x16xi32>,
    %swap3A_145 = vector.shape_cast %swap3A_144 : vector<1x16xi32> to vector<16xi32>
    %swap3A_146 = vector.shape_cast %add3A_140 : vector<16xi32> to vector<1x16xi32>
    tpu.vector_store %arg5[%swap3A_142, %swap3A_143], %swap3A_146 {strides = array<i32>} : memref<8x128xi32, #tpu.memory_space<vmem>>, vector<1x16xi32>,
    %get3A_147 = arith.constant 1 : i32
    %get3A_148 = arith.index_cast %get3A_147 : i32 to index
    %get3A_149 = arith.constant 0 : index
    %get3A_150 = tpu.vector_load %arg5[%get3A_148, %get3A_149] {strides = array<i32>} : memref<8x128xi32, #tpu.memory_space<vmem>>, vector<1x16xi32>,
    %get3A_151 = vector.shape_cast %get3A_150 : vector<1x16xi32> to vector<16xi32>
    %mul3A_152 = arith.constant 16 : i32
    %mul3A_153 = vector.broadcast %mul3A_152 : i32 to vector<16xi32>
    %mul3A_154 = arith.muli %get3A_151, %mul3A_153 : vector<16xi32>
    %add3A_155 = vector.broadcast %select_n3A : i32 to vector<16xi32>
    %add3A_156 = arith.addi %mul3A_154, %add3A_155 : vector<16xi32>
    %swap3A_157 = arith.constant 1 : i32
    %swap3A_158 = arith.index_cast %swap3A_157 : i32 to index
    %swap3A_159 = arith.constant 0 : index
    %swap3A_160 = tpu.vector_load %arg5[%swap3A_158, %swap3A_159] {strides = array<i32>} : memref<8x128xi32, #tpu.memory_space<vmem>>, vector<1x16xi32>,
    %swap3A_161 = vector.shape_cast %swap3A_160 : vector<1x16xi32> to vector<16xi32>
    %swap3A_162 = vector.shape_cast %add3A_156 : vector<16xi32> to vector<1x16xi32>
    tpu.vector_store %arg5[%swap3A_158, %swap3A_159], %swap3A_162 {strides = array<i32>} : memref<8x128xi32, #tpu.memory_space<vmem>>, vector<1x16xi32>,
    %get3A_163 = arith.constant 1 : i32
    %get3A_164 = arith.index_cast %get3A_163 : i32 to index
    %get3A_165 = arith.constant 16 : index
    %get3A_166 = tpu.vector_load %arg5[%get3A_164, %get3A_165] {strides = array<i32>} : memref<8x128xi32, #tpu.memory_space<vmem>>, vector<1x16xi32>,
    %get3A_167 = vector.shape_cast %get3A_166 : vector<1x16xi32> to vector<16xi32>
    %mul3A_168 = arith.constant 16 : i32
    %mul3A_169 = vector.broadcast %mul3A_168 : i32 to vector<16xi32>
    %mul3A_170 = arith.muli %get3A_167, %mul3A_169 : vector<16xi32>
    %add3A_171 = vector.broadcast %select_n3A : i32 to vector<16xi32>
    %add3A_172 = arith.addi %mul3A_170, %add3A_171 : vector<16xi32>
    %swap3A_173 = arith.constant 1 : i32
    %swap3A_174 = arith.index_cast %swap3A_173 : i32 to index
    %swap3A_175 = arith.constant 16 : index
    %swap3A_176 = tpu.vector_load %arg5[%swap3A_174, %swap3A_175] {strides = array<i32>} : memref<8x128xi32, #tpu.memory_space<vmem>>, vector<1x16xi32>,
    %swap3A_177 = vector.shape_cast %swap3A_176 : vector<1x16xi32> to vector<16xi32>
    %swap3A_178 = vector.shape_cast %add3A_172 : vector<16xi32> to vector<1x16xi32>
    tpu.vector_store %arg5[%swap3A_174, %swap3A_175], %swap3A_178 {strides = array<i32>} : memref<8x128xi32, #tpu.memory_space<vmem>>, vector<1x16xi32>,
    %get3A_179 = arith.constant 1 : i32
    %get3A_180 = arith.index_cast %get3A_179 : i32 to index
    %get3A_181 = arith.constant 32 : index
    %get3A_182 = tpu.vector_load %arg5[%get3A_180, %get3A_181] {strides = array<i32>} : memref<8x128xi32, #tpu.memory_space<vmem>>, vector<1x16xi32>,
    %get3A_183 = vector.shape_cast %get3A_182 : vector<1x16xi32> to vector<16xi32>
    %mul3A_184 = arith.constant 16 : i32
    %mul3A_185 = vector.broadcast %mul3A_184 : i32 to vector<16xi32>
    %mul3A_186 = arith.muli %get3A_183, %mul3A_185 : vector<16xi32>
    %add3A_187 = vector.broadcast %select_n3A : i32 to vector<16xi32>
    %add3A_188 = arith.addi %mul3A_186, %add3A_187 : vector<16xi32>
    %swap3A_189 = arith.constant 1 : i32
    %swap3A_190 = arith.index_cast %swap3A_189 : i32 to index
    %swap3A_191 = arith.constant 32 : index
    %swap3A_192 = tpu.vector_load %arg5[%swap3A_190, %swap3A_191] {strides = array<i32>} : memref<8x128xi32, #tpu.memory_space<vmem>>, vector<1x16xi32>,
    %swap3A_193 = vector.shape_cast %swap3A_192 : vector<1x16xi32> to vector<16xi32>
    %swap3A_194 = vector.shape_cast %add3A_188 : vector<16xi32> to vector<1x16xi32>
    tpu.vector_store %arg5[%swap3A_190, %swap3A_191], %swap3A_194 {strides = array<i32>} : memref<8x128xi32, #tpu.memory_space<vmem>>, vector<1x16xi32>,
    %get3A_195 = arith.constant 1 : i32
    %get3A_196 = arith.index_cast %get3A_195 : i32 to index
    %get3A_197 = arith.constant 48 : index
    %get3A_198 = tpu.vector_load %arg5[%get3A_196, %get3A_197] {strides = array<i32>} : memref<8x128xi32, #tpu.memory_space<vmem>>, vector<1x16xi32>,
    %get3A_199 = vector.shape_cast %get3A_198 : vector<1x16xi32> to vector<16xi32>
    %mul3A_200 = arith.constant 16 : i32
    %mul3A_201 = vector.broadcast %mul3A_200 : i32 to vector<16xi32>
    %mul3A_202 = arith.muli %get3A_199, %mul3A_201 : vector<16xi32>
    %add3A_203 = vector.broadcast %select_n3A : i32 to vector<16xi32>
    %add3A_204 = arith.addi %mul3A_202, %add3A_203 : vector<16xi32>
    %swap3A_205 = arith.constant 1 : i32
    %swap3A_206 = arith.index_cast %swap3A_205 : i32 to index
    %swap3A_207 = arith.constant 48 : index
    %swap3A_208 = tpu.vector_load %arg5[%swap3A_206, %swap3A_207] {strides = array<i32>} : memref<8x128xi32, #tpu.memory_space<vmem>>, vector<1x16xi32>,
    %swap3A_209 = vector.shape_cast %swap3A_208 : vector<1x16xi32> to vector<16xi32>
    %swap3A_210 = vector.shape_cast %add3A_204 : vector<16xi32> to vector<1x16xi32>
    tpu.vector_store %arg5[%swap3A_206, %swap3A_207], %swap3A_210 {strides = array<i32>} : memref<8x128xi32, #tpu.memory_space<vmem>>, vector<1x16xi32>,
    %get3A_211 = arith.constant 1 : i32
    %get3A_212 = arith.index_cast %get3A_211 : i32 to index
    %get3A_213 = arith.constant 64 : index
    %get3A_214 = tpu.vector_load %arg5[%get3A_212, %get3A_213] {strides = array<i32>} : memref<8x128xi32, #tpu.memory_space<vmem>>, vector<1x16xi32>,
    %get3A_215 = vector.shape_cast %get3A_214 : vector<1x16xi32> to vector<16xi32>
    %mul3A_216 = arith.constant 16 : i32
    %mul3A_217 = vector.broadcast %mul3A_216 : i32 to vector<16xi32>
    %mul3A_218 = arith.muli %get3A_215, %mul3A_217 : vector<16xi32>
    %add3A_219 = vector.broadcast %select_n3A : i32 to vector<16xi32>
    %add3A_220 = arith.addi %mul3A_218, %add3A_219 : vector<16xi32>
    %swap3A_221 = arith.constant 1 : i32
    %swap3A_222 = arith.index_cast %swap3A_221 : i32 to index
    %swap3A_223 = arith.constant 64 : index
    %swap3A_224 = tpu.vector_load %arg5[%swap3A_222, %swap3A_223] {strides = array<i32>} : memref<8x128xi32, #tpu.memory_space<vmem>>, vector<1x16xi32>,
    %swap3A_225 = vector.shape_cast %swap3A_224 : vector<1x16xi32> to vector<16xi32>
    %swap3A_226 = vector.shape_cast %add3A_220 : vector<16xi32> to vector<1x16xi32>
    tpu.vector_store %arg5[%swap3A_222, %swap3A_223], %swap3A_226 {strides = array<i32>} : memref<8x128xi32, #tpu.memory_space<vmem>>, vector<1x16xi32>,
    %get3A_227 = arith.constant 1 : i32
    %get3A_228 = arith.index_cast %get3A_227 : i32 to index
    %get3A_229 = arith.constant 80 : index
    %get3A_230 = tpu.vector_load %arg5[%get3A_228, %get3A_229] {strides = array<i32>} : memref<8x128xi32, #tpu.memory_space<vmem>>, vector<1x16xi32>,
    %get3A_231 = vector.shape_cast %get3A_230 : vector<1x16xi32> to vector<16xi32>
    %mul3A_232 = arith.constant 16 : i32
    %mul3A_233 = vector.broadcast %mul3A_232 : i32 to vector<16xi32>
    %mul3A_234 = arith.muli %get3A_231, %mul3A_233 : vector<16xi32>
    %add3A_235 = vector.broadcast %select_n3A : i32 to vector<16xi32>
    %add3A_236 = arith.addi %mul3A_234, %add3A_235 : vector<16xi32>
    %swap3A_237 = arith.constant 1 : i32
    %swap3A_238 = arith.index_cast %swap3A_237 : i32 to index
    %swap3A_239 = arith.constant 80 : index
    %swap3A_240 = tpu.vector_load %arg5[%swap3A_238, %swap3A_239] {strides = array<i32>} : memref<8x128xi32, #tpu.memory_space<vmem>>, vector<1x16xi32>,
    %swap3A_241 = vector.shape_cast %swap3A_240 : vector<1x16xi32> to vector<16xi32>
    %swap3A_242 = vector.shape_cast %add3A_236 : vector<16xi32> to vector<1x16xi32>
    tpu.vector_store %arg5[%swap3A_238, %swap3A_239], %swap3A_242 {strides = array<i32>} : memref<8x128xi32, #tpu.memory_space<vmem>>, vector<1x16xi32>,
    %get3A_243 = arith.constant 1 : i32
    %get3A_244 = arith.index_cast %get3A_243 : i32 to index
    %get3A_245 = arith.constant 96 : index
    %get3A_246 = tpu.vector_load %arg5[%get3A_244, %get3A_245] {strides = array<i32>} : memref<8x128xi32, #tpu.memory_space<vmem>>, vector<1x16xi32>,
    %get3A_247 = vector.shape_cast %get3A_246 : vector<1x16xi32> to vector<16xi32>
    %mul3A_248 = arith.constant 16 : i32
    %mul3A_249 = vector.broadcast %mul3A_248 : i32 to vector<16xi32>
    %mul3A_250 = arith.muli %get3A_247, %mul3A_249 : vector<16xi32>
    %add3A_251 = vector.broadcast %select_n3A : i32 to vector<16xi32>
    %add3A_252 = arith.addi %mul3A_250, %add3A_251 : vector<16xi32>
    %swap3A_253 = arith.constant 1 : i32
    %swap3A_254 = arith.index_cast %swap3A_253 : i32 to index
    %swap3A_255 = arith.constant 96 : index
    %swap3A_256 = tpu.vector_load %arg5[%swap3A_254, %swap3A_255] {strides = array<i32>} : memref<8x128xi32, #tpu.memory_space<vmem>>, vector<1x16xi32>,
    %swap3A_257 = vector.shape_cast %swap3A_256 : vector<1x16xi32> to vector<16xi32>
    %swap3A_258 = vector.shape_cast %add3A_252 : vector<16xi32> to vector<1x16xi32>
    tpu.vector_store %arg5[%swap3A_254, %swap3A_255], %swap3A_258 {strides = array<i32>} : memref<8x128xi32, #tpu.memory_space<vmem>>, vector<1x16xi32>,
    %get3A_259 = arith.constant 1 : i32
    %get3A_260 = arith.index_cast %get3A_259 : i32 to index
    %get3A_261 = arith.constant 112 : index
    %get3A_262 = tpu.vector_load %arg5[%get3A_260, %get3A_261] {strides = array<i32>} : memref<8x128xi32, #tpu.memory_space<vmem>>, vector<1x16xi32>,
    %get3A_263 = vector.shape_cast %get3A_262 : vector<1x16xi32> to vector<16xi32>
    %mul3A_264 = arith.constant 16 : i32
    %mul3A_265 = vector.broadcast %mul3A_264 : i32 to vector<16xi32>
    %mul3A_266 = arith.muli %get3A_263, %mul3A_265 : vector<16xi32>
    %add3A_267 = vector.broadcast %select_n3A : i32 to vector<16xi32>
    %add3A_268 = arith.addi %mul3A_266, %add3A_267 : vector<16xi32>
    %swap3A_269 = arith.constant 1 : i32
    %swap3A_270 = arith.index_cast %swap3A_269 : i32 to index
    %swap3A_271 = arith.constant 112 : index
    %swap3A_272 = tpu.vector_load %arg5[%swap3A_270, %swap3A_271] {strides = array<i32>} : memref<8x128xi32, #tpu.memory_space<vmem>>, vector<1x16xi32>,
    %swap3A_273 = vector.shape_cast %swap3A_272 : vector<1x16xi32> to vector<16xi32>
    %swap3A_274 = vector.shape_cast %add3A_268 : vector<16xi32> to vector<1x16xi32>
    tpu.vector_store %arg5[%swap3A_270, %swap3A_271], %swap3A_274 {strides = array<i32>} : memref<8x128xi32, #tpu.memory_space<vmem>>, vector<1x16xi32>,
    %get3A_275 = arith.constant 2 : i32
    %get3A_276 = arith.index_cast %get3A_275 : i32 to index
    %get3A_277 = arith.constant 0 : index
    %get3A_278 = tpu.vector_load %arg5[%get3A_276, %get3A_277] {strides = array<i32>} : memref<8x128xi32, #tpu.memory_space<vmem>>, vector<1x16xi32>,
    %get3A_279 = vector.shape_cast %get3A_278 : vector<1x16xi32> to vector<16xi32>
    %mul3A_280 = arith.constant 16 : i32
    %mul3A_281 = vector.broadcast %mul3A_280 : i32 to vector<16xi32>
    %mul3A_282 = arith.muli %get3A_279, %mul3A_281 : vector<16xi32>
    %add3A_283 = vector.broadcast %select_n3A : i32 to vector<16xi32>
    %add3A_284 = arith.addi %mul3A_282, %add3A_283 : vector<16xi32>
    %swap3A_285 = arith.constant 2 : i32
    %swap3A_286 = arith.index_cast %swap3A_285 : i32 to index
    %swap3A_287 = arith.constant 0 : index
    %swap3A_288 = tpu.vector_load %arg5[%swap3A_286, %swap3A_287] {strides = array<i32>} : memref<8x128xi32, #tpu.memory_space<vmem>>, vector<1x16xi32>,
    %swap3A_289 = vector.shape_cast %swap3A_288 : vector<1x16xi32> to vector<16xi32>
    %swap3A_290 = vector.shape_cast %add3A_284 : vector<16xi32> to vector<1x16xi32>
    tpu.vector_store %arg5[%swap3A_286, %swap3A_287], %swap3A_290 {strides = array<i32>} : memref<8x128xi32, #tpu.memory_space<vmem>>, vector<1x16xi32>,
    %get3A_291 = arith.constant 2 : i32
    %get3A_292 = arith.index_cast %get3A_291 : i32 to index
    %get3A_293 = arith.constant 16 : index
    %get3A_294 = tpu.vector_load %arg5[%get3A_292, %get3A_293] {strides = array<i32>} : memref<8x128xi32, #tpu.memory_space<vmem>>, vector<1x16xi32>,
    %get3A_295 = vector.shape_cast %get3A_294 : vector<1x16xi32> to vector<16xi32>
    %mul3A_296 = arith.constant 16 : i32
    %mul3A_297 = vector.broadcast %mul3A_296 : i32 to vector<16xi32>
    %mul3A_298 = arith.muli %get3A_295, %mul3A_297 : vector<16xi32>
    %add3A_299 = vector.broadcast %select_n3A : i32 to vector<16xi32>
    %add3A_300 = arith.addi %mul3A_298, %add3A_299 : vector<16xi32>
    %swap3A_301 = arith.constant 2 : i32
    %swap3A_302 = arith.index_cast %swap3A_301 : i32 to index
    %swap3A_303 = arith.constant 16 : index
    %swap3A_304 = tpu.vector_load %arg5[%swap3A_302, %swap3A_303] {strides = array<i32>} : memref<8x128xi32, #tpu.memory_space<vmem>>, vector<1x16xi32>,
    %swap3A_305 = vector.shape_cast %swap3A_304 : vector<1x16xi32> to vector<16xi32>
    %swap3A_306 = vector.shape_cast %add3A_300 : vector<16xi32> to vector<1x16xi32>
    tpu.vector_store %arg5[%swap3A_302, %swap3A_303], %swap3A_306 {strides = array<i32>} : memref<8x128xi32, #tpu.memory_space<vmem>>, vector<1x16xi32>,
    %get3A_307 = arith.constant 2 : i32
    %get3A_308 = arith.index_cast %get3A_307 : i32 to index
    %get3A_309 = arith.constant 32 : index
    %get3A_310 = tpu.vector_load %arg5[%get3A_308, %get3A_309] {strides = array<i32>} : memref<8x128xi32, #tpu.memory_space<vmem>>, vector<1x16xi32>,
    %get3A_311 = vector.shape_cast %get3A_310 : vector<1x16xi32> to vector<16xi32>
    %mul3A_312 = arith.constant 16 : i32
    %mul3A_313 = vector.broadcast %mul3A_312 : i32 to vector<16xi32>
    %mul3A_314 = arith.muli %get3A_311, %mul3A_313 : vector<16xi32>
    %add3A_315 = vector.broadcast %select_n3A : i32 to vector<16xi32>
    %add3A_316 = arith.addi %mul3A_314, %add3A_315 : vector<16xi32>
    %swap3A_317 = arith.constant 2 : i32
    %swap3A_318 = arith.index_cast %swap3A_317 : i32 to index
    %swap3A_319 = arith.constant 32 : index
    %swap3A_320 = tpu.vector_load %arg5[%swap3A_318, %swap3A_319] {strides = array<i32>} : memref<8x128xi32, #tpu.memory_space<vmem>>, vector<1x16xi32>,
    %swap3A_321 = vector.shape_cast %swap3A_320 : vector<1x16xi32> to vector<16xi32>
    %swap3A_322 = vector.shape_cast %add3A_316 : vector<16xi32> to vector<1x16xi32>
    tpu.vector_store %arg5[%swap3A_318, %swap3A_319], %swap3A_322 {strides = array<i32>} : memref<8x128xi32, #tpu.memory_space<vmem>>, vector<1x16xi32>,
    %get3A_323 = arith.constant 2 : i32
    %get3A_324 = arith.index_cast %get3A_323 : i32 to index
    %get3A_325 = arith.constant 48 : index
    %get3A_326 = tpu.vector_load %arg5[%get3A_324, %get3A_325] {strides = array<i32>} : memref<8x128xi32, #tpu.memory_space<vmem>>, vector<1x16xi32>,
    %get3A_327 = vector.shape_cast %get3A_326 : vector<1x16xi32> to vector<16xi32>
    %mul3A_328 = arith.constant 16 : i32
    %mul3A_329 = vector.broadcast %mul3A_328 : i32 to vector<16xi32>
    %mul3A_330 = arith.muli %get3A_327, %mul3A_329 : vector<16xi32>
    %add3A_331 = vector.broadcast %select_n3A : i32 to vector<16xi32>
    %add3A_332 = arith.addi %mul3A_330, %add3A_331 : vector<16xi32>
    %swap3A_333 = arith.constant 2 : i32
    %swap3A_334 = arith.index_cast %swap3A_333 : i32 to index
    %swap3A_335 = arith.constant 48 : index
    %swap3A_336 = tpu.vector_load %arg5[%swap3A_334, %swap3A_335] {strides = array<i32>} : memref<8x128xi32, #tpu.memory_space<vmem>>, vector<1x16xi32>,
    %swap3A_337 = vector.shape_cast %swap3A_336 : vector<1x16xi32> to vector<16xi32>
    %swap3A_338 = vector.shape_cast %add3A_332 : vector<16xi32> to vector<1x16xi32>
    tpu.vector_store %arg5[%swap3A_334, %swap3A_335], %swap3A_338 {strides = array<i32>} : memref<8x128xi32, #tpu.memory_space<vmem>>, vector<1x16xi32>,
    %get3A_339 = arith.constant 2 : i32
    %get3A_340 = arith.index_cast %get3A_339 : i32 to index
    %get3A_341 = arith.constant 64 : index
    %get3A_342 = tpu.vector_load %arg5[%get3A_340, %get3A_341] {strides = array<i32>} : memref<8x128xi32, #tpu.memory_space<vmem>>, vector<1x16xi32>,
    %get3A_343 = vector.shape_cast %get3A_342 : vector<1x16xi32> to vector<16xi32>
    %mul3A_344 = arith.constant 16 : i32
    %mul3A_345 = vector.broadcast %mul3A_344 : i32 to vector<16xi32>
    %mul3A_346 = arith.muli %get3A_343, %mul3A_345 : vector<16xi32>
    %add3A_347 = vector.broadcast %select_n3A : i32 to vector<16xi32>
    %add3A_348 = arith.addi %mul3A_346, %add3A_347 : vector<16xi32>
    %swap3A_349 = arith.constant 2 : i32
    %swap3A_350 = arith.index_cast %swap3A_349 : i32 to index
    %swap3A_351 = arith.constant 64 : index
    %swap3A_352 = tpu.vector_load %arg5[%swap3A_350, %swap3A_351] {strides = array<i32>} : memref<8x128xi32, #tpu.memory_space<vmem>>, vector<1x16xi32>,
    %swap3A_353 = vector.shape_cast %swap3A_352 : vector<1x16xi32> to vector<16xi32>
    %swap3A_354 = vector.shape_cast %add3A_348 : vector<16xi32> to vector<1x16xi32>
    tpu.vector_store %arg5[%swap3A_350, %swap3A_351], %swap3A_354 {strides = array<i32>} : memref<8x128xi32, #tpu.memory_space<vmem>>, vector<1x16xi32>,
    %get3A_355 = arith.constant 2 : i32
    %get3A_356 = arith.index_cast %get3A_355 : i32 to index
    %get3A_357 = arith.constant 80 : index
    %get3A_358 = tpu.vector_load %arg5[%get3A_356, %get3A_357] {strides = array<i32>} : memref<8x128xi32, #tpu.memory_space<vmem>>, vector<1x16xi32>,
    %get3A_359 = vector.shape_cast %get3A_358 : vector<1x16xi32> to vector<16xi32>
    %mul3A_360 = arith.constant 16 : i32
    %mul3A_361 = vector.broadcast %mul3A_360 : i32 to vector<16xi32>
    %mul3A_362 = arith.muli %get3A_359, %mul3A_361 : vector<16xi32>
    %add3A_363 = vector.broadcast %select_n3A : i32 to vector<16xi32>
    %add3A_364 = arith.addi %mul3A_362, %add3A_363 : vector<16xi32>
    %swap3A_365 = arith.constant 2 : i32
    %swap3A_366 = arith.index_cast %swap3A_365 : i32 to index
    %swap3A_367 = arith.constant 80 : index
    %swap3A_368 = tpu.vector_load %arg5[%swap3A_366, %swap3A_367] {strides = array<i32>} : memref<8x128xi32, #tpu.memory_space<vmem>>, vector<1x16xi32>,
    %swap3A_369 = vector.shape_cast %swap3A_368 : vector<1x16xi32> to vector<16xi32>
    %swap3A_370 = vector.shape_cast %add3A_364 : vector<16xi32> to vector<1x16xi32>
    tpu.vector_store %arg5[%swap3A_366, %swap3A_367], %swap3A_370 {strides = array<i32>} : memref<8x128xi32, #tpu.memory_space<vmem>>, vector<1x16xi32>,
    %get3A_371 = arith.constant 2 : i32
    %get3A_372 = arith.index_cast %get3A_371 : i32 to index
    %get3A_373 = arith.constant 96 : index
    %get3A_374 = tpu.vector_load %arg5[%get3A_372, %get3A_373] {strides = array<i32>} : memref<8x128xi32, #tpu.memory_space<vmem>>, vector<1x16xi32>,
    %get3A_375 = vector.shape_cast %get3A_374 : vector<1x16xi32> to vector<16xi32>
    %mul3A_376 = arith.constant 16 : i32
    %mul3A_377 = vector.broadcast %mul3A_376 : i32 to vector<16xi32>
    %mul3A_378 = arith.muli %get3A_375, %mul3A_377 : vector<16xi32>
    %add3A_379 = vector.broadcast %select_n3A : i32 to vector<16xi32>
    %add3A_380 = arith.addi %mul3A_378, %add3A_379 : vector<16xi32>
    %swap3A_381 = arith.constant 2 : i32
    %swap3A_382 = arith.index_cast %swap3A_381 : i32 to index
    %swap3A_383 = arith.constant 96 : index
    %swap3A_384 = tpu.vector_load %arg5[%swap3A_382, %swap3A_383] {strides = array<i32>} : memref<8x128xi32, #tpu.memory_space<vmem>>, vector<1x16xi32>,
    %swap3A_385 = vector.shape_cast %swap3A_384 : vector<1x16xi32> to vector<16xi32>
    %swap3A_386 = vector.shape_cast %add3A_380 : vector<16xi32> to vector<1x16xi32>
    tpu.vector_store %arg5[%swap3A_382, %swap3A_383], %swap3A_386 {strides = array<i32>} : memref<8x128xi32, #tpu.memory_space<vmem>>, vector<1x16xi32>,
    %get3A_387 = arith.constant 2 : i32
    %get3A_388 = arith.index_cast %get3A_387 : i32 to index
    %get3A_389 = arith.constant 112 : index
    %get3A_390 = tpu.vector_load %arg5[%get3A_388, %get3A_389] {strides = array<i32>} : memref<8x128xi32, #tpu.memory_space<vmem>>, vector<1x16xi32>,
    %get3A_391 = vector.shape_cast %get3A_390 : vector<1x16xi32> to vector<16xi32>
    %mul3A_392 = arith.constant 16 : i32
    %mul3A_393 = vector.broadcast %mul3A_392 : i32 to vector<16xi32>
    %mul3A_394 = arith.muli %get3A_391, %mul3A_393 : vector<16xi32>
    %add3A_395 = vector.broadcast %select_n3A : i32 to vector<16xi32>
    %add3A_396 = arith.addi %mul3A_394, %add3A_395 : vector<16xi32>
    %swap3A_397 = arith.constant 2 : i32
    %swap3A_398 = arith.index_cast %swap3A_397 : i32 to index
    %swap3A_399 = arith.constant 112 : index
    %swap3A_400 = tpu.vector_load %arg5[%swap3A_398, %swap3A_399] {strides = array<i32>} : memref<8x128xi32, #tpu.memory_space<vmem>>, vector<1x16xi32>,
    %swap3A_401 = vector.shape_cast %swap3A_400 : vector<1x16xi32> to vector<16xi32>
    %swap3A_402 = vector.shape_cast %add3A_396 : vector<16xi32> to vector<1x16xi32>
    tpu.vector_store %arg5[%swap3A_398, %swap3A_399], %swap3A_402 {strides = array<i32>} : memref<8x128xi32, #tpu.memory_space<vmem>>, vector<1x16xi32>,
    %get3A_403 = arith.constant 3 : i32
    %get3A_404 = arith.index_cast %get3A_403 : i32 to index
    %get3A_405 = arith.constant 0 : index
    %get3A_406 = tpu.vector_load %arg5[%get3A_404, %get3A_405] {strides = array<i32>} : memref<8x128xi32, #tpu.memory_space<vmem>>, vector<1x16xi32>,
    %get3A_407 = vector.shape_cast %get3A_406 : vector<1x16xi32> to vector<16xi32>
    %mul3A_408 = arith.constant 16 : i32
    %mul3A_409 = vector.broadcast %mul3A_408 : i32 to vector<16xi32>
    %mul3A_410 = arith.muli %get3A_407, %mul3A_409 : vector<16xi32>
    %add3A_411 = vector.broadcast %select_n3A : i32 to vector<16xi32>
    %add3A_412 = arith.addi %mul3A_410, %add3A_411 : vector<16xi32>
    %swap3A_413 = arith.constant 3 : i32
    %swap3A_414 = arith.index_cast %swap3A_413 : i32 to index
    %swap3A_415 = arith.constant 0 : index
    %swap3A_416 = tpu.vector_load %arg5[%swap3A_414, %swap3A_415] {strides = array<i32>} : memref<8x128xi32, #tpu.memory_space<vmem>>, vector<1x16xi32>,
    %swap3A_417 = vector.shape_cast %swap3A_416 : vector<1x16xi32> to vector<16xi32>
    %swap3A_418 = vector.shape_cast %add3A_412 : vector<16xi32> to vector<1x16xi32>
    tpu.vector_store %arg5[%swap3A_414, %swap3A_415], %swap3A_418 {strides = array<i32>} : memref<8x128xi32, #tpu.memory_space<vmem>>, vector<1x16xi32>,
    %get3A_419 = arith.constant 3 : i32
    %get3A_420 = arith.index_cast %get3A_419 : i32 to index
    %get3A_421 = arith.constant 16 : index
    %get3A_422 = tpu.vector_load %arg5[%get3A_420, %get3A_421] {strides = array<i32>} : memref<8x128xi32, #tpu.memory_space<vmem>>, vector<1x16xi32>,
    %get3A_423 = vector.shape_cast %get3A_422 : vector<1x16xi32> to vector<16xi32>
    %mul3A_424 = arith.constant 16 : i32
    %mul3A_425 = vector.broadcast %mul3A_424 : i32 to vector<16xi32>
    %mul3A_426 = arith.muli %get3A_423, %mul3A_425 : vector<16xi32>
    %add3A_427 = vector.broadcast %select_n3A : i32 to vector<16xi32>
    %add3A_428 = arith.addi %mul3A_426, %add3A_427 : vector<16xi32>
    %swap3A_429 = arith.constant 3 : i32
    %swap3A_430 = arith.index_cast %swap3A_429 : i32 to index
    %swap3A_431 = arith.constant 16 : index
    %swap3A_432 = tpu.vector_load %arg5[%swap3A_430, %swap3A_431] {strides = array<i32>} : memref<8x128xi32, #tpu.memory_space<vmem>>, vector<1x16xi32>,
    %swap3A_433 = vector.shape_cast %swap3A_432 : vector<1x16xi32> to vector<16xi32>
    %swap3A_434 = vector.shape_cast %add3A_428 : vector<16xi32> to vector<1x16xi32>
    tpu.vector_store %arg5[%swap3A_430, %swap3A_431], %swap3A_434 {strides = array<i32>} : memref<8x128xi32, #tpu.memory_space<vmem>>, vector<1x16xi32>,
    %get3A_435 = arith.constant 3 : i32
    %get3A_436 = arith.index_cast %get3A_435 : i32 to index
    %get3A_437 = arith.constant 32 : index
    %get3A_438 = tpu.vector_load %arg5[%get3A_436, %get3A_437] {strides = array<i32>} : memref<8x128xi32, #tpu.memory_space<vmem>>, vector<1x16xi32>,
    %get3A_439 = vector.shape_cast %get3A_438 : vector<1x16xi32> to vector<16xi32>
    %mul3A_440 = arith.constant 16 : i32
    %mul3A_441 = vector.broadcast %mul3A_440 : i32 to vector<16xi32>
    %mul3A_442 = arith.muli %get3A_439, %mul3A_441 : vector<16xi32>
    %add3A_443 = vector.broadcast %select_n3A : i32 to vector<16xi32>
    %add3A_444 = arith.addi %mul3A_442, %add3A_443 : vector<16xi32>
    %swap3A_445 = arith.constant 3 : i32
    %swap3A_446 = arith.index_cast %swap3A_445 : i32 to index
    %swap3A_447 = arith.constant 32 : index
    %swap3A_448 = tpu.vector_load %arg5[%swap3A_446, %swap3A_447] {strides = array<i32>} : memref<8x128xi32, #tpu.memory_space<vmem>>, vector<1x16xi32>,
    %swap3A_449 = vector.shape_cast %swap3A_448 : vector<1x16xi32> to vector<16xi32>
    %swap3A_450 = vector.shape_cast %add3A_444 : vector<16xi32> to vector<1x16xi32>
    tpu.vector_store %arg5[%swap3A_446, %swap3A_447], %swap3A_450 {strides = array<i32>} : memref<8x128xi32, #tpu.memory_space<vmem>>, vector<1x16xi32>,
    %get3A_451 = arith.constant 3 : i32
    %get3A_452 = arith.index_cast %get3A_451 : i32 to index
    %get3A_453 = arith.constant 48 : index
    %get3A_454 = tpu.vector_load %arg5[%get3A_452, %get3A_453] {strides = array<i32>} : memref<8x128xi32, #tpu.memory_space<vmem>>, vector<1x16xi32>,
    %get3A_455 = vector.shape_cast %get3A_454 : vector<1x16xi32> to vector<16xi32>
    %mul3A_456 = arith.constant 16 : i32
    %mul3A_457 = vector.broadcast %mul3A_456 : i32 to vector<16xi32>
    %mul3A_458 = arith.muli %get3A_455, %mul3A_457 : vector<16xi32>
    %add3A_459 = vector.broadcast %select_n3A : i32 to vector<16xi32>
    %add3A_460 = arith.addi %mul3A_458, %add3A_459 : vector<16xi32>
    %swap3A_461 = arith.constant 3 : i32
    %swap3A_462 = arith.index_cast %swap3A_461 : i32 to index
    %swap3A_463 = arith.constant 48 : index
    %swap3A_464 = tpu.vector_load %arg5[%swap3A_462, %swap3A_463] {strides = array<i32>} : memref<8x128xi32, #tpu.memory_space<vmem>>, vector<1x16xi32>,
    %swap3A_465 = vector.shape_cast %swap3A_464 : vector<1x16xi32> to vector<16xi32>
    %swap3A_466 = vector.shape_cast %add3A_460 : vector<16xi32> to vector<1x16xi32>
    tpu.vector_store %arg5[%swap3A_462, %swap3A_463], %swap3A_466 {strides = array<i32>} : memref<8x128xi32, #tpu.memory_space<vmem>>, vector<1x16xi32>,
    %get3A_467 = arith.constant 3 : i32
    %get3A_468 = arith.index_cast %get3A_467 : i32 to index
    %get3A_469 = arith.constant 64 : index
    %get3A_470 = tpu.vector_load %arg5[%get3A_468, %get3A_469] {strides = array<i32>} : memref<8x128xi32, #tpu.memory_space<vmem>>, vector<1x16xi32>,
    %get3A_471 = vector.shape_cast %get3A_470 : vector<1x16xi32> to vector<16xi32>
    %mul3A_472 = arith.constant 16 : i32
    %mul3A_473 = vector.broadcast %mul3A_472 : i32 to vector<16xi32>
    %mul3A_474 = arith.muli %get3A_471, %mul3A_473 : vector<16xi32>
    %add3A_475 = vector.broadcast %select_n3A : i32 to vector<16xi32>
    %add3A_476 = arith.addi %mul3A_474, %add3A_475 : vector<16xi32>
    %swap3A_477 = arith.constant 3 : i32
    %swap3A_478 = arith.index_cast %swap3A_477 : i32 to index
    %swap3A_479 = arith.constant 64 : index
    %swap3A_480 = tpu.vector_load %arg5[%swap3A_478, %swap3A_479] {strides = array<i32>} : memref<8x128xi32, #tpu.memory_space<vmem>>, vector<1x16xi32>,
    %swap3A_481 = vector.shape_cast %swap3A_480 : vector<1x16xi32> to vector<16xi32>
    %swap3A_482 = vector.shape_cast %add3A_476 : vector<16xi32> to vector<1x16xi32>
    tpu.vector_store %arg5[%swap3A_478, %swap3A_479], %swap3A_482 {strides = array<i32>} : memref<8x128xi32, #tpu.memory_space<vmem>>, vector<1x16xi32>,
    %get3A_483 = arith.constant 3 : i32
    %get3A_484 = arith.index_cast %get3A_483 : i32 to index
    %get3A_485 = arith.constant 80 : index
    %get3A_486 = tpu.vector_load %arg5[%get3A_484, %get3A_485] {strides = array<i32>} : memref<8x128xi32, #tpu.memory_space<vmem>>, vector<1x16xi32>,
    %get3A_487 = vector.shape_cast %get3A_486 : vector<1x16xi32> to vector<16xi32>
    %mul3A_488 = arith.constant 16 : i32
    %mul3A_489 = vector.broadcast %mul3A_488 : i32 to vector<16xi32>
    %mul3A_490 = arith.muli %get3A_487, %mul3A_489 : vector<16xi32>
    %add3A_491 = vector.broadcast %select_n3A : i32 to vector<16xi32>
    %add3A_492 = arith.addi %mul3A_490, %add3A_491 : vector<16xi32>
    %swap3A_493 = arith.constant 3 : i32
    %swap3A_494 = arith.index_cast %swap3A_493 : i32 to index
    %swap3A_495 = arith.constant 80 : index
    %swap3A_496 = tpu.vector_load %arg5[%swap3A_494, %swap3A_495] {strides = array<i32>} : memref<8x128xi32, #tpu.memory_space<vmem>>, vector<1x16xi32>,
    %swap3A_497 = vector.shape_cast %swap3A_496 : vector<1x16xi32> to vector<16xi32>
    %swap3A_498 = vector.shape_cast %add3A_492 : vector<16xi32> to vector<1x16xi32>
    tpu.vector_store %arg5[%swap3A_494, %swap3A_495], %swap3A_498 {strides = array<i32>} : memref<8x128xi32, #tpu.memory_space<vmem>>, vector<1x16xi32>,
    %get3A_499 = arith.constant 3 : i32
    %get3A_500 = arith.index_cast %get3A_499 : i32 to index
    %get3A_501 = arith.constant 96 : index
    %get3A_502 = tpu.vector_load %arg5[%get3A_500, %get3A_501] {strides = array<i32>} : memref<8x128xi32, #tpu.memory_space<vmem>>, vector<1x16xi32>,
    %get3A_503 = vector.shape_cast %get3A_502 : vector<1x16xi32> to vector<16xi32>
    %mul3A_504 = arith.constant 16 : i32
    %mul3A_505 = vector.broadcast %mul3A_504 : i32 to vector<16xi32>
    %mul3A_506 = arith.muli %get3A_503, %mul3A_505 : vector<16xi32>
    %add3A_507 = vector.broadcast %select_n3A : i32 to vector<16xi32>
    %add3A_508 = arith.addi %mul3A_506, %add3A_507 : vector<16xi32>
    %swap3A_509 = arith.constant 3 : i32
    %swap3A_510 = arith.index_cast %swap3A_509 : i32 to index
    %swap3A_511 = arith.constant 96 : index
    %swap3A_512 = tpu.vector_load %arg5[%swap3A_510, %swap3A_511] {strides = array<i32>} : memref<8x128xi32, #tpu.memory_space<vmem>>, vector<1x16xi32>,
    %swap3A_513 = vector.shape_cast %swap3A_512 : vector<1x16xi32> to vector<16xi32>
    %swap3A_514 = vector.shape_cast %add3A_508 : vector<16xi32> to vector<1x16xi32>
    tpu.vector_store %arg5[%swap3A_510, %swap3A_511], %swap3A_514 {strides = array<i32>} : memref<8x128xi32, #tpu.memory_space<vmem>>, vector<1x16xi32>,
    %get3A_515 = arith.constant 3 : i32
    %get3A_516 = arith.index_cast %get3A_515 : i32 to index
    %get3A_517 = arith.constant 112 : index
    %get3A_518 = tpu.vector_load %arg5[%get3A_516, %get3A_517] {strides = array<i32>} : memref<8x128xi32, #tpu.memory_space<vmem>>, vector<1x16xi32>,
    %get3A_519 = vector.shape_cast %get3A_518 : vector<1x16xi32> to vector<16xi32>
    %mul3A_520 = arith.constant 16 : i32
    %mul3A_521 = vector.broadcast %mul3A_520 : i32 to vector<16xi32>
    %mul3A_522 = arith.muli %get3A_519, %mul3A_521 : vector<16xi32>
    %add3A_523 = vector.broadcast %select_n3A : i32 to vector<16xi32>
    %add3A_524 = arith.addi %mul3A_522, %add3A_523 : vector<16xi32>
    %swap3A_525 = arith.constant 3 : i32
    %swap3A_526 = arith.index_cast %swap3A_525 : i32 to index
    %swap3A_527 = arith.constant 112 : index
    %swap3A_528 = tpu.vector_load %arg5[%swap3A_526, %swap3A_527] {strides = array<i32>} : memref<8x128xi32, #tpu.memory_space<vmem>>, vector<1x16xi32>,
    %swap3A_529 = vector.shape_cast %swap3A_528 : vector<1x16xi32> to vector<16xi32>
    %swap3A_530 = vector.shape_cast %add3A_524 : vector<16xi32> to vector<1x16xi32>
    tpu.vector_store %arg5[%swap3A_526, %swap3A_527], %swap3A_530 {strides = array<i32>} : memref<8x128xi32, #tpu.memory_space<vmem>>, vector<1x16xi32>,
    %get3A_531 = arith.constant 4 : i32
    %get3A_532 = arith.index_cast %get3A_531 : i32 to index
    %get3A_533 = arith.constant 0 : index
    %get3A_534 = tpu.vector_load %arg5[%get3A_532, %get3A_533] {strides = array<i32>} : memref<8x128xi32, #tpu.memory_space<vmem>>, vector<1x16xi32>,
    %get3A_535 = vector.shape_cast %get3A_534 : vector<1x16xi32> to vector<16xi32>
    %mul3A_536 = arith.constant 16 : i32
    %mul3A_537 = vector.broadcast %mul3A_536 : i32 to vector<16xi32>
    %mul3A_538 = arith.muli %get3A_535, %mul3A_537 : vector<16xi32>
    %add3A_539 = vector.broadcast %select_n3A : i32 to vector<16xi32>
    %add3A_540 = arith.addi %mul3A_538, %add3A_539 : vector<16xi32>
    %swap3A_541 = arith.constant 4 : i32
    %swap3A_542 = arith.index_cast %swap3A_541 : i32 to index
    %swap3A_543 = arith.constant 0 : index
    %swap3A_544 = tpu.vector_load %arg5[%swap3A_542, %swap3A_543] {strides = array<i32>} : memref<8x128xi32, #tpu.memory_space<vmem>>, vector<1x16xi32>,
    %swap3A_545 = vector.shape_cast %swap3A_544 : vector<1x16xi32> to vector<16xi32>
    %swap3A_546 = vector.shape_cast %add3A_540 : vector<16xi32> to vector<1x16xi32>
    tpu.vector_store %arg5[%swap3A_542, %swap3A_543], %swap3A_546 {strides = array<i32>} : memref<8x128xi32, #tpu.memory_space<vmem>>, vector<1x16xi32>,
    %get3A_547 = arith.constant 4 : i32
    %get3A_548 = arith.index_cast %get3A_547 : i32 to index
    %get3A_549 = arith.constant 16 : index
    %get3A_550 = tpu.vector_load %arg5[%get3A_548, %get3A_549] {strides = array<i32>} : memref<8x128xi32, #tpu.memory_space<vmem>>, vector<1x16xi32>,
    %get3A_551 = vector.shape_cast %get3A_550 : vector<1x16xi32> to vector<16xi32>
    %mul3A_552 = arith.constant 16 : i32
    %mul3A_553 = vector.broadcast %mul3A_552 : i32 to vector<16xi32>
    %mul3A_554 = arith.muli %get3A_551, %mul3A_553 : vector<16xi32>
    %add3A_555 = vector.broadcast %select_n3A : i32 to vector<16xi32>
    %add3A_556 = arith.addi %mul3A_554, %add3A_555 : vector<16xi32>
    %swap3A_557 = arith.constant 4 : i32
    %swap3A_558 = arith.index_cast %swap3A_557 : i32 to index
    %swap3A_559 = arith.constant 16 : index
    %swap3A_560 = tpu.vector_load %arg5[%swap3A_558, %swap3A_559] {strides = array<i32>} : memref<8x128xi32, #tpu.memory_space<vmem>>, vector<1x16xi32>,
    %swap3A_561 = vector.shape_cast %swap3A_560 : vector<1x16xi32> to vector<16xi32>
    %swap3A_562 = vector.shape_cast %add3A_556 : vector<16xi32> to vector<1x16xi32>
    tpu.vector_store %arg5[%swap3A_558, %swap3A_559], %swap3A_562 {strides = array<i32>} : memref<8x128xi32, #tpu.memory_space<vmem>>, vector<1x16xi32>,
    %get3A_563 = arith.constant 4 : i32
    %get3A_564 = arith.index_cast %get3A_563 : i32 to index
    %get3A_565 = arith.constant 32 : index
    %get3A_566 = tpu.vector_load %arg5[%get3A_564, %get3A_565] {strides = array<i32>} : memref<8x128xi32, #tpu.memory_space<vmem>>, vector<1x16xi32>,
    %get3A_567 = vector.shape_cast %get3A_566 : vector<1x16xi32> to vector<16xi32>
    %mul3A_568 = arith.constant 16 : i32
    %mul3A_569 = vector.broadcast %mul3A_568 : i32 to vector<16xi32>
    %mul3A_570 = arith.muli %get3A_567, %mul3A_569 : vector<16xi32>
    %add3A_571 = vector.broadcast %select_n3A : i32 to vector<16xi32>
    %add3A_572 = arith.addi %mul3A_570, %add3A_571 : vector<16xi32>
    %swap3A_573 = arith.constant 4 : i32
    %swap3A_574 = arith.index_cast %swap3A_573 : i32 to index
    %swap3A_575 = arith.constant 32 : index
    %swap3A_576 = tpu.vector_load %arg5[%swap3A_574, %swap3A_575] {strides = array<i32>} : memref<8x128xi32, #tpu.memory_space<vmem>>, vector<1x16xi32>,
    %swap3A_577 = vector.shape_cast %swap3A_576 : vector<1x16xi32> to vector<16xi32>
    %swap3A_578 = vector.shape_cast %add3A_572 : vector<16xi32> to vector<1x16xi32>
    tpu.vector_store %arg5[%swap3A_574, %swap3A_575], %swap3A_578 {strides = array<i32>} : memref<8x128xi32, #tpu.memory_space<vmem>>, vector<1x16xi32>,
    %get3A_579 = arith.constant 4 : i32
    %get3A_580 = arith.index_cast %get3A_579 : i32 to index
    %get3A_581 = arith.constant 48 : index
    %get3A_582 = tpu.vector_load %arg5[%get3A_580, %get3A_581] {strides = array<i32>} : memref<8x128xi32, #tpu.memory_space<vmem>>, vector<1x16xi32>,
    %get3A_583 = vector.shape_cast %get3A_582 : vector<1x16xi32> to vector<16xi32>
    %mul3A_584 = arith.constant 16 : i32
    %mul3A_585 = vector.broadcast %mul3A_584 : i32 to vector<16xi32>
    %mul3A_586 = arith.muli %get3A_583, %mul3A_585 : vector<16xi32>
    %add3A_587 = vector.broadcast %select_n3A : i32 to vector<16xi32>
    %add3A_588 = arith.addi %mul3A_586, %add3A_587 : vector<16xi32>
    %swap3A_589 = arith.constant 4 : i32
    %swap3A_590 = arith.index_cast %swap3A_589 : i32 to index
    %swap3A_591 = arith.constant 48 : index
    %swap3A_592 = tpu.vector_load %arg5[%swap3A_590, %swap3A_591] {strides = array<i32>} : memref<8x128xi32, #tpu.memory_space<vmem>>, vector<1x16xi32>,
    %swap3A_593 = vector.shape_cast %swap3A_592 : vector<1x16xi32> to vector<16xi32>
    %swap3A_594 = vector.shape_cast %add3A_588 : vector<16xi32> to vector<1x16xi32>
    tpu.vector_store %arg5[%swap3A_590, %swap3A_591], %swap3A_594 {strides = array<i32>} : memref<8x128xi32, #tpu.memory_space<vmem>>, vector<1x16xi32>,
    %get3A_595 = arith.constant 4 : i32
    %get3A_596 = arith.index_cast %get3A_595 : i32 to index
    %get3A_597 = arith.constant 64 : index
    %get3A_598 = tpu.vector_load %arg5[%get3A_596, %get3A_597] {strides = array<i32>} : memref<8x128xi32, #tpu.memory_space<vmem>>, vector<1x16xi32>,
    %get3A_599 = vector.shape_cast %get3A_598 : vector<1x16xi32> to vector<16xi32>
    %mul3A_600 = arith.constant 16 : i32
    %mul3A_601 = vector.broadcast %mul3A_600 : i32 to vector<16xi32>
    %mul3A_602 = arith.muli %get3A_599, %mul3A_601 : vector<16xi32>
    %add3A_603 = vector.broadcast %select_n3A : i32 to vector<16xi32>
    %add3A_604 = arith.addi %mul3A_602, %add3A_603 : vector<16xi32>
    %swap3A_605 = arith.constant 4 : i32
    %swap3A_606 = arith.index_cast %swap3A_605 : i32 to index
    %swap3A_607 = arith.constant 64 : index
    %swap3A_608 = tpu.vector_load %arg5[%swap3A_606, %swap3A_607] {strides = array<i32>} : memref<8x128xi32, #tpu.memory_space<vmem>>, vector<1x16xi32>,
    %swap3A_609 = vector.shape_cast %swap3A_608 : vector<1x16xi32> to vector<16xi32>
    %swap3A_610 = vector.shape_cast %add3A_604 : vector<16xi32> to vector<1x16xi32>
    tpu.vector_store %arg5[%swap3A_606, %swap3A_607], %swap3A_610 {strides = array<i32>} : memref<8x128xi32, #tpu.memory_space<vmem>>, vector<1x16xi32>,
    %get3A_611 = arith.constant 4 : i32
    %get3A_612 = arith.index_cast %get3A_611 : i32 to index
    %get3A_613 = arith.constant 80 : index
    %get3A_614 = tpu.vector_load %arg5[%get3A_612, %get3A_613] {strides = array<i32>} : memref<8x128xi32, #tpu.memory_space<vmem>>, vector<1x16xi32>,
    %get3A_615 = vector.shape_cast %get3A_614 : vector<1x16xi32> to vector<16xi32>
    %mul3A_616 = arith.constant 16 : i32
    %mul3A_617 = vector.broadcast %mul3A_616 : i32 to vector<16xi32>
    %mul3A_618 = arith.muli %get3A_615, %mul3A_617 : vector<16xi32>
    %add3A_619 = vector.broadcast %select_n3A : i32 to vector<16xi32>
    %add3A_620 = arith.addi %mul3A_618, %add3A_619 : vector<16xi32>
    %swap3A_621 = arith.constant 4 : i32
    %swap3A_622 = arith.index_cast %swap3A_621 : i32 to index
    %swap3A_623 = arith.constant 80 : index
    %swap3A_624 = tpu.vector_load %arg5[%swap3A_622, %swap3A_623] {strides = array<i32>} : memref<8x128xi32, #tpu.memory_space<vmem>>, vector<1x16xi32>,
    %swap3A_625 = vector.shape_cast %swap3A_624 : vector<1x16xi32> to vector<16xi32>
    %swap3A_626 = vector.shape_cast %add3A_620 : vector<16xi32> to vector<1x16xi32>
    tpu.vector_store %arg5[%swap3A_622, %swap3A_623], %swap3A_626 {strides = array<i32>} : memref<8x128xi32, #tpu.memory_space<vmem>>, vector<1x16xi32>,
    %get3A_627 = arith.constant 4 : i32
    %get3A_628 = arith.index_cast %get3A_627 : i32 to index
    %get3A_629 = arith.constant 96 : index
    %get3A_630 = tpu.vector_load %arg5[%get3A_628, %get3A_629] {strides = array<i32>} : memref<8x128xi32, #tpu.memory_space<vmem>>, vector<1x16xi32>,
    %get3A_631 = vector.shape_cast %get3A_630 : vector<1x16xi32> to vector<16xi32>
    %mul3A_632 = arith.constant 16 : i32
    %mul3A_633 = vector.broadcast %mul3A_632 : i32 to vector<16xi32>
    %mul3A_634 = arith.muli %get3A_631, %mul3A_633 : vector<16xi32>
    %add3A_635 = vector.broadcast %select_n3A : i32 to vector<16xi32>
    %add3A_636 = arith.addi %mul3A_634, %add3A_635 : vector<16xi32>
    %swap3A_637 = arith.constant 4 : i32
    %swap3A_638 = arith.index_cast %swap3A_637 : i32 to index
    %swap3A_639 = arith.constant 96 : index
    %swap3A_640 = tpu.vector_load %arg5[%swap3A_638, %swap3A_639] {strides = array<i32>} : memref<8x128xi32, #tpu.memory_space<vmem>>, vector<1x16xi32>,
    %swap3A_641 = vector.shape_cast %swap3A_640 : vector<1x16xi32> to vector<16xi32>
    %swap3A_642 = vector.shape_cast %add3A_636 : vector<16xi32> to vector<1x16xi32>
    tpu.vector_store %arg5[%swap3A_638, %swap3A_639], %swap3A_642 {strides = array<i32>} : memref<8x128xi32, #tpu.memory_space<vmem>>, vector<1x16xi32>,
    %get3A_643 = arith.constant 4 : i32
    %get3A_644 = arith.index_cast %get3A_643 : i32 to index
    %get3A_645 = arith.constant 112 : index
    %get3A_646 = tpu.vector_load %arg5[%get3A_644, %get3A_645] {strides = array<i32>} : memref<8x128xi32, #tpu.memory_space<vmem>>, vector<1x16xi32>,
    %get3A_647 = vector.shape_cast %get3A_646 : vector<1x16xi32> to vector<16xi32>
    %mul3A_648 = arith.constant 16 : i32
    %mul3A_649 = vector.broadcast %mul3A_648 : i32 to vector<16xi32>
    %mul3A_650 = arith.muli %get3A_647, %mul3A_649 : vector<16xi32>
    %add3A_651 = vector.broadcast %select_n3A : i32 to vector<16xi32>
    %add3A_652 = arith.addi %mul3A_650, %add3A_651 : vector<16xi32>
    %swap3A_653 = arith.constant 4 : i32
    %swap3A_654 = arith.index_cast %swap3A_653 : i32 to index
    %swap3A_655 = arith.constant 112 : index
    %swap3A_656 = tpu.vector_load %arg5[%swap3A_654, %swap3A_655] {strides = array<i32>} : memref<8x128xi32, #tpu.memory_space<vmem>>, vector<1x16xi32>,
    %swap3A_657 = vector.shape_cast %swap3A_656 : vector<1x16xi32> to vector<16xi32>
    %swap3A_658 = vector.shape_cast %add3A_652 : vector<16xi32> to vector<1x16xi32>
    tpu.vector_store %arg5[%swap3A_654, %swap3A_655], %swap3A_658 {strides = array<i32>} : memref<8x128xi32, #tpu.memory_space<vmem>>, vector<1x16xi32>,
    %get3A_659 = arith.constant 5 : i32
    %get3A_660 = arith.index_cast %get3A_659 : i32 to index
    %get3A_661 = arith.constant 0 : index
    %get3A_662 = tpu.vector_load %arg5[%get3A_660, %get3A_661] {strides = array<i32>} : memref<8x128xi32, #tpu.memory_space<vmem>>, vector<1x16xi32>,
    %get3A_663 = vector.shape_cast %get3A_662 : vector<1x16xi32> to vector<16xi32>
    %mul3A_664 = arith.constant 16 : i32
    %mul3A_665 = vector.broadcast %mul3A_664 : i32 to vector<16xi32>
    %mul3A_666 = arith.muli %get3A_663, %mul3A_665 : vector<16xi32>
    %add3A_667 = vector.broadcast %select_n3A : i32 to vector<16xi32>
    %add3A_668 = arith.addi %mul3A_666, %add3A_667 : vector<16xi32>
    %swap3A_669 = arith.constant 5 : i32
    %swap3A_670 = arith.index_cast %swap3A_669 : i32 to index
    %swap3A_671 = arith.constant 0 : index
    %swap3A_672 = tpu.vector_load %arg5[%swap3A_670, %swap3A_671] {strides = array<i32>} : memref<8x128xi32, #tpu.memory_space<vmem>>, vector<1x16xi32>,
    %swap3A_673 = vector.shape_cast %swap3A_672 : vector<1x16xi32> to vector<16xi32>
    %swap3A_674 = vector.shape_cast %add3A_668 : vector<16xi32> to vector<1x16xi32>
    tpu.vector_store %arg5[%swap3A_670, %swap3A_671], %swap3A_674 {strides = array<i32>} : memref<8x128xi32, #tpu.memory_space<vmem>>, vector<1x16xi32>,
    %get3A_675 = arith.constant 5 : i32
    %get3A_676 = arith.index_cast %get3A_675 : i32 to index
    %get3A_677 = arith.constant 16 : index
    %get3A_678 = tpu.vector_load %arg5[%get3A_676, %get3A_677] {strides = array<i32>} : memref<8x128xi32, #tpu.memory_space<vmem>>, vector<1x16xi32>,
    %get3A_679 = vector.shape_cast %get3A_678 : vector<1x16xi32> to vector<16xi32>
    %mul3A_680 = arith.constant 16 : i32
    %mul3A_681 = vector.broadcast %mul3A_680 : i32 to vector<16xi32>
    %mul3A_682 = arith.muli %get3A_679, %mul3A_681 : vector<16xi32>
    %add3A_683 = vector.broadcast %select_n3A : i32 to vector<16xi32>
    %add3A_684 = arith.addi %mul3A_682, %add3A_683 : vector<16xi32>
    %swap3A_685 = arith.constant 5 : i32
    %swap3A_686 = arith.index_cast %swap3A_685 : i32 to index
    %swap3A_687 = arith.constant 16 : index
    %swap3A_688 = tpu.vector_load %arg5[%swap3A_686, %swap3A_687] {strides = array<i32>} : memref<8x128xi32, #tpu.memory_space<vmem>>, vector<1x16xi32>,
    %swap3A_689 = vector.shape_cast %swap3A_688 : vector<1x16xi32> to vector<16xi32>
    %swap3A_690 = vector.shape_cast %add3A_684 : vector<16xi32> to vector<1x16xi32>
    tpu.vector_store %arg5[%swap3A_686, %swap3A_687], %swap3A_690 {strides = array<i32>} : memref<8x128xi32, #tpu.memory_space<vmem>>, vector<1x16xi32>,
    %get3A_691 = arith.constant 5 : i32
    %get3A_692 = arith.index_cast %get3A_691 : i32 to index
    %get3A_693 = arith.constant 32 : index
    %get3A_694 = tpu.vector_load %arg5[%get3A_692, %get3A_693] {strides = array<i32>} : memref<8x128xi32, #tpu.memory_space<vmem>>, vector<1x16xi32>,
    %get3A_695 = vector.shape_cast %get3A_694 : vector<1x16xi32> to vector<16xi32>
    %mul3A_696 = arith.constant 16 : i32
    %mul3A_697 = vector.broadcast %mul3A_696 : i32 to vector<16xi32>
    %mul3A_698 = arith.muli %get3A_695, %mul3A_697 : vector<16xi32>
    %add3A_699 = vector.broadcast %select_n3A : i32 to vector<16xi32>
    %add3A_700 = arith.addi %mul3A_698, %add3A_699 : vector<16xi32>
    %swap3A_701 = arith.constant 5 : i32
    %swap3A_702 = arith.index_cast %swap3A_701 : i32 to index
    %swap3A_703 = arith.constant 32 : index
    %swap3A_704 = tpu.vector_load %arg5[%swap3A_702, %swap3A_703] {strides = array<i32>} : memref<8x128xi32, #tpu.memory_space<vmem>>, vector<1x16xi32>,
    %swap3A_705 = vector.shape_cast %swap3A_704 : vector<1x16xi32> to vector<16xi32>
    %swap3A_706 = vector.shape_cast %add3A_700 : vector<16xi32> to vector<1x16xi32>
    tpu.vector_store %arg5[%swap3A_702, %swap3A_703], %swap3A_706 {strides = array<i32>} : memref<8x128xi32, #tpu.memory_space<vmem>>, vector<1x16xi32>,
    %get3A_707 = arith.constant 5 : i32
    %get3A_708 = arith.index_cast %get3A_707 : i32 to index
    %get3A_709 = arith.constant 48 : index
    %get3A_710 = tpu.vector_load %arg5[%get3A_708, %get3A_709] {strides = array<i32>} : memref<8x128xi32, #tpu.memory_space<vmem>>, vector<1x16xi32>,
    %get3A_711 = vector.shape_cast %get3A_710 : vector<1x16xi32> to vector<16xi32>
    %mul3A_712 = arith.constant 16 : i32
    %mul3A_713 = vector.broadcast %mul3A_712 : i32 to vector<16xi32>
    %mul3A_714 = arith.muli %get3A_711, %mul3A_713 : vector<16xi32>
    %add3A_715 = vector.broadcast %select_n3A : i32 to vector<16xi32>
    %add3A_716 = arith.addi %mul3A_714, %add3A_715 : vector<16xi32>
    %swap3A_717 = arith.constant 5 : i32
    %swap3A_718 = arith.index_cast %swap3A_717 : i32 to index
    %swap3A_719 = arith.constant 48 : index
    %swap3A_720 = tpu.vector_load %arg5[%swap3A_718, %swap3A_719] {strides = array<i32>} : memref<8x128xi32, #tpu.memory_space<vmem>>, vector<1x16xi32>,
    %swap3A_721 = vector.shape_cast %swap3A_720 : vector<1x16xi32> to vector<16xi32>
    %swap3A_722 = vector.shape_cast %add3A_716 : vector<16xi32> to vector<1x16xi32>
    tpu.vector_store %arg5[%swap3A_718, %swap3A_719], %swap3A_722 {strides = array<i32>} : memref<8x128xi32, #tpu.memory_space<vmem>>, vector<1x16xi32>,
    %get3A_723 = arith.constant 5 : i32
    %get3A_724 = arith.index_cast %get3A_723 : i32 to index
    %get3A_725 = arith.constant 64 : index
    %get3A_726 = tpu.vector_load %arg5[%get3A_724, %get3A_725] {strides = array<i32>} : memref<8x128xi32, #tpu.memory_space<vmem>>, vector<1x16xi32>,
    %get3A_727 = vector.shape_cast %get3A_726 : vector<1x16xi32> to vector<16xi32>
    %mul3A_728 = arith.constant 16 : i32
    %mul3A_729 = vector.broadcast %mul3A_728 : i32 to vector<16xi32>
    %mul3A_730 = arith.muli %get3A_727, %mul3A_729 : vector<16xi32>
    %add3A_731 = vector.broadcast %select_n3A : i32 to vector<16xi32>
    %add3A_732 = arith.addi %mul3A_730, %add3A_731 : vector<16xi32>
    %swap3A_733 = arith.constant 5 : i32
    %swap3A_734 = arith.index_cast %swap3A_733 : i32 to index
    %swap3A_735 = arith.constant 64 : index
    %swap3A_736 = tpu.vector_load %arg5[%swap3A_734, %swap3A_735] {strides = array<i32>} : memref<8x128xi32, #tpu.memory_space<vmem>>, vector<1x16xi32>,
    %swap3A_737 = vector.shape_cast %swap3A_736 : vector<1x16xi32> to vector<16xi32>
    %swap3A_738 = vector.shape_cast %add3A_732 : vector<16xi32> to vector<1x16xi32>
    tpu.vector_store %arg5[%swap3A_734, %swap3A_735], %swap3A_738 {strides = array<i32>} : memref<8x128xi32, #tpu.memory_space<vmem>>, vector<1x16xi32>,
    %get3A_739 = arith.constant 5 : i32
    %get3A_740 = arith.index_cast %get3A_739 : i32 to index
    %get3A_741 = arith.constant 80 : index
    %get3A_742 = tpu.vector_load %arg5[%get3A_740, %get3A_741] {strides = array<i32>} : memref<8x128xi32, #tpu.memory_space<vmem>>, vector<1x16xi32>,
    %get3A_743 = vector.shape_cast %get3A_742 : vector<1x16xi32> to vector<16xi32>
    %mul3A_744 = arith.constant 16 : i32
    %mul3A_745 = vector.broadcast %mul3A_744 : i32 to vector<16xi32>
    %mul3A_746 = arith.muli %get3A_743, %mul3A_745 : vector<16xi32>
    %add3A_747 = vector.broadcast %select_n3A : i32 to vector<16xi32>
    %add3A_748 = arith.addi %mul3A_746, %add3A_747 : vector<16xi32>
    %swap3A_749 = arith.constant 5 : i32
    %swap3A_750 = arith.index_cast %swap3A_749 : i32 to index
    %swap3A_751 = arith.constant 80 : index
    %swap3A_752 = tpu.vector_load %arg5[%swap3A_750, %swap3A_751] {strides = array<i32>} : memref<8x128xi32, #tpu.memory_space<vmem>>, vector<1x16xi32>,
    %swap3A_753 = vector.shape_cast %swap3A_752 : vector<1x16xi32> to vector<16xi32>
    %swap3A_754 = vector.shape_cast %add3A_748 : vector<16xi32> to vector<1x16xi32>
    tpu.vector_store %arg5[%swap3A_750, %swap3A_751], %swap3A_754 {strides = array<i32>} : memref<8x128xi32, #tpu.memory_space<vmem>>, vector<1x16xi32>,
    %get3A_755 = arith.constant 5 : i32
    %get3A_756 = arith.index_cast %get3A_755 : i32 to index
    %get3A_757 = arith.constant 96 : index
    %get3A_758 = tpu.vector_load %arg5[%get3A_756, %get3A_757] {strides = array<i32>} : memref<8x128xi32, #tpu.memory_space<vmem>>, vector<1x16xi32>,
    %get3A_759 = vector.shape_cast %get3A_758 : vector<1x16xi32> to vector<16xi32>
    %mul3A_760 = arith.constant 16 : i32
    %mul3A_761 = vector.broadcast %mul3A_760 : i32 to vector<16xi32>
    %mul3A_762 = arith.muli %get3A_759, %mul3A_761 : vector<16xi32>
    %add3A_763 = vector.broadcast %select_n3A : i32 to vector<16xi32>
    %add3A_764 = arith.addi %mul3A_762, %add3A_763 : vector<16xi32>
    %swap3A_765 = arith.constant 5 : i32
    %swap3A_766 = arith.index_cast %swap3A_765 : i32 to index
    %swap3A_767 = arith.constant 96 : index
    %swap3A_768 = tpu.vector_load %arg5[%swap3A_766, %swap3A_767] {strides = array<i32>} : memref<8x128xi32, #tpu.memory_space<vmem>>, vector<1x16xi32>,
    %swap3A_769 = vector.shape_cast %swap3A_768 : vector<1x16xi32> to vector<16xi32>
    %swap3A_770 = vector.shape_cast %add3A_764 : vector<16xi32> to vector<1x16xi32>
    tpu.vector_store %arg5[%swap3A_766, %swap3A_767], %swap3A_770 {strides = array<i32>} : memref<8x128xi32, #tpu.memory_space<vmem>>, vector<1x16xi32>,
    %get3A_771 = arith.constant 5 : i32
    %get3A_772 = arith.index_cast %get3A_771 : i32 to index
    %get3A_773 = arith.constant 112 : index
    %get3A_774 = tpu.vector_load %arg5[%get3A_772, %get3A_773] {strides = array<i32>} : memref<8x128xi32, #tpu.memory_space<vmem>>, vector<1x16xi32>,
    %get3A_775 = vector.shape_cast %get3A_774 : vector<1x16xi32> to vector<16xi32>
    %mul3A_776 = arith.constant 16 : i32
    %mul3A_777 = vector.broadcast %mul3A_776 : i32 to vector<16xi32>
    %mul3A_778 = arith.muli %get3A_775, %mul3A_777 : vector<16xi32>
    %add3A_779 = vector.broadcast %select_n3A : i32 to vector<16xi32>
    %add3A_780 = arith.addi %mul3A_778, %add3A_779 : vector<16xi32>
    %swap3A_781 = arith.constant 5 : i32
    %swap3A_782 = arith.index_cast %swap3A_781 : i32 to index
    %swap3A_783 = arith.constant 112 : index
    %swap3A_784 = tpu.vector_load %arg5[%swap3A_782, %swap3A_783] {strides = array<i32>} : memref<8x128xi32, #tpu.memory_space<vmem>>, vector<1x16xi32>,
    %swap3A_785 = vector.shape_cast %swap3A_784 : vector<1x16xi32> to vector<16xi32>
    %swap3A_786 = vector.shape_cast %add3A_780 : vector<16xi32> to vector<1x16xi32>
    tpu.vector_store %arg5[%swap3A_782, %swap3A_783], %swap3A_786 {strides = array<i32>} : memref<8x128xi32, #tpu.memory_space<vmem>>, vector<1x16xi32>,
    %get3A_787 = arith.constant 6 : i32
    %get3A_788 = arith.index_cast %get3A_787 : i32 to index
    %get3A_789 = arith.constant 0 : index
    %get3A_790 = tpu.vector_load %arg5[%get3A_788, %get3A_789] {strides = array<i32>} : memref<8x128xi32, #tpu.memory_space<vmem>>, vector<1x16xi32>,
    %get3A_791 = vector.shape_cast %get3A_790 : vector<1x16xi32> to vector<16xi32>
    %mul3A_792 = arith.constant 16 : i32
    %mul3A_793 = vector.broadcast %mul3A_792 : i32 to vector<16xi32>
    %mul3A_794 = arith.muli %get3A_791, %mul3A_793 : vector<16xi32>
    %add3A_795 = vector.broadcast %select_n3A : i32 to vector<16xi32>
    %add3A_796 = arith.addi %mul3A_794, %add3A_795 : vector<16xi32>
    %swap3A_797 = arith.constant 6 : i32
    %swap3A_798 = arith.index_cast %swap3A_797 : i32 to index
    %swap3A_799 = arith.constant 0 : index
    %swap3A_800 = tpu.vector_load %arg5[%swap3A_798, %swap3A_799] {strides = array<i32>} : memref<8x128xi32, #tpu.memory_space<vmem>>, vector<1x16xi32>,
    %swap3A_801 = vector.shape_cast %swap3A_800 : vector<1x16xi32> to vector<16xi32>
    %swap3A_802 = vector.shape_cast %add3A_796 : vector<16xi32> to vector<1x16xi32>
    tpu.vector_store %arg5[%swap3A_798, %swap3A_799], %swap3A_802 {strides = array<i32>} : memref<8x128xi32, #tpu.memory_space<vmem>>, vector<1x16xi32>,
    %get3A_803 = arith.constant 6 : i32
    %get3A_804 = arith.index_cast %get3A_803 : i32 to index
    %get3A_805 = arith.constant 16 : index
    %get3A_806 = tpu.vector_load %arg5[%get3A_804, %get3A_805] {strides = array<i32>} : memref<8x128xi32, #tpu.memory_space<vmem>>, vector<1x16xi32>,
    %get3A_807 = vector.shape_cast %get3A_806 : vector<1x16xi32> to vector<16xi32>
    %mul3A_808 = arith.constant 16 : i32
    %mul3A_809 = vector.broadcast %mul3A_808 : i32 to vector<16xi32>
    %mul3A_810 = arith.muli %get3A_807, %mul3A_809 : vector<16xi32>
    %add3A_811 = vector.broadcast %select_n3A : i32 to vector<16xi32>
    %add3A_812 = arith.addi %mul3A_810, %add3A_811 : vector<16xi32>
    %swap3A_813 = arith.constant 6 : i32
    %swap3A_814 = arith.index_cast %swap3A_813 : i32 to index
    %swap3A_815 = arith.constant 16 : index
    %swap3A_816 = tpu.vector_load %arg5[%swap3A_814, %swap3A_815] {strides = array<i32>} : memref<8x128xi32, #tpu.memory_space<vmem>>, vector<1x16xi32>,
    %swap3A_817 = vector.shape_cast %swap3A_816 : vector<1x16xi32> to vector<16xi32>
    %swap3A_818 = vector.shape_cast %add3A_812 : vector<16xi32> to vector<1x16xi32>
    tpu.vector_store %arg5[%swap3A_814, %swap3A_815], %swap3A_818 {strides = array<i32>} : memref<8x128xi32, #tpu.memory_space<vmem>>, vector<1x16xi32>,
    %get3A_819 = arith.constant 6 : i32
    %get3A_820 = arith.index_cast %get3A_819 : i32 to index
    %get3A_821 = arith.constant 32 : index
    %get3A_822 = tpu.vector_load %arg5[%get3A_820, %get3A_821] {strides = array<i32>} : memref<8x128xi32, #tpu.memory_space<vmem>>, vector<1x16xi32>,
    %get3A_823 = vector.shape_cast %get3A_822 : vector<1x16xi32> to vector<16xi32>
    %mul3A_824 = arith.constant 16 : i32
    %mul3A_825 = vector.broadcast %mul3A_824 : i32 to vector<16xi32>
    %mul3A_826 = arith.muli %get3A_823, %mul3A_825 : vector<16xi32>
    %add3A_827 = vector.broadcast %select_n3A : i32 to vector<16xi32>
    %add3A_828 = arith.addi %mul3A_826, %add3A_827 : vector<16xi32>
    %swap3A_829 = arith.constant 6 : i32
    %swap3A_830 = arith.index_cast %swap3A_829 : i32 to index
    %swap3A_831 = arith.constant 32 : index
    %swap3A_832 = tpu.vector_load %arg5[%swap3A_830, %swap3A_831] {strides = array<i32>} : memref<8x128xi32, #tpu.memory_space<vmem>>, vector<1x16xi32>,
    %swap3A_833 = vector.shape_cast %swap3A_832 : vector<1x16xi32> to vector<16xi32>
    %swap3A_834 = vector.shape_cast %add3A_828 : vector<16xi32> to vector<1x16xi32>
    tpu.vector_store %arg5[%swap3A_830, %swap3A_831], %swap3A_834 {strides = array<i32>} : memref<8x128xi32, #tpu.memory_space<vmem>>, vector<1x16xi32>,
    %get3A_835 = arith.constant 6 : i32
    %get3A_836 = arith.index_cast %get3A_835 : i32 to index
    %get3A_837 = arith.constant 48 : index
    %get3A_838 = tpu.vector_load %arg5[%get3A_836, %get3A_837] {strides = array<i32>} : memref<8x128xi32, #tpu.memory_space<vmem>>, vector<1x16xi32>,
    %get3A_839 = vector.shape_cast %get3A_838 : vector<1x16xi32> to vector<16xi32>
    %mul3A_840 = arith.constant 16 : i32
    %mul3A_841 = vector.broadcast %mul3A_840 : i32 to vector<16xi32>
    %mul3A_842 = arith.muli %get3A_839, %mul3A_841 : vector<16xi32>
    %add3A_843 = vector.broadcast %select_n3A : i32 to vector<16xi32>
    %add3A_844 = arith.addi %mul3A_842, %add3A_843 : vector<16xi32>
    %swap3A_845 = arith.constant 6 : i32
    %swap3A_846 = arith.index_cast %swap3A_845 : i32 to index
    %swap3A_847 = arith.constant 48 : index
    %swap3A_848 = tpu.vector_load %arg5[%swap3A_846, %swap3A_847] {strides = array<i32>} : memref<8x128xi32, #tpu.memory_space<vmem>>, vector<1x16xi32>,
    %swap3A_849 = vector.shape_cast %swap3A_848 : vector<1x16xi32> to vector<16xi32>
    %swap3A_850 = vector.shape_cast %add3A_844 : vector<16xi32> to vector<1x16xi32>
    tpu.vector_store %arg5[%swap3A_846, %swap3A_847], %swap3A_850 {strides = array<i32>} : memref<8x128xi32, #tpu.memory_space<vmem>>, vector<1x16xi32>,
    %get3A_851 = arith.constant 6 : i32
    %get3A_852 = arith.index_cast %get3A_851 : i32 to index
    %get3A_853 = arith.constant 64 : index
    %get3A_854 = tpu.vector_load %arg5[%get3A_852, %get3A_853] {strides = array<i32>} : memref<8x128xi32, #tpu.memory_space<vmem>>, vector<1x16xi32>,
    %get3A_855 = vector.shape_cast %get3A_854 : vector<1x16xi32> to vector<16xi32>
    %mul3A_856 = arith.constant 16 : i32
    %mul3A_857 = vector.broadcast %mul3A_856 : i32 to vector<16xi32>
    %mul3A_858 = arith.muli %get3A_855, %mul3A_857 : vector<16xi32>
    %add3A_859 = vector.broadcast %select_n3A : i32 to vector<16xi32>
    %add3A_860 = arith.addi %mul3A_858, %add3A_859 : vector<16xi32>
    %swap3A_861 = arith.constant 6 : i32
    %swap3A_862 = arith.index_cast %swap3A_861 : i32 to index
    %swap3A_863 = arith.constant 64 : index
    %swap3A_864 = tpu.vector_load %arg5[%swap3A_862, %swap3A_863] {strides = array<i32>} : memref<8x128xi32, #tpu.memory_space<vmem>>, vector<1x16xi32>,
    %swap3A_865 = vector.shape_cast %swap3A_864 : vector<1x16xi32> to vector<16xi32>
    %swap3A_866 = vector.shape_cast %add3A_860 : vector<16xi32> to vector<1x16xi32>
    tpu.vector_store %arg5[%swap3A_862, %swap3A_863], %swap3A_866 {strides = array<i32>} : memref<8x128xi32, #tpu.memory_space<vmem>>, vector<1x16xi32>,
    %get3A_867 = arith.constant 6 : i32
    %get3A_868 = arith.index_cast %get3A_867 : i32 to index
    %get3A_869 = arith.constant 80 : index
    %get3A_870 = tpu.vector_load %arg5[%get3A_868, %get3A_869] {strides = array<i32>} : memref<8x128xi32, #tpu.memory_space<vmem>>, vector<1x16xi32>,
    %get3A_871 = vector.shape_cast %get3A_870 : vector<1x16xi32> to vector<16xi32>
    %mul3A_872 = arith.constant 16 : i32
    %mul3A_873 = vector.broadcast %mul3A_872 : i32 to vector<16xi32>
    %mul3A_874 = arith.muli %get3A_871, %mul3A_873 : vector<16xi32>
    %add3A_875 = vector.broadcast %select_n3A : i32 to vector<16xi32>
    %add3A_876 = arith.addi %mul3A_874, %add3A_875 : vector<16xi32>
    %swap3A_877 = arith.constant 6 : i32
    %swap3A_878 = arith.index_cast %swap3A_877 : i32 to index
    %swap3A_879 = arith.constant 80 : index
    %swap3A_880 = tpu.vector_load %arg5[%swap3A_878, %swap3A_879] {strides = array<i32>} : memref<8x128xi32, #tpu.memory_space<vmem>>, vector<1x16xi32>,
    %swap3A_881 = vector.shape_cast %swap3A_880 : vector<1x16xi32> to vector<16xi32>
    %swap3A_882 = vector.shape_cast %add3A_876 : vector<16xi32> to vector<1x16xi32>
    tpu.vector_store %arg5[%swap3A_878, %swap3A_879], %swap3A_882 {strides = array<i32>} : memref<8x128xi32, #tpu.memory_space<vmem>>, vector<1x16xi32>,
    %get3A_883 = arith.constant 6 : i32
    %get3A_884 = arith.index_cast %get3A_883 : i32 to index
    %get3A_885 = arith.constant 96 : index
    %get3A_886 = tpu.vector_load %arg5[%get3A_884, %get3A_885] {strides = array<i32>} : memref<8x128xi32, #tpu.memory_space<vmem>>, vector<1x16xi32>,
    %get3A_887 = vector.shape_cast %get3A_886 : vector<1x16xi32> to vector<16xi32>
    %mul3A_888 = arith.constant 16 : i32
    %mul3A_889 = vector.broadcast %mul3A_888 : i32 to vector<16xi32>
    %mul3A_890 = arith.muli %get3A_887, %mul3A_889 : vector<16xi32>
    %add3A_891 = vector.broadcast %select_n3A : i32 to vector<16xi32>
    %add3A_892 = arith.addi %mul3A_890, %add3A_891 : vector<16xi32>
    %swap3A_893 = arith.constant 6 : i32
    %swap3A_894 = arith.index_cast %swap3A_893 : i32 to index
    %swap3A_895 = arith.constant 96 : index
    %swap3A_896 = tpu.vector_load %arg5[%swap3A_894, %swap3A_895] {strides = array<i32>} : memref<8x128xi32, #tpu.memory_space<vmem>>, vector<1x16xi32>,
    %swap3A_897 = vector.shape_cast %swap3A_896 : vector<1x16xi32> to vector<16xi32>
    %swap3A_898 = vector.shape_cast %add3A_892 : vector<16xi32> to vector<1x16xi32>
    tpu.vector_store %arg5[%swap3A_894, %swap3A_895], %swap3A_898 {strides = array<i32>} : memref<8x128xi32, #tpu.memory_space<vmem>>, vector<1x16xi32>,
    %get3A_899 = arith.constant 6 : i32
    %get3A_900 = arith.index_cast %get3A_899 : i32 to index
    %get3A_901 = arith.constant 112 : index
    %get3A_902 = tpu.vector_load %arg5[%get3A_900, %get3A_901] {strides = array<i32>} : memref<8x128xi32, #tpu.memory_space<vmem>>, vector<1x16xi32>,
    %get3A_903 = vector.shape_cast %get3A_902 : vector<1x16xi32> to vector<16xi32>
    %mul3A_904 = arith.constant 16 : i32
    %mul3A_905 = vector.broadcast %mul3A_904 : i32 to vector<16xi32>
    %mul3A_906 = arith.muli %get3A_903, %mul3A_905 : vector<16xi32>
    %add3A_907 = vector.broadcast %select_n3A : i32 to vector<16xi32>
    %add3A_908 = arith.addi %mul3A_906, %add3A_907 : vector<16xi32>
    %swap3A_909 = arith.constant 6 : i32
    %swap3A_910 = arith.index_cast %swap3A_909 : i32 to index
    %swap3A_911 = arith.constant 112 : index
    %swap3A_912 = tpu.vector_load %arg5[%swap3A_910, %swap3A_911] {strides = array<i32>} : memref<8x128xi32, #tpu.memory_space<vmem>>, vector<1x16xi32>,
    %swap3A_913 = vector.shape_cast %swap3A_912 : vector<1x16xi32> to vector<16xi32>
    %swap3A_914 = vector.shape_cast %add3A_908 : vector<16xi32> to vector<1x16xi32>
    tpu.vector_store %arg5[%swap3A_910, %swap3A_911], %swap3A_914 {strides = array<i32>} : memref<8x128xi32, #tpu.memory_space<vmem>>, vector<1x16xi32>,
    %get3A_915 = arith.constant 7 : i32
    %get3A_916 = arith.index_cast %get3A_915 : i32 to index
    %get3A_917 = arith.constant 0 : index
    %get3A_918 = tpu.vector_load %arg5[%get3A_916, %get3A_917] {strides = array<i32>} : memref<8x128xi32, #tpu.memory_space<vmem>>, vector<1x16xi32>,
    %get3A_919 = vector.shape_cast %get3A_918 : vector<1x16xi32> to vector<16xi32>
    %mul3A_920 = arith.constant 16 : i32
    %mul3A_921 = vector.broadcast %mul3A_920 : i32 to vector<16xi32>
    %mul3A_922 = arith.muli %get3A_919, %mul3A_921 : vector<16xi32>
    %add3A_923 = vector.broadcast %select_n3A : i32 to vector<16xi32>
    %add3A_924 = arith.addi %mul3A_922, %add3A_923 : vector<16xi32>
    %swap3A_925 = arith.constant 7 : i32
    %swap3A_926 = arith.index_cast %swap3A_925 : i32 to index
    %swap3A_927 = arith.constant 0 : index
    %swap3A_928 = tpu.vector_load %arg5[%swap3A_926, %swap3A_927] {strides = array<i32>} : memref<8x128xi32, #tpu.memory_space<vmem>>, vector<1x16xi32>,
    %swap3A_929 = vector.shape_cast %swap3A_928 : vector<1x16xi32> to vector<16xi32>
    %swap3A_930 = vector.shape_cast %add3A_924 : vector<16xi32> to vector<1x16xi32>
    tpu.vector_store %arg5[%swap3A_926, %swap3A_927], %swap3A_930 {strides = array<i32>} : memref<8x128xi32, #tpu.memory_space<vmem>>, vector<1x16xi32>,
    %get3A_931 = arith.constant 7 : i32
    %get3A_932 = arith.index_cast %get3A_931 : i32 to index
    %get3A_933 = arith.constant 16 : index
    %get3A_934 = tpu.vector_load %arg5[%get3A_932, %get3A_933] {strides = array<i32>} : memref<8x128xi32, #tpu.memory_space<vmem>>, vector<1x16xi32>,
    %get3A_935 = vector.shape_cast %get3A_934 : vector<1x16xi32> to vector<16xi32>
    %mul3A_936 = arith.constant 16 : i32
    %mul3A_937 = vector.broadcast %mul3A_936 : i32 to vector<16xi32>
    %mul3A_938 = arith.muli %get3A_935, %mul3A_937 : vector<16xi32>
    %add3A_939 = vector.broadcast %select_n3A : i32 to vector<16xi32>
    %add3A_940 = arith.addi %mul3A_938, %add3A_939 : vector<16xi32>
    %swap3A_941 = arith.constant 7 : i32
    %swap3A_942 = arith.index_cast %swap3A_941 : i32 to index
    %swap3A_943 = arith.constant 16 : index
    %swap3A_944 = tpu.vector_load %arg5[%swap3A_942, %swap3A_943] {strides = array<i32>} : memref<8x128xi32, #tpu.memory_space<vmem>>, vector<1x16xi32>,
    %swap3A_945 = vector.shape_cast %swap3A_944 : vector<1x16xi32> to vector<16xi32>
    %swap3A_946 = vector.shape_cast %add3A_940 : vector<16xi32> to vector<1x16xi32>
    tpu.vector_store %arg5[%swap3A_942, %swap3A_943], %swap3A_946 {strides = array<i32>} : memref<8x128xi32, #tpu.memory_space<vmem>>, vector<1x16xi32>,
    %get3A_947 = arith.constant 7 : i32
    %get3A_948 = arith.index_cast %get3A_947 : i32 to index
    %get3A_949 = arith.constant 32 : index
    %get3A_950 = tpu.vector_load %arg5[%get3A_948, %get3A_949] {strides = array<i32>} : memref<8x128xi32, #tpu.memory_space<vmem>>, vector<1x16xi32>,
    %get3A_951 = vector.shape_cast %get3A_950 : vector<1x16xi32> to vector<16xi32>
    %mul3A_952 = arith.constant 16 : i32
    %mul3A_953 = vector.broadcast %mul3A_952 : i32 to vector<16xi32>
    %mul3A_954 = arith.muli %get3A_951, %mul3A_953 : vector<16xi32>
    %add3A_955 = vector.broadcast %select_n3A : i32 to vector<16xi32>
    %add3A_956 = arith.addi %mul3A_954, %add3A_955 : vector<16xi32>
    %swap3A_957 = arith.constant 7 : i32
    %swap3A_958 = arith.index_cast %swap3A_957 : i32 to index
    %swap3A_959 = arith.constant 32 : index
    %swap3A_960 = tpu.vector_load %arg5[%swap3A_958, %swap3A_959] {strides = array<i32>} : memref<8x128xi32, #tpu.memory_space<vmem>>, vector<1x16xi32>,
    %swap3A_961 = vector.shape_cast %swap3A_960 : vector<1x16xi32> to vector<16xi32>
    %swap3A_962 = vector.shape_cast %add3A_956 : vector<16xi32> to vector<1x16xi32>
    tpu.vector_store %arg5[%swap3A_958, %swap3A_959], %swap3A_962 {strides = array<i32>} : memref<8x128xi32, #tpu.memory_space<vmem>>, vector<1x16xi32>,
    %get3A_963 = arith.constant 7 : i32
    %get3A_964 = arith.index_cast %get3A_963 : i32 to index
    %get3A_965 = arith.constant 48 : index
    %get3A_966 = tpu.vector_load %arg5[%get3A_964, %get3A_965] {strides = array<i32>} : memref<8x128xi32, #tpu.memory_space<vmem>>, vector<1x16xi32>,
    %get3A_967 = vector.shape_cast %get3A_966 : vector<1x16xi32> to vector<16xi32>
    %mul3A_968 = arith.constant 16 : i32
    %mul3A_969 = vector.broadcast %mul3A_968 : i32 to vector<16xi32>
    %mul3A_970 = arith.muli %get3A_967, %mul3A_969 : vector<16xi32>
    %add3A_971 = vector.broadcast %select_n3A : i32 to vector<16xi32>
    %add3A_972 = arith.addi %mul3A_970, %add3A_971 : vector<16xi32>
    %swap3A_973 = arith.constant 7 : i32
    %swap3A_974 = arith.index_cast %swap3A_973 : i32 to index
    %swap3A_975 = arith.constant 48 : index
    %swap3A_976 = tpu.vector_load %arg5[%swap3A_974, %swap3A_975] {strides = array<i32>} : memref<8x128xi32, #tpu.memory_space<vmem>>, vector<1x16xi32>,
    %swap3A_977 = vector.shape_cast %swap3A_976 : vector<1x16xi32> to vector<16xi32>
    %swap3A_978 = vector.shape_cast %add3A_972 : vector<16xi32> to vector<1x16xi32>
    tpu.vector_store %arg5[%swap3A_974, %swap3A_975], %swap3A_978 {strides = array<i32>} : memref<8x128xi32, #tpu.memory_space<vmem>>, vector<1x16xi32>,
    %get3A_979 = arith.constant 7 : i32
    %get3A_980 = arith.index_cast %get3A_979 : i32 to index
    %get3A_981 = arith.constant 64 : index
    %get3A_982 = tpu.vector_load %arg5[%get3A_980, %get3A_981] {strides = array<i32>} : memref<8x128xi32, #tpu.memory_space<vmem>>, vector<1x16xi32>,
    %get3A_983 = vector.shape_cast %get3A_982 : vector<1x16xi32> to vector<16xi32>
    %mul3A_984 = arith.constant 16 : i32
    %mul3A_985 = vector.broadcast %mul3A_984 : i32 to vector<16xi32>
    %mul3A_986 = arith.muli %get3A_983, %mul3A_985 : vector<16xi32>
    %add3A_987 = vector.broadcast %select_n3A : i32 to vector<16xi32>
    %add3A_988 = arith.addi %mul3A_986, %add3A_987 : vector<16xi32>
    %swap3A_989 = arith.constant 7 : i32
    %swap3A_990 = arith.index_cast %swap3A_989 : i32 to index
    %swap3A_991 = arith.constant 64 : index
    %swap3A_992 = tpu.vector_load %arg5[%swap3A_990, %swap3A_991] {strides = array<i32>} : memref<8x128xi32, #tpu.memory_space<vmem>>, vector<1x16xi32>,
    %swap3A_993 = vector.shape_cast %swap3A_992 : vector<1x16xi32> to vector<16xi32>
    %swap3A_994 = vector.shape_cast %add3A_988 : vector<16xi32> to vector<1x16xi32>
    tpu.vector_store %arg5[%swap3A_990, %swap3A_991], %swap3A_994 {strides = array<i32>} : memref<8x128xi32, #tpu.memory_space<vmem>>, vector<1x16xi32>,
    %get3A_995 = arith.constant 7 : i32
    %get3A_996 = arith.index_cast %get3A_995 : i32 to index
    %get3A_997 = arith.constant 80 : index
    %get3A_998 = tpu.vector_load %arg5[%get3A_996, %get3A_997] {strides = array<i32>} : memref<8x128xi32, #tpu.memory_space<vmem>>, vector<1x16xi32>,
    %get3A_999 = vector.shape_cast %get3A_998 : vector<1x16xi32> to vector<16xi32>
    %mul3A_1000 = arith.constant 16 : i32
    %mul3A_1001 = vector.broadcast %mul3A_1000 : i32 to vector<16xi32>
    %mul3A_1002 = arith.muli %get3A_999, %mul3A_1001 : vector<16xi32>
    %add3A_1003 = vector.broadcast %select_n3A : i32 to vector<16xi32>
    %add3A_1004 = arith.addi %mul3A_1002, %add3A_1003 : vector<16xi32>
    %swap3A_1005 = arith.constant 7 : i32
    %swap3A_1006 = arith.index_cast %swap3A_1005 : i32 to index
    %swap3A_1007 = arith.constant 80 : index
    %swap3A_1008 = tpu.vector_load %arg5[%swap3A_1006, %swap3A_1007] {strides = array<i32>} : memref<8x128xi32, #tpu.memory_space<vmem>>, vector<1x16xi32>,
    %swap3A_1009 = vector.shape_cast %swap3A_1008 : vector<1x16xi32> to vector<16xi32>
    %swap3A_1010 = vector.shape_cast %add3A_1004 : vector<16xi32> to vector<1x16xi32>
    tpu.vector_store %arg5[%swap3A_1006, %swap3A_1007], %swap3A_1010 {strides = array<i32>} : memref<8x128xi32, #tpu.memory_space<vmem>>, vector<1x16xi32>,
    %get3A_1011 = arith.constant 7 : i32
    %get3A_1012 = arith.index_cast %get3A_1011 : i32 to index
    %get3A_1013 = arith.constant 96 : index
    %get3A_1014 = tpu.vector_load %arg5[%get3A_1012, %get3A_1013] {strides = array<i32>} : memref<8x128xi32, #tpu.memory_space<vmem>>, vector<1x16xi32>,
    %get3A_1015 = vector.shape_cast %get3A_1014 : vector<1x16xi32> to vector<16xi32>
    %mul3A_1016 = arith.constant 16 : i32
    %mul3A_1017 = vector.broadcast %mul3A_1016 : i32 to vector<16xi32>
    %mul3A_1018 = arith.muli %get3A_1015, %mul3A_1017 : vector<16xi32>
    %add3A_1019 = vector.broadcast %select_n3A : i32 to vector<16xi32>
    %add3A_1020 = arith.addi %mul3A_1018, %add3A_1019 : vector<16xi32>
    %swap3A_1021 = arith.constant 7 : i32
    %swap3A_1022 = arith.index_cast %swap3A_1021 : i32 to index
    %swap3A_1023 = arith.constant 96 : index
    %swap3A_1024 = tpu.vector_load %arg5[%swap3A_1022, %swap3A_1023] {strides = array<i32>} : memref<8x128xi32, #tpu.memory_space<vmem>>, vector<1x16xi32>,
    %swap3A_1025 = vector.shape_cast %swap3A_1024 : vector<1x16xi32> to vector<16xi32>
    %swap3A_1026 = vector.shape_cast %add3A_1020 : vector<16xi32> to vector<1x16xi32>
    tpu.vector_store %arg5[%swap3A_1022, %swap3A_1023], %swap3A_1026 {strides = array<i32>} : memref<8x128xi32, #tpu.memory_space<vmem>>, vector<1x16xi32>,
    %get3A_1027 = arith.constant 7 : i32
    %get3A_1028 = arith.index_cast %get3A_1027 : i32 to index
    %get3A_1029 = arith.constant 112 : index
    %get3A_1030 = tpu.vector_load %arg5[%get3A_1028, %get3A_1029] {strides = array<i32>} : memref<8x128xi32, #tpu.memory_space<vmem>>, vector<1x16xi32>,
    %get3A_1031 = vector.shape_cast %get3A_1030 : vector<1x16xi32> to vector<16xi32>
    %mul3A_1032 = arith.constant 16 : i32
    %mul3A_1033 = vector.broadcast %mul3A_1032 : i32 to vector<16xi32>
    %mul3A_1034 = arith.muli %get3A_1031, %mul3A_1033 : vector<16xi32>
    %add3A_1035 = vector.broadcast %select_n3A : i32 to vector<16xi32>
    %add3A_1036 = arith.addi %mul3A_1034, %add3A_1035 : vector<16xi32>
    %swap3A_1037 = arith.constant 7 : i32
    %swap3A_1038 = arith.index_cast %swap3A_1037 : i32 to index
    %swap3A_1039 = arith.constant 112 : index
    %swap3A_1040 = tpu.vector_load %arg5[%swap3A_1038, %swap3A_1039] {strides = array<i32>} : memref<8x128xi32, #tpu.memory_space<vmem>>, vector<1x16xi32>,
    %swap3A_1041 = vector.shape_cast %swap3A_1040 : vector<1x16xi32> to vector<16xi32>
    %swap3A_1042 = vector.shape_cast %add3A_1036 : vector<16xi32> to vector<1x16xi32>
    tpu.vector_store %arg5[%swap3A_1038, %swap3A_1039], %swap3A_1042 {strides = array<i32>} : memref<8x128xi32, #tpu.memory_space<vmem>>, vector<1x16xi32>,
    %dma_start3A = arith.constant 0 : i32
    %dma_start3A_1043 = arith.constant 0 : i32
    %dma_start3A_1044 = tpu.memref_slice %arg5[%dma_start3A, %dma_start3A_1043] : memref<8x128xi32, #tpu.memory_space<vmem>> -> memref<1x128xi32, #tpu.memory_space<vmem>>
    %dma_start3A_1045 = tpu.memref_squeeze %dma_start3A_1044 : memref<1x128xi32, #tpu.memory_space<vmem>> -> memref<128xi32, #tpu.memory_space<vmem>>
    %dma_start3A_1046 = arith.constant 0 : i32
    %dma_start3A_1047 = arith.constant 0 : i32
    %dma_start3A_1048 = tpu.memref_slice %arg2[%dma_start3A_1046, %dma_start3A_1047] : memref<32768x256xf32, #tpu.memory_space<hbm>> -> memref<32768x256xf32, #tpu.memory_space<hbm>>
    tpu.enqueue_indirect_dma source(%dma_start3A_1048 : memref<32768x256xf32, #tpu.memory_space<hbm>>) target(%arg6 : memref<128x256xf32, #tpu.memory_space<vmem>>) offsets(%dma_start3A_1045 : memref<128xi32, #tpu.memory_space<vmem>>) semaphore(%arg8 : memref<!tpu.dma_semaphore, #tpu.memory_space<semaphore_mem>>)
    %dma_start3A_1049 = arith.constant 1 : i32
    %dma_start3A_1050 = arith.constant 0 : i32
    %dma_start3A_1051 = tpu.memref_slice %arg5[%dma_start3A_1049, %dma_start3A_1050] : memref<8x128xi32, #tpu.memory_space<vmem>> -> memref<1x128xi32, #tpu.memory_space<vmem>>
    %dma_start3A_1052 = tpu.memref_squeeze %dma_start3A_1051 : memref<1x128xi32, #tpu.memory_space<vmem>> -> memref<128xi32, #tpu.memory_space<vmem>>
    %dma_start3A_1053 = arith.constant 0 : i32
    %dma_start3A_1054 = arith.constant 0 : i32
    %dma_start3A_1055 = tpu.memref_slice %arg2[%dma_start3A_1053, %dma_start3A_1054] : memref<32768x256xf32, #tpu.memory_space<hbm>> -> memref<32768x256xf32, #tpu.memory_space<hbm>>
    tpu.enqueue_indirect_dma source(%dma_start3A_1055 : memref<32768x256xf32, #tpu.memory_space<hbm>>) target(%arg7 : memref<128x256xf32, #tpu.memory_space<vmem>>) offsets(%dma_start3A_1052 : memref<128xi32, #tpu.memory_space<vmem>>) semaphore(%arg9 : memref<!tpu.dma_semaphore, #tpu.memory_space<semaphore_mem>>)
    %dma_wait3A = arith.constant 0 : i32
    %dma_wait3A_1056 = arith.constant 0 : i32
    %dma_wait3A_1057 = tpu.memref_slice %arg5[%dma_wait3A, %dma_wait3A_1056] : memref<8x128xi32, #tpu.memory_space<vmem>> -> memref<1x128xi32, #tpu.memory_space<vmem>>
    %dma_wait3A_1058 = tpu.memref_squeeze %dma_wait3A_1057 : memref<1x128xi32, #tpu.memory_space<vmem>> -> memref<128xi32, #tpu.memory_space<vmem>>
    %dma_wait3A_1059 = arith.constant 0 : i32
    %dma_wait3A_1060 = arith.constant 0 : i32
    %dma_wait3A_1061 = tpu.memref_slice %arg2[%dma_wait3A_1059, %dma_wait3A_1060] : memref<32768x256xf32, #tpu.memory_space<hbm>> -> memref<32768x256xf32, #tpu.memory_space<hbm>>
    tpu.wait_indirect_dma semaphore(%arg8 : memref<!tpu.dma_semaphore, #tpu.memory_space<semaphore_mem>>) src(%dma_wait3A_1061 : memref<32768x256xf32, #tpu.memory_space<hbm>>) dst(%arg6 : memref<128x256xf32, #tpu.memory_space<vmem>>)
    %add3A_1062 = arith.constant 0 : i32
    %add3A_1063 = arith.addi %mul3A_2, %add3A_1062 : i32
    "tpu.region"() ({
      %run_scoped3A = tpu.sem_alloc : memref<!tpu.dma_semaphore, #tpu.memory_space<semaphore_mem>>
      %dma_start3A_1169 = arith.constant 0 : i32
      %dma_start3A_1170 = tpu.memref_slice %arg4[%add3A_1063, %dma_start3A_1169] : memref<32768x256xf32, #tpu.memory_space<hbm>> -> memref<128x256xf32, #tpu.memory_space<hbm>>
      %dma_start3A_1171 = arith.constant 0 : i32
      %dma_start3A_1172 = tpu.memref_slice %arg4[%add3A_1063, %dma_start3A_1171] : memref<32768x256xf32, #tpu.memory_space<hbm>> -> memref<128x256xf32, #tpu.memory_space<hbm>>
      tpu.enqueue_dma source(%arg6 : memref<128x256xf32, #tpu.memory_space<vmem>>) target(%dma_start3A_1172 : memref<128x256xf32, #tpu.memory_space<hbm>>) target_semaphore(%run_scoped3A : memref<!tpu.dma_semaphore, #tpu.memory_space<semaphore_mem>>)
      %dma_wait3A_1173 = arith.constant 0 : i32
      %dma_wait3A_1174 = tpu.memref_slice %arg4[%add3A_1063, %dma_wait3A_1173] : memref<32768x256xf32, #tpu.memory_space<hbm>> -> memref<128x256xf32, #tpu.memory_space<hbm>>
      %dma_wait3A_1175 = arith.constant 0 : i32
      %dma_wait3A_1176 = tpu.memref_slice %arg4[%add3A_1063, %dma_wait3A_1175] : memref<32768x256xf32, #tpu.memory_space<hbm>> -> memref<128x256xf32, #tpu.memory_space<hbm>>
      tpu.wait_dma2 semaphore(%run_scoped3A : memref<!tpu.dma_semaphore, #tpu.memory_space<semaphore_mem>>) src(%arg6 : memref<128x256xf32, #tpu.memory_space<vmem>>) dst(%dma_wait3A_1176 : memref<128x256xf32, #tpu.memory_space<hbm>>)
      tpu.yield
    }) : () -> ()
    %dma_start3A_1064 = arith.constant 2 : i32
    %dma_start3A_1065 = arith.constant 0 : i32
    %dma_start3A_1066 = tpu.memref_slice %arg5[%dma_start3A_1064, %dma_start3A_1065] : memref<8x128xi32, #tpu.memory_space<vmem>> -> memref<1x128xi32, #tpu.memory_space<vmem>>
    %dma_start3A_1067 = tpu.memref_squeeze %dma_start3A_1066 : memref<1x128xi32, #tpu.memory_space<vmem>> -> memref<128xi32, #tpu.memory_space<vmem>>
    %dma_start3A_1068 = arith.constant 0 : i32
    %dma_start3A_1069 = arith.constant 0 : i32
    %dma_start3A_1070 = tpu.memref_slice %arg2[%dma_start3A_1068, %dma_start3A_1069] : memref<32768x256xf32, #tpu.memory_space<hbm>> -> memref<32768x256xf32, #tpu.memory_space<hbm>>
    tpu.enqueue_indirect_dma source(%dma_start3A_1070 : memref<32768x256xf32, #tpu.memory_space<hbm>>) target(%arg6 : memref<128x256xf32, #tpu.memory_space<vmem>>) offsets(%dma_start3A_1067 : memref<128xi32, #tpu.memory_space<vmem>>) semaphore(%arg8 : memref<!tpu.dma_semaphore, #tpu.memory_space<semaphore_mem>>)
    %dma_wait3A_1071 = arith.constant 1 : i32
    %dma_wait3A_1072 = arith.constant 0 : i32
    %dma_wait3A_1073 = tpu.memref_slice %arg5[%dma_wait3A_1071, %dma_wait3A_1072] : memref<8x128xi32, #tpu.memory_space<vmem>> -> memref<1x128xi32, #tpu.memory_space<vmem>>
    %dma_wait3A_1074 = tpu.memref_squeeze %dma_wait3A_1073 : memref<1x128xi32, #tpu.memory_space<vmem>> -> memref<128xi32, #tpu.memory_space<vmem>>
    %dma_wait3A_1075 = arith.constant 0 : i32
    %dma_wait3A_1076 = arith.constant 0 : i32
    %dma_wait3A_1077 = tpu.memref_slice %arg2[%dma_wait3A_1075, %dma_wait3A_1076] : memref<32768x256xf32, #tpu.memory_space<hbm>> -> memref<32768x256xf32, #tpu.memory_space<hbm>>
    tpu.wait_indirect_dma semaphore(%arg9 : memref<!tpu.dma_semaphore, #tpu.memory_space<semaphore_mem>>) src(%dma_wait3A_1077 : memref<32768x256xf32, #tpu.memory_space<hbm>>) dst(%arg7 : memref<128x256xf32, #tpu.memory_space<vmem>>)
    %add3A_1078 = arith.constant 128 : i32
    %add3A_1079 = arith.addi %mul3A_2, %add3A_1078 : i32
    "tpu.region"() ({
      %run_scoped3A = tpu.sem_alloc : memref<!tpu.dma_semaphore, #tpu.memory_space<semaphore_mem>>
      %dma_start3A_1169 = arith.constant 0 : i32
      %dma_start3A_1170 = tpu.memref_slice %arg4[%add3A_1079, %dma_start3A_1169] : memref<32768x256xf32, #tpu.memory_space<hbm>> -> memref<128x256xf32, #tpu.memory_space<hbm>>
      %dma_start3A_1171 = arith.constant 0 : i32
      %dma_start3A_1172 = tpu.memref_slice %arg4[%add3A_1079, %dma_start3A_1171] : memref<32768x256xf32, #tpu.memory_space<hbm>> -> memref<128x256xf32, #tpu.memory_space<hbm>>
      tpu.enqueue_dma source(%arg7 : memref<128x256xf32, #tpu.memory_space<vmem>>) target(%dma_start3A_1172 : memref<128x256xf32, #tpu.memory_space<hbm>>) target_semaphore(%run_scoped3A : memref<!tpu.dma_semaphore, #tpu.memory_space<semaphore_mem>>)
      %dma_wait3A_1173 = arith.constant 0 : i32
      %dma_wait3A_1174 = tpu.memref_slice %arg4[%add3A_1079, %dma_wait3A_1173] : memref<32768x256xf32, #tpu.memory_space<hbm>> -> memref<128x256xf32, #tpu.memory_space<hbm>>
      %dma_wait3A_1175 = arith.constant 0 : i32
      %dma_wait3A_1176 = tpu.memref_slice %arg4[%add3A_1079, %dma_wait3A_1175] : memref<32768x256xf32, #tpu.memory_space<hbm>> -> memref<128x256xf32, #tpu.memory_space<hbm>>
      tpu.wait_dma2 semaphore(%run_scoped3A : memref<!tpu.dma_semaphore, #tpu.memory_space<semaphore_mem>>) src(%arg7 : memref<128x256xf32, #tpu.memory_space<vmem>>) dst(%dma_wait3A_1176 : memref<128x256xf32, #tpu.memory_space<hbm>>)
      tpu.yield
    }) : () -> ()
    %dma_start3A_1080 = arith.constant 3 : i32
    %dma_start3A_1081 = arith.constant 0 : i32
    %dma_start3A_1082 = tpu.memref_slice %arg5[%dma_start3A_1080, %dma_start3A_1081] : memref<8x128xi32, #tpu.memory_space<vmem>> -> memref<1x128xi32, #tpu.memory_space<vmem>>
    %dma_start3A_1083 = tpu.memref_squeeze %dma_start3A_1082 : memref<1x128xi32, #tpu.memory_space<vmem>> -> memref<128xi32, #tpu.memory_space<vmem>>
    %dma_start3A_1084 = arith.constant 0 : i32
    %dma_start3A_1085 = arith.constant 0 : i32
    %dma_start3A_1086 = tpu.memref_slice %arg2[%dma_start3A_1084, %dma_start3A_1085] : memref<32768x256xf32, #tpu.memory_space<hbm>> -> memref<32768x256xf32, #tpu.memory_space<hbm>>
    tpu.enqueue_indirect_dma source(%dma_start3A_1086 : memref<32768x256xf32, #tpu.memory_space<hbm>>) target(%arg7 : memref<128x256xf32, #tpu.memory_space<vmem>>) offsets(%dma_start3A_1083 : memref<128xi32, #tpu.memory_space<vmem>>) semaphore(%arg9 : memref<!tpu.dma_semaphore, #tpu.memory_space<semaphore_mem>>)
    %dma_wait3A_1087 = arith.constant 2 : i32
    %dma_wait3A_1088 = arith.constant 0 : i32
    %dma_wait3A_1089 = tpu.memref_slice %arg5[%dma_wait3A_1087, %dma_wait3A_1088] : memref<8x128xi32, #tpu.memory_space<vmem>> -> memref<1x128xi32, #tpu.memory_space<vmem>>
    %dma_wait3A_1090 = tpu.memref_squeeze %dma_wait3A_1089 : memref<1x128xi32, #tpu.memory_space<vmem>> -> memref<128xi32, #tpu.memory_space<vmem>>
    %dma_wait3A_1091 = arith.constant 0 : i32
    %dma_wait3A_1092 = arith.constant 0 : i32
    %dma_wait3A_1093 = tpu.memref_slice %arg2[%dma_wait3A_1091, %dma_wait3A_1092] : memref<32768x256xf32, #tpu.memory_space<hbm>> -> memref<32768x256xf32, #tpu.memory_space<hbm>>
    tpu.wait_indirect_dma semaphore(%arg8 : memref<!tpu.dma_semaphore, #tpu.memory_space<semaphore_mem>>) src(%dma_wait3A_1093 : memref<32768x256xf32, #tpu.memory_space<hbm>>) dst(%arg6 : memref<128x256xf32, #tpu.memory_space<vmem>>)
    %add3A_1094 = arith.constant 256 : i32
    %add3A_1095 = arith.addi %mul3A_2, %add3A_1094 : i32
    "tpu.region"() ({
      %run_scoped3A = tpu.sem_alloc : memref<!tpu.dma_semaphore, #tpu.memory_space<semaphore_mem>>
      %dma_start3A_1169 = arith.constant 0 : i32
      %dma_start3A_1170 = tpu.memref_slice %arg4[%add3A_1095, %dma_start3A_1169] : memref<32768x256xf32, #tpu.memory_space<hbm>> -> memref<128x256xf32, #tpu.memory_space<hbm>>
      %dma_start3A_1171 = arith.constant 0 : i32
      %dma_start3A_1172 = tpu.memref_slice %arg4[%add3A_1095, %dma_start3A_1171] : memref<32768x256xf32, #tpu.memory_space<hbm>> -> memref<128x256xf32, #tpu.memory_space<hbm>>
      tpu.enqueue_dma source(%arg6 : memref<128x256xf32, #tpu.memory_space<vmem>>) target(%dma_start3A_1172 : memref<128x256xf32, #tpu.memory_space<hbm>>) target_semaphore(%run_scoped3A : memref<!tpu.dma_semaphore, #tpu.memory_space<semaphore_mem>>)
      %dma_wait3A_1173 = arith.constant 0 : i32
      %dma_wait3A_1174 = tpu.memref_slice %arg4[%add3A_1095, %dma_wait3A_1173] : memref<32768x256xf32, #tpu.memory_space<hbm>> -> memref<128x256xf32, #tpu.memory_space<hbm>>
      %dma_wait3A_1175 = arith.constant 0 : i32
      %dma_wait3A_1176 = tpu.memref_slice %arg4[%add3A_1095, %dma_wait3A_1175] : memref<32768x256xf32, #tpu.memory_space<hbm>> -> memref<128x256xf32, #tpu.memory_space<hbm>>
      tpu.wait_dma2 semaphore(%run_scoped3A : memref<!tpu.dma_semaphore, #tpu.memory_space<semaphore_mem>>) src(%arg6 : memref<128x256xf32, #tpu.memory_space<vmem>>) dst(%dma_wait3A_1176 : memref<128x256xf32, #tpu.memory_space<hbm>>)
      tpu.yield
    }) : () -> ()
    %dma_start3A_1096 = arith.constant 4 : i32
    %dma_start3A_1097 = arith.constant 0 : i32
    %dma_start3A_1098 = tpu.memref_slice %arg5[%dma_start3A_1096, %dma_start3A_1097] : memref<8x128xi32, #tpu.memory_space<vmem>> -> memref<1x128xi32, #tpu.memory_space<vmem>>
    %dma_start3A_1099 = tpu.memref_squeeze %dma_start3A_1098 : memref<1x128xi32, #tpu.memory_space<vmem>> -> memref<128xi32, #tpu.memory_space<vmem>>
    %dma_start3A_1100 = arith.constant 0 : i32
    %dma_start3A_1101 = arith.constant 0 : i32
    %dma_start3A_1102 = tpu.memref_slice %arg2[%dma_start3A_1100, %dma_start3A_1101] : memref<32768x256xf32, #tpu.memory_space<hbm>> -> memref<32768x256xf32, #tpu.memory_space<hbm>>
    tpu.enqueue_indirect_dma source(%dma_start3A_1102 : memref<32768x256xf32, #tpu.memory_space<hbm>>) target(%arg6 : memref<128x256xf32, #tpu.memory_space<vmem>>) offsets(%dma_start3A_1099 : memref<128xi32, #tpu.memory_space<vmem>>) semaphore(%arg8 : memref<!tpu.dma_semaphore, #tpu.memory_space<semaphore_mem>>)
    %dma_wait3A_1103 = arith.constant 3 : i32
    %dma_wait3A_1104 = arith.constant 0 : i32
    %dma_wait3A_1105 = tpu.memref_slice %arg5[%dma_wait3A_1103, %dma_wait3A_1104] : memref<8x128xi32, #tpu.memory_space<vmem>> -> memref<1x128xi32, #tpu.memory_space<vmem>>
    %dma_wait3A_1106 = tpu.memref_squeeze %dma_wait3A_1105 : memref<1x128xi32, #tpu.memory_space<vmem>> -> memref<128xi32, #tpu.memory_space<vmem>>
    %dma_wait3A_1107 = arith.constant 0 : i32
    %dma_wait3A_1108 = arith.constant 0 : i32
    %dma_wait3A_1109 = tpu.memref_slice %arg2[%dma_wait3A_1107, %dma_wait3A_1108] : memref<32768x256xf32, #tpu.memory_space<hbm>> -> memref<32768x256xf32, #tpu.memory_space<hbm>>
    tpu.wait_indirect_dma semaphore(%arg9 : memref<!tpu.dma_semaphore, #tpu.memory_space<semaphore_mem>>) src(%dma_wait3A_1109 : memref<32768x256xf32, #tpu.memory_space<hbm>>) dst(%arg7 : memref<128x256xf32, #tpu.memory_space<vmem>>)
    %add3A_1110 = arith.constant 384 : i32
    %add3A_1111 = arith.addi %mul3A_2, %add3A_1110 : i32
    "tpu.region"() ({
      %run_scoped3A = tpu.sem_alloc : memref<!tpu.dma_semaphore, #tpu.memory_space<semaphore_mem>>
      %dma_start3A_1169 = arith.constant 0 : i32
      %dma_start3A_1170 = tpu.memref_slice %arg4[%add3A_1111, %dma_start3A_1169] : memref<32768x256xf32, #tpu.memory_space<hbm>> -> memref<128x256xf32, #tpu.memory_space<hbm>>
      %dma_start3A_1171 = arith.constant 0 : i32
      %dma_start3A_1172 = tpu.memref_slice %arg4[%add3A_1111, %dma_start3A_1171] : memref<32768x256xf32, #tpu.memory_space<hbm>> -> memref<128x256xf32, #tpu.memory_space<hbm>>
      tpu.enqueue_dma source(%arg7 : memref<128x256xf32, #tpu.memory_space<vmem>>) target(%dma_start3A_1172 : memref<128x256xf32, #tpu.memory_space<hbm>>) target_semaphore(%run_scoped3A : memref<!tpu.dma_semaphore, #tpu.memory_space<semaphore_mem>>)
      %dma_wait3A_1173 = arith.constant 0 : i32
      %dma_wait3A_1174 = tpu.memref_slice %arg4[%add3A_1111, %dma_wait3A_1173] : memref<32768x256xf32, #tpu.memory_space<hbm>> -> memref<128x256xf32, #tpu.memory_space<hbm>>
      %dma_wait3A_1175 = arith.constant 0 : i32
      %dma_wait3A_1176 = tpu.memref_slice %arg4[%add3A_1111, %dma_wait3A_1175] : memref<32768x256xf32, #tpu.memory_space<hbm>> -> memref<128x256xf32, #tpu.memory_space<hbm>>
      tpu.wait_dma2 semaphore(%run_scoped3A : memref<!tpu.dma_semaphore, #tpu.memory_space<semaphore_mem>>) src(%arg7 : memref<128x256xf32, #tpu.memory_space<vmem>>) dst(%dma_wait3A_1176 : memref<128x256xf32, #tpu.memory_space<hbm>>)
      tpu.yield
    }) : () -> ()
    %dma_start3A_1112 = arith.constant 5 : i32
    %dma_start3A_1113 = arith.constant 0 : i32
    %dma_start3A_1114 = tpu.memref_slice %arg5[%dma_start3A_1112, %dma_start3A_1113] : memref<8x128xi32, #tpu.memory_space<vmem>> -> memref<1x128xi32, #tpu.memory_space<vmem>>
    %dma_start3A_1115 = tpu.memref_squeeze %dma_start3A_1114 : memref<1x128xi32, #tpu.memory_space<vmem>> -> memref<128xi32, #tpu.memory_space<vmem>>
    %dma_start3A_1116 = arith.constant 0 : i32
    %dma_start3A_1117 = arith.constant 0 : i32
    %dma_start3A_1118 = tpu.memref_slice %arg2[%dma_start3A_1116, %dma_start3A_1117] : memref<32768x256xf32, #tpu.memory_space<hbm>> -> memref<32768x256xf32, #tpu.memory_space<hbm>>
    tpu.enqueue_indirect_dma source(%dma_start3A_1118 : memref<32768x256xf32, #tpu.memory_space<hbm>>) target(%arg7 : memref<128x256xf32, #tpu.memory_space<vmem>>) offsets(%dma_start3A_1115 : memref<128xi32, #tpu.memory_space<vmem>>) semaphore(%arg9 : memref<!tpu.dma_semaphore, #tpu.memory_space<semaphore_mem>>)
    %dma_wait3A_1119 = arith.constant 4 : i32
    %dma_wait3A_1120 = arith.constant 0 : i32
    %dma_wait3A_1121 = tpu.memref_slice %arg5[%dma_wait3A_1119, %dma_wait3A_1120] : memref<8x128xi32, #tpu.memory_space<vmem>> -> memref<1x128xi32, #tpu.memory_space<vmem>>
    %dma_wait3A_1122 = tpu.memref_squeeze %dma_wait3A_1121 : memref<1x128xi32, #tpu.memory_space<vmem>> -> memref<128xi32, #tpu.memory_space<vmem>>
    %dma_wait3A_1123 = arith.constant 0 : i32
    %dma_wait3A_1124 = arith.constant 0 : i32
    %dma_wait3A_1125 = tpu.memref_slice %arg2[%dma_wait3A_1123, %dma_wait3A_1124] : memref<32768x256xf32, #tpu.memory_space<hbm>> -> memref<32768x256xf32, #tpu.memory_space<hbm>>
    tpu.wait_indirect_dma semaphore(%arg8 : memref<!tpu.dma_semaphore, #tpu.memory_space<semaphore_mem>>) src(%dma_wait3A_1125 : memref<32768x256xf32, #tpu.memory_space<hbm>>) dst(%arg6 : memref<128x256xf32, #tpu.memory_space<vmem>>)
    %add3A_1126 = arith.constant 512 : i32
    %add3A_1127 = arith.addi %mul3A_2, %add3A_1126 : i32
    "tpu.region"() ({
      %run_scoped3A = tpu.sem_alloc : memref<!tpu.dma_semaphore, #tpu.memory_space<semaphore_mem>>
      %dma_start3A_1169 = arith.constant 0 : i32
      %dma_start3A_1170 = tpu.memref_slice %arg4[%add3A_1127, %dma_start3A_1169] : memref<32768x256xf32, #tpu.memory_space<hbm>> -> memref<128x256xf32, #tpu.memory_space<hbm>>
      %dma_start3A_1171 = arith.constant 0 : i32
      %dma_start3A_1172 = tpu.memref_slice %arg4[%add3A_1127, %dma_start3A_1171] : memref<32768x256xf32, #tpu.memory_space<hbm>> -> memref<128x256xf32, #tpu.memory_space<hbm>>
      tpu.enqueue_dma source(%arg6 : memref<128x256xf32, #tpu.memory_space<vmem>>) target(%dma_start3A_1172 : memref<128x256xf32, #tpu.memory_space<hbm>>) target_semaphore(%run_scoped3A : memref<!tpu.dma_semaphore, #tpu.memory_space<semaphore_mem>>)
      %dma_wait3A_1173 = arith.constant 0 : i32
      %dma_wait3A_1174 = tpu.memref_slice %arg4[%add3A_1127, %dma_wait3A_1173] : memref<32768x256xf32, #tpu.memory_space<hbm>> -> memref<128x256xf32, #tpu.memory_space<hbm>>
      %dma_wait3A_1175 = arith.constant 0 : i32
      %dma_wait3A_1176 = tpu.memref_slice %arg4[%add3A_1127, %dma_wait3A_1175] : memref<32768x256xf32, #tpu.memory_space<hbm>> -> memref<128x256xf32, #tpu.memory_space<hbm>>
      tpu.wait_dma2 semaphore(%run_scoped3A : memref<!tpu.dma_semaphore, #tpu.memory_space<semaphore_mem>>) src(%arg6 : memref<128x256xf32, #tpu.memory_space<vmem>>) dst(%dma_wait3A_1176 : memref<128x256xf32, #tpu.memory_space<hbm>>)
      tpu.yield
    }) : () -> ()
    %dma_start3A_1128 = arith.constant 6 : i32
    %dma_start3A_1129 = arith.constant 0 : i32
    %dma_start3A_1130 = tpu.memref_slice %arg5[%dma_start3A_1128, %dma_start3A_1129] : memref<8x128xi32, #tpu.memory_space<vmem>> -> memref<1x128xi32, #tpu.memory_space<vmem>>
    %dma_start3A_1131 = tpu.memref_squeeze %dma_start3A_1130 : memref<1x128xi32, #tpu.memory_space<vmem>> -> memref<128xi32, #tpu.memory_space<vmem>>
    %dma_start3A_1132 = arith.constant 0 : i32
    %dma_start3A_1133 = arith.constant 0 : i32
    %dma_start3A_1134 = tpu.memref_slice %arg2[%dma_start3A_1132, %dma_start3A_1133] : memref<32768x256xf32, #tpu.memory_space<hbm>> -> memref<32768x256xf32, #tpu.memory_space<hbm>>
    tpu.enqueue_indirect_dma source(%dma_start3A_1134 : memref<32768x256xf32, #tpu.memory_space<hbm>>) target(%arg6 : memref<128x256xf32, #tpu.memory_space<vmem>>) offsets(%dma_start3A_1131 : memref<128xi32, #tpu.memory_space<vmem>>) semaphore(%arg8 : memref<!tpu.dma_semaphore, #tpu.memory_space<semaphore_mem>>)
    %dma_wait3A_1135 = arith.constant 5 : i32
    %dma_wait3A_1136 = arith.constant 0 : i32
    %dma_wait3A_1137 = tpu.memref_slice %arg5[%dma_wait3A_1135, %dma_wait3A_1136] : memref<8x128xi32, #tpu.memory_space<vmem>> -> memref<1x128xi32, #tpu.memory_space<vmem>>
    %dma_wait3A_1138 = tpu.memref_squeeze %dma_wait3A_1137 : memref<1x128xi32, #tpu.memory_space<vmem>> -> memref<128xi32, #tpu.memory_space<vmem>>
    %dma_wait3A_1139 = arith.constant 0 : i32
    %dma_wait3A_1140 = arith.constant 0 : i32
    %dma_wait3A_1141 = tpu.memref_slice %arg2[%dma_wait3A_1139, %dma_wait3A_1140] : memref<32768x256xf32, #tpu.memory_space<hbm>> -> memref<32768x256xf32, #tpu.memory_space<hbm>>
    tpu.wait_indirect_dma semaphore(%arg9 : memref<!tpu.dma_semaphore, #tpu.memory_space<semaphore_mem>>) src(%dma_wait3A_1141 : memref<32768x256xf32, #tpu.memory_space<hbm>>) dst(%arg7 : memref<128x256xf32, #tpu.memory_space<vmem>>)
    %add3A_1142 = arith.constant 640 : i32
    %add3A_1143 = arith.addi %mul3A_2, %add3A_1142 : i32
    "tpu.region"() ({
      %run_scoped3A = tpu.sem_alloc : memref<!tpu.dma_semaphore, #tpu.memory_space<semaphore_mem>>
      %dma_start3A_1169 = arith.constant 0 : i32
      %dma_start3A_1170 = tpu.memref_slice %arg4[%add3A_1143, %dma_start3A_1169] : memref<32768x256xf32, #tpu.memory_space<hbm>> -> memref<128x256xf32, #tpu.memory_space<hbm>>
      %dma_start3A_1171 = arith.constant 0 : i32
      %dma_start3A_1172 = tpu.memref_slice %arg4[%add3A_1143, %dma_start3A_1171] : memref<32768x256xf32, #tpu.memory_space<hbm>> -> memref<128x256xf32, #tpu.memory_space<hbm>>
      tpu.enqueue_dma source(%arg7 : memref<128x256xf32, #tpu.memory_space<vmem>>) target(%dma_start3A_1172 : memref<128x256xf32, #tpu.memory_space<hbm>>) target_semaphore(%run_scoped3A : memref<!tpu.dma_semaphore, #tpu.memory_space<semaphore_mem>>)
      %dma_wait3A_1173 = arith.constant 0 : i32
      %dma_wait3A_1174 = tpu.memref_slice %arg4[%add3A_1143, %dma_wait3A_1173] : memref<32768x256xf32, #tpu.memory_space<hbm>> -> memref<128x256xf32, #tpu.memory_space<hbm>>
      %dma_wait3A_1175 = arith.constant 0 : i32
      %dma_wait3A_1176 = tpu.memref_slice %arg4[%add3A_1143, %dma_wait3A_1175] : memref<32768x256xf32, #tpu.memory_space<hbm>> -> memref<128x256xf32, #tpu.memory_space<hbm>>
      tpu.wait_dma2 semaphore(%run_scoped3A : memref<!tpu.dma_semaphore, #tpu.memory_space<semaphore_mem>>) src(%arg7 : memref<128x256xf32, #tpu.memory_space<vmem>>) dst(%dma_wait3A_1176 : memref<128x256xf32, #tpu.memory_space<hbm>>)
      tpu.yield
    }) : () -> ()
    %dma_start3A_1144 = arith.constant 7 : i32
    %dma_start3A_1145 = arith.constant 0 : i32
    %dma_start3A_1146 = tpu.memref_slice %arg5[%dma_start3A_1144, %dma_start3A_1145] : memref<8x128xi32, #tpu.memory_space<vmem>> -> memref<1x128xi32, #tpu.memory_space<vmem>>
    %dma_start3A_1147 = tpu.memref_squeeze %dma_start3A_1146 : memref<1x128xi32, #tpu.memory_space<vmem>> -> memref<128xi32, #tpu.memory_space<vmem>>
    %dma_start3A_1148 = arith.constant 0 : i32
    %dma_start3A_1149 = arith.constant 0 : i32
    %dma_start3A_1150 = tpu.memref_slice %arg2[%dma_start3A_1148, %dma_start3A_1149] : memref<32768x256xf32, #tpu.memory_space<hbm>> -> memref<32768x256xf32, #tpu.memory_space<hbm>>
    tpu.enqueue_indirect_dma source(%dma_start3A_1150 : memref<32768x256xf32, #tpu.memory_space<hbm>>) target(%arg7 : memref<128x256xf32, #tpu.memory_space<vmem>>) offsets(%dma_start3A_1147 : memref<128xi32, #tpu.memory_space<vmem>>) semaphore(%arg9 : memref<!tpu.dma_semaphore, #tpu.memory_space<semaphore_mem>>)
    %dma_wait3A_1151 = arith.constant 6 : i32
    %dma_wait3A_1152 = arith.constant 0 : i32
    %dma_wait3A_1153 = tpu.memref_slice %arg5[%dma_wait3A_1151, %dma_wait3A_1152] : memref<8x128xi32, #tpu.memory_space<vmem>> -> memref<1x128xi32, #tpu.memory_space<vmem>>
    %dma_wait3A_1154 = tpu.memref_squeeze %dma_wait3A_1153 : memref<1x128xi32, #tpu.memory_space<vmem>> -> memref<128xi32, #tpu.memory_space<vmem>>
    %dma_wait3A_1155 = arith.constant 0 : i32
    %dma_wait3A_1156 = arith.constant 0 : i32
    %dma_wait3A_1157 = tpu.memref_slice %arg2[%dma_wait3A_1155, %dma_wait3A_1156] : memref<32768x256xf32, #tpu.memory_space<hbm>> -> memref<32768x256xf32, #tpu.memory_space<hbm>>
    tpu.wait_indirect_dma semaphore(%arg8 : memref<!tpu.dma_semaphore, #tpu.memory_space<semaphore_mem>>) src(%dma_wait3A_1157 : memref<32768x256xf32, #tpu.memory_space<hbm>>) dst(%arg6 : memref<128x256xf32, #tpu.memory_space<vmem>>)
    %add3A_1158 = arith.constant 768 : i32
    %add3A_1159 = arith.addi %mul3A_2, %add3A_1158 : i32
    "tpu.region"() ({
      %run_scoped3A = tpu.sem_alloc : memref<!tpu.dma_semaphore, #tpu.memory_space<semaphore_mem>>
      %dma_start3A_1169 = arith.constant 0 : i32
      %dma_start3A_1170 = tpu.memref_slice %arg4[%add3A_1159, %dma_start3A_1169] : memref<32768x256xf32, #tpu.memory_space<hbm>> -> memref<128x256xf32, #tpu.memory_space<hbm>>
      %dma_start3A_1171 = arith.constant 0 : i32
      %dma_start3A_1172 = tpu.memref_slice %arg4[%add3A_1159, %dma_start3A_1171] : memref<32768x256xf32, #tpu.memory_space<hbm>> -> memref<128x256xf32, #tpu.memory_space<hbm>>
      tpu.enqueue_dma source(%arg6 : memref<128x256xf32, #tpu.memory_space<vmem>>) target(%dma_start3A_1172 : memref<128x256xf32, #tpu.memory_space<hbm>>) target_semaphore(%run_scoped3A : memref<!tpu.dma_semaphore, #tpu.memory_space<semaphore_mem>>)
      %dma_wait3A_1173 = arith.constant 0 : i32
      %dma_wait3A_1174 = tpu.memref_slice %arg4[%add3A_1159, %dma_wait3A_1173] : memref<32768x256xf32, #tpu.memory_space<hbm>> -> memref<128x256xf32, #tpu.memory_space<hbm>>
      %dma_wait3A_1175 = arith.constant 0 : i32
      %dma_wait3A_1176 = tpu.memref_slice %arg4[%add3A_1159, %dma_wait3A_1175] : memref<32768x256xf32, #tpu.memory_space<hbm>> -> memref<128x256xf32, #tpu.memory_space<hbm>>
      tpu.wait_dma2 semaphore(%run_scoped3A : memref<!tpu.dma_semaphore, #tpu.memory_space<semaphore_mem>>) src(%arg6 : memref<128x256xf32, #tpu.memory_space<vmem>>) dst(%dma_wait3A_1176 : memref<128x256xf32, #tpu.memory_space<hbm>>)
      tpu.yield
    }) : () -> ()
    %dma_wait3A_1160 = arith.constant 7 : i32
    %dma_wait3A_1161 = arith.constant 0 : i32
    %dma_wait3A_1162 = tpu.memref_slice %arg5[%dma_wait3A_1160, %dma_wait3A_1161] : memref<8x128xi32, #tpu.memory_space<vmem>> -> memref<1x128xi32, #tpu.memory_space<vmem>>
    %dma_wait3A_1163 = tpu.memref_squeeze %dma_wait3A_1162 : memref<1x128xi32, #tpu.memory_space<vmem>> -> memref<128xi32, #tpu.memory_space<vmem>>
    %dma_wait3A_1164 = arith.constant 0 : i32
    %dma_wait3A_1165 = arith.constant 0 : i32
    %dma_wait3A_1166 = tpu.memref_slice %arg2[%dma_wait3A_1164, %dma_wait3A_1165] : memref<32768x256xf32, #tpu.memory_space<hbm>> -> memref<32768x256xf32, #tpu.memory_space<hbm>>
    tpu.wait_indirect_dma semaphore(%arg9 : memref<!tpu.dma_semaphore, #tpu.memory_space<semaphore_mem>>) src(%dma_wait3A_1166 : memref<32768x256xf32, #tpu.memory_space<hbm>>) dst(%arg7 : memref<128x256xf32, #tpu.memory_space<vmem>>)
    %add3A_1167 = arith.constant 896 : i32
    %add3A_1168 = arith.addi %mul3A_2, %add3A_1167 : i32
    "tpu.region"() ({
      %run_scoped3A = tpu.sem_alloc : memref<!tpu.dma_semaphore, #tpu.memory_space<semaphore_mem>>
      %dma_start3A_1169 = arith.constant 0 : i32
      %dma_start3A_1170 = tpu.memref_slice %arg4[%add3A_1168, %dma_start3A_1169] : memref<32768x256xf32, #tpu.memory_space<hbm>> -> memref<128x256xf32, #tpu.memory_space<hbm>>
      %dma_start3A_1171 = arith.constant 0 : i32
      %dma_start3A_1172 = tpu.memref_slice %arg4[%add3A_1168, %dma_start3A_1171] : memref<32768x256xf32, #tpu.memory_space<hbm>> -> memref<128x256xf32, #tpu.memory_space<hbm>>
      tpu.enqueue_dma source(%arg7 : memref<128x256xf32, #tpu.memory_space<vmem>>) target(%dma_start3A_1172 : memref<128x256xf32, #tpu.memory_space<hbm>>) target_semaphore(%run_scoped3A : memref<!tpu.dma_semaphore, #tpu.memory_space<semaphore_mem>>)
      %dma_wait3A_1173 = arith.constant 0 : i32
      %dma_wait3A_1174 = tpu.memref_slice %arg4[%add3A_1168, %dma_wait3A_1173] : memref<32768x256xf32, #tpu.memory_space<hbm>> -> memref<128x256xf32, #tpu.memory_space<hbm>>
      %dma_wait3A_1175 = arith.constant 0 : i32
      %dma_wait3A_1176 = tpu.memref_slice %arg4[%add3A_1168, %dma_wait3A_1175] : memref<32768x256xf32, #tpu.memory_space<hbm>> -> memref<128x256xf32, #tpu.memory_space<hbm>>
      tpu.wait_dma2 semaphore(%run_scoped3A : memref<!tpu.dma_semaphore, #tpu.memory_space<semaphore_mem>>) src(%arg7 : memref<128x256xf32, #tpu.memory_space<vmem>>) dst(%dma_wait3A_1176 : memref<128x256xf32, #tpu.memory_space<hbm>>)
      tpu.yield
    }) : () -> ()
    return
  }
}

#map = affine_map<(d0, d1) -> (0, 0)>
module attributes {stable_mosaic.version = 14 : i64} {
  func.func @_sc_permute_body(%arg0: i32, %arg1: i32, %arg2: memref<32768x128xf32, #tpu.memory_space<hbm>>, %arg3: memref<256x128xi32, #tpu.memory_space<hbm>>, %arg4: memref<32768x128xf32, #tpu.memory_space<hbm>>, %arg5: memref<8x128xi32, #tpu.memory_space<vmem>>, %arg6: memref<128x128xf32, #tpu.memory_space<vmem>>, %arg7: memref<128x128xf32, #tpu.memory_space<vmem>>, %arg8: memref<!tpu.dma_semaphore, #tpu.memory_space<semaphore_mem>>, %arg9: memref<!tpu.dma_semaphore, #tpu.memory_space<semaphore_mem>>) attributes {dimension_semantics = [#tpu.dimension_semantics<core_parallel>, #tpu.dimension_semantics<subcore_parallel>], iteration_bounds = array<i64: 2, 16>, scalar_prefetch = 0 : i64, scratch_operands = 5 : i64, tpu.core_type = #tpu.core_type<sc_vector_subcore>, window_params = [{transform_indices = #map}, {transform_indices = #map}, {transform_indices = #map}]} {
    %mul3A = arith.constant 2 : i32
    %mul3A_0 = arith.muli %arg1, %mul3A : i32
    %add3A = arith.addi %mul3A_0, %arg0 : i32
    %mul3A_1 = arith.constant 1024 : i32
    %mul3A_2 = arith.muli %add3A, %mul3A_1 : i32
    %jit3A = arith.constant 2048 : i32
    %div3A = arith.divsi %mul3A_2, %jit3A : i32
    %sign3A = arith.constant 0 : i32
    %sign3A_3 = arith.cmpi sgt, %mul3A_2, %sign3A : i32
    %sign3A_4 = arith.extui %sign3A_3 : i1 to i32
    %sign3A_5 = arith.constant 0 : i32
    %sign3A_6 = arith.cmpi slt, %mul3A_2, %sign3A_5 : i32
    %sign3A_7 = arith.extui %sign3A_6 : i1 to i32
    %sign3A_8 = arith.subi %sign3A_4, %sign3A_7 : i32
    %sign3A_9 = arith.constant 0 : i32
    %sign3A_10 = arith.cmpi sgt, %jit3A, %sign3A_9 : i32
    %sign3A_11 = arith.extui %sign3A_10 : i1 to i32
    %sign3A_12 = arith.constant 0 : i32
    %sign3A_13 = arith.cmpi slt, %jit3A, %sign3A_12 : i32
    %sign3A_14 = arith.extui %sign3A_13 : i1 to i32
    %sign3A_15 = arith.subi %sign3A_11, %sign3A_14 : i32
    %ne3A = arith.cmpi ne, %sign3A_8, %sign3A_15 : i32
    %rem3A = arith.remsi %mul3A_2, %jit3A : i32
    %ne3A_16 = arith.constant 0 : i32
    %ne3A_17 = arith.cmpi ne, %rem3A, %ne3A_16 : i32
    %and3A = arith.andi %ne3A, %ne3A_17 : i1
    %sub3A = arith.constant 1 : i32
    %sub3A_18 = arith.subi %div3A, %sub3A : i32
    %select_n3A = arith.select %and3A, %sub3A_18, %div3A : i32
    %mul3A_19 = arith.constant 8 : i32
    %mul3A_20 = arith.muli %add3A, %mul3A_19 : i32
    "tpu.region"() ({
      %run_scoped3A = tpu.sem_alloc : memref<!tpu.dma_semaphore, #tpu.memory_space<semaphore_mem>>
      %dma_start3A_1231 = arith.constant 0 : i32
      %dma_start3A_1232 = tpu.memref_slice %arg3[%mul3A_20, %dma_start3A_1231] : memref<256x128xi32, #tpu.memory_space<hbm>> -> memref<8x128xi32, #tpu.memory_space<hbm>>
      %dma_start3A_1233 = arith.constant 0 : i32
      %dma_start3A_1234 = tpu.memref_slice %arg3[%mul3A_20, %dma_start3A_1233] : memref<256x128xi32, #tpu.memory_space<hbm>> -> memref<8x128xi32, #tpu.memory_space<hbm>>
      tpu.enqueue_dma source(%dma_start3A_1234 : memref<8x128xi32, #tpu.memory_space<hbm>>) target(%arg5 : memref<8x128xi32, #tpu.memory_space<vmem>>) target_semaphore(%run_scoped3A : memref<!tpu.dma_semaphore, #tpu.memory_space<semaphore_mem>>)
      %dma_wait3A_1235 = arith.constant 0 : i32
      %dma_wait3A_1236 = tpu.memref_slice %arg3[%mul3A_20, %dma_wait3A_1235] : memref<256x128xi32, #tpu.memory_space<hbm>> -> memref<8x128xi32, #tpu.memory_space<hbm>>
      %dma_wait3A_1237 = arith.constant 0 : i32
      %dma_wait3A_1238 = tpu.memref_slice %arg3[%mul3A_20, %dma_wait3A_1237] : memref<256x128xi32, #tpu.memory_space<hbm>> -> memref<8x128xi32, #tpu.memory_space<hbm>>
      tpu.wait_dma2 semaphore(%run_scoped3A : memref<!tpu.dma_semaphore, #tpu.memory_space<semaphore_mem>>) src(%dma_wait3A_1238 : memref<8x128xi32, #tpu.memory_space<hbm>>) dst(%arg5 : memref<8x128xi32, #tpu.memory_space<vmem>>)
      tpu.yield
    }) : () -> ()
    %get3A = arith.constant 0 : i32
    %get3A_21 = arith.index_cast %get3A : i32 to index
    %get3A_22 = arith.constant 0 : index
    %get3A_23 = tpu.vector_load %arg5[%get3A_21, %get3A_22] {strides = array<i32>} : memref<8x128xi32, #tpu.memory_space<vmem>>, vector<1x16xi32>,
    %get3A_24 = vector.shape_cast %get3A_23 : vector<1x16xi32> to vector<16xi32>
    %mul3A_25 = arith.constant 16 : i32
    %mul3A_26 = vector.broadcast %mul3A_25 : i32 to vector<16xi32>
    %mul3A_27 = arith.muli %get3A_24, %mul3A_26 : vector<16xi32>
    %add3A_28 = vector.broadcast %select_n3A : i32 to vector<16xi32>
    %add3A_29 = arith.addi %mul3A_27, %add3A_28 : vector<16xi32>
    %swap3A = arith.constant 0 : i32
    %swap3A_30 = arith.index_cast %swap3A : i32 to index
    %swap3A_31 = arith.constant 0 : index
    %swap3A_32 = tpu.vector_load %arg5[%swap3A_30, %swap3A_31] {strides = array<i32>} : memref<8x128xi32, #tpu.memory_space<vmem>>, vector<1x16xi32>,
    %swap3A_33 = vector.shape_cast %swap3A_32 : vector<1x16xi32> to vector<16xi32>
    %swap3A_34 = vector.shape_cast %add3A_29 : vector<16xi32> to vector<1x16xi32>
    tpu.vector_store %arg5[%swap3A_30, %swap3A_31], %swap3A_34 {strides = array<i32>} : memref<8x128xi32, #tpu.memory_space<vmem>>, vector<1x16xi32>,
    %get3A_35 = arith.constant 0 : i32
    %get3A_36 = arith.index_cast %get3A_35 : i32 to index
    %get3A_37 = arith.constant 16 : index
    %get3A_38 = tpu.vector_load %arg5[%get3A_36, %get3A_37] {strides = array<i32>} : memref<8x128xi32, #tpu.memory_space<vmem>>, vector<1x16xi32>,
    %get3A_39 = vector.shape_cast %get3A_38 : vector<1x16xi32> to vector<16xi32>
    %mul3A_40 = arith.constant 16 : i32
    %mul3A_41 = vector.broadcast %mul3A_40 : i32 to vector<16xi32>
    %mul3A_42 = arith.muli %get3A_39, %mul3A_41 : vector<16xi32>
    %add3A_43 = vector.broadcast %select_n3A : i32 to vector<16xi32>
    %add3A_44 = arith.addi %mul3A_42, %add3A_43 : vector<16xi32>
    %swap3A_45 = arith.constant 0 : i32
    %swap3A_46 = arith.index_cast %swap3A_45 : i32 to index
    %swap3A_47 = arith.constant 16 : index
    %swap3A_48 = tpu.vector_load %arg5[%swap3A_46, %swap3A_47] {strides = array<i32>} : memref<8x128xi32, #tpu.memory_space<vmem>>, vector<1x16xi32>,
    %swap3A_49 = vector.shape_cast %swap3A_48 : vector<1x16xi32> to vector<16xi32>
    %swap3A_50 = vector.shape_cast %add3A_44 : vector<16xi32> to vector<1x16xi32>
    tpu.vector_store %arg5[%swap3A_46, %swap3A_47], %swap3A_50 {strides = array<i32>} : memref<8x128xi32, #tpu.memory_space<vmem>>, vector<1x16xi32>,
    %get3A_51 = arith.constant 0 : i32
    %get3A_52 = arith.index_cast %get3A_51 : i32 to index
    %get3A_53 = arith.constant 32 : index
    %get3A_54 = tpu.vector_load %arg5[%get3A_52, %get3A_53] {strides = array<i32>} : memref<8x128xi32, #tpu.memory_space<vmem>>, vector<1x16xi32>,
    %get3A_55 = vector.shape_cast %get3A_54 : vector<1x16xi32> to vector<16xi32>
    %mul3A_56 = arith.constant 16 : i32
    %mul3A_57 = vector.broadcast %mul3A_56 : i32 to vector<16xi32>
    %mul3A_58 = arith.muli %get3A_55, %mul3A_57 : vector<16xi32>
    %add3A_59 = vector.broadcast %select_n3A : i32 to vector<16xi32>
    %add3A_60 = arith.addi %mul3A_58, %add3A_59 : vector<16xi32>
    %swap3A_61 = arith.constant 0 : i32
    %swap3A_62 = arith.index_cast %swap3A_61 : i32 to index
    %swap3A_63 = arith.constant 32 : index
    %swap3A_64 = tpu.vector_load %arg5[%swap3A_62, %swap3A_63] {strides = array<i32>} : memref<8x128xi32, #tpu.memory_space<vmem>>, vector<1x16xi32>,
    %swap3A_65 = vector.shape_cast %swap3A_64 : vector<1x16xi32> to vector<16xi32>
    %swap3A_66 = vector.shape_cast %add3A_60 : vector<16xi32> to vector<1x16xi32>
    tpu.vector_store %arg5[%swap3A_62, %swap3A_63], %swap3A_66 {strides = array<i32>} : memref<8x128xi32, #tpu.memory_space<vmem>>, vector<1x16xi32>,
    %get3A_67 = arith.constant 0 : i32
    %get3A_68 = arith.index_cast %get3A_67 : i32 to index
    %get3A_69 = arith.constant 48 : index
    %get3A_70 = tpu.vector_load %arg5[%get3A_68, %get3A_69] {strides = array<i32>} : memref<8x128xi32, #tpu.memory_space<vmem>>, vector<1x16xi32>,
    %get3A_71 = vector.shape_cast %get3A_70 : vector<1x16xi32> to vector<16xi32>
    %mul3A_72 = arith.constant 16 : i32
    %mul3A_73 = vector.broadcast %mul3A_72 : i32 to vector<16xi32>
    %mul3A_74 = arith.muli %get3A_71, %mul3A_73 : vector<16xi32>
    %add3A_75 = vector.broadcast %select_n3A : i32 to vector<16xi32>
    %add3A_76 = arith.addi %mul3A_74, %add3A_75 : vector<16xi32>
    %swap3A_77 = arith.constant 0 : i32
    %swap3A_78 = arith.index_cast %swap3A_77 : i32 to index
    %swap3A_79 = arith.constant 48 : index
    %swap3A_80 = tpu.vector_load %arg5[%swap3A_78, %swap3A_79] {strides = array<i32>} : memref<8x128xi32, #tpu.memory_space<vmem>>, vector<1x16xi32>,
    %swap3A_81 = vector.shape_cast %swap3A_80 : vector<1x16xi32> to vector<16xi32>
    %swap3A_82 = vector.shape_cast %add3A_76 : vector<16xi32> to vector<1x16xi32>
    tpu.vector_store %arg5[%swap3A_78, %swap3A_79], %swap3A_82 {strides = array<i32>} : memref<8x128xi32, #tpu.memory_space<vmem>>, vector<1x16xi32>,
    %get3A_83 = arith.constant 0 : i32
    %get3A_84 = arith.index_cast %get3A_83 : i32 to index
    %get3A_85 = arith.constant 64 : index
    %get3A_86 = tpu.vector_load %arg5[%get3A_84, %get3A_85] {strides = array<i32>} : memref<8x128xi32, #tpu.memory_space<vmem>>, vector<1x16xi32>,
    %get3A_87 = vector.shape_cast %get3A_86 : vector<1x16xi32> to vector<16xi32>
    %mul3A_88 = arith.constant 16 : i32
    %mul3A_89 = vector.broadcast %mul3A_88 : i32 to vector<16xi32>
    %mul3A_90 = arith.muli %get3A_87, %mul3A_89 : vector<16xi32>
    %add3A_91 = vector.broadcast %select_n3A : i32 to vector<16xi32>
    %add3A_92 = arith.addi %mul3A_90, %add3A_91 : vector<16xi32>
    %swap3A_93 = arith.constant 0 : i32
    %swap3A_94 = arith.index_cast %swap3A_93 : i32 to index
    %swap3A_95 = arith.constant 64 : index
    %swap3A_96 = tpu.vector_load %arg5[%swap3A_94, %swap3A_95] {strides = array<i32>} : memref<8x128xi32, #tpu.memory_space<vmem>>, vector<1x16xi32>,
    %swap3A_97 = vector.shape_cast %swap3A_96 : vector<1x16xi32> to vector<16xi32>
    %swap3A_98 = vector.shape_cast %add3A_92 : vector<16xi32> to vector<1x16xi32>
    tpu.vector_store %arg5[%swap3A_94, %swap3A_95], %swap3A_98 {strides = array<i32>} : memref<8x128xi32, #tpu.memory_space<vmem>>, vector<1x16xi32>,
    %get3A_99 = arith.constant 0 : i32
    %get3A_100 = arith.index_cast %get3A_99 : i32 to index
    %get3A_101 = arith.constant 80 : index
    %get3A_102 = tpu.vector_load %arg5[%get3A_100, %get3A_101] {strides = array<i32>} : memref<8x128xi32, #tpu.memory_space<vmem>>, vector<1x16xi32>,
    %get3A_103 = vector.shape_cast %get3A_102 : vector<1x16xi32> to vector<16xi32>
    %mul3A_104 = arith.constant 16 : i32
    %mul3A_105 = vector.broadcast %mul3A_104 : i32 to vector<16xi32>
    %mul3A_106 = arith.muli %get3A_103, %mul3A_105 : vector<16xi32>
    %add3A_107 = vector.broadcast %select_n3A : i32 to vector<16xi32>
    %add3A_108 = arith.addi %mul3A_106, %add3A_107 : vector<16xi32>
    %swap3A_109 = arith.constant 0 : i32
    %swap3A_110 = arith.index_cast %swap3A_109 : i32 to index
    %swap3A_111 = arith.constant 80 : index
    %swap3A_112 = tpu.vector_load %arg5[%swap3A_110, %swap3A_111] {strides = array<i32>} : memref<8x128xi32, #tpu.memory_space<vmem>>, vector<1x16xi32>,
    %swap3A_113 = vector.shape_cast %swap3A_112 : vector<1x16xi32> to vector<16xi32>
    %swap3A_114 = vector.shape_cast %add3A_108 : vector<16xi32> to vector<1x16xi32>
    tpu.vector_store %arg5[%swap3A_110, %swap3A_111], %swap3A_114 {strides = array<i32>} : memref<8x128xi32, #tpu.memory_space<vmem>>, vector<1x16xi32>,
    %get3A_115 = arith.constant 0 : i32
    %get3A_116 = arith.index_cast %get3A_115 : i32 to index
    %get3A_117 = arith.constant 96 : index
    %get3A_118 = tpu.vector_load %arg5[%get3A_116, %get3A_117] {strides = array<i32>} : memref<8x128xi32, #tpu.memory_space<vmem>>, vector<1x16xi32>,
    %get3A_119 = vector.shape_cast %get3A_118 : vector<1x16xi32> to vector<16xi32>
    %mul3A_120 = arith.constant 16 : i32
    %mul3A_121 = vector.broadcast %mul3A_120 : i32 to vector<16xi32>
    %mul3A_122 = arith.muli %get3A_119, %mul3A_121 : vector<16xi32>
    %add3A_123 = vector.broadcast %select_n3A : i32 to vector<16xi32>
    %add3A_124 = arith.addi %mul3A_122, %add3A_123 : vector<16xi32>
    %swap3A_125 = arith.constant 0 : i32
    %swap3A_126 = arith.index_cast %swap3A_125 : i32 to index
    %swap3A_127 = arith.constant 96 : index
    %swap3A_128 = tpu.vector_load %arg5[%swap3A_126, %swap3A_127] {strides = array<i32>} : memref<8x128xi32, #tpu.memory_space<vmem>>, vector<1x16xi32>,
    %swap3A_129 = vector.shape_cast %swap3A_128 : vector<1x16xi32> to vector<16xi32>
    %swap3A_130 = vector.shape_cast %add3A_124 : vector<16xi32> to vector<1x16xi32>
    tpu.vector_store %arg5[%swap3A_126, %swap3A_127], %swap3A_130 {strides = array<i32>} : memref<8x128xi32, #tpu.memory_space<vmem>>, vector<1x16xi32>,
    %get3A_131 = arith.constant 0 : i32
    %get3A_132 = arith.index_cast %get3A_131 : i32 to index
    %get3A_133 = arith.constant 112 : index
    %get3A_134 = tpu.vector_load %arg5[%get3A_132, %get3A_133] {strides = array<i32>} : memref<8x128xi32, #tpu.memory_space<vmem>>, vector<1x16xi32>,
    %get3A_135 = vector.shape_cast %get3A_134 : vector<1x16xi32> to vector<16xi32>
    %mul3A_136 = arith.constant 16 : i32
    %mul3A_137 = vector.broadcast %mul3A_136 : i32 to vector<16xi32>
    %mul3A_138 = arith.muli %get3A_135, %mul3A_137 : vector<16xi32>
    %add3A_139 = vector.broadcast %select_n3A : i32 to vector<16xi32>
    %add3A_140 = arith.addi %mul3A_138, %add3A_139 : vector<16xi32>
    %swap3A_141 = arith.constant 0 : i32
    %swap3A_142 = arith.index_cast %swap3A_141 : i32 to index
    %swap3A_143 = arith.constant 112 : index
    %swap3A_144 = tpu.vector_load %arg5[%swap3A_142, %swap3A_143] {strides = array<i32>} : memref<8x128xi32, #tpu.memory_space<vmem>>, vector<1x16xi32>,
    %swap3A_145 = vector.shape_cast %swap3A_144 : vector<1x16xi32> to vector<16xi32>
    %swap3A_146 = vector.shape_cast %add3A_140 : vector<16xi32> to vector<1x16xi32>
    tpu.vector_store %arg5[%swap3A_142, %swap3A_143], %swap3A_146 {strides = array<i32>} : memref<8x128xi32, #tpu.memory_space<vmem>>, vector<1x16xi32>,
    %get3A_147 = arith.constant 1 : i32
    %get3A_148 = arith.index_cast %get3A_147 : i32 to index
    %get3A_149 = arith.constant 0 : index
    %get3A_150 = tpu.vector_load %arg5[%get3A_148, %get3A_149] {strides = array<i32>} : memref<8x128xi32, #tpu.memory_space<vmem>>, vector<1x16xi32>,
    %get3A_151 = vector.shape_cast %get3A_150 : vector<1x16xi32> to vector<16xi32>
    %mul3A_152 = arith.constant 16 : i32
    %mul3A_153 = vector.broadcast %mul3A_152 : i32 to vector<16xi32>
    %mul3A_154 = arith.muli %get3A_151, %mul3A_153 : vector<16xi32>
    %add3A_155 = vector.broadcast %select_n3A : i32 to vector<16xi32>
    %add3A_156 = arith.addi %mul3A_154, %add3A_155 : vector<16xi32>
    %swap3A_157 = arith.constant 1 : i32
    %swap3A_158 = arith.index_cast %swap3A_157 : i32 to index
    %swap3A_159 = arith.constant 0 : index
    %swap3A_160 = tpu.vector_load %arg5[%swap3A_158, %swap3A_159] {strides = array<i32>} : memref<8x128xi32, #tpu.memory_space<vmem>>, vector<1x16xi32>,
    %swap3A_161 = vector.shape_cast %swap3A_160 : vector<1x16xi32> to vector<16xi32>
    %swap3A_162 = vector.shape_cast %add3A_156 : vector<16xi32> to vector<1x16xi32>
    tpu.vector_store %arg5[%swap3A_158, %swap3A_159], %swap3A_162 {strides = array<i32>} : memref<8x128xi32, #tpu.memory_space<vmem>>, vector<1x16xi32>,
    %get3A_163 = arith.constant 1 : i32
    %get3A_164 = arith.index_cast %get3A_163 : i32 to index
    %get3A_165 = arith.constant 16 : index
    %get3A_166 = tpu.vector_load %arg5[%get3A_164, %get3A_165] {strides = array<i32>} : memref<8x128xi32, #tpu.memory_space<vmem>>, vector<1x16xi32>,
    %get3A_167 = vector.shape_cast %get3A_166 : vector<1x16xi32> to vector<16xi32>
    %mul3A_168 = arith.constant 16 : i32
    %mul3A_169 = vector.broadcast %mul3A_168 : i32 to vector<16xi32>
    %mul3A_170 = arith.muli %get3A_167, %mul3A_169 : vector<16xi32>
    %add3A_171 = vector.broadcast %select_n3A : i32 to vector<16xi32>
    %add3A_172 = arith.addi %mul3A_170, %add3A_171 : vector<16xi32>
    %swap3A_173 = arith.constant 1 : i32
    %swap3A_174 = arith.index_cast %swap3A_173 : i32 to index
    %swap3A_175 = arith.constant 16 : index
    %swap3A_176 = tpu.vector_load %arg5[%swap3A_174, %swap3A_175] {strides = array<i32>} : memref<8x128xi32, #tpu.memory_space<vmem>>, vector<1x16xi32>,
    %swap3A_177 = vector.shape_cast %swap3A_176 : vector<1x16xi32> to vector<16xi32>
    %swap3A_178 = vector.shape_cast %add3A_172 : vector<16xi32> to vector<1x16xi32>
    tpu.vector_store %arg5[%swap3A_174, %swap3A_175], %swap3A_178 {strides = array<i32>} : memref<8x128xi32, #tpu.memory_space<vmem>>, vector<1x16xi32>,
    %get3A_179 = arith.constant 1 : i32
    %get3A_180 = arith.index_cast %get3A_179 : i32 to index
    %get3A_181 = arith.constant 32 : index
    %get3A_182 = tpu.vector_load %arg5[%get3A_180, %get3A_181] {strides = array<i32>} : memref<8x128xi32, #tpu.memory_space<vmem>>, vector<1x16xi32>,
    %get3A_183 = vector.shape_cast %get3A_182 : vector<1x16xi32> to vector<16xi32>
    %mul3A_184 = arith.constant 16 : i32
    %mul3A_185 = vector.broadcast %mul3A_184 : i32 to vector<16xi32>
    %mul3A_186 = arith.muli %get3A_183, %mul3A_185 : vector<16xi32>
    %add3A_187 = vector.broadcast %select_n3A : i32 to vector<16xi32>
    %add3A_188 = arith.addi %mul3A_186, %add3A_187 : vector<16xi32>
    %swap3A_189 = arith.constant 1 : i32
    %swap3A_190 = arith.index_cast %swap3A_189 : i32 to index
    %swap3A_191 = arith.constant 32 : index
    %swap3A_192 = tpu.vector_load %arg5[%swap3A_190, %swap3A_191] {strides = array<i32>} : memref<8x128xi32, #tpu.memory_space<vmem>>, vector<1x16xi32>,
    %swap3A_193 = vector.shape_cast %swap3A_192 : vector<1x16xi32> to vector<16xi32>
    %swap3A_194 = vector.shape_cast %add3A_188 : vector<16xi32> to vector<1x16xi32>
    tpu.vector_store %arg5[%swap3A_190, %swap3A_191], %swap3A_194 {strides = array<i32>} : memref<8x128xi32, #tpu.memory_space<vmem>>, vector<1x16xi32>,
    %get3A_195 = arith.constant 1 : i32
    %get3A_196 = arith.index_cast %get3A_195 : i32 to index
    %get3A_197 = arith.constant 48 : index
    %get3A_198 = tpu.vector_load %arg5[%get3A_196, %get3A_197] {strides = array<i32>} : memref<8x128xi32, #tpu.memory_space<vmem>>, vector<1x16xi32>,
    %get3A_199 = vector.shape_cast %get3A_198 : vector<1x16xi32> to vector<16xi32>
    %mul3A_200 = arith.constant 16 : i32
    %mul3A_201 = vector.broadcast %mul3A_200 : i32 to vector<16xi32>
    %mul3A_202 = arith.muli %get3A_199, %mul3A_201 : vector<16xi32>
    %add3A_203 = vector.broadcast %select_n3A : i32 to vector<16xi32>
    %add3A_204 = arith.addi %mul3A_202, %add3A_203 : vector<16xi32>
    %swap3A_205 = arith.constant 1 : i32
    %swap3A_206 = arith.index_cast %swap3A_205 : i32 to index
    %swap3A_207 = arith.constant 48 : index
    %swap3A_208 = tpu.vector_load %arg5[%swap3A_206, %swap3A_207] {strides = array<i32>} : memref<8x128xi32, #tpu.memory_space<vmem>>, vector<1x16xi32>,
    %swap3A_209 = vector.shape_cast %swap3A_208 : vector<1x16xi32> to vector<16xi32>
    %swap3A_210 = vector.shape_cast %add3A_204 : vector<16xi32> to vector<1x16xi32>
    tpu.vector_store %arg5[%swap3A_206, %swap3A_207], %swap3A_210 {strides = array<i32>} : memref<8x128xi32, #tpu.memory_space<vmem>>, vector<1x16xi32>,
    %get3A_211 = arith.constant 1 : i32
    %get3A_212 = arith.index_cast %get3A_211 : i32 to index
    %get3A_213 = arith.constant 64 : index
    %get3A_214 = tpu.vector_load %arg5[%get3A_212, %get3A_213] {strides = array<i32>} : memref<8x128xi32, #tpu.memory_space<vmem>>, vector<1x16xi32>,
    %get3A_215 = vector.shape_cast %get3A_214 : vector<1x16xi32> to vector<16xi32>
    %mul3A_216 = arith.constant 16 : i32
    %mul3A_217 = vector.broadcast %mul3A_216 : i32 to vector<16xi32>
    %mul3A_218 = arith.muli %get3A_215, %mul3A_217 : vector<16xi32>
    %add3A_219 = vector.broadcast %select_n3A : i32 to vector<16xi32>
    %add3A_220 = arith.addi %mul3A_218, %add3A_219 : vector<16xi32>
    %swap3A_221 = arith.constant 1 : i32
    %swap3A_222 = arith.index_cast %swap3A_221 : i32 to index
    %swap3A_223 = arith.constant 64 : index
    %swap3A_224 = tpu.vector_load %arg5[%swap3A_222, %swap3A_223] {strides = array<i32>} : memref<8x128xi32, #tpu.memory_space<vmem>>, vector<1x16xi32>,
    %swap3A_225 = vector.shape_cast %swap3A_224 : vector<1x16xi32> to vector<16xi32>
    %swap3A_226 = vector.shape_cast %add3A_220 : vector<16xi32> to vector<1x16xi32>
    tpu.vector_store %arg5[%swap3A_222, %swap3A_223], %swap3A_226 {strides = array<i32>} : memref<8x128xi32, #tpu.memory_space<vmem>>, vector<1x16xi32>,
    %get3A_227 = arith.constant 1 : i32
    %get3A_228 = arith.index_cast %get3A_227 : i32 to index
    %get3A_229 = arith.constant 80 : index
    %get3A_230 = tpu.vector_load %arg5[%get3A_228, %get3A_229] {strides = array<i32>} : memref<8x128xi32, #tpu.memory_space<vmem>>, vector<1x16xi32>,
    %get3A_231 = vector.shape_cast %get3A_230 : vector<1x16xi32> to vector<16xi32>
    %mul3A_232 = arith.constant 16 : i32
    %mul3A_233 = vector.broadcast %mul3A_232 : i32 to vector<16xi32>
    %mul3A_234 = arith.muli %get3A_231, %mul3A_233 : vector<16xi32>
    %add3A_235 = vector.broadcast %select_n3A : i32 to vector<16xi32>
    %add3A_236 = arith.addi %mul3A_234, %add3A_235 : vector<16xi32>
    %swap3A_237 = arith.constant 1 : i32
    %swap3A_238 = arith.index_cast %swap3A_237 : i32 to index
    %swap3A_239 = arith.constant 80 : index
    %swap3A_240 = tpu.vector_load %arg5[%swap3A_238, %swap3A_239] {strides = array<i32>} : memref<8x128xi32, #tpu.memory_space<vmem>>, vector<1x16xi32>,
    %swap3A_241 = vector.shape_cast %swap3A_240 : vector<1x16xi32> to vector<16xi32>
    %swap3A_242 = vector.shape_cast %add3A_236 : vector<16xi32> to vector<1x16xi32>
    tpu.vector_store %arg5[%swap3A_238, %swap3A_239], %swap3A_242 {strides = array<i32>} : memref<8x128xi32, #tpu.memory_space<vmem>>, vector<1x16xi32>,
    %get3A_243 = arith.constant 1 : i32
    %get3A_244 = arith.index_cast %get3A_243 : i32 to index
    %get3A_245 = arith.constant 96 : index
    %get3A_246 = tpu.vector_load %arg5[%get3A_244, %get3A_245] {strides = array<i32>} : memref<8x128xi32, #tpu.memory_space<vmem>>, vector<1x16xi32>,
    %get3A_247 = vector.shape_cast %get3A_246 : vector<1x16xi32> to vector<16xi32>
    %mul3A_248 = arith.constant 16 : i32
    %mul3A_249 = vector.broadcast %mul3A_248 : i32 to vector<16xi32>
    %mul3A_250 = arith.muli %get3A_247, %mul3A_249 : vector<16xi32>
    %add3A_251 = vector.broadcast %select_n3A : i32 to vector<16xi32>
    %add3A_252 = arith.addi %mul3A_250, %add3A_251 : vector<16xi32>
    %swap3A_253 = arith.constant 1 : i32
    %swap3A_254 = arith.index_cast %swap3A_253 : i32 to index
    %swap3A_255 = arith.constant 96 : index
    %swap3A_256 = tpu.vector_load %arg5[%swap3A_254, %swap3A_255] {strides = array<i32>} : memref<8x128xi32, #tpu.memory_space<vmem>>, vector<1x16xi32>,
    %swap3A_257 = vector.shape_cast %swap3A_256 : vector<1x16xi32> to vector<16xi32>
    %swap3A_258 = vector.shape_cast %add3A_252 : vector<16xi32> to vector<1x16xi32>
    tpu.vector_store %arg5[%swap3A_254, %swap3A_255], %swap3A_258 {strides = array<i32>} : memref<8x128xi32, #tpu.memory_space<vmem>>, vector<1x16xi32>,
    %get3A_259 = arith.constant 1 : i32
    %get3A_260 = arith.index_cast %get3A_259 : i32 to index
    %get3A_261 = arith.constant 112 : index
    %get3A_262 = tpu.vector_load %arg5[%get3A_260, %get3A_261] {strides = array<i32>} : memref<8x128xi32, #tpu.memory_space<vmem>>, vector<1x16xi32>,
    %get3A_263 = vector.shape_cast %get3A_262 : vector<1x16xi32> to vector<16xi32>
    %mul3A_264 = arith.constant 16 : i32
    %mul3A_265 = vector.broadcast %mul3A_264 : i32 to vector<16xi32>
    %mul3A_266 = arith.muli %get3A_263, %mul3A_265 : vector<16xi32>
    %add3A_267 = vector.broadcast %select_n3A : i32 to vector<16xi32>
    %add3A_268 = arith.addi %mul3A_266, %add3A_267 : vector<16xi32>
    %swap3A_269 = arith.constant 1 : i32
    %swap3A_270 = arith.index_cast %swap3A_269 : i32 to index
    %swap3A_271 = arith.constant 112 : index
    %swap3A_272 = tpu.vector_load %arg5[%swap3A_270, %swap3A_271] {strides = array<i32>} : memref<8x128xi32, #tpu.memory_space<vmem>>, vector<1x16xi32>,
    %swap3A_273 = vector.shape_cast %swap3A_272 : vector<1x16xi32> to vector<16xi32>
    %swap3A_274 = vector.shape_cast %add3A_268 : vector<16xi32> to vector<1x16xi32>
    tpu.vector_store %arg5[%swap3A_270, %swap3A_271], %swap3A_274 {strides = array<i32>} : memref<8x128xi32, #tpu.memory_space<vmem>>, vector<1x16xi32>,
    %get3A_275 = arith.constant 2 : i32
    %get3A_276 = arith.index_cast %get3A_275 : i32 to index
    %get3A_277 = arith.constant 0 : index
    %get3A_278 = tpu.vector_load %arg5[%get3A_276, %get3A_277] {strides = array<i32>} : memref<8x128xi32, #tpu.memory_space<vmem>>, vector<1x16xi32>,
    %get3A_279 = vector.shape_cast %get3A_278 : vector<1x16xi32> to vector<16xi32>
    %mul3A_280 = arith.constant 16 : i32
    %mul3A_281 = vector.broadcast %mul3A_280 : i32 to vector<16xi32>
    %mul3A_282 = arith.muli %get3A_279, %mul3A_281 : vector<16xi32>
    %add3A_283 = vector.broadcast %select_n3A : i32 to vector<16xi32>
    %add3A_284 = arith.addi %mul3A_282, %add3A_283 : vector<16xi32>
    %swap3A_285 = arith.constant 2 : i32
    %swap3A_286 = arith.index_cast %swap3A_285 : i32 to index
    %swap3A_287 = arith.constant 0 : index
    %swap3A_288 = tpu.vector_load %arg5[%swap3A_286, %swap3A_287] {strides = array<i32>} : memref<8x128xi32, #tpu.memory_space<vmem>>, vector<1x16xi32>,
    %swap3A_289 = vector.shape_cast %swap3A_288 : vector<1x16xi32> to vector<16xi32>
    %swap3A_290 = vector.shape_cast %add3A_284 : vector<16xi32> to vector<1x16xi32>
    tpu.vector_store %arg5[%swap3A_286, %swap3A_287], %swap3A_290 {strides = array<i32>} : memref<8x128xi32, #tpu.memory_space<vmem>>, vector<1x16xi32>,
    %get3A_291 = arith.constant 2 : i32
    %get3A_292 = arith.index_cast %get3A_291 : i32 to index
    %get3A_293 = arith.constant 16 : index
    %get3A_294 = tpu.vector_load %arg5[%get3A_292, %get3A_293] {strides = array<i32>} : memref<8x128xi32, #tpu.memory_space<vmem>>, vector<1x16xi32>,
    %get3A_295 = vector.shape_cast %get3A_294 : vector<1x16xi32> to vector<16xi32>
    %mul3A_296 = arith.constant 16 : i32
    %mul3A_297 = vector.broadcast %mul3A_296 : i32 to vector<16xi32>
    %mul3A_298 = arith.muli %get3A_295, %mul3A_297 : vector<16xi32>
    %add3A_299 = vector.broadcast %select_n3A : i32 to vector<16xi32>
    %add3A_300 = arith.addi %mul3A_298, %add3A_299 : vector<16xi32>
    %swap3A_301 = arith.constant 2 : i32
    %swap3A_302 = arith.index_cast %swap3A_301 : i32 to index
    %swap3A_303 = arith.constant 16 : index
    %swap3A_304 = tpu.vector_load %arg5[%swap3A_302, %swap3A_303] {strides = array<i32>} : memref<8x128xi32, #tpu.memory_space<vmem>>, vector<1x16xi32>,
    %swap3A_305 = vector.shape_cast %swap3A_304 : vector<1x16xi32> to vector<16xi32>
    %swap3A_306 = vector.shape_cast %add3A_300 : vector<16xi32> to vector<1x16xi32>
    tpu.vector_store %arg5[%swap3A_302, %swap3A_303], %swap3A_306 {strides = array<i32>} : memref<8x128xi32, #tpu.memory_space<vmem>>, vector<1x16xi32>,
    %get3A_307 = arith.constant 2 : i32
    %get3A_308 = arith.index_cast %get3A_307 : i32 to index
    %get3A_309 = arith.constant 32 : index
    %get3A_310 = tpu.vector_load %arg5[%get3A_308, %get3A_309] {strides = array<i32>} : memref<8x128xi32, #tpu.memory_space<vmem>>, vector<1x16xi32>,
    %get3A_311 = vector.shape_cast %get3A_310 : vector<1x16xi32> to vector<16xi32>
    %mul3A_312 = arith.constant 16 : i32
    %mul3A_313 = vector.broadcast %mul3A_312 : i32 to vector<16xi32>
    %mul3A_314 = arith.muli %get3A_311, %mul3A_313 : vector<16xi32>
    %add3A_315 = vector.broadcast %select_n3A : i32 to vector<16xi32>
    %add3A_316 = arith.addi %mul3A_314, %add3A_315 : vector<16xi32>
    %swap3A_317 = arith.constant 2 : i32
    %swap3A_318 = arith.index_cast %swap3A_317 : i32 to index
    %swap3A_319 = arith.constant 32 : index
    %swap3A_320 = tpu.vector_load %arg5[%swap3A_318, %swap3A_319] {strides = array<i32>} : memref<8x128xi32, #tpu.memory_space<vmem>>, vector<1x16xi32>,
    %swap3A_321 = vector.shape_cast %swap3A_320 : vector<1x16xi32> to vector<16xi32>
    %swap3A_322 = vector.shape_cast %add3A_316 : vector<16xi32> to vector<1x16xi32>
    tpu.vector_store %arg5[%swap3A_318, %swap3A_319], %swap3A_322 {strides = array<i32>} : memref<8x128xi32, #tpu.memory_space<vmem>>, vector<1x16xi32>,
    %get3A_323 = arith.constant 2 : i32
    %get3A_324 = arith.index_cast %get3A_323 : i32 to index
    %get3A_325 = arith.constant 48 : index
    %get3A_326 = tpu.vector_load %arg5[%get3A_324, %get3A_325] {strides = array<i32>} : memref<8x128xi32, #tpu.memory_space<vmem>>, vector<1x16xi32>,
    %get3A_327 = vector.shape_cast %get3A_326 : vector<1x16xi32> to vector<16xi32>
    %mul3A_328 = arith.constant 16 : i32
    %mul3A_329 = vector.broadcast %mul3A_328 : i32 to vector<16xi32>
    %mul3A_330 = arith.muli %get3A_327, %mul3A_329 : vector<16xi32>
    %add3A_331 = vector.broadcast %select_n3A : i32 to vector<16xi32>
    %add3A_332 = arith.addi %mul3A_330, %add3A_331 : vector<16xi32>
    %swap3A_333 = arith.constant 2 : i32
    %swap3A_334 = arith.index_cast %swap3A_333 : i32 to index
    %swap3A_335 = arith.constant 48 : index
    %swap3A_336 = tpu.vector_load %arg5[%swap3A_334, %swap3A_335] {strides = array<i32>} : memref<8x128xi32, #tpu.memory_space<vmem>>, vector<1x16xi32>,
    %swap3A_337 = vector.shape_cast %swap3A_336 : vector<1x16xi32> to vector<16xi32>
    %swap3A_338 = vector.shape_cast %add3A_332 : vector<16xi32> to vector<1x16xi32>
    tpu.vector_store %arg5[%swap3A_334, %swap3A_335], %swap3A_338 {strides = array<i32>} : memref<8x128xi32, #tpu.memory_space<vmem>>, vector<1x16xi32>,
    %get3A_339 = arith.constant 2 : i32
    %get3A_340 = arith.index_cast %get3A_339 : i32 to index
    %get3A_341 = arith.constant 64 : index
    %get3A_342 = tpu.vector_load %arg5[%get3A_340, %get3A_341] {strides = array<i32>} : memref<8x128xi32, #tpu.memory_space<vmem>>, vector<1x16xi32>,
    %get3A_343 = vector.shape_cast %get3A_342 : vector<1x16xi32> to vector<16xi32>
    %mul3A_344 = arith.constant 16 : i32
    %mul3A_345 = vector.broadcast %mul3A_344 : i32 to vector<16xi32>
    %mul3A_346 = arith.muli %get3A_343, %mul3A_345 : vector<16xi32>
    %add3A_347 = vector.broadcast %select_n3A : i32 to vector<16xi32>
    %add3A_348 = arith.addi %mul3A_346, %add3A_347 : vector<16xi32>
    %swap3A_349 = arith.constant 2 : i32
    %swap3A_350 = arith.index_cast %swap3A_349 : i32 to index
    %swap3A_351 = arith.constant 64 : index
    %swap3A_352 = tpu.vector_load %arg5[%swap3A_350, %swap3A_351] {strides = array<i32>} : memref<8x128xi32, #tpu.memory_space<vmem>>, vector<1x16xi32>,
    %swap3A_353 = vector.shape_cast %swap3A_352 : vector<1x16xi32> to vector<16xi32>
    %swap3A_354 = vector.shape_cast %add3A_348 : vector<16xi32> to vector<1x16xi32>
    tpu.vector_store %arg5[%swap3A_350, %swap3A_351], %swap3A_354 {strides = array<i32>} : memref<8x128xi32, #tpu.memory_space<vmem>>, vector<1x16xi32>,
    %get3A_355 = arith.constant 2 : i32
    %get3A_356 = arith.index_cast %get3A_355 : i32 to index
    %get3A_357 = arith.constant 80 : index
    %get3A_358 = tpu.vector_load %arg5[%get3A_356, %get3A_357] {strides = array<i32>} : memref<8x128xi32, #tpu.memory_space<vmem>>, vector<1x16xi32>,
    %get3A_359 = vector.shape_cast %get3A_358 : vector<1x16xi32> to vector<16xi32>
    %mul3A_360 = arith.constant 16 : i32
    %mul3A_361 = vector.broadcast %mul3A_360 : i32 to vector<16xi32>
    %mul3A_362 = arith.muli %get3A_359, %mul3A_361 : vector<16xi32>
    %add3A_363 = vector.broadcast %select_n3A : i32 to vector<16xi32>
    %add3A_364 = arith.addi %mul3A_362, %add3A_363 : vector<16xi32>
    %swap3A_365 = arith.constant 2 : i32
    %swap3A_366 = arith.index_cast %swap3A_365 : i32 to index
    %swap3A_367 = arith.constant 80 : index
    %swap3A_368 = tpu.vector_load %arg5[%swap3A_366, %swap3A_367] {strides = array<i32>} : memref<8x128xi32, #tpu.memory_space<vmem>>, vector<1x16xi32>,
    %swap3A_369 = vector.shape_cast %swap3A_368 : vector<1x16xi32> to vector<16xi32>
    %swap3A_370 = vector.shape_cast %add3A_364 : vector<16xi32> to vector<1x16xi32>
    tpu.vector_store %arg5[%swap3A_366, %swap3A_367], %swap3A_370 {strides = array<i32>} : memref<8x128xi32, #tpu.memory_space<vmem>>, vector<1x16xi32>,
    %get3A_371 = arith.constant 2 : i32
    %get3A_372 = arith.index_cast %get3A_371 : i32 to index
    %get3A_373 = arith.constant 96 : index
    %get3A_374 = tpu.vector_load %arg5[%get3A_372, %get3A_373] {strides = array<i32>} : memref<8x128xi32, #tpu.memory_space<vmem>>, vector<1x16xi32>,
    %get3A_375 = vector.shape_cast %get3A_374 : vector<1x16xi32> to vector<16xi32>
    %mul3A_376 = arith.constant 16 : i32
    %mul3A_377 = vector.broadcast %mul3A_376 : i32 to vector<16xi32>
    %mul3A_378 = arith.muli %get3A_375, %mul3A_377 : vector<16xi32>
    %add3A_379 = vector.broadcast %select_n3A : i32 to vector<16xi32>
    %add3A_380 = arith.addi %mul3A_378, %add3A_379 : vector<16xi32>
    %swap3A_381 = arith.constant 2 : i32
    %swap3A_382 = arith.index_cast %swap3A_381 : i32 to index
    %swap3A_383 = arith.constant 96 : index
    %swap3A_384 = tpu.vector_load %arg5[%swap3A_382, %swap3A_383] {strides = array<i32>} : memref<8x128xi32, #tpu.memory_space<vmem>>, vector<1x16xi32>,
    %swap3A_385 = vector.shape_cast %swap3A_384 : vector<1x16xi32> to vector<16xi32>
    %swap3A_386 = vector.shape_cast %add3A_380 : vector<16xi32> to vector<1x16xi32>
    tpu.vector_store %arg5[%swap3A_382, %swap3A_383], %swap3A_386 {strides = array<i32>} : memref<8x128xi32, #tpu.memory_space<vmem>>, vector<1x16xi32>,
    %get3A_387 = arith.constant 2 : i32
    %get3A_388 = arith.index_cast %get3A_387 : i32 to index
    %get3A_389 = arith.constant 112 : index
    %get3A_390 = tpu.vector_load %arg5[%get3A_388, %get3A_389] {strides = array<i32>} : memref<8x128xi32, #tpu.memory_space<vmem>>, vector<1x16xi32>,
    %get3A_391 = vector.shape_cast %get3A_390 : vector<1x16xi32> to vector<16xi32>
    %mul3A_392 = arith.constant 16 : i32
    %mul3A_393 = vector.broadcast %mul3A_392 : i32 to vector<16xi32>
    %mul3A_394 = arith.muli %get3A_391, %mul3A_393 : vector<16xi32>
    %add3A_395 = vector.broadcast %select_n3A : i32 to vector<16xi32>
    %add3A_396 = arith.addi %mul3A_394, %add3A_395 : vector<16xi32>
    %swap3A_397 = arith.constant 2 : i32
    %swap3A_398 = arith.index_cast %swap3A_397 : i32 to index
    %swap3A_399 = arith.constant 112 : index
    %swap3A_400 = tpu.vector_load %arg5[%swap3A_398, %swap3A_399] {strides = array<i32>} : memref<8x128xi32, #tpu.memory_space<vmem>>, vector<1x16xi32>,
    %swap3A_401 = vector.shape_cast %swap3A_400 : vector<1x16xi32> to vector<16xi32>
    %swap3A_402 = vector.shape_cast %add3A_396 : vector<16xi32> to vector<1x16xi32>
    tpu.vector_store %arg5[%swap3A_398, %swap3A_399], %swap3A_402 {strides = array<i32>} : memref<8x128xi32, #tpu.memory_space<vmem>>, vector<1x16xi32>,
    %get3A_403 = arith.constant 3 : i32
    %get3A_404 = arith.index_cast %get3A_403 : i32 to index
    %get3A_405 = arith.constant 0 : index
    %get3A_406 = tpu.vector_load %arg5[%get3A_404, %get3A_405] {strides = array<i32>} : memref<8x128xi32, #tpu.memory_space<vmem>>, vector<1x16xi32>,
    %get3A_407 = vector.shape_cast %get3A_406 : vector<1x16xi32> to vector<16xi32>
    %mul3A_408 = arith.constant 16 : i32
    %mul3A_409 = vector.broadcast %mul3A_408 : i32 to vector<16xi32>
    %mul3A_410 = arith.muli %get3A_407, %mul3A_409 : vector<16xi32>
    %add3A_411 = vector.broadcast %select_n3A : i32 to vector<16xi32>
    %add3A_412 = arith.addi %mul3A_410, %add3A_411 : vector<16xi32>
    %swap3A_413 = arith.constant 3 : i32
    %swap3A_414 = arith.index_cast %swap3A_413 : i32 to index
    %swap3A_415 = arith.constant 0 : index
    %swap3A_416 = tpu.vector_load %arg5[%swap3A_414, %swap3A_415] {strides = array<i32>} : memref<8x128xi32, #tpu.memory_space<vmem>>, vector<1x16xi32>,
    %swap3A_417 = vector.shape_cast %swap3A_416 : vector<1x16xi32> to vector<16xi32>
    %swap3A_418 = vector.shape_cast %add3A_412 : vector<16xi32> to vector<1x16xi32>
    tpu.vector_store %arg5[%swap3A_414, %swap3A_415], %swap3A_418 {strides = array<i32>} : memref<8x128xi32, #tpu.memory_space<vmem>>, vector<1x16xi32>,
    %get3A_419 = arith.constant 3 : i32
    %get3A_420 = arith.index_cast %get3A_419 : i32 to index
    %get3A_421 = arith.constant 16 : index
    %get3A_422 = tpu.vector_load %arg5[%get3A_420, %get3A_421] {strides = array<i32>} : memref<8x128xi32, #tpu.memory_space<vmem>>, vector<1x16xi32>,
    %get3A_423 = vector.shape_cast %get3A_422 : vector<1x16xi32> to vector<16xi32>
    %mul3A_424 = arith.constant 16 : i32
    %mul3A_425 = vector.broadcast %mul3A_424 : i32 to vector<16xi32>
    %mul3A_426 = arith.muli %get3A_423, %mul3A_425 : vector<16xi32>
    %add3A_427 = vector.broadcast %select_n3A : i32 to vector<16xi32>
    %add3A_428 = arith.addi %mul3A_426, %add3A_427 : vector<16xi32>
    %swap3A_429 = arith.constant 3 : i32
    %swap3A_430 = arith.index_cast %swap3A_429 : i32 to index
    %swap3A_431 = arith.constant 16 : index
    %swap3A_432 = tpu.vector_load %arg5[%swap3A_430, %swap3A_431] {strides = array<i32>} : memref<8x128xi32, #tpu.memory_space<vmem>>, vector<1x16xi32>,
    %swap3A_433 = vector.shape_cast %swap3A_432 : vector<1x16xi32> to vector<16xi32>
    %swap3A_434 = vector.shape_cast %add3A_428 : vector<16xi32> to vector<1x16xi32>
    tpu.vector_store %arg5[%swap3A_430, %swap3A_431], %swap3A_434 {strides = array<i32>} : memref<8x128xi32, #tpu.memory_space<vmem>>, vector<1x16xi32>,
    %get3A_435 = arith.constant 3 : i32
    %get3A_436 = arith.index_cast %get3A_435 : i32 to index
    %get3A_437 = arith.constant 32 : index
    %get3A_438 = tpu.vector_load %arg5[%get3A_436, %get3A_437] {strides = array<i32>} : memref<8x128xi32, #tpu.memory_space<vmem>>, vector<1x16xi32>,
    %get3A_439 = vector.shape_cast %get3A_438 : vector<1x16xi32> to vector<16xi32>
    %mul3A_440 = arith.constant 16 : i32
    %mul3A_441 = vector.broadcast %mul3A_440 : i32 to vector<16xi32>
    %mul3A_442 = arith.muli %get3A_439, %mul3A_441 : vector<16xi32>
    %add3A_443 = vector.broadcast %select_n3A : i32 to vector<16xi32>
    %add3A_444 = arith.addi %mul3A_442, %add3A_443 : vector<16xi32>
    %swap3A_445 = arith.constant 3 : i32
    %swap3A_446 = arith.index_cast %swap3A_445 : i32 to index
    %swap3A_447 = arith.constant 32 : index
    %swap3A_448 = tpu.vector_load %arg5[%swap3A_446, %swap3A_447] {strides = array<i32>} : memref<8x128xi32, #tpu.memory_space<vmem>>, vector<1x16xi32>,
    %swap3A_449 = vector.shape_cast %swap3A_448 : vector<1x16xi32> to vector<16xi32>
    %swap3A_450 = vector.shape_cast %add3A_444 : vector<16xi32> to vector<1x16xi32>
    tpu.vector_store %arg5[%swap3A_446, %swap3A_447], %swap3A_450 {strides = array<i32>} : memref<8x128xi32, #tpu.memory_space<vmem>>, vector<1x16xi32>,
    %get3A_451 = arith.constant 3 : i32
    %get3A_452 = arith.index_cast %get3A_451 : i32 to index
    %get3A_453 = arith.constant 48 : index
    %get3A_454 = tpu.vector_load %arg5[%get3A_452, %get3A_453] {strides = array<i32>} : memref<8x128xi32, #tpu.memory_space<vmem>>, vector<1x16xi32>,
    %get3A_455 = vector.shape_cast %get3A_454 : vector<1x16xi32> to vector<16xi32>
    %mul3A_456 = arith.constant 16 : i32
    %mul3A_457 = vector.broadcast %mul3A_456 : i32 to vector<16xi32>
    %mul3A_458 = arith.muli %get3A_455, %mul3A_457 : vector<16xi32>
    %add3A_459 = vector.broadcast %select_n3A : i32 to vector<16xi32>
    %add3A_460 = arith.addi %mul3A_458, %add3A_459 : vector<16xi32>
    %swap3A_461 = arith.constant 3 : i32
    %swap3A_462 = arith.index_cast %swap3A_461 : i32 to index
    %swap3A_463 = arith.constant 48 : index
    %swap3A_464 = tpu.vector_load %arg5[%swap3A_462, %swap3A_463] {strides = array<i32>} : memref<8x128xi32, #tpu.memory_space<vmem>>, vector<1x16xi32>,
    %swap3A_465 = vector.shape_cast %swap3A_464 : vector<1x16xi32> to vector<16xi32>
    %swap3A_466 = vector.shape_cast %add3A_460 : vector<16xi32> to vector<1x16xi32>
    tpu.vector_store %arg5[%swap3A_462, %swap3A_463], %swap3A_466 {strides = array<i32>} : memref<8x128xi32, #tpu.memory_space<vmem>>, vector<1x16xi32>,
    %get3A_467 = arith.constant 3 : i32
    %get3A_468 = arith.index_cast %get3A_467 : i32 to index
    %get3A_469 = arith.constant 64 : index
    %get3A_470 = tpu.vector_load %arg5[%get3A_468, %get3A_469] {strides = array<i32>} : memref<8x128xi32, #tpu.memory_space<vmem>>, vector<1x16xi32>,
    %get3A_471 = vector.shape_cast %get3A_470 : vector<1x16xi32> to vector<16xi32>
    %mul3A_472 = arith.constant 16 : i32
    %mul3A_473 = vector.broadcast %mul3A_472 : i32 to vector<16xi32>
    %mul3A_474 = arith.muli %get3A_471, %mul3A_473 : vector<16xi32>
    %add3A_475 = vector.broadcast %select_n3A : i32 to vector<16xi32>
    %add3A_476 = arith.addi %mul3A_474, %add3A_475 : vector<16xi32>
    %swap3A_477 = arith.constant 3 : i32
    %swap3A_478 = arith.index_cast %swap3A_477 : i32 to index
    %swap3A_479 = arith.constant 64 : index
    %swap3A_480 = tpu.vector_load %arg5[%swap3A_478, %swap3A_479] {strides = array<i32>} : memref<8x128xi32, #tpu.memory_space<vmem>>, vector<1x16xi32>,
    %swap3A_481 = vector.shape_cast %swap3A_480 : vector<1x16xi32> to vector<16xi32>
    %swap3A_482 = vector.shape_cast %add3A_476 : vector<16xi32> to vector<1x16xi32>
    tpu.vector_store %arg5[%swap3A_478, %swap3A_479], %swap3A_482 {strides = array<i32>} : memref<8x128xi32, #tpu.memory_space<vmem>>, vector<1x16xi32>,
    %get3A_483 = arith.constant 3 : i32
    %get3A_484 = arith.index_cast %get3A_483 : i32 to index
    %get3A_485 = arith.constant 80 : index
    %get3A_486 = tpu.vector_load %arg5[%get3A_484, %get3A_485] {strides = array<i32>} : memref<8x128xi32, #tpu.memory_space<vmem>>, vector<1x16xi32>,
    %get3A_487 = vector.shape_cast %get3A_486 : vector<1x16xi32> to vector<16xi32>
    %mul3A_488 = arith.constant 16 : i32
    %mul3A_489 = vector.broadcast %mul3A_488 : i32 to vector<16xi32>
    %mul3A_490 = arith.muli %get3A_487, %mul3A_489 : vector<16xi32>
    %add3A_491 = vector.broadcast %select_n3A : i32 to vector<16xi32>
    %add3A_492 = arith.addi %mul3A_490, %add3A_491 : vector<16xi32>
    %swap3A_493 = arith.constant 3 : i32
    %swap3A_494 = arith.index_cast %swap3A_493 : i32 to index
    %swap3A_495 = arith.constant 80 : index
    %swap3A_496 = tpu.vector_load %arg5[%swap3A_494, %swap3A_495] {strides = array<i32>} : memref<8x128xi32, #tpu.memory_space<vmem>>, vector<1x16xi32>,
    %swap3A_497 = vector.shape_cast %swap3A_496 : vector<1x16xi32> to vector<16xi32>
    %swap3A_498 = vector.shape_cast %add3A_492 : vector<16xi32> to vector<1x16xi32>
    tpu.vector_store %arg5[%swap3A_494, %swap3A_495], %swap3A_498 {strides = array<i32>} : memref<8x128xi32, #tpu.memory_space<vmem>>, vector<1x16xi32>,
    %get3A_499 = arith.constant 3 : i32
    %get3A_500 = arith.index_cast %get3A_499 : i32 to index
    %get3A_501 = arith.constant 96 : index
    %get3A_502 = tpu.vector_load %arg5[%get3A_500, %get3A_501] {strides = array<i32>} : memref<8x128xi32, #tpu.memory_space<vmem>>, vector<1x16xi32>,
    %get3A_503 = vector.shape_cast %get3A_502 : vector<1x16xi32> to vector<16xi32>
    %mul3A_504 = arith.constant 16 : i32
    %mul3A_505 = vector.broadcast %mul3A_504 : i32 to vector<16xi32>
    %mul3A_506 = arith.muli %get3A_503, %mul3A_505 : vector<16xi32>
    %add3A_507 = vector.broadcast %select_n3A : i32 to vector<16xi32>
    %add3A_508 = arith.addi %mul3A_506, %add3A_507 : vector<16xi32>
    %swap3A_509 = arith.constant 3 : i32
    %swap3A_510 = arith.index_cast %swap3A_509 : i32 to index
    %swap3A_511 = arith.constant 96 : index
    %swap3A_512 = tpu.vector_load %arg5[%swap3A_510, %swap3A_511] {strides = array<i32>} : memref<8x128xi32, #tpu.memory_space<vmem>>, vector<1x16xi32>,
    %swap3A_513 = vector.shape_cast %swap3A_512 : vector<1x16xi32> to vector<16xi32>
    %swap3A_514 = vector.shape_cast %add3A_508 : vector<16xi32> to vector<1x16xi32>
    tpu.vector_store %arg5[%swap3A_510, %swap3A_511], %swap3A_514 {strides = array<i32>} : memref<8x128xi32, #tpu.memory_space<vmem>>, vector<1x16xi32>,
    %get3A_515 = arith.constant 3 : i32
    %get3A_516 = arith.index_cast %get3A_515 : i32 to index
    %get3A_517 = arith.constant 112 : index
    %get3A_518 = tpu.vector_load %arg5[%get3A_516, %get3A_517] {strides = array<i32>} : memref<8x128xi32, #tpu.memory_space<vmem>>, vector<1x16xi32>,
    %get3A_519 = vector.shape_cast %get3A_518 : vector<1x16xi32> to vector<16xi32>
    %mul3A_520 = arith.constant 16 : i32
    %mul3A_521 = vector.broadcast %mul3A_520 : i32 to vector<16xi32>
    %mul3A_522 = arith.muli %get3A_519, %mul3A_521 : vector<16xi32>
    %add3A_523 = vector.broadcast %select_n3A : i32 to vector<16xi32>
    %add3A_524 = arith.addi %mul3A_522, %add3A_523 : vector<16xi32>
    %swap3A_525 = arith.constant 3 : i32
    %swap3A_526 = arith.index_cast %swap3A_525 : i32 to index
    %swap3A_527 = arith.constant 112 : index
    %swap3A_528 = tpu.vector_load %arg5[%swap3A_526, %swap3A_527] {strides = array<i32>} : memref<8x128xi32, #tpu.memory_space<vmem>>, vector<1x16xi32>,
    %swap3A_529 = vector.shape_cast %swap3A_528 : vector<1x16xi32> to vector<16xi32>
    %swap3A_530 = vector.shape_cast %add3A_524 : vector<16xi32> to vector<1x16xi32>
    tpu.vector_store %arg5[%swap3A_526, %swap3A_527], %swap3A_530 {strides = array<i32>} : memref<8x128xi32, #tpu.memory_space<vmem>>, vector<1x16xi32>,
    %get3A_531 = arith.constant 4 : i32
    %get3A_532 = arith.index_cast %get3A_531 : i32 to index
    %get3A_533 = arith.constant 0 : index
    %get3A_534 = tpu.vector_load %arg5[%get3A_532, %get3A_533] {strides = array<i32>} : memref<8x128xi32, #tpu.memory_space<vmem>>, vector<1x16xi32>,
    %get3A_535 = vector.shape_cast %get3A_534 : vector<1x16xi32> to vector<16xi32>
    %mul3A_536 = arith.constant 16 : i32
    %mul3A_537 = vector.broadcast %mul3A_536 : i32 to vector<16xi32>
    %mul3A_538 = arith.muli %get3A_535, %mul3A_537 : vector<16xi32>
    %add3A_539 = vector.broadcast %select_n3A : i32 to vector<16xi32>
    %add3A_540 = arith.addi %mul3A_538, %add3A_539 : vector<16xi32>
    %swap3A_541 = arith.constant 4 : i32
    %swap3A_542 = arith.index_cast %swap3A_541 : i32 to index
    %swap3A_543 = arith.constant 0 : index
    %swap3A_544 = tpu.vector_load %arg5[%swap3A_542, %swap3A_543] {strides = array<i32>} : memref<8x128xi32, #tpu.memory_space<vmem>>, vector<1x16xi32>,
    %swap3A_545 = vector.shape_cast %swap3A_544 : vector<1x16xi32> to vector<16xi32>
    %swap3A_546 = vector.shape_cast %add3A_540 : vector<16xi32> to vector<1x16xi32>
    tpu.vector_store %arg5[%swap3A_542, %swap3A_543], %swap3A_546 {strides = array<i32>} : memref<8x128xi32, #tpu.memory_space<vmem>>, vector<1x16xi32>,
    %get3A_547 = arith.constant 4 : i32
    %get3A_548 = arith.index_cast %get3A_547 : i32 to index
    %get3A_549 = arith.constant 16 : index
    %get3A_550 = tpu.vector_load %arg5[%get3A_548, %get3A_549] {strides = array<i32>} : memref<8x128xi32, #tpu.memory_space<vmem>>, vector<1x16xi32>,
    %get3A_551 = vector.shape_cast %get3A_550 : vector<1x16xi32> to vector<16xi32>
    %mul3A_552 = arith.constant 16 : i32
    %mul3A_553 = vector.broadcast %mul3A_552 : i32 to vector<16xi32>
    %mul3A_554 = arith.muli %get3A_551, %mul3A_553 : vector<16xi32>
    %add3A_555 = vector.broadcast %select_n3A : i32 to vector<16xi32>
    %add3A_556 = arith.addi %mul3A_554, %add3A_555 : vector<16xi32>
    %swap3A_557 = arith.constant 4 : i32
    %swap3A_558 = arith.index_cast %swap3A_557 : i32 to index
    %swap3A_559 = arith.constant 16 : index
    %swap3A_560 = tpu.vector_load %arg5[%swap3A_558, %swap3A_559] {strides = array<i32>} : memref<8x128xi32, #tpu.memory_space<vmem>>, vector<1x16xi32>,
    %swap3A_561 = vector.shape_cast %swap3A_560 : vector<1x16xi32> to vector<16xi32>
    %swap3A_562 = vector.shape_cast %add3A_556 : vector<16xi32> to vector<1x16xi32>
    tpu.vector_store %arg5[%swap3A_558, %swap3A_559], %swap3A_562 {strides = array<i32>} : memref<8x128xi32, #tpu.memory_space<vmem>>, vector<1x16xi32>,
    %get3A_563 = arith.constant 4 : i32
    %get3A_564 = arith.index_cast %get3A_563 : i32 to index
    %get3A_565 = arith.constant 32 : index
    %get3A_566 = tpu.vector_load %arg5[%get3A_564, %get3A_565] {strides = array<i32>} : memref<8x128xi32, #tpu.memory_space<vmem>>, vector<1x16xi32>,
    %get3A_567 = vector.shape_cast %get3A_566 : vector<1x16xi32> to vector<16xi32>
    %mul3A_568 = arith.constant 16 : i32
    %mul3A_569 = vector.broadcast %mul3A_568 : i32 to vector<16xi32>
    %mul3A_570 = arith.muli %get3A_567, %mul3A_569 : vector<16xi32>
    %add3A_571 = vector.broadcast %select_n3A : i32 to vector<16xi32>
    %add3A_572 = arith.addi %mul3A_570, %add3A_571 : vector<16xi32>
    %swap3A_573 = arith.constant 4 : i32
    %swap3A_574 = arith.index_cast %swap3A_573 : i32 to index
    %swap3A_575 = arith.constant 32 : index
    %swap3A_576 = tpu.vector_load %arg5[%swap3A_574, %swap3A_575] {strides = array<i32>} : memref<8x128xi32, #tpu.memory_space<vmem>>, vector<1x16xi32>,
    %swap3A_577 = vector.shape_cast %swap3A_576 : vector<1x16xi32> to vector<16xi32>
    %swap3A_578 = vector.shape_cast %add3A_572 : vector<16xi32> to vector<1x16xi32>
    tpu.vector_store %arg5[%swap3A_574, %swap3A_575], %swap3A_578 {strides = array<i32>} : memref<8x128xi32, #tpu.memory_space<vmem>>, vector<1x16xi32>,
    %get3A_579 = arith.constant 4 : i32
    %get3A_580 = arith.index_cast %get3A_579 : i32 to index
    %get3A_581 = arith.constant 48 : index
    %get3A_582 = tpu.vector_load %arg5[%get3A_580, %get3A_581] {strides = array<i32>} : memref<8x128xi32, #tpu.memory_space<vmem>>, vector<1x16xi32>,
    %get3A_583 = vector.shape_cast %get3A_582 : vector<1x16xi32> to vector<16xi32>
    %mul3A_584 = arith.constant 16 : i32
    %mul3A_585 = vector.broadcast %mul3A_584 : i32 to vector<16xi32>
    %mul3A_586 = arith.muli %get3A_583, %mul3A_585 : vector<16xi32>
    %add3A_587 = vector.broadcast %select_n3A : i32 to vector<16xi32>
    %add3A_588 = arith.addi %mul3A_586, %add3A_587 : vector<16xi32>
    %swap3A_589 = arith.constant 4 : i32
    %swap3A_590 = arith.index_cast %swap3A_589 : i32 to index
    %swap3A_591 = arith.constant 48 : index
    %swap3A_592 = tpu.vector_load %arg5[%swap3A_590, %swap3A_591] {strides = array<i32>} : memref<8x128xi32, #tpu.memory_space<vmem>>, vector<1x16xi32>,
    %swap3A_593 = vector.shape_cast %swap3A_592 : vector<1x16xi32> to vector<16xi32>
    %swap3A_594 = vector.shape_cast %add3A_588 : vector<16xi32> to vector<1x16xi32>
    tpu.vector_store %arg5[%swap3A_590, %swap3A_591], %swap3A_594 {strides = array<i32>} : memref<8x128xi32, #tpu.memory_space<vmem>>, vector<1x16xi32>,
    %get3A_595 = arith.constant 4 : i32
    %get3A_596 = arith.index_cast %get3A_595 : i32 to index
    %get3A_597 = arith.constant 64 : index
    %get3A_598 = tpu.vector_load %arg5[%get3A_596, %get3A_597] {strides = array<i32>} : memref<8x128xi32, #tpu.memory_space<vmem>>, vector<1x16xi32>,
    %get3A_599 = vector.shape_cast %get3A_598 : vector<1x16xi32> to vector<16xi32>
    %mul3A_600 = arith.constant 16 : i32
    %mul3A_601 = vector.broadcast %mul3A_600 : i32 to vector<16xi32>
    %mul3A_602 = arith.muli %get3A_599, %mul3A_601 : vector<16xi32>
    %add3A_603 = vector.broadcast %select_n3A : i32 to vector<16xi32>
    %add3A_604 = arith.addi %mul3A_602, %add3A_603 : vector<16xi32>
    %swap3A_605 = arith.constant 4 : i32
    %swap3A_606 = arith.index_cast %swap3A_605 : i32 to index
    %swap3A_607 = arith.constant 64 : index
    %swap3A_608 = tpu.vector_load %arg5[%swap3A_606, %swap3A_607] {strides = array<i32>} : memref<8x128xi32, #tpu.memory_space<vmem>>, vector<1x16xi32>,
    %swap3A_609 = vector.shape_cast %swap3A_608 : vector<1x16xi32> to vector<16xi32>
    %swap3A_610 = vector.shape_cast %add3A_604 : vector<16xi32> to vector<1x16xi32>
    tpu.vector_store %arg5[%swap3A_606, %swap3A_607], %swap3A_610 {strides = array<i32>} : memref<8x128xi32, #tpu.memory_space<vmem>>, vector<1x16xi32>,
    %get3A_611 = arith.constant 4 : i32
    %get3A_612 = arith.index_cast %get3A_611 : i32 to index
    %get3A_613 = arith.constant 80 : index
    %get3A_614 = tpu.vector_load %arg5[%get3A_612, %get3A_613] {strides = array<i32>} : memref<8x128xi32, #tpu.memory_space<vmem>>, vector<1x16xi32>,
    %get3A_615 = vector.shape_cast %get3A_614 : vector<1x16xi32> to vector<16xi32>
    %mul3A_616 = arith.constant 16 : i32
    %mul3A_617 = vector.broadcast %mul3A_616 : i32 to vector<16xi32>
    %mul3A_618 = arith.muli %get3A_615, %mul3A_617 : vector<16xi32>
    %add3A_619 = vector.broadcast %select_n3A : i32 to vector<16xi32>
    %add3A_620 = arith.addi %mul3A_618, %add3A_619 : vector<16xi32>
    %swap3A_621 = arith.constant 4 : i32
    %swap3A_622 = arith.index_cast %swap3A_621 : i32 to index
    %swap3A_623 = arith.constant 80 : index
    %swap3A_624 = tpu.vector_load %arg5[%swap3A_622, %swap3A_623] {strides = array<i32>} : memref<8x128xi32, #tpu.memory_space<vmem>>, vector<1x16xi32>,
    %swap3A_625 = vector.shape_cast %swap3A_624 : vector<1x16xi32> to vector<16xi32>
    %swap3A_626 = vector.shape_cast %add3A_620 : vector<16xi32> to vector<1x16xi32>
    tpu.vector_store %arg5[%swap3A_622, %swap3A_623], %swap3A_626 {strides = array<i32>} : memref<8x128xi32, #tpu.memory_space<vmem>>, vector<1x16xi32>,
    %get3A_627 = arith.constant 4 : i32
    %get3A_628 = arith.index_cast %get3A_627 : i32 to index
    %get3A_629 = arith.constant 96 : index
    %get3A_630 = tpu.vector_load %arg5[%get3A_628, %get3A_629] {strides = array<i32>} : memref<8x128xi32, #tpu.memory_space<vmem>>, vector<1x16xi32>,
    %get3A_631 = vector.shape_cast %get3A_630 : vector<1x16xi32> to vector<16xi32>
    %mul3A_632 = arith.constant 16 : i32
    %mul3A_633 = vector.broadcast %mul3A_632 : i32 to vector<16xi32>
    %mul3A_634 = arith.muli %get3A_631, %mul3A_633 : vector<16xi32>
    %add3A_635 = vector.broadcast %select_n3A : i32 to vector<16xi32>
    %add3A_636 = arith.addi %mul3A_634, %add3A_635 : vector<16xi32>
    %swap3A_637 = arith.constant 4 : i32
    %swap3A_638 = arith.index_cast %swap3A_637 : i32 to index
    %swap3A_639 = arith.constant 96 : index
    %swap3A_640 = tpu.vector_load %arg5[%swap3A_638, %swap3A_639] {strides = array<i32>} : memref<8x128xi32, #tpu.memory_space<vmem>>, vector<1x16xi32>,
    %swap3A_641 = vector.shape_cast %swap3A_640 : vector<1x16xi32> to vector<16xi32>
    %swap3A_642 = vector.shape_cast %add3A_636 : vector<16xi32> to vector<1x16xi32>
    tpu.vector_store %arg5[%swap3A_638, %swap3A_639], %swap3A_642 {strides = array<i32>} : memref<8x128xi32, #tpu.memory_space<vmem>>, vector<1x16xi32>,
    %get3A_643 = arith.constant 4 : i32
    %get3A_644 = arith.index_cast %get3A_643 : i32 to index
    %get3A_645 = arith.constant 112 : index
    %get3A_646 = tpu.vector_load %arg5[%get3A_644, %get3A_645] {strides = array<i32>} : memref<8x128xi32, #tpu.memory_space<vmem>>, vector<1x16xi32>,
    %get3A_647 = vector.shape_cast %get3A_646 : vector<1x16xi32> to vector<16xi32>
    %mul3A_648 = arith.constant 16 : i32
    %mul3A_649 = vector.broadcast %mul3A_648 : i32 to vector<16xi32>
    %mul3A_650 = arith.muli %get3A_647, %mul3A_649 : vector<16xi32>
    %add3A_651 = vector.broadcast %select_n3A : i32 to vector<16xi32>
    %add3A_652 = arith.addi %mul3A_650, %add3A_651 : vector<16xi32>
    %swap3A_653 = arith.constant 4 : i32
    %swap3A_654 = arith.index_cast %swap3A_653 : i32 to index
    %swap3A_655 = arith.constant 112 : index
    %swap3A_656 = tpu.vector_load %arg5[%swap3A_654, %swap3A_655] {strides = array<i32>} : memref<8x128xi32, #tpu.memory_space<vmem>>, vector<1x16xi32>,
    %swap3A_657 = vector.shape_cast %swap3A_656 : vector<1x16xi32> to vector<16xi32>
    %swap3A_658 = vector.shape_cast %add3A_652 : vector<16xi32> to vector<1x16xi32>
    tpu.vector_store %arg5[%swap3A_654, %swap3A_655], %swap3A_658 {strides = array<i32>} : memref<8x128xi32, #tpu.memory_space<vmem>>, vector<1x16xi32>,
    %get3A_659 = arith.constant 5 : i32
    %get3A_660 = arith.index_cast %get3A_659 : i32 to index
    %get3A_661 = arith.constant 0 : index
    %get3A_662 = tpu.vector_load %arg5[%get3A_660, %get3A_661] {strides = array<i32>} : memref<8x128xi32, #tpu.memory_space<vmem>>, vector<1x16xi32>,
    %get3A_663 = vector.shape_cast %get3A_662 : vector<1x16xi32> to vector<16xi32>
    %mul3A_664 = arith.constant 16 : i32
    %mul3A_665 = vector.broadcast %mul3A_664 : i32 to vector<16xi32>
    %mul3A_666 = arith.muli %get3A_663, %mul3A_665 : vector<16xi32>
    %add3A_667 = vector.broadcast %select_n3A : i32 to vector<16xi32>
    %add3A_668 = arith.addi %mul3A_666, %add3A_667 : vector<16xi32>
    %swap3A_669 = arith.constant 5 : i32
    %swap3A_670 = arith.index_cast %swap3A_669 : i32 to index
    %swap3A_671 = arith.constant 0 : index
    %swap3A_672 = tpu.vector_load %arg5[%swap3A_670, %swap3A_671] {strides = array<i32>} : memref<8x128xi32, #tpu.memory_space<vmem>>, vector<1x16xi32>,
    %swap3A_673 = vector.shape_cast %swap3A_672 : vector<1x16xi32> to vector<16xi32>
    %swap3A_674 = vector.shape_cast %add3A_668 : vector<16xi32> to vector<1x16xi32>
    tpu.vector_store %arg5[%swap3A_670, %swap3A_671], %swap3A_674 {strides = array<i32>} : memref<8x128xi32, #tpu.memory_space<vmem>>, vector<1x16xi32>,
    %get3A_675 = arith.constant 5 : i32
    %get3A_676 = arith.index_cast %get3A_675 : i32 to index
    %get3A_677 = arith.constant 16 : index
    %get3A_678 = tpu.vector_load %arg5[%get3A_676, %get3A_677] {strides = array<i32>} : memref<8x128xi32, #tpu.memory_space<vmem>>, vector<1x16xi32>,
    %get3A_679 = vector.shape_cast %get3A_678 : vector<1x16xi32> to vector<16xi32>
    %mul3A_680 = arith.constant 16 : i32
    %mul3A_681 = vector.broadcast %mul3A_680 : i32 to vector<16xi32>
    %mul3A_682 = arith.muli %get3A_679, %mul3A_681 : vector<16xi32>
    %add3A_683 = vector.broadcast %select_n3A : i32 to vector<16xi32>
    %add3A_684 = arith.addi %mul3A_682, %add3A_683 : vector<16xi32>
    %swap3A_685 = arith.constant 5 : i32
    %swap3A_686 = arith.index_cast %swap3A_685 : i32 to index
    %swap3A_687 = arith.constant 16 : index
    %swap3A_688 = tpu.vector_load %arg5[%swap3A_686, %swap3A_687] {strides = array<i32>} : memref<8x128xi32, #tpu.memory_space<vmem>>, vector<1x16xi32>,
    %swap3A_689 = vector.shape_cast %swap3A_688 : vector<1x16xi32> to vector<16xi32>
    %swap3A_690 = vector.shape_cast %add3A_684 : vector<16xi32> to vector<1x16xi32>
    tpu.vector_store %arg5[%swap3A_686, %swap3A_687], %swap3A_690 {strides = array<i32>} : memref<8x128xi32, #tpu.memory_space<vmem>>, vector<1x16xi32>,
    %get3A_691 = arith.constant 5 : i32
    %get3A_692 = arith.index_cast %get3A_691 : i32 to index
    %get3A_693 = arith.constant 32 : index
    %get3A_694 = tpu.vector_load %arg5[%get3A_692, %get3A_693] {strides = array<i32>} : memref<8x128xi32, #tpu.memory_space<vmem>>, vector<1x16xi32>,
    %get3A_695 = vector.shape_cast %get3A_694 : vector<1x16xi32> to vector<16xi32>
    %mul3A_696 = arith.constant 16 : i32
    %mul3A_697 = vector.broadcast %mul3A_696 : i32 to vector<16xi32>
    %mul3A_698 = arith.muli %get3A_695, %mul3A_697 : vector<16xi32>
    %add3A_699 = vector.broadcast %select_n3A : i32 to vector<16xi32>
    %add3A_700 = arith.addi %mul3A_698, %add3A_699 : vector<16xi32>
    %swap3A_701 = arith.constant 5 : i32
    %swap3A_702 = arith.index_cast %swap3A_701 : i32 to index
    %swap3A_703 = arith.constant 32 : index
    %swap3A_704 = tpu.vector_load %arg5[%swap3A_702, %swap3A_703] {strides = array<i32>} : memref<8x128xi32, #tpu.memory_space<vmem>>, vector<1x16xi32>,
    %swap3A_705 = vector.shape_cast %swap3A_704 : vector<1x16xi32> to vector<16xi32>
    %swap3A_706 = vector.shape_cast %add3A_700 : vector<16xi32> to vector<1x16xi32>
    tpu.vector_store %arg5[%swap3A_702, %swap3A_703], %swap3A_706 {strides = array<i32>} : memref<8x128xi32, #tpu.memory_space<vmem>>, vector<1x16xi32>,
    %get3A_707 = arith.constant 5 : i32
    %get3A_708 = arith.index_cast %get3A_707 : i32 to index
    %get3A_709 = arith.constant 48 : index
    %get3A_710 = tpu.vector_load %arg5[%get3A_708, %get3A_709] {strides = array<i32>} : memref<8x128xi32, #tpu.memory_space<vmem>>, vector<1x16xi32>,
    %get3A_711 = vector.shape_cast %get3A_710 : vector<1x16xi32> to vector<16xi32>
    %mul3A_712 = arith.constant 16 : i32
    %mul3A_713 = vector.broadcast %mul3A_712 : i32 to vector<16xi32>
    %mul3A_714 = arith.muli %get3A_711, %mul3A_713 : vector<16xi32>
    %add3A_715 = vector.broadcast %select_n3A : i32 to vector<16xi32>
    %add3A_716 = arith.addi %mul3A_714, %add3A_715 : vector<16xi32>
    %swap3A_717 = arith.constant 5 : i32
    %swap3A_718 = arith.index_cast %swap3A_717 : i32 to index
    %swap3A_719 = arith.constant 48 : index
    %swap3A_720 = tpu.vector_load %arg5[%swap3A_718, %swap3A_719] {strides = array<i32>} : memref<8x128xi32, #tpu.memory_space<vmem>>, vector<1x16xi32>,
    %swap3A_721 = vector.shape_cast %swap3A_720 : vector<1x16xi32> to vector<16xi32>
    %swap3A_722 = vector.shape_cast %add3A_716 : vector<16xi32> to vector<1x16xi32>
    tpu.vector_store %arg5[%swap3A_718, %swap3A_719], %swap3A_722 {strides = array<i32>} : memref<8x128xi32, #tpu.memory_space<vmem>>, vector<1x16xi32>,
    %get3A_723 = arith.constant 5 : i32
    %get3A_724 = arith.index_cast %get3A_723 : i32 to index
    %get3A_725 = arith.constant 64 : index
    %get3A_726 = tpu.vector_load %arg5[%get3A_724, %get3A_725] {strides = array<i32>} : memref<8x128xi32, #tpu.memory_space<vmem>>, vector<1x16xi32>,
    %get3A_727 = vector.shape_cast %get3A_726 : vector<1x16xi32> to vector<16xi32>
    %mul3A_728 = arith.constant 16 : i32
    %mul3A_729 = vector.broadcast %mul3A_728 : i32 to vector<16xi32>
    %mul3A_730 = arith.muli %get3A_727, %mul3A_729 : vector<16xi32>
    %add3A_731 = vector.broadcast %select_n3A : i32 to vector<16xi32>
    %add3A_732 = arith.addi %mul3A_730, %add3A_731 : vector<16xi32>
    %swap3A_733 = arith.constant 5 : i32
    %swap3A_734 = arith.index_cast %swap3A_733 : i32 to index
    %swap3A_735 = arith.constant 64 : index
    %swap3A_736 = tpu.vector_load %arg5[%swap3A_734, %swap3A_735] {strides = array<i32>} : memref<8x128xi32, #tpu.memory_space<vmem>>, vector<1x16xi32>,
    %swap3A_737 = vector.shape_cast %swap3A_736 : vector<1x16xi32> to vector<16xi32>
    %swap3A_738 = vector.shape_cast %add3A_732 : vector<16xi32> to vector<1x16xi32>
    tpu.vector_store %arg5[%swap3A_734, %swap3A_735], %swap3A_738 {strides = array<i32>} : memref<8x128xi32, #tpu.memory_space<vmem>>, vector<1x16xi32>,
    %get3A_739 = arith.constant 5 : i32
    %get3A_740 = arith.index_cast %get3A_739 : i32 to index
    %get3A_741 = arith.constant 80 : index
    %get3A_742 = tpu.vector_load %arg5[%get3A_740, %get3A_741] {strides = array<i32>} : memref<8x128xi32, #tpu.memory_space<vmem>>, vector<1x16xi32>,
    %get3A_743 = vector.shape_cast %get3A_742 : vector<1x16xi32> to vector<16xi32>
    %mul3A_744 = arith.constant 16 : i32
    %mul3A_745 = vector.broadcast %mul3A_744 : i32 to vector<16xi32>
    %mul3A_746 = arith.muli %get3A_743, %mul3A_745 : vector<16xi32>
    %add3A_747 = vector.broadcast %select_n3A : i32 to vector<16xi32>
    %add3A_748 = arith.addi %mul3A_746, %add3A_747 : vector<16xi32>
    %swap3A_749 = arith.constant 5 : i32
    %swap3A_750 = arith.index_cast %swap3A_749 : i32 to index
    %swap3A_751 = arith.constant 80 : index
    %swap3A_752 = tpu.vector_load %arg5[%swap3A_750, %swap3A_751] {strides = array<i32>} : memref<8x128xi32, #tpu.memory_space<vmem>>, vector<1x16xi32>,
    %swap3A_753 = vector.shape_cast %swap3A_752 : vector<1x16xi32> to vector<16xi32>
    %swap3A_754 = vector.shape_cast %add3A_748 : vector<16xi32> to vector<1x16xi32>
    tpu.vector_store %arg5[%swap3A_750, %swap3A_751], %swap3A_754 {strides = array<i32>} : memref<8x128xi32, #tpu.memory_space<vmem>>, vector<1x16xi32>,
    %get3A_755 = arith.constant 5 : i32
    %get3A_756 = arith.index_cast %get3A_755 : i32 to index
    %get3A_757 = arith.constant 96 : index
    %get3A_758 = tpu.vector_load %arg5[%get3A_756, %get3A_757] {strides = array<i32>} : memref<8x128xi32, #tpu.memory_space<vmem>>, vector<1x16xi32>,
    %get3A_759 = vector.shape_cast %get3A_758 : vector<1x16xi32> to vector<16xi32>
    %mul3A_760 = arith.constant 16 : i32
    %mul3A_761 = vector.broadcast %mul3A_760 : i32 to vector<16xi32>
    %mul3A_762 = arith.muli %get3A_759, %mul3A_761 : vector<16xi32>
    %add3A_763 = vector.broadcast %select_n3A : i32 to vector<16xi32>
    %add3A_764 = arith.addi %mul3A_762, %add3A_763 : vector<16xi32>
    %swap3A_765 = arith.constant 5 : i32
    %swap3A_766 = arith.index_cast %swap3A_765 : i32 to index
    %swap3A_767 = arith.constant 96 : index
    %swap3A_768 = tpu.vector_load %arg5[%swap3A_766, %swap3A_767] {strides = array<i32>} : memref<8x128xi32, #tpu.memory_space<vmem>>, vector<1x16xi32>,
    %swap3A_769 = vector.shape_cast %swap3A_768 : vector<1x16xi32> to vector<16xi32>
    %swap3A_770 = vector.shape_cast %add3A_764 : vector<16xi32> to vector<1x16xi32>
    tpu.vector_store %arg5[%swap3A_766, %swap3A_767], %swap3A_770 {strides = array<i32>} : memref<8x128xi32, #tpu.memory_space<vmem>>, vector<1x16xi32>,
    %get3A_771 = arith.constant 5 : i32
    %get3A_772 = arith.index_cast %get3A_771 : i32 to index
    %get3A_773 = arith.constant 112 : index
    %get3A_774 = tpu.vector_load %arg5[%get3A_772, %get3A_773] {strides = array<i32>} : memref<8x128xi32, #tpu.memory_space<vmem>>, vector<1x16xi32>,
    %get3A_775 = vector.shape_cast %get3A_774 : vector<1x16xi32> to vector<16xi32>
    %mul3A_776 = arith.constant 16 : i32
    %mul3A_777 = vector.broadcast %mul3A_776 : i32 to vector<16xi32>
    %mul3A_778 = arith.muli %get3A_775, %mul3A_777 : vector<16xi32>
    %add3A_779 = vector.broadcast %select_n3A : i32 to vector<16xi32>
    %add3A_780 = arith.addi %mul3A_778, %add3A_779 : vector<16xi32>
    %swap3A_781 = arith.constant 5 : i32
    %swap3A_782 = arith.index_cast %swap3A_781 : i32 to index
    %swap3A_783 = arith.constant 112 : index
    %swap3A_784 = tpu.vector_load %arg5[%swap3A_782, %swap3A_783] {strides = array<i32>} : memref<8x128xi32, #tpu.memory_space<vmem>>, vector<1x16xi32>,
    %swap3A_785 = vector.shape_cast %swap3A_784 : vector<1x16xi32> to vector<16xi32>
    %swap3A_786 = vector.shape_cast %add3A_780 : vector<16xi32> to vector<1x16xi32>
    tpu.vector_store %arg5[%swap3A_782, %swap3A_783], %swap3A_786 {strides = array<i32>} : memref<8x128xi32, #tpu.memory_space<vmem>>, vector<1x16xi32>,
    %get3A_787 = arith.constant 6 : i32
    %get3A_788 = arith.index_cast %get3A_787 : i32 to index
    %get3A_789 = arith.constant 0 : index
    %get3A_790 = tpu.vector_load %arg5[%get3A_788, %get3A_789] {strides = array<i32>} : memref<8x128xi32, #tpu.memory_space<vmem>>, vector<1x16xi32>,
    %get3A_791 = vector.shape_cast %get3A_790 : vector<1x16xi32> to vector<16xi32>
    %mul3A_792 = arith.constant 16 : i32
    %mul3A_793 = vector.broadcast %mul3A_792 : i32 to vector<16xi32>
    %mul3A_794 = arith.muli %get3A_791, %mul3A_793 : vector<16xi32>
    %add3A_795 = vector.broadcast %select_n3A : i32 to vector<16xi32>
    %add3A_796 = arith.addi %mul3A_794, %add3A_795 : vector<16xi32>
    %swap3A_797 = arith.constant 6 : i32
    %swap3A_798 = arith.index_cast %swap3A_797 : i32 to index
    %swap3A_799 = arith.constant 0 : index
    %swap3A_800 = tpu.vector_load %arg5[%swap3A_798, %swap3A_799] {strides = array<i32>} : memref<8x128xi32, #tpu.memory_space<vmem>>, vector<1x16xi32>,
    %swap3A_801 = vector.shape_cast %swap3A_800 : vector<1x16xi32> to vector<16xi32>
    %swap3A_802 = vector.shape_cast %add3A_796 : vector<16xi32> to vector<1x16xi32>
    tpu.vector_store %arg5[%swap3A_798, %swap3A_799], %swap3A_802 {strides = array<i32>} : memref<8x128xi32, #tpu.memory_space<vmem>>, vector<1x16xi32>,
    %get3A_803 = arith.constant 6 : i32
    %get3A_804 = arith.index_cast %get3A_803 : i32 to index
    %get3A_805 = arith.constant 16 : index
    %get3A_806 = tpu.vector_load %arg5[%get3A_804, %get3A_805] {strides = array<i32>} : memref<8x128xi32, #tpu.memory_space<vmem>>, vector<1x16xi32>,
    %get3A_807 = vector.shape_cast %get3A_806 : vector<1x16xi32> to vector<16xi32>
    %mul3A_808 = arith.constant 16 : i32
    %mul3A_809 = vector.broadcast %mul3A_808 : i32 to vector<16xi32>
    %mul3A_810 = arith.muli %get3A_807, %mul3A_809 : vector<16xi32>
    %add3A_811 = vector.broadcast %select_n3A : i32 to vector<16xi32>
    %add3A_812 = arith.addi %mul3A_810, %add3A_811 : vector<16xi32>
    %swap3A_813 = arith.constant 6 : i32
    %swap3A_814 = arith.index_cast %swap3A_813 : i32 to index
    %swap3A_815 = arith.constant 16 : index
    %swap3A_816 = tpu.vector_load %arg5[%swap3A_814, %swap3A_815] {strides = array<i32>} : memref<8x128xi32, #tpu.memory_space<vmem>>, vector<1x16xi32>,
    %swap3A_817 = vector.shape_cast %swap3A_816 : vector<1x16xi32> to vector<16xi32>
    %swap3A_818 = vector.shape_cast %add3A_812 : vector<16xi32> to vector<1x16xi32>
    tpu.vector_store %arg5[%swap3A_814, %swap3A_815], %swap3A_818 {strides = array<i32>} : memref<8x128xi32, #tpu.memory_space<vmem>>, vector<1x16xi32>,
    %get3A_819 = arith.constant 6 : i32
    %get3A_820 = arith.index_cast %get3A_819 : i32 to index
    %get3A_821 = arith.constant 32 : index
    %get3A_822 = tpu.vector_load %arg5[%get3A_820, %get3A_821] {strides = array<i32>} : memref<8x128xi32, #tpu.memory_space<vmem>>, vector<1x16xi32>,
    %get3A_823 = vector.shape_cast %get3A_822 : vector<1x16xi32> to vector<16xi32>
    %mul3A_824 = arith.constant 16 : i32
    %mul3A_825 = vector.broadcast %mul3A_824 : i32 to vector<16xi32>
    %mul3A_826 = arith.muli %get3A_823, %mul3A_825 : vector<16xi32>
    %add3A_827 = vector.broadcast %select_n3A : i32 to vector<16xi32>
    %add3A_828 = arith.addi %mul3A_826, %add3A_827 : vector<16xi32>
    %swap3A_829 = arith.constant 6 : i32
    %swap3A_830 = arith.index_cast %swap3A_829 : i32 to index
    %swap3A_831 = arith.constant 32 : index
    %swap3A_832 = tpu.vector_load %arg5[%swap3A_830, %swap3A_831] {strides = array<i32>} : memref<8x128xi32, #tpu.memory_space<vmem>>, vector<1x16xi32>,
    %swap3A_833 = vector.shape_cast %swap3A_832 : vector<1x16xi32> to vector<16xi32>
    %swap3A_834 = vector.shape_cast %add3A_828 : vector<16xi32> to vector<1x16xi32>
    tpu.vector_store %arg5[%swap3A_830, %swap3A_831], %swap3A_834 {strides = array<i32>} : memref<8x128xi32, #tpu.memory_space<vmem>>, vector<1x16xi32>,
    %get3A_835 = arith.constant 6 : i32
    %get3A_836 = arith.index_cast %get3A_835 : i32 to index
    %get3A_837 = arith.constant 48 : index
    %get3A_838 = tpu.vector_load %arg5[%get3A_836, %get3A_837] {strides = array<i32>} : memref<8x128xi32, #tpu.memory_space<vmem>>, vector<1x16xi32>,
    %get3A_839 = vector.shape_cast %get3A_838 : vector<1x16xi32> to vector<16xi32>
    %mul3A_840 = arith.constant 16 : i32
    %mul3A_841 = vector.broadcast %mul3A_840 : i32 to vector<16xi32>
    %mul3A_842 = arith.muli %get3A_839, %mul3A_841 : vector<16xi32>
    %add3A_843 = vector.broadcast %select_n3A : i32 to vector<16xi32>
    %add3A_844 = arith.addi %mul3A_842, %add3A_843 : vector<16xi32>
    %swap3A_845 = arith.constant 6 : i32
    %swap3A_846 = arith.index_cast %swap3A_845 : i32 to index
    %swap3A_847 = arith.constant 48 : index
    %swap3A_848 = tpu.vector_load %arg5[%swap3A_846, %swap3A_847] {strides = array<i32>} : memref<8x128xi32, #tpu.memory_space<vmem>>, vector<1x16xi32>,
    %swap3A_849 = vector.shape_cast %swap3A_848 : vector<1x16xi32> to vector<16xi32>
    %swap3A_850 = vector.shape_cast %add3A_844 : vector<16xi32> to vector<1x16xi32>
    tpu.vector_store %arg5[%swap3A_846, %swap3A_847], %swap3A_850 {strides = array<i32>} : memref<8x128xi32, #tpu.memory_space<vmem>>, vector<1x16xi32>,
    %get3A_851 = arith.constant 6 : i32
    %get3A_852 = arith.index_cast %get3A_851 : i32 to index
    %get3A_853 = arith.constant 64 : index
    %get3A_854 = tpu.vector_load %arg5[%get3A_852, %get3A_853] {strides = array<i32>} : memref<8x128xi32, #tpu.memory_space<vmem>>, vector<1x16xi32>,
    %get3A_855 = vector.shape_cast %get3A_854 : vector<1x16xi32> to vector<16xi32>
    %mul3A_856 = arith.constant 16 : i32
    %mul3A_857 = vector.broadcast %mul3A_856 : i32 to vector<16xi32>
    %mul3A_858 = arith.muli %get3A_855, %mul3A_857 : vector<16xi32>
    %add3A_859 = vector.broadcast %select_n3A : i32 to vector<16xi32>
    %add3A_860 = arith.addi %mul3A_858, %add3A_859 : vector<16xi32>
    %swap3A_861 = arith.constant 6 : i32
    %swap3A_862 = arith.index_cast %swap3A_861 : i32 to index
    %swap3A_863 = arith.constant 64 : index
    %swap3A_864 = tpu.vector_load %arg5[%swap3A_862, %swap3A_863] {strides = array<i32>} : memref<8x128xi32, #tpu.memory_space<vmem>>, vector<1x16xi32>,
    %swap3A_865 = vector.shape_cast %swap3A_864 : vector<1x16xi32> to vector<16xi32>
    %swap3A_866 = vector.shape_cast %add3A_860 : vector<16xi32> to vector<1x16xi32>
    tpu.vector_store %arg5[%swap3A_862, %swap3A_863], %swap3A_866 {strides = array<i32>} : memref<8x128xi32, #tpu.memory_space<vmem>>, vector<1x16xi32>,
    %get3A_867 = arith.constant 6 : i32
    %get3A_868 = arith.index_cast %get3A_867 : i32 to index
    %get3A_869 = arith.constant 80 : index
    %get3A_870 = tpu.vector_load %arg5[%get3A_868, %get3A_869] {strides = array<i32>} : memref<8x128xi32, #tpu.memory_space<vmem>>, vector<1x16xi32>,
    %get3A_871 = vector.shape_cast %get3A_870 : vector<1x16xi32> to vector<16xi32>
    %mul3A_872 = arith.constant 16 : i32
    %mul3A_873 = vector.broadcast %mul3A_872 : i32 to vector<16xi32>
    %mul3A_874 = arith.muli %get3A_871, %mul3A_873 : vector<16xi32>
    %add3A_875 = vector.broadcast %select_n3A : i32 to vector<16xi32>
    %add3A_876 = arith.addi %mul3A_874, %add3A_875 : vector<16xi32>
    %swap3A_877 = arith.constant 6 : i32
    %swap3A_878 = arith.index_cast %swap3A_877 : i32 to index
    %swap3A_879 = arith.constant 80 : index
    %swap3A_880 = tpu.vector_load %arg5[%swap3A_878, %swap3A_879] {strides = array<i32>} : memref<8x128xi32, #tpu.memory_space<vmem>>, vector<1x16xi32>,
    %swap3A_881 = vector.shape_cast %swap3A_880 : vector<1x16xi32> to vector<16xi32>
    %swap3A_882 = vector.shape_cast %add3A_876 : vector<16xi32> to vector<1x16xi32>
    tpu.vector_store %arg5[%swap3A_878, %swap3A_879], %swap3A_882 {strides = array<i32>} : memref<8x128xi32, #tpu.memory_space<vmem>>, vector<1x16xi32>,
    %get3A_883 = arith.constant 6 : i32
    %get3A_884 = arith.index_cast %get3A_883 : i32 to index
    %get3A_885 = arith.constant 96 : index
    %get3A_886 = tpu.vector_load %arg5[%get3A_884, %get3A_885] {strides = array<i32>} : memref<8x128xi32, #tpu.memory_space<vmem>>, vector<1x16xi32>,
    %get3A_887 = vector.shape_cast %get3A_886 : vector<1x16xi32> to vector<16xi32>
    %mul3A_888 = arith.constant 16 : i32
    %mul3A_889 = vector.broadcast %mul3A_888 : i32 to vector<16xi32>
    %mul3A_890 = arith.muli %get3A_887, %mul3A_889 : vector<16xi32>
    %add3A_891 = vector.broadcast %select_n3A : i32 to vector<16xi32>
    %add3A_892 = arith.addi %mul3A_890, %add3A_891 : vector<16xi32>
    %swap3A_893 = arith.constant 6 : i32
    %swap3A_894 = arith.index_cast %swap3A_893 : i32 to index
    %swap3A_895 = arith.constant 96 : index
    %swap3A_896 = tpu.vector_load %arg5[%swap3A_894, %swap3A_895] {strides = array<i32>} : memref<8x128xi32, #tpu.memory_space<vmem>>, vector<1x16xi32>,
    %swap3A_897 = vector.shape_cast %swap3A_896 : vector<1x16xi32> to vector<16xi32>
    %swap3A_898 = vector.shape_cast %add3A_892 : vector<16xi32> to vector<1x16xi32>
    tpu.vector_store %arg5[%swap3A_894, %swap3A_895], %swap3A_898 {strides = array<i32>} : memref<8x128xi32, #tpu.memory_space<vmem>>, vector<1x16xi32>,
    %get3A_899 = arith.constant 6 : i32
    %get3A_900 = arith.index_cast %get3A_899 : i32 to index
    %get3A_901 = arith.constant 112 : index
    %get3A_902 = tpu.vector_load %arg5[%get3A_900, %get3A_901] {strides = array<i32>} : memref<8x128xi32, #tpu.memory_space<vmem>>, vector<1x16xi32>,
    %get3A_903 = vector.shape_cast %get3A_902 : vector<1x16xi32> to vector<16xi32>
    %mul3A_904 = arith.constant 16 : i32
    %mul3A_905 = vector.broadcast %mul3A_904 : i32 to vector<16xi32>
    %mul3A_906 = arith.muli %get3A_903, %mul3A_905 : vector<16xi32>
    %add3A_907 = vector.broadcast %select_n3A : i32 to vector<16xi32>
    %add3A_908 = arith.addi %mul3A_906, %add3A_907 : vector<16xi32>
    %swap3A_909 = arith.constant 6 : i32
    %swap3A_910 = arith.index_cast %swap3A_909 : i32 to index
    %swap3A_911 = arith.constant 112 : index
    %swap3A_912 = tpu.vector_load %arg5[%swap3A_910, %swap3A_911] {strides = array<i32>} : memref<8x128xi32, #tpu.memory_space<vmem>>, vector<1x16xi32>,
    %swap3A_913 = vector.shape_cast %swap3A_912 : vector<1x16xi32> to vector<16xi32>
    %swap3A_914 = vector.shape_cast %add3A_908 : vector<16xi32> to vector<1x16xi32>
    tpu.vector_store %arg5[%swap3A_910, %swap3A_911], %swap3A_914 {strides = array<i32>} : memref<8x128xi32, #tpu.memory_space<vmem>>, vector<1x16xi32>,
    %get3A_915 = arith.constant 7 : i32
    %get3A_916 = arith.index_cast %get3A_915 : i32 to index
    %get3A_917 = arith.constant 0 : index
    %get3A_918 = tpu.vector_load %arg5[%get3A_916, %get3A_917] {strides = array<i32>} : memref<8x128xi32, #tpu.memory_space<vmem>>, vector<1x16xi32>,
    %get3A_919 = vector.shape_cast %get3A_918 : vector<1x16xi32> to vector<16xi32>
    %mul3A_920 = arith.constant 16 : i32
    %mul3A_921 = vector.broadcast %mul3A_920 : i32 to vector<16xi32>
    %mul3A_922 = arith.muli %get3A_919, %mul3A_921 : vector<16xi32>
    %add3A_923 = vector.broadcast %select_n3A : i32 to vector<16xi32>
    %add3A_924 = arith.addi %mul3A_922, %add3A_923 : vector<16xi32>
    %swap3A_925 = arith.constant 7 : i32
    %swap3A_926 = arith.index_cast %swap3A_925 : i32 to index
    %swap3A_927 = arith.constant 0 : index
    %swap3A_928 = tpu.vector_load %arg5[%swap3A_926, %swap3A_927] {strides = array<i32>} : memref<8x128xi32, #tpu.memory_space<vmem>>, vector<1x16xi32>,
    %swap3A_929 = vector.shape_cast %swap3A_928 : vector<1x16xi32> to vector<16xi32>
    %swap3A_930 = vector.shape_cast %add3A_924 : vector<16xi32> to vector<1x16xi32>
    tpu.vector_store %arg5[%swap3A_926, %swap3A_927], %swap3A_930 {strides = array<i32>} : memref<8x128xi32, #tpu.memory_space<vmem>>, vector<1x16xi32>,
    %get3A_931 = arith.constant 7 : i32
    %get3A_932 = arith.index_cast %get3A_931 : i32 to index
    %get3A_933 = arith.constant 16 : index
    %get3A_934 = tpu.vector_load %arg5[%get3A_932, %get3A_933] {strides = array<i32>} : memref<8x128xi32, #tpu.memory_space<vmem>>, vector<1x16xi32>,
    %get3A_935 = vector.shape_cast %get3A_934 : vector<1x16xi32> to vector<16xi32>
    %mul3A_936 = arith.constant 16 : i32
    %mul3A_937 = vector.broadcast %mul3A_936 : i32 to vector<16xi32>
    %mul3A_938 = arith.muli %get3A_935, %mul3A_937 : vector<16xi32>
    %add3A_939 = vector.broadcast %select_n3A : i32 to vector<16xi32>
    %add3A_940 = arith.addi %mul3A_938, %add3A_939 : vector<16xi32>
    %swap3A_941 = arith.constant 7 : i32
    %swap3A_942 = arith.index_cast %swap3A_941 : i32 to index
    %swap3A_943 = arith.constant 16 : index
    %swap3A_944 = tpu.vector_load %arg5[%swap3A_942, %swap3A_943] {strides = array<i32>} : memref<8x128xi32, #tpu.memory_space<vmem>>, vector<1x16xi32>,
    %swap3A_945 = vector.shape_cast %swap3A_944 : vector<1x16xi32> to vector<16xi32>
    %swap3A_946 = vector.shape_cast %add3A_940 : vector<16xi32> to vector<1x16xi32>
    tpu.vector_store %arg5[%swap3A_942, %swap3A_943], %swap3A_946 {strides = array<i32>} : memref<8x128xi32, #tpu.memory_space<vmem>>, vector<1x16xi32>,
    %get3A_947 = arith.constant 7 : i32
    %get3A_948 = arith.index_cast %get3A_947 : i32 to index
    %get3A_949 = arith.constant 32 : index
    %get3A_950 = tpu.vector_load %arg5[%get3A_948, %get3A_949] {strides = array<i32>} : memref<8x128xi32, #tpu.memory_space<vmem>>, vector<1x16xi32>,
    %get3A_951 = vector.shape_cast %get3A_950 : vector<1x16xi32> to vector<16xi32>
    %mul3A_952 = arith.constant 16 : i32
    %mul3A_953 = vector.broadcast %mul3A_952 : i32 to vector<16xi32>
    %mul3A_954 = arith.muli %get3A_951, %mul3A_953 : vector<16xi32>
    %add3A_955 = vector.broadcast %select_n3A : i32 to vector<16xi32>
    %add3A_956 = arith.addi %mul3A_954, %add3A_955 : vector<16xi32>
    %swap3A_957 = arith.constant 7 : i32
    %swap3A_958 = arith.index_cast %swap3A_957 : i32 to index
    %swap3A_959 = arith.constant 32 : index
    %swap3A_960 = tpu.vector_load %arg5[%swap3A_958, %swap3A_959] {strides = array<i32>} : memref<8x128xi32, #tpu.memory_space<vmem>>, vector<1x16xi32>,
    %swap3A_961 = vector.shape_cast %swap3A_960 : vector<1x16xi32> to vector<16xi32>
    %swap3A_962 = vector.shape_cast %add3A_956 : vector<16xi32> to vector<1x16xi32>
    tpu.vector_store %arg5[%swap3A_958, %swap3A_959], %swap3A_962 {strides = array<i32>} : memref<8x128xi32, #tpu.memory_space<vmem>>, vector<1x16xi32>,
    %get3A_963 = arith.constant 7 : i32
    %get3A_964 = arith.index_cast %get3A_963 : i32 to index
    %get3A_965 = arith.constant 48 : index
    %get3A_966 = tpu.vector_load %arg5[%get3A_964, %get3A_965] {strides = array<i32>} : memref<8x128xi32, #tpu.memory_space<vmem>>, vector<1x16xi32>,
    %get3A_967 = vector.shape_cast %get3A_966 : vector<1x16xi32> to vector<16xi32>
    %mul3A_968 = arith.constant 16 : i32
    %mul3A_969 = vector.broadcast %mul3A_968 : i32 to vector<16xi32>
    %mul3A_970 = arith.muli %get3A_967, %mul3A_969 : vector<16xi32>
    %add3A_971 = vector.broadcast %select_n3A : i32 to vector<16xi32>
    %add3A_972 = arith.addi %mul3A_970, %add3A_971 : vector<16xi32>
    %swap3A_973 = arith.constant 7 : i32
    %swap3A_974 = arith.index_cast %swap3A_973 : i32 to index
    %swap3A_975 = arith.constant 48 : index
    %swap3A_976 = tpu.vector_load %arg5[%swap3A_974, %swap3A_975] {strides = array<i32>} : memref<8x128xi32, #tpu.memory_space<vmem>>, vector<1x16xi32>,
    %swap3A_977 = vector.shape_cast %swap3A_976 : vector<1x16xi32> to vector<16xi32>
    %swap3A_978 = vector.shape_cast %add3A_972 : vector<16xi32> to vector<1x16xi32>
    tpu.vector_store %arg5[%swap3A_974, %swap3A_975], %swap3A_978 {strides = array<i32>} : memref<8x128xi32, #tpu.memory_space<vmem>>, vector<1x16xi32>,
    %get3A_979 = arith.constant 7 : i32
    %get3A_980 = arith.index_cast %get3A_979 : i32 to index
    %get3A_981 = arith.constant 64 : index
    %get3A_982 = tpu.vector_load %arg5[%get3A_980, %get3A_981] {strides = array<i32>} : memref<8x128xi32, #tpu.memory_space<vmem>>, vector<1x16xi32>,
    %get3A_983 = vector.shape_cast %get3A_982 : vector<1x16xi32> to vector<16xi32>
    %mul3A_984 = arith.constant 16 : i32
    %mul3A_985 = vector.broadcast %mul3A_984 : i32 to vector<16xi32>
    %mul3A_986 = arith.muli %get3A_983, %mul3A_985 : vector<16xi32>
    %add3A_987 = vector.broadcast %select_n3A : i32 to vector<16xi32>
    %add3A_988 = arith.addi %mul3A_986, %add3A_987 : vector<16xi32>
    %swap3A_989 = arith.constant 7 : i32
    %swap3A_990 = arith.index_cast %swap3A_989 : i32 to index
    %swap3A_991 = arith.constant 64 : index
    %swap3A_992 = tpu.vector_load %arg5[%swap3A_990, %swap3A_991] {strides = array<i32>} : memref<8x128xi32, #tpu.memory_space<vmem>>, vector<1x16xi32>,
    %swap3A_993 = vector.shape_cast %swap3A_992 : vector<1x16xi32> to vector<16xi32>
    %swap3A_994 = vector.shape_cast %add3A_988 : vector<16xi32> to vector<1x16xi32>
    tpu.vector_store %arg5[%swap3A_990, %swap3A_991], %swap3A_994 {strides = array<i32>} : memref<8x128xi32, #tpu.memory_space<vmem>>, vector<1x16xi32>,
    %get3A_995 = arith.constant 7 : i32
    %get3A_996 = arith.index_cast %get3A_995 : i32 to index
    %get3A_997 = arith.constant 80 : index
    %get3A_998 = tpu.vector_load %arg5[%get3A_996, %get3A_997] {strides = array<i32>} : memref<8x128xi32, #tpu.memory_space<vmem>>, vector<1x16xi32>,
    %get3A_999 = vector.shape_cast %get3A_998 : vector<1x16xi32> to vector<16xi32>
    %mul3A_1000 = arith.constant 16 : i32
    %mul3A_1001 = vector.broadcast %mul3A_1000 : i32 to vector<16xi32>
    %mul3A_1002 = arith.muli %get3A_999, %mul3A_1001 : vector<16xi32>
    %add3A_1003 = vector.broadcast %select_n3A : i32 to vector<16xi32>
    %add3A_1004 = arith.addi %mul3A_1002, %add3A_1003 : vector<16xi32>
    %swap3A_1005 = arith.constant 7 : i32
    %swap3A_1006 = arith.index_cast %swap3A_1005 : i32 to index
    %swap3A_1007 = arith.constant 80 : index
    %swap3A_1008 = tpu.vector_load %arg5[%swap3A_1006, %swap3A_1007] {strides = array<i32>} : memref<8x128xi32, #tpu.memory_space<vmem>>, vector<1x16xi32>,
    %swap3A_1009 = vector.shape_cast %swap3A_1008 : vector<1x16xi32> to vector<16xi32>
    %swap3A_1010 = vector.shape_cast %add3A_1004 : vector<16xi32> to vector<1x16xi32>
    tpu.vector_store %arg5[%swap3A_1006, %swap3A_1007], %swap3A_1010 {strides = array<i32>} : memref<8x128xi32, #tpu.memory_space<vmem>>, vector<1x16xi32>,
    %get3A_1011 = arith.constant 7 : i32
    %get3A_1012 = arith.index_cast %get3A_1011 : i32 to index
    %get3A_1013 = arith.constant 96 : index
    %get3A_1014 = tpu.vector_load %arg5[%get3A_1012, %get3A_1013] {strides = array<i32>} : memref<8x128xi32, #tpu.memory_space<vmem>>, vector<1x16xi32>,
    %get3A_1015 = vector.shape_cast %get3A_1014 : vector<1x16xi32> to vector<16xi32>
    %mul3A_1016 = arith.constant 16 : i32
    %mul3A_1017 = vector.broadcast %mul3A_1016 : i32 to vector<16xi32>
    %mul3A_1018 = arith.muli %get3A_1015, %mul3A_1017 : vector<16xi32>
    %add3A_1019 = vector.broadcast %select_n3A : i32 to vector<16xi32>
    %add3A_1020 = arith.addi %mul3A_1018, %add3A_1019 : vector<16xi32>
    %swap3A_1021 = arith.constant 7 : i32
    %swap3A_1022 = arith.index_cast %swap3A_1021 : i32 to index
    %swap3A_1023 = arith.constant 96 : index
    %swap3A_1024 = tpu.vector_load %arg5[%swap3A_1022, %swap3A_1023] {strides = array<i32>} : memref<8x128xi32, #tpu.memory_space<vmem>>, vector<1x16xi32>,
    %swap3A_1025 = vector.shape_cast %swap3A_1024 : vector<1x16xi32> to vector<16xi32>
    %swap3A_1026 = vector.shape_cast %add3A_1020 : vector<16xi32> to vector<1x16xi32>
    tpu.vector_store %arg5[%swap3A_1022, %swap3A_1023], %swap3A_1026 {strides = array<i32>} : memref<8x128xi32, #tpu.memory_space<vmem>>, vector<1x16xi32>,
    %get3A_1027 = arith.constant 7 : i32
    %get3A_1028 = arith.index_cast %get3A_1027 : i32 to index
    %get3A_1029 = arith.constant 112 : index
    %get3A_1030 = tpu.vector_load %arg5[%get3A_1028, %get3A_1029] {strides = array<i32>} : memref<8x128xi32, #tpu.memory_space<vmem>>, vector<1x16xi32>,
    %get3A_1031 = vector.shape_cast %get3A_1030 : vector<1x16xi32> to vector<16xi32>
    %mul3A_1032 = arith.constant 16 : i32
    %mul3A_1033 = vector.broadcast %mul3A_1032 : i32 to vector<16xi32>
    %mul3A_1034 = arith.muli %get3A_1031, %mul3A_1033 : vector<16xi32>
    %add3A_1035 = vector.broadcast %select_n3A : i32 to vector<16xi32>
    %add3A_1036 = arith.addi %mul3A_1034, %add3A_1035 : vector<16xi32>
    %swap3A_1037 = arith.constant 7 : i32
    %swap3A_1038 = arith.index_cast %swap3A_1037 : i32 to index
    %swap3A_1039 = arith.constant 112 : index
    %swap3A_1040 = tpu.vector_load %arg5[%swap3A_1038, %swap3A_1039] {strides = array<i32>} : memref<8x128xi32, #tpu.memory_space<vmem>>, vector<1x16xi32>,
    %swap3A_1041 = vector.shape_cast %swap3A_1040 : vector<1x16xi32> to vector<16xi32>
    %swap3A_1042 = vector.shape_cast %add3A_1036 : vector<16xi32> to vector<1x16xi32>
    tpu.vector_store %arg5[%swap3A_1038, %swap3A_1039], %swap3A_1042 {strides = array<i32>} : memref<8x128xi32, #tpu.memory_space<vmem>>, vector<1x16xi32>,
    %dma_start3A = arith.constant 0 : i32
    %dma_start3A_1043 = tpu.memref_slice %arg2[%mul3A_2, %dma_start3A] : memref<32768x128xf32, #tpu.memory_space<hbm>> -> memref<128x128xf32, #tpu.memory_space<hbm>>
    %dma_start3A_1044 = arith.constant 0 : i32
    %dma_start3A_1045 = tpu.memref_slice %arg2[%mul3A_2, %dma_start3A_1044] : memref<32768x128xf32, #tpu.memory_space<hbm>> -> memref<128x128xf32, #tpu.memory_space<hbm>>
    tpu.enqueue_dma source(%dma_start3A_1045 : memref<128x128xf32, #tpu.memory_space<hbm>>) target(%arg6 : memref<128x128xf32, #tpu.memory_space<vmem>>) target_semaphore(%arg8 : memref<!tpu.dma_semaphore, #tpu.memory_space<semaphore_mem>>)
    %add3A_1046 = arith.constant 128 : i32
    %add3A_1047 = arith.addi %mul3A_2, %add3A_1046 : i32
    %dma_start3A_1048 = arith.constant 0 : i32
    %dma_start3A_1049 = tpu.memref_slice %arg2[%add3A_1047, %dma_start3A_1048] : memref<32768x128xf32, #tpu.memory_space<hbm>> -> memref<128x128xf32, #tpu.memory_space<hbm>>
    %dma_start3A_1050 = arith.constant 0 : i32
    %dma_start3A_1051 = tpu.memref_slice %arg2[%add3A_1047, %dma_start3A_1050] : memref<32768x128xf32, #tpu.memory_space<hbm>> -> memref<128x128xf32, #tpu.memory_space<hbm>>
    tpu.enqueue_dma source(%dma_start3A_1051 : memref<128x128xf32, #tpu.memory_space<hbm>>) target(%arg7 : memref<128x128xf32, #tpu.memory_space<vmem>>) target_semaphore(%arg9 : memref<!tpu.dma_semaphore, #tpu.memory_space<semaphore_mem>>)
    %dma_wait3A = arith.constant 0 : i32
    %dma_wait3A_1052 = tpu.memref_slice %arg2[%mul3A_2, %dma_wait3A] : memref<32768x128xf32, #tpu.memory_space<hbm>> -> memref<128x128xf32, #tpu.memory_space<hbm>>
    %dma_wait3A_1053 = arith.constant 0 : i32
    %dma_wait3A_1054 = tpu.memref_slice %arg2[%mul3A_2, %dma_wait3A_1053] : memref<32768x128xf32, #tpu.memory_space<hbm>> -> memref<128x128xf32, #tpu.memory_space<hbm>>
    tpu.wait_dma2 semaphore(%arg8 : memref<!tpu.dma_semaphore, #tpu.memory_space<semaphore_mem>>) src(%dma_wait3A_1054 : memref<128x128xf32, #tpu.memory_space<hbm>>) dst(%arg6 : memref<128x128xf32, #tpu.memory_space<vmem>>)
    %dma_start3A_1055 = arith.constant 0 : i32
    %dma_start3A_1056 = arith.constant 0 : i32
    %dma_start3A_1057 = tpu.memref_slice %arg5[%dma_start3A_1055, %dma_start3A_1056] : memref<8x128xi32, #tpu.memory_space<vmem>> -> memref<1x128xi32, #tpu.memory_space<vmem>>
    %dma_start3A_1058 = tpu.memref_squeeze %dma_start3A_1057 : memref<1x128xi32, #tpu.memory_space<vmem>> -> memref<128xi32, #tpu.memory_space<vmem>>
    %dma_start3A_1059 = arith.constant 0 : i32
    %dma_start3A_1060 = arith.constant 0 : i32
    %dma_start3A_1061 = tpu.memref_slice %arg4[%dma_start3A_1059, %dma_start3A_1060] : memref<32768x128xf32, #tpu.memory_space<hbm>> -> memref<32768x128xf32, #tpu.memory_space<hbm>>
    tpu.enqueue_indirect_dma source(%arg6 : memref<128x128xf32, #tpu.memory_space<vmem>>) target(%dma_start3A_1061 : memref<32768x128xf32, #tpu.memory_space<hbm>>) offsets(%dma_start3A_1058 : memref<128xi32, #tpu.memory_space<vmem>>) semaphore(%arg8 : memref<!tpu.dma_semaphore, #tpu.memory_space<semaphore_mem>>)
    %dma_wait3A_1062 = arith.constant 0 : i32
    %dma_wait3A_1063 = arith.constant 0 : i32
    %dma_wait3A_1064 = tpu.memref_slice %arg5[%dma_wait3A_1062, %dma_wait3A_1063] : memref<8x128xi32, #tpu.memory_space<vmem>> -> memref<1x128xi32, #tpu.memory_space<vmem>>
    %dma_wait3A_1065 = tpu.memref_squeeze %dma_wait3A_1064 : memref<1x128xi32, #tpu.memory_space<vmem>> -> memref<128xi32, #tpu.memory_space<vmem>>
    %dma_wait3A_1066 = arith.constant 0 : i32
    %dma_wait3A_1067 = arith.constant 0 : i32
    %dma_wait3A_1068 = tpu.memref_slice %arg4[%dma_wait3A_1066, %dma_wait3A_1067] : memref<32768x128xf32, #tpu.memory_space<hbm>> -> memref<32768x128xf32, #tpu.memory_space<hbm>>
    tpu.wait_indirect_dma semaphore(%arg8 : memref<!tpu.dma_semaphore, #tpu.memory_space<semaphore_mem>>) src(%arg6 : memref<128x128xf32, #tpu.memory_space<vmem>>) dst(%dma_wait3A_1068 : memref<32768x128xf32, #tpu.memory_space<hbm>>)
    %add3A_1069 = arith.constant 256 : i32
    %add3A_1070 = arith.addi %mul3A_2, %add3A_1069 : i32
    %dma_start3A_1071 = arith.constant 0 : i32
    %dma_start3A_1072 = tpu.memref_slice %arg2[%add3A_1070, %dma_start3A_1071] : memref<32768x128xf32, #tpu.memory_space<hbm>> -> memref<128x128xf32, #tpu.memory_space<hbm>>
    %dma_start3A_1073 = arith.constant 0 : i32
    %dma_start3A_1074 = tpu.memref_slice %arg2[%add3A_1070, %dma_start3A_1073] : memref<32768x128xf32, #tpu.memory_space<hbm>> -> memref<128x128xf32, #tpu.memory_space<hbm>>
    tpu.enqueue_dma source(%dma_start3A_1074 : memref<128x128xf32, #tpu.memory_space<hbm>>) target(%arg6 : memref<128x128xf32, #tpu.memory_space<vmem>>) target_semaphore(%arg8 : memref<!tpu.dma_semaphore, #tpu.memory_space<semaphore_mem>>)
    %dma_wait3A_1075 = arith.constant 0 : i32
    %dma_wait3A_1076 = tpu.memref_slice %arg2[%add3A_1047, %dma_wait3A_1075] : memref<32768x128xf32, #tpu.memory_space<hbm>> -> memref<128x128xf32, #tpu.memory_space<hbm>>
    %dma_wait3A_1077 = arith.constant 0 : i32
    %dma_wait3A_1078 = tpu.memref_slice %arg2[%add3A_1047, %dma_wait3A_1077] : memref<32768x128xf32, #tpu.memory_space<hbm>> -> memref<128x128xf32, #tpu.memory_space<hbm>>
    tpu.wait_dma2 semaphore(%arg9 : memref<!tpu.dma_semaphore, #tpu.memory_space<semaphore_mem>>) src(%dma_wait3A_1078 : memref<128x128xf32, #tpu.memory_space<hbm>>) dst(%arg7 : memref<128x128xf32, #tpu.memory_space<vmem>>)
    %dma_start3A_1079 = arith.constant 1 : i32
    %dma_start3A_1080 = arith.constant 0 : i32
    %dma_start3A_1081 = tpu.memref_slice %arg5[%dma_start3A_1079, %dma_start3A_1080] : memref<8x128xi32, #tpu.memory_space<vmem>> -> memref<1x128xi32, #tpu.memory_space<vmem>>
    %dma_start3A_1082 = tpu.memref_squeeze %dma_start3A_1081 : memref<1x128xi32, #tpu.memory_space<vmem>> -> memref<128xi32, #tpu.memory_space<vmem>>
    %dma_start3A_1083 = arith.constant 0 : i32
    %dma_start3A_1084 = arith.constant 0 : i32
    %dma_start3A_1085 = tpu.memref_slice %arg4[%dma_start3A_1083, %dma_start3A_1084] : memref<32768x128xf32, #tpu.memory_space<hbm>> -> memref<32768x128xf32, #tpu.memory_space<hbm>>
    tpu.enqueue_indirect_dma source(%arg7 : memref<128x128xf32, #tpu.memory_space<vmem>>) target(%dma_start3A_1085 : memref<32768x128xf32, #tpu.memory_space<hbm>>) offsets(%dma_start3A_1082 : memref<128xi32, #tpu.memory_space<vmem>>) semaphore(%arg9 : memref<!tpu.dma_semaphore, #tpu.memory_space<semaphore_mem>>)
    %dma_wait3A_1086 = arith.constant 1 : i32
    %dma_wait3A_1087 = arith.constant 0 : i32
    %dma_wait3A_1088 = tpu.memref_slice %arg5[%dma_wait3A_1086, %dma_wait3A_1087] : memref<8x128xi32, #tpu.memory_space<vmem>> -> memref<1x128xi32, #tpu.memory_space<vmem>>
    %dma_wait3A_1089 = tpu.memref_squeeze %dma_wait3A_1088 : memref<1x128xi32, #tpu.memory_space<vmem>> -> memref<128xi32, #tpu.memory_space<vmem>>
    %dma_wait3A_1090 = arith.constant 0 : i32
    %dma_wait3A_1091 = arith.constant 0 : i32
    %dma_wait3A_1092 = tpu.memref_slice %arg4[%dma_wait3A_1090, %dma_wait3A_1091] : memref<32768x128xf32, #tpu.memory_space<hbm>> -> memref<32768x128xf32, #tpu.memory_space<hbm>>
    tpu.wait_indirect_dma semaphore(%arg9 : memref<!tpu.dma_semaphore, #tpu.memory_space<semaphore_mem>>) src(%arg7 : memref<128x128xf32, #tpu.memory_space<vmem>>) dst(%dma_wait3A_1092 : memref<32768x128xf32, #tpu.memory_space<hbm>>)
    %add3A_1093 = arith.constant 384 : i32
    %add3A_1094 = arith.addi %mul3A_2, %add3A_1093 : i32
    %dma_start3A_1095 = arith.constant 0 : i32
    %dma_start3A_1096 = tpu.memref_slice %arg2[%add3A_1094, %dma_start3A_1095] : memref<32768x128xf32, #tpu.memory_space<hbm>> -> memref<128x128xf32, #tpu.memory_space<hbm>>
    %dma_start3A_1097 = arith.constant 0 : i32
    %dma_start3A_1098 = tpu.memref_slice %arg2[%add3A_1094, %dma_start3A_1097] : memref<32768x128xf32, #tpu.memory_space<hbm>> -> memref<128x128xf32, #tpu.memory_space<hbm>>
    tpu.enqueue_dma source(%dma_start3A_1098 : memref<128x128xf32, #tpu.memory_space<hbm>>) target(%arg7 : memref<128x128xf32, #tpu.memory_space<vmem>>) target_semaphore(%arg9 : memref<!tpu.dma_semaphore, #tpu.memory_space<semaphore_mem>>)
    %dma_wait3A_1099 = arith.constant 0 : i32
    %dma_wait3A_1100 = tpu.memref_slice %arg2[%add3A_1070, %dma_wait3A_1099] : memref<32768x128xf32, #tpu.memory_space<hbm>> -> memref<128x128xf32, #tpu.memory_space<hbm>>
    %dma_wait3A_1101 = arith.constant 0 : i32
    %dma_wait3A_1102 = tpu.memref_slice %arg2[%add3A_1070, %dma_wait3A_1101] : memref<32768x128xf32, #tpu.memory_space<hbm>> -> memref<128x128xf32, #tpu.memory_space<hbm>>
    tpu.wait_dma2 semaphore(%arg8 : memref<!tpu.dma_semaphore, #tpu.memory_space<semaphore_mem>>) src(%dma_wait3A_1102 : memref<128x128xf32, #tpu.memory_space<hbm>>) dst(%arg6 : memref<128x128xf32, #tpu.memory_space<vmem>>)
    %dma_start3A_1103 = arith.constant 2 : i32
    %dma_start3A_1104 = arith.constant 0 : i32
    %dma_start3A_1105 = tpu.memref_slice %arg5[%dma_start3A_1103, %dma_start3A_1104] : memref<8x128xi32, #tpu.memory_space<vmem>> -> memref<1x128xi32, #tpu.memory_space<vmem>>
    %dma_start3A_1106 = tpu.memref_squeeze %dma_start3A_1105 : memref<1x128xi32, #tpu.memory_space<vmem>> -> memref<128xi32, #tpu.memory_space<vmem>>
    %dma_start3A_1107 = arith.constant 0 : i32
    %dma_start3A_1108 = arith.constant 0 : i32
    %dma_start3A_1109 = tpu.memref_slice %arg4[%dma_start3A_1107, %dma_start3A_1108] : memref<32768x128xf32, #tpu.memory_space<hbm>> -> memref<32768x128xf32, #tpu.memory_space<hbm>>
    tpu.enqueue_indirect_dma source(%arg6 : memref<128x128xf32, #tpu.memory_space<vmem>>) target(%dma_start3A_1109 : memref<32768x128xf32, #tpu.memory_space<hbm>>) offsets(%dma_start3A_1106 : memref<128xi32, #tpu.memory_space<vmem>>) semaphore(%arg8 : memref<!tpu.dma_semaphore, #tpu.memory_space<semaphore_mem>>)
    %dma_wait3A_1110 = arith.constant 2 : i32
    %dma_wait3A_1111 = arith.constant 0 : i32
    %dma_wait3A_1112 = tpu.memref_slice %arg5[%dma_wait3A_1110, %dma_wait3A_1111] : memref<8x128xi32, #tpu.memory_space<vmem>> -> memref<1x128xi32, #tpu.memory_space<vmem>>
    %dma_wait3A_1113 = tpu.memref_squeeze %dma_wait3A_1112 : memref<1x128xi32, #tpu.memory_space<vmem>> -> memref<128xi32, #tpu.memory_space<vmem>>
    %dma_wait3A_1114 = arith.constant 0 : i32
    %dma_wait3A_1115 = arith.constant 0 : i32
    %dma_wait3A_1116 = tpu.memref_slice %arg4[%dma_wait3A_1114, %dma_wait3A_1115] : memref<32768x128xf32, #tpu.memory_space<hbm>> -> memref<32768x128xf32, #tpu.memory_space<hbm>>
    tpu.wait_indirect_dma semaphore(%arg8 : memref<!tpu.dma_semaphore, #tpu.memory_space<semaphore_mem>>) src(%arg6 : memref<128x128xf32, #tpu.memory_space<vmem>>) dst(%dma_wait3A_1116 : memref<32768x128xf32, #tpu.memory_space<hbm>>)
    %add3A_1117 = arith.constant 512 : i32
    %add3A_1118 = arith.addi %mul3A_2, %add3A_1117 : i32
    %dma_start3A_1119 = arith.constant 0 : i32
    %dma_start3A_1120 = tpu.memref_slice %arg2[%add3A_1118, %dma_start3A_1119] : memref<32768x128xf32, #tpu.memory_space<hbm>> -> memref<128x128xf32, #tpu.memory_space<hbm>>
    %dma_start3A_1121 = arith.constant 0 : i32
    %dma_start3A_1122 = tpu.memref_slice %arg2[%add3A_1118, %dma_start3A_1121] : memref<32768x128xf32, #tpu.memory_space<hbm>> -> memref<128x128xf32, #tpu.memory_space<hbm>>
    tpu.enqueue_dma source(%dma_start3A_1122 : memref<128x128xf32, #tpu.memory_space<hbm>>) target(%arg6 : memref<128x128xf32, #tpu.memory_space<vmem>>) target_semaphore(%arg8 : memref<!tpu.dma_semaphore, #tpu.memory_space<semaphore_mem>>)
    %dma_wait3A_1123 = arith.constant 0 : i32
    %dma_wait3A_1124 = tpu.memref_slice %arg2[%add3A_1094, %dma_wait3A_1123] : memref<32768x128xf32, #tpu.memory_space<hbm>> -> memref<128x128xf32, #tpu.memory_space<hbm>>
    %dma_wait3A_1125 = arith.constant 0 : i32
    %dma_wait3A_1126 = tpu.memref_slice %arg2[%add3A_1094, %dma_wait3A_1125] : memref<32768x128xf32, #tpu.memory_space<hbm>> -> memref<128x128xf32, #tpu.memory_space<hbm>>
    tpu.wait_dma2 semaphore(%arg9 : memref<!tpu.dma_semaphore, #tpu.memory_space<semaphore_mem>>) src(%dma_wait3A_1126 : memref<128x128xf32, #tpu.memory_space<hbm>>) dst(%arg7 : memref<128x128xf32, #tpu.memory_space<vmem>>)
    %dma_start3A_1127 = arith.constant 3 : i32
    %dma_start3A_1128 = arith.constant 0 : i32
    %dma_start3A_1129 = tpu.memref_slice %arg5[%dma_start3A_1127, %dma_start3A_1128] : memref<8x128xi32, #tpu.memory_space<vmem>> -> memref<1x128xi32, #tpu.memory_space<vmem>>
    %dma_start3A_1130 = tpu.memref_squeeze %dma_start3A_1129 : memref<1x128xi32, #tpu.memory_space<vmem>> -> memref<128xi32, #tpu.memory_space<vmem>>
    %dma_start3A_1131 = arith.constant 0 : i32
    %dma_start3A_1132 = arith.constant 0 : i32
    %dma_start3A_1133 = tpu.memref_slice %arg4[%dma_start3A_1131, %dma_start3A_1132] : memref<32768x128xf32, #tpu.memory_space<hbm>> -> memref<32768x128xf32, #tpu.memory_space<hbm>>
    tpu.enqueue_indirect_dma source(%arg7 : memref<128x128xf32, #tpu.memory_space<vmem>>) target(%dma_start3A_1133 : memref<32768x128xf32, #tpu.memory_space<hbm>>) offsets(%dma_start3A_1130 : memref<128xi32, #tpu.memory_space<vmem>>) semaphore(%arg9 : memref<!tpu.dma_semaphore, #tpu.memory_space<semaphore_mem>>)
    %dma_wait3A_1134 = arith.constant 3 : i32
    %dma_wait3A_1135 = arith.constant 0 : i32
    %dma_wait3A_1136 = tpu.memref_slice %arg5[%dma_wait3A_1134, %dma_wait3A_1135] : memref<8x128xi32, #tpu.memory_space<vmem>> -> memref<1x128xi32, #tpu.memory_space<vmem>>
    %dma_wait3A_1137 = tpu.memref_squeeze %dma_wait3A_1136 : memref<1x128xi32, #tpu.memory_space<vmem>> -> memref<128xi32, #tpu.memory_space<vmem>>
    %dma_wait3A_1138 = arith.constant 0 : i32
    %dma_wait3A_1139 = arith.constant 0 : i32
    %dma_wait3A_1140 = tpu.memref_slice %arg4[%dma_wait3A_1138, %dma_wait3A_1139] : memref<32768x128xf32, #tpu.memory_space<hbm>> -> memref<32768x128xf32, #tpu.memory_space<hbm>>
    tpu.wait_indirect_dma semaphore(%arg9 : memref<!tpu.dma_semaphore, #tpu.memory_space<semaphore_mem>>) src(%arg7 : memref<128x128xf32, #tpu.memory_space<vmem>>) dst(%dma_wait3A_1140 : memref<32768x128xf32, #tpu.memory_space<hbm>>)
    %add3A_1141 = arith.constant 640 : i32
    %add3A_1142 = arith.addi %mul3A_2, %add3A_1141 : i32
    %dma_start3A_1143 = arith.constant 0 : i32
    %dma_start3A_1144 = tpu.memref_slice %arg2[%add3A_1142, %dma_start3A_1143] : memref<32768x128xf32, #tpu.memory_space<hbm>> -> memref<128x128xf32, #tpu.memory_space<hbm>>
    %dma_start3A_1145 = arith.constant 0 : i32
    %dma_start3A_1146 = tpu.memref_slice %arg2[%add3A_1142, %dma_start3A_1145] : memref<32768x128xf32, #tpu.memory_space<hbm>> -> memref<128x128xf32, #tpu.memory_space<hbm>>
    tpu.enqueue_dma source(%dma_start3A_1146 : memref<128x128xf32, #tpu.memory_space<hbm>>) target(%arg7 : memref<128x128xf32, #tpu.memory_space<vmem>>) target_semaphore(%arg9 : memref<!tpu.dma_semaphore, #tpu.memory_space<semaphore_mem>>)
    %dma_wait3A_1147 = arith.constant 0 : i32
    %dma_wait3A_1148 = tpu.memref_slice %arg2[%add3A_1118, %dma_wait3A_1147] : memref<32768x128xf32, #tpu.memory_space<hbm>> -> memref<128x128xf32, #tpu.memory_space<hbm>>
    %dma_wait3A_1149 = arith.constant 0 : i32
    %dma_wait3A_1150 = tpu.memref_slice %arg2[%add3A_1118, %dma_wait3A_1149] : memref<32768x128xf32, #tpu.memory_space<hbm>> -> memref<128x128xf32, #tpu.memory_space<hbm>>
    tpu.wait_dma2 semaphore(%arg8 : memref<!tpu.dma_semaphore, #tpu.memory_space<semaphore_mem>>) src(%dma_wait3A_1150 : memref<128x128xf32, #tpu.memory_space<hbm>>) dst(%arg6 : memref<128x128xf32, #tpu.memory_space<vmem>>)
    %dma_start3A_1151 = arith.constant 4 : i32
    %dma_start3A_1152 = arith.constant 0 : i32
    %dma_start3A_1153 = tpu.memref_slice %arg5[%dma_start3A_1151, %dma_start3A_1152] : memref<8x128xi32, #tpu.memory_space<vmem>> -> memref<1x128xi32, #tpu.memory_space<vmem>>
    %dma_start3A_1154 = tpu.memref_squeeze %dma_start3A_1153 : memref<1x128xi32, #tpu.memory_space<vmem>> -> memref<128xi32, #tpu.memory_space<vmem>>
    %dma_start3A_1155 = arith.constant 0 : i32
    %dma_start3A_1156 = arith.constant 0 : i32
    %dma_start3A_1157 = tpu.memref_slice %arg4[%dma_start3A_1155, %dma_start3A_1156] : memref<32768x128xf32, #tpu.memory_space<hbm>> -> memref<32768x128xf32, #tpu.memory_space<hbm>>
    tpu.enqueue_indirect_dma source(%arg6 : memref<128x128xf32, #tpu.memory_space<vmem>>) target(%dma_start3A_1157 : memref<32768x128xf32, #tpu.memory_space<hbm>>) offsets(%dma_start3A_1154 : memref<128xi32, #tpu.memory_space<vmem>>) semaphore(%arg8 : memref<!tpu.dma_semaphore, #tpu.memory_space<semaphore_mem>>)
    %dma_wait3A_1158 = arith.constant 4 : i32
    %dma_wait3A_1159 = arith.constant 0 : i32
    %dma_wait3A_1160 = tpu.memref_slice %arg5[%dma_wait3A_1158, %dma_wait3A_1159] : memref<8x128xi32, #tpu.memory_space<vmem>> -> memref<1x128xi32, #tpu.memory_space<vmem>>
    %dma_wait3A_1161 = tpu.memref_squeeze %dma_wait3A_1160 : memref<1x128xi32, #tpu.memory_space<vmem>> -> memref<128xi32, #tpu.memory_space<vmem>>
    %dma_wait3A_1162 = arith.constant 0 : i32
    %dma_wait3A_1163 = arith.constant 0 : i32
    %dma_wait3A_1164 = tpu.memref_slice %arg4[%dma_wait3A_1162, %dma_wait3A_1163] : memref<32768x128xf32, #tpu.memory_space<hbm>> -> memref<32768x128xf32, #tpu.memory_space<hbm>>
    tpu.wait_indirect_dma semaphore(%arg8 : memref<!tpu.dma_semaphore, #tpu.memory_space<semaphore_mem>>) src(%arg6 : memref<128x128xf32, #tpu.memory_space<vmem>>) dst(%dma_wait3A_1164 : memref<32768x128xf32, #tpu.memory_space<hbm>>)
    %add3A_1165 = arith.constant 768 : i32
    %add3A_1166 = arith.addi %mul3A_2, %add3A_1165 : i32
    %dma_start3A_1167 = arith.constant 0 : i32
    %dma_start3A_1168 = tpu.memref_slice %arg2[%add3A_1166, %dma_start3A_1167] : memref<32768x128xf32, #tpu.memory_space<hbm>> -> memref<128x128xf32, #tpu.memory_space<hbm>>
    %dma_start3A_1169 = arith.constant 0 : i32
    %dma_start3A_1170 = tpu.memref_slice %arg2[%add3A_1166, %dma_start3A_1169] : memref<32768x128xf32, #tpu.memory_space<hbm>> -> memref<128x128xf32, #tpu.memory_space<hbm>>
    tpu.enqueue_dma source(%dma_start3A_1170 : memref<128x128xf32, #tpu.memory_space<hbm>>) target(%arg6 : memref<128x128xf32, #tpu.memory_space<vmem>>) target_semaphore(%arg8 : memref<!tpu.dma_semaphore, #tpu.memory_space<semaphore_mem>>)
    %dma_wait3A_1171 = arith.constant 0 : i32
    %dma_wait3A_1172 = tpu.memref_slice %arg2[%add3A_1142, %dma_wait3A_1171] : memref<32768x128xf32, #tpu.memory_space<hbm>> -> memref<128x128xf32, #tpu.memory_space<hbm>>
    %dma_wait3A_1173 = arith.constant 0 : i32
    %dma_wait3A_1174 = tpu.memref_slice %arg2[%add3A_1142, %dma_wait3A_1173] : memref<32768x128xf32, #tpu.memory_space<hbm>> -> memref<128x128xf32, #tpu.memory_space<hbm>>
    tpu.wait_dma2 semaphore(%arg9 : memref<!tpu.dma_semaphore, #tpu.memory_space<semaphore_mem>>) src(%dma_wait3A_1174 : memref<128x128xf32, #tpu.memory_space<hbm>>) dst(%arg7 : memref<128x128xf32, #tpu.memory_space<vmem>>)
    %dma_start3A_1175 = arith.constant 5 : i32
    %dma_start3A_1176 = arith.constant 0 : i32
    %dma_start3A_1177 = tpu.memref_slice %arg5[%dma_start3A_1175, %dma_start3A_1176] : memref<8x128xi32, #tpu.memory_space<vmem>> -> memref<1x128xi32, #tpu.memory_space<vmem>>
    %dma_start3A_1178 = tpu.memref_squeeze %dma_start3A_1177 : memref<1x128xi32, #tpu.memory_space<vmem>> -> memref<128xi32, #tpu.memory_space<vmem>>
    %dma_start3A_1179 = arith.constant 0 : i32
    %dma_start3A_1180 = arith.constant 0 : i32
    %dma_start3A_1181 = tpu.memref_slice %arg4[%dma_start3A_1179, %dma_start3A_1180] : memref<32768x128xf32, #tpu.memory_space<hbm>> -> memref<32768x128xf32, #tpu.memory_space<hbm>>
    tpu.enqueue_indirect_dma source(%arg7 : memref<128x128xf32, #tpu.memory_space<vmem>>) target(%dma_start3A_1181 : memref<32768x128xf32, #tpu.memory_space<hbm>>) offsets(%dma_start3A_1178 : memref<128xi32, #tpu.memory_space<vmem>>) semaphore(%arg9 : memref<!tpu.dma_semaphore, #tpu.memory_space<semaphore_mem>>)
    %dma_wait3A_1182 = arith.constant 5 : i32
    %dma_wait3A_1183 = arith.constant 0 : i32
    %dma_wait3A_1184 = tpu.memref_slice %arg5[%dma_wait3A_1182, %dma_wait3A_1183] : memref<8x128xi32, #tpu.memory_space<vmem>> -> memref<1x128xi32, #tpu.memory_space<vmem>>
    %dma_wait3A_1185 = tpu.memref_squeeze %dma_wait3A_1184 : memref<1x128xi32, #tpu.memory_space<vmem>> -> memref<128xi32, #tpu.memory_space<vmem>>
    %dma_wait3A_1186 = arith.constant 0 : i32
    %dma_wait3A_1187 = arith.constant 0 : i32
    %dma_wait3A_1188 = tpu.memref_slice %arg4[%dma_wait3A_1186, %dma_wait3A_1187] : memref<32768x128xf32, #tpu.memory_space<hbm>> -> memref<32768x128xf32, #tpu.memory_space<hbm>>
    tpu.wait_indirect_dma semaphore(%arg9 : memref<!tpu.dma_semaphore, #tpu.memory_space<semaphore_mem>>) src(%arg7 : memref<128x128xf32, #tpu.memory_space<vmem>>) dst(%dma_wait3A_1188 : memref<32768x128xf32, #tpu.memory_space<hbm>>)
    %add3A_1189 = arith.constant 896 : i32
    %add3A_1190 = arith.addi %mul3A_2, %add3A_1189 : i32
    %dma_start3A_1191 = arith.constant 0 : i32
    %dma_start3A_1192 = tpu.memref_slice %arg2[%add3A_1190, %dma_start3A_1191] : memref<32768x128xf32, #tpu.memory_space<hbm>> -> memref<128x128xf32, #tpu.memory_space<hbm>>
    %dma_start3A_1193 = arith.constant 0 : i32
    %dma_start3A_1194 = tpu.memref_slice %arg2[%add3A_1190, %dma_start3A_1193] : memref<32768x128xf32, #tpu.memory_space<hbm>> -> memref<128x128xf32, #tpu.memory_space<hbm>>
    tpu.enqueue_dma source(%dma_start3A_1194 : memref<128x128xf32, #tpu.memory_space<hbm>>) target(%arg7 : memref<128x128xf32, #tpu.memory_space<vmem>>) target_semaphore(%arg9 : memref<!tpu.dma_semaphore, #tpu.memory_space<semaphore_mem>>)
    %dma_wait3A_1195 = arith.constant 0 : i32
    %dma_wait3A_1196 = tpu.memref_slice %arg2[%add3A_1166, %dma_wait3A_1195] : memref<32768x128xf32, #tpu.memory_space<hbm>> -> memref<128x128xf32, #tpu.memory_space<hbm>>
    %dma_wait3A_1197 = arith.constant 0 : i32
    %dma_wait3A_1198 = tpu.memref_slice %arg2[%add3A_1166, %dma_wait3A_1197] : memref<32768x128xf32, #tpu.memory_space<hbm>> -> memref<128x128xf32, #tpu.memory_space<hbm>>
    tpu.wait_dma2 semaphore(%arg8 : memref<!tpu.dma_semaphore, #tpu.memory_space<semaphore_mem>>) src(%dma_wait3A_1198 : memref<128x128xf32, #tpu.memory_space<hbm>>) dst(%arg6 : memref<128x128xf32, #tpu.memory_space<vmem>>)
    %dma_start3A_1199 = arith.constant 6 : i32
    %dma_start3A_1200 = arith.constant 0 : i32
    %dma_start3A_1201 = tpu.memref_slice %arg5[%dma_start3A_1199, %dma_start3A_1200] : memref<8x128xi32, #tpu.memory_space<vmem>> -> memref<1x128xi32, #tpu.memory_space<vmem>>
    %dma_start3A_1202 = tpu.memref_squeeze %dma_start3A_1201 : memref<1x128xi32, #tpu.memory_space<vmem>> -> memref<128xi32, #tpu.memory_space<vmem>>
    %dma_start3A_1203 = arith.constant 0 : i32
    %dma_start3A_1204 = arith.constant 0 : i32
    %dma_start3A_1205 = tpu.memref_slice %arg4[%dma_start3A_1203, %dma_start3A_1204] : memref<32768x128xf32, #tpu.memory_space<hbm>> -> memref<32768x128xf32, #tpu.memory_space<hbm>>
    tpu.enqueue_indirect_dma source(%arg6 : memref<128x128xf32, #tpu.memory_space<vmem>>) target(%dma_start3A_1205 : memref<32768x128xf32, #tpu.memory_space<hbm>>) offsets(%dma_start3A_1202 : memref<128xi32, #tpu.memory_space<vmem>>) semaphore(%arg8 : memref<!tpu.dma_semaphore, #tpu.memory_space<semaphore_mem>>)
    %dma_wait3A_1206 = arith.constant 6 : i32
    %dma_wait3A_1207 = arith.constant 0 : i32
    %dma_wait3A_1208 = tpu.memref_slice %arg5[%dma_wait3A_1206, %dma_wait3A_1207] : memref<8x128xi32, #tpu.memory_space<vmem>> -> memref<1x128xi32, #tpu.memory_space<vmem>>
    %dma_wait3A_1209 = tpu.memref_squeeze %dma_wait3A_1208 : memref<1x128xi32, #tpu.memory_space<vmem>> -> memref<128xi32, #tpu.memory_space<vmem>>
    %dma_wait3A_1210 = arith.constant 0 : i32
    %dma_wait3A_1211 = arith.constant 0 : i32
    %dma_wait3A_1212 = tpu.memref_slice %arg4[%dma_wait3A_1210, %dma_wait3A_1211] : memref<32768x128xf32, #tpu.memory_space<hbm>> -> memref<32768x128xf32, #tpu.memory_space<hbm>>
    tpu.wait_indirect_dma semaphore(%arg8 : memref<!tpu.dma_semaphore, #tpu.memory_space<semaphore_mem>>) src(%arg6 : memref<128x128xf32, #tpu.memory_space<vmem>>) dst(%dma_wait3A_1212 : memref<32768x128xf32, #tpu.memory_space<hbm>>)
    %dma_wait3A_1213 = arith.constant 0 : i32
    %dma_wait3A_1214 = tpu.memref_slice %arg2[%add3A_1190, %dma_wait3A_1213] : memref<32768x128xf32, #tpu.memory_space<hbm>> -> memref<128x128xf32, #tpu.memory_space<hbm>>
    %dma_wait3A_1215 = arith.constant 0 : i32
    %dma_wait3A_1216 = tpu.memref_slice %arg2[%add3A_1190, %dma_wait3A_1215] : memref<32768x128xf32, #tpu.memory_space<hbm>> -> memref<128x128xf32, #tpu.memory_space<hbm>>
    tpu.wait_dma2 semaphore(%arg9 : memref<!tpu.dma_semaphore, #tpu.memory_space<semaphore_mem>>) src(%dma_wait3A_1216 : memref<128x128xf32, #tpu.memory_space<hbm>>) dst(%arg7 : memref<128x128xf32, #tpu.memory_space<vmem>>)
    %dma_start3A_1217 = arith.constant 7 : i32
    %dma_start3A_1218 = arith.constant 0 : i32
    %dma_start3A_1219 = tpu.memref_slice %arg5[%dma_start3A_1217, %dma_start3A_1218] : memref<8x128xi32, #tpu.memory_space<vmem>> -> memref<1x128xi32, #tpu.memory_space<vmem>>
    %dma_start3A_1220 = tpu.memref_squeeze %dma_start3A_1219 : memref<1x128xi32, #tpu.memory_space<vmem>> -> memref<128xi32, #tpu.memory_space<vmem>>
    %dma_start3A_1221 = arith.constant 0 : i32
    %dma_start3A_1222 = arith.constant 0 : i32
    %dma_start3A_1223 = tpu.memref_slice %arg4[%dma_start3A_1221, %dma_start3A_1222] : memref<32768x128xf32, #tpu.memory_space<hbm>> -> memref<32768x128xf32, #tpu.memory_space<hbm>>
    tpu.enqueue_indirect_dma source(%arg7 : memref<128x128xf32, #tpu.memory_space<vmem>>) target(%dma_start3A_1223 : memref<32768x128xf32, #tpu.memory_space<hbm>>) offsets(%dma_start3A_1220 : memref<128xi32, #tpu.memory_space<vmem>>) semaphore(%arg9 : memref<!tpu.dma_semaphore, #tpu.memory_space<semaphore_mem>>)
    %dma_wait3A_1224 = arith.constant 7 : i32
    %dma_wait3A_1225 = arith.constant 0 : i32
    %dma_wait3A_1226 = tpu.memref_slice %arg5[%dma_wait3A_1224, %dma_wait3A_1225] : memref<8x128xi32, #tpu.memory_space<vmem>> -> memref<1x128xi32, #tpu.memory_space<vmem>>
    %dma_wait3A_1227 = tpu.memref_squeeze %dma_wait3A_1226 : memref<1x128xi32, #tpu.memory_space<vmem>> -> memref<128xi32, #tpu.memory_space<vmem>>
    %dma_wait3A_1228 = arith.constant 0 : i32
    %dma_wait3A_1229 = arith.constant 0 : i32
    %dma_wait3A_1230 = tpu.memref_slice %arg4[%dma_wait3A_1228, %dma_wait3A_1229] : memref<32768x128xf32, #tpu.memory_space<hbm>> -> memref<32768x128xf32, #tpu.memory_space<hbm>>
    tpu.wait_indirect_dma semaphore(%arg9 : memref<!tpu.dma_semaphore, #tpu.memory_space<semaphore_mem>>) src(%arg7 : memref<128x128xf32, #tpu.memory_space<vmem>>) dst(%dma_wait3A_1230 : memref<32768x128xf32, #tpu.memory_space<hbm>>)
    return
  }
}

module attributes {stable_mosaic.version = 14 : i64} {
  func.func @_qkv_body(%arg0: i32, %arg1: memref<256x1024xf32, #tpu.memory_space<vmem>>, %arg2: memref<1024x3072xf32, #tpu.memory_space<vmem>>, %arg3: memref<256x4096xf32, #tpu.memory_space<vmem>>, %arg4: memref<1024x4096xbf16, #tpu.memory_space<vmem>>) attributes {dimension_semantics = [#tpu.dimension_semantics<arbitrary>], iteration_bounds = array<i64: 8>, scalar_prefetch = 0 : i64, scratch_operands = 1 : i64, tpu.core_type = #tpu.core_type<tc>, window_params = [{transform_indices = @transform_0, window_bounds = array<i64: 256, 1024>}, {pipeline_mode = #tpu.pipeline_mode<synchronous>, transform_indices = @transform_1, window_bounds = array<i64: 1024, 3072>}, {transform_indices = @transform_2, window_bounds = array<i64: 256, 4096>}]} {
    %eq3A = arith.constant 0 : i32
    %eq3A_0 = arith.cmpi eq, %arg0, %eq3A : i32
    %convert_element_type3A = arith.extui %eq3A_0 : i1 to i32
    %cond3A = arith.constant 0 : i32
    %cond3A_1 = arith.cmpi ne, %convert_element_type3A, %cond3A : i32
    scf.if %cond3A_1 {
      %get3A_36 = arith.constant 0 : index
      %get3A_37 = arith.constant 0 : index
      %get3A_38 = vector.load %arg2[%get3A_36, %get3A_37] : memref<1024x3072xf32, #tpu.memory_space<vmem>>, vector<1024x64xf32>
      %convert_element_type3A_39 = arith.truncf %get3A_38 : vector<1024x64xf32> to vector<1024x64xbf16>
      %swap3A_40 = arith.constant 0 : index
      %swap3A_41 = arith.constant 0 : index
      %swap3A_42 = vector.load %arg4[%swap3A_40, %swap3A_41] : memref<1024x4096xbf16, #tpu.memory_space<vmem>>, vector<1024x64xbf16>
      tpu.vector_store %arg4[%swap3A_40, %swap3A_41], %convert_element_type3A_39 {strides = array<i32>} : memref<1024x4096xbf16, #tpu.memory_space<vmem>>, vector<1024x64xbf16>,
      %get3A_43 = arith.constant 0 : index
      %get3A_44 = arith.constant 1024 : index
      %get3A_45 = vector.load %arg2[%get3A_43, %get3A_44] : memref<1024x3072xf32, #tpu.memory_space<vmem>>, vector<1024x64xf32>
      %convert_element_type3A_46 = arith.truncf %get3A_45 : vector<1024x64xf32> to vector<1024x64xbf16>
      %swap3A_47 = arith.constant 0 : index
      %swap3A_48 = arith.constant 64 : index
      %swap3A_49 = vector.load %arg4[%swap3A_47, %swap3A_48] : memref<1024x4096xbf16, #tpu.memory_space<vmem>>, vector<1024x64xbf16>
      tpu.vector_store %arg4[%swap3A_47, %swap3A_48], %convert_element_type3A_46 {strides = array<i32>} : memref<1024x4096xbf16, #tpu.memory_space<vmem>>, vector<1024x64xbf16>,
      %get3A_50 = arith.constant 0 : index
      %get3A_51 = arith.constant 2048 : index
      %get3A_52 = vector.load %arg2[%get3A_50, %get3A_51] : memref<1024x3072xf32, #tpu.memory_space<vmem>>, vector<1024x64xf32>
      %convert_element_type3A_53 = arith.truncf %get3A_52 : vector<1024x64xf32> to vector<1024x64xbf16>
      %swap3A_54 = arith.constant 0 : index
      %swap3A_55 = arith.constant 128 : index
      %swap3A_56 = vector.load %arg4[%swap3A_54, %swap3A_55] : memref<1024x4096xbf16, #tpu.memory_space<vmem>>, vector<1024x64xbf16>
      tpu.vector_store %arg4[%swap3A_54, %swap3A_55], %convert_element_type3A_53 {strides = array<i32>} : memref<1024x4096xbf16, #tpu.memory_space<vmem>>, vector<1024x64xbf16>,
      %broadcast_in_dim3A_57 = arith.constant 0.000000e+00 : bf16
      %broadcast_in_dim3A_58 = vector.broadcast %broadcast_in_dim3A_57 : bf16 to vector<1024x64xbf16>
      %swap3A_59 = arith.constant 0 : index
      %swap3A_60 = arith.constant 192 : index
      %swap3A_61 = vector.load %arg4[%swap3A_59, %swap3A_60] : memref<1024x4096xbf16, #tpu.memory_space<vmem>>, vector<1024x64xbf16>
      tpu.vector_store %arg4[%swap3A_59, %swap3A_60], %broadcast_in_dim3A_58 {strides = array<i32>} : memref<1024x4096xbf16, #tpu.memory_space<vmem>>, vector<1024x64xbf16>,
      %get3A_62 = arith.constant 0 : index
      %get3A_63 = arith.constant 64 : index
      %get3A_64 = vector.load %arg2[%get3A_62, %get3A_63] : memref<1024x3072xf32, #tpu.memory_space<vmem>>, vector<1024x64xf32>
      %convert_element_type3A_65 = arith.truncf %get3A_64 : vector<1024x64xf32> to vector<1024x64xbf16>
      %swap3A_66 = arith.constant 0 : index
      %swap3A_67 = arith.constant 256 : index
      %swap3A_68 = vector.load %arg4[%swap3A_66, %swap3A_67] : memref<1024x4096xbf16, #tpu.memory_space<vmem>>, vector<1024x64xbf16>
      tpu.vector_store %arg4[%swap3A_66, %swap3A_67], %convert_element_type3A_65 {strides = array<i32>} : memref<1024x4096xbf16, #tpu.memory_space<vmem>>, vector<1024x64xbf16>,
      %get3A_69 = arith.constant 0 : index
      %get3A_70 = arith.constant 1088 : index
      %get3A_71 = vector.load %arg2[%get3A_69, %get3A_70] : memref<1024x3072xf32, #tpu.memory_space<vmem>>, vector<1024x64xf32>
      %convert_element_type3A_72 = arith.truncf %get3A_71 : vector<1024x64xf32> to vector<1024x64xbf16>
      %swap3A_73 = arith.constant 0 : index
      %swap3A_74 = arith.constant 320 : index
      %swap3A_75 = vector.load %arg4[%swap3A_73, %swap3A_74] : memref<1024x4096xbf16, #tpu.memory_space<vmem>>, vector<1024x64xbf16>
      tpu.vector_store %arg4[%swap3A_73, %swap3A_74], %convert_element_type3A_72 {strides = array<i32>} : memref<1024x4096xbf16, #tpu.memory_space<vmem>>, vector<1024x64xbf16>,
      %get3A_76 = arith.constant 0 : index
      %get3A_77 = arith.constant 2112 : index
      %get3A_78 = vector.load %arg2[%get3A_76, %get3A_77] : memref<1024x3072xf32, #tpu.memory_space<vmem>>, vector<1024x64xf32>
      %convert_element_type3A_79 = arith.truncf %get3A_78 : vector<1024x64xf32> to vector<1024x64xbf16>
      %swap3A_80 = arith.constant 0 : index
      %swap3A_81 = arith.constant 384 : index
      %swap3A_82 = vector.load %arg4[%swap3A_80, %swap3A_81] : memref<1024x4096xbf16, #tpu.memory_space<vmem>>, vector<1024x64xbf16>
      tpu.vector_store %arg4[%swap3A_80, %swap3A_81], %convert_element_type3A_79 {strides = array<i32>} : memref<1024x4096xbf16, #tpu.memory_space<vmem>>, vector<1024x64xbf16>,
      %broadcast_in_dim3A_83 = arith.constant 0.000000e+00 : bf16
      %broadcast_in_dim3A_84 = vector.broadcast %broadcast_in_dim3A_83 : bf16 to vector<1024x64xbf16>
      %swap3A_85 = arith.constant 0 : index
      %swap3A_86 = arith.constant 448 : index
      %swap3A_87 = vector.load %arg4[%swap3A_85, %swap3A_86] : memref<1024x4096xbf16, #tpu.memory_space<vmem>>, vector<1024x64xbf16>
      tpu.vector_store %arg4[%swap3A_85, %swap3A_86], %broadcast_in_dim3A_84 {strides = array<i32>} : memref<1024x4096xbf16, #tpu.memory_space<vmem>>, vector<1024x64xbf16>,
      %get3A_88 = arith.constant 0 : index
      %get3A_89 = arith.constant 128 : index
      %get3A_90 = vector.load %arg2[%get3A_88, %get3A_89] : memref<1024x3072xf32, #tpu.memory_space<vmem>>, vector<1024x64xf32>
      %convert_element_type3A_91 = arith.truncf %get3A_90 : vector<1024x64xf32> to vector<1024x64xbf16>
      %swap3A_92 = arith.constant 0 : index
      %swap3A_93 = arith.constant 512 : index
      %swap3A_94 = vector.load %arg4[%swap3A_92, %swap3A_93] : memref<1024x4096xbf16, #tpu.memory_space<vmem>>, vector<1024x64xbf16>
      tpu.vector_store %arg4[%swap3A_92, %swap3A_93], %convert_element_type3A_91 {strides = array<i32>} : memref<1024x4096xbf16, #tpu.memory_space<vmem>>, vector<1024x64xbf16>,
      %get3A_95 = arith.constant 0 : index
      %get3A_96 = arith.constant 1152 : index
      %get3A_97 = vector.load %arg2[%get3A_95, %get3A_96] : memref<1024x3072xf32, #tpu.memory_space<vmem>>, vector<1024x64xf32>
      %convert_element_type3A_98 = arith.truncf %get3A_97 : vector<1024x64xf32> to vector<1024x64xbf16>
      %swap3A_99 = arith.constant 0 : index
      %swap3A_100 = arith.constant 576 : index
      %swap3A_101 = vector.load %arg4[%swap3A_99, %swap3A_100] : memref<1024x4096xbf16, #tpu.memory_space<vmem>>, vector<1024x64xbf16>
      tpu.vector_store %arg4[%swap3A_99, %swap3A_100], %convert_element_type3A_98 {strides = array<i32>} : memref<1024x4096xbf16, #tpu.memory_space<vmem>>, vector<1024x64xbf16>,
      %get3A_102 = arith.constant 0 : index
      %get3A_103 = arith.constant 2176 : index
      %get3A_104 = vector.load %arg2[%get3A_102, %get3A_103] : memref<1024x3072xf32, #tpu.memory_space<vmem>>, vector<1024x64xf32>
      %convert_element_type3A_105 = arith.truncf %get3A_104 : vector<1024x64xf32> to vector<1024x64xbf16>
      %swap3A_106 = arith.constant 0 : index
      %swap3A_107 = arith.constant 640 : index
      %swap3A_108 = vector.load %arg4[%swap3A_106, %swap3A_107] : memref<1024x4096xbf16, #tpu.memory_space<vmem>>, vector<1024x64xbf16>
      tpu.vector_store %arg4[%swap3A_106, %swap3A_107], %convert_element_type3A_105 {strides = array<i32>} : memref<1024x4096xbf16, #tpu.memory_space<vmem>>, vector<1024x64xbf16>,
      %broadcast_in_dim3A_109 = arith.constant 0.000000e+00 : bf16
      %broadcast_in_dim3A_110 = vector.broadcast %broadcast_in_dim3A_109 : bf16 to vector<1024x64xbf16>
      %swap3A_111 = arith.constant 0 : index
      %swap3A_112 = arith.constant 704 : index
      %swap3A_113 = vector.load %arg4[%swap3A_111, %swap3A_112] : memref<1024x4096xbf16, #tpu.memory_space<vmem>>, vector<1024x64xbf16>
      tpu.vector_store %arg4[%swap3A_111, %swap3A_112], %broadcast_in_dim3A_110 {strides = array<i32>} : memref<1024x4096xbf16, #tpu.memory_space<vmem>>, vector<1024x64xbf16>,
      %get3A_114 = arith.constant 0 : index
      %get3A_115 = arith.constant 192 : index
      %get3A_116 = vector.load %arg2[%get3A_114, %get3A_115] : memref<1024x3072xf32, #tpu.memory_space<vmem>>, vector<1024x64xf32>
      %convert_element_type3A_117 = arith.truncf %get3A_116 : vector<1024x64xf32> to vector<1024x64xbf16>
      %swap3A_118 = arith.constant 0 : index
      %swap3A_119 = arith.constant 768 : index
      %swap3A_120 = vector.load %arg4[%swap3A_118, %swap3A_119] : memref<1024x4096xbf16, #tpu.memory_space<vmem>>, vector<1024x64xbf16>
      tpu.vector_store %arg4[%swap3A_118, %swap3A_119], %convert_element_type3A_117 {strides = array<i32>} : memref<1024x4096xbf16, #tpu.memory_space<vmem>>, vector<1024x64xbf16>,
      %get3A_121 = arith.constant 0 : index
      %get3A_122 = arith.constant 1216 : index
      %get3A_123 = vector.load %arg2[%get3A_121, %get3A_122] : memref<1024x3072xf32, #tpu.memory_space<vmem>>, vector<1024x64xf32>
      %convert_element_type3A_124 = arith.truncf %get3A_123 : vector<1024x64xf32> to vector<1024x64xbf16>
      %swap3A_125 = arith.constant 0 : index
      %swap3A_126 = arith.constant 832 : index
      %swap3A_127 = vector.load %arg4[%swap3A_125, %swap3A_126] : memref<1024x4096xbf16, #tpu.memory_space<vmem>>, vector<1024x64xbf16>
      tpu.vector_store %arg4[%swap3A_125, %swap3A_126], %convert_element_type3A_124 {strides = array<i32>} : memref<1024x4096xbf16, #tpu.memory_space<vmem>>, vector<1024x64xbf16>,
      %get3A_128 = arith.constant 0 : index
      %get3A_129 = arith.constant 2240 : index
      %get3A_130 = vector.load %arg2[%get3A_128, %get3A_129] : memref<1024x3072xf32, #tpu.memory_space<vmem>>, vector<1024x64xf32>
      %convert_element_type3A_131 = arith.truncf %get3A_130 : vector<1024x64xf32> to vector<1024x64xbf16>
      %swap3A_132 = arith.constant 0 : index
      %swap3A_133 = arith.constant 896 : index
      %swap3A_134 = vector.load %arg4[%swap3A_132, %swap3A_133] : memref<1024x4096xbf16, #tpu.memory_space<vmem>>, vector<1024x64xbf16>
      tpu.vector_store %arg4[%swap3A_132, %swap3A_133], %convert_element_type3A_131 {strides = array<i32>} : memref<1024x4096xbf16, #tpu.memory_space<vmem>>, vector<1024x64xbf16>,
      %broadcast_in_dim3A_135 = arith.constant 0.000000e+00 : bf16
      %broadcast_in_dim3A_136 = vector.broadcast %broadcast_in_dim3A_135 : bf16 to vector<1024x64xbf16>
      %swap3A_137 = arith.constant 0 : index
      %swap3A_138 = arith.constant 960 : index
      %swap3A_139 = vector.load %arg4[%swap3A_137, %swap3A_138] : memref<1024x4096xbf16, #tpu.memory_space<vmem>>, vector<1024x64xbf16>
      tpu.vector_store %arg4[%swap3A_137, %swap3A_138], %broadcast_in_dim3A_136 {strides = array<i32>} : memref<1024x4096xbf16, #tpu.memory_space<vmem>>, vector<1024x64xbf16>,
      %get3A_140 = arith.constant 0 : index
      %get3A_141 = arith.constant 256 : index
      %get3A_142 = vector.load %arg2[%get3A_140, %get3A_141] : memref<1024x3072xf32, #tpu.memory_space<vmem>>, vector<1024x64xf32>
      %convert_element_type3A_143 = arith.truncf %get3A_142 : vector<1024x64xf32> to vector<1024x64xbf16>
      %swap3A_144 = arith.constant 0 : index
      %swap3A_145 = arith.constant 1024 : index
      %swap3A_146 = vector.load %arg4[%swap3A_144, %swap3A_145] : memref<1024x4096xbf16, #tpu.memory_space<vmem>>, vector<1024x64xbf16>
      tpu.vector_store %arg4[%swap3A_144, %swap3A_145], %convert_element_type3A_143 {strides = array<i32>} : memref<1024x4096xbf16, #tpu.memory_space<vmem>>, vector<1024x64xbf16>,
      %get3A_147 = arith.constant 0 : index
      %get3A_148 = arith.constant 1280 : index
      %get3A_149 = vector.load %arg2[%get3A_147, %get3A_148] : memref<1024x3072xf32, #tpu.memory_space<vmem>>, vector<1024x64xf32>
      %convert_element_type3A_150 = arith.truncf %get3A_149 : vector<1024x64xf32> to vector<1024x64xbf16>
      %swap3A_151 = arith.constant 0 : index
      %swap3A_152 = arith.constant 1088 : index
      %swap3A_153 = vector.load %arg4[%swap3A_151, %swap3A_152] : memref<1024x4096xbf16, #tpu.memory_space<vmem>>, vector<1024x64xbf16>
      tpu.vector_store %arg4[%swap3A_151, %swap3A_152], %convert_element_type3A_150 {strides = array<i32>} : memref<1024x4096xbf16, #tpu.memory_space<vmem>>, vector<1024x64xbf16>,
      %get3A_154 = arith.constant 0 : index
      %get3A_155 = arith.constant 2304 : index
      %get3A_156 = vector.load %arg2[%get3A_154, %get3A_155] : memref<1024x3072xf32, #tpu.memory_space<vmem>>, vector<1024x64xf32>
      %convert_element_type3A_157 = arith.truncf %get3A_156 : vector<1024x64xf32> to vector<1024x64xbf16>
      %swap3A_158 = arith.constant 0 : index
      %swap3A_159 = arith.constant 1152 : index
      %swap3A_160 = vector.load %arg4[%swap3A_158, %swap3A_159] : memref<1024x4096xbf16, #tpu.memory_space<vmem>>, vector<1024x64xbf16>
      tpu.vector_store %arg4[%swap3A_158, %swap3A_159], %convert_element_type3A_157 {strides = array<i32>} : memref<1024x4096xbf16, #tpu.memory_space<vmem>>, vector<1024x64xbf16>,
      %broadcast_in_dim3A_161 = arith.constant 0.000000e+00 : bf16
      %broadcast_in_dim3A_162 = vector.broadcast %broadcast_in_dim3A_161 : bf16 to vector<1024x64xbf16>
      %swap3A_163 = arith.constant 0 : index
      %swap3A_164 = arith.constant 1216 : index
      %swap3A_165 = vector.load %arg4[%swap3A_163, %swap3A_164] : memref<1024x4096xbf16, #tpu.memory_space<vmem>>, vector<1024x64xbf16>
      tpu.vector_store %arg4[%swap3A_163, %swap3A_164], %broadcast_in_dim3A_162 {strides = array<i32>} : memref<1024x4096xbf16, #tpu.memory_space<vmem>>, vector<1024x64xbf16>,
      %get3A_166 = arith.constant 0 : index
      %get3A_167 = arith.constant 320 : index
      %get3A_168 = vector.load %arg2[%get3A_166, %get3A_167] : memref<1024x3072xf32, #tpu.memory_space<vmem>>, vector<1024x64xf32>
      %convert_element_type3A_169 = arith.truncf %get3A_168 : vector<1024x64xf32> to vector<1024x64xbf16>
      %swap3A_170 = arith.constant 0 : index
      %swap3A_171 = arith.constant 1280 : index
      %swap3A_172 = vector.load %arg4[%swap3A_170, %swap3A_171] : memref<1024x4096xbf16, #tpu.memory_space<vmem>>, vector<1024x64xbf16>
      tpu.vector_store %arg4[%swap3A_170, %swap3A_171], %convert_element_type3A_169 {strides = array<i32>} : memref<1024x4096xbf16, #tpu.memory_space<vmem>>, vector<1024x64xbf16>,
      %get3A_173 = arith.constant 0 : index
      %get3A_174 = arith.constant 1344 : index
      %get3A_175 = vector.load %arg2[%get3A_173, %get3A_174] : memref<1024x3072xf32, #tpu.memory_space<vmem>>, vector<1024x64xf32>
      %convert_element_type3A_176 = arith.truncf %get3A_175 : vector<1024x64xf32> to vector<1024x64xbf16>
      %swap3A_177 = arith.constant 0 : index
      %swap3A_178 = arith.constant 1344 : index
      %swap3A_179 = vector.load %arg4[%swap3A_177, %swap3A_178] : memref<1024x4096xbf16, #tpu.memory_space<vmem>>, vector<1024x64xbf16>
      tpu.vector_store %arg4[%swap3A_177, %swap3A_178], %convert_element_type3A_176 {strides = array<i32>} : memref<1024x4096xbf16, #tpu.memory_space<vmem>>, vector<1024x64xbf16>,
      %get3A_180 = arith.constant 0 : index
      %get3A_181 = arith.constant 2368 : index
      %get3A_182 = vector.load %arg2[%get3A_180, %get3A_181] : memref<1024x3072xf32, #tpu.memory_space<vmem>>, vector<1024x64xf32>
      %convert_element_type3A_183 = arith.truncf %get3A_182 : vector<1024x64xf32> to vector<1024x64xbf16>
      %swap3A_184 = arith.constant 0 : index
      %swap3A_185 = arith.constant 1408 : index
      %swap3A_186 = vector.load %arg4[%swap3A_184, %swap3A_185] : memref<1024x4096xbf16, #tpu.memory_space<vmem>>, vector<1024x64xbf16>
      tpu.vector_store %arg4[%swap3A_184, %swap3A_185], %convert_element_type3A_183 {strides = array<i32>} : memref<1024x4096xbf16, #tpu.memory_space<vmem>>, vector<1024x64xbf16>,
      %broadcast_in_dim3A_187 = arith.constant 0.000000e+00 : bf16
      %broadcast_in_dim3A_188 = vector.broadcast %broadcast_in_dim3A_187 : bf16 to vector<1024x64xbf16>
      %swap3A_189 = arith.constant 0 : index
      %swap3A_190 = arith.constant 1472 : index
      %swap3A_191 = vector.load %arg4[%swap3A_189, %swap3A_190] : memref<1024x4096xbf16, #tpu.memory_space<vmem>>, vector<1024x64xbf16>
      tpu.vector_store %arg4[%swap3A_189, %swap3A_190], %broadcast_in_dim3A_188 {strides = array<i32>} : memref<1024x4096xbf16, #tpu.memory_space<vmem>>, vector<1024x64xbf16>,
      %get3A_192 = arith.constant 0 : index
      %get3A_193 = arith.constant 384 : index
      %get3A_194 = vector.load %arg2[%get3A_192, %get3A_193] : memref<1024x3072xf32, #tpu.memory_space<vmem>>, vector<1024x64xf32>
      %convert_element_type3A_195 = arith.truncf %get3A_194 : vector<1024x64xf32> to vector<1024x64xbf16>
      %swap3A_196 = arith.constant 0 : index
      %swap3A_197 = arith.constant 1536 : index
      %swap3A_198 = vector.load %arg4[%swap3A_196, %swap3A_197] : memref<1024x4096xbf16, #tpu.memory_space<vmem>>, vector<1024x64xbf16>
      tpu.vector_store %arg4[%swap3A_196, %swap3A_197], %convert_element_type3A_195 {strides = array<i32>} : memref<1024x4096xbf16, #tpu.memory_space<vmem>>, vector<1024x64xbf16>,
      %get3A_199 = arith.constant 0 : index
      %get3A_200 = arith.constant 1408 : index
      %get3A_201 = vector.load %arg2[%get3A_199, %get3A_200] : memref<1024x3072xf32, #tpu.memory_space<vmem>>, vector<1024x64xf32>
      %convert_element_type3A_202 = arith.truncf %get3A_201 : vector<1024x64xf32> to vector<1024x64xbf16>
      %swap3A_203 = arith.constant 0 : index
      %swap3A_204 = arith.constant 1600 : index
      %swap3A_205 = vector.load %arg4[%swap3A_203, %swap3A_204] : memref<1024x4096xbf16, #tpu.memory_space<vmem>>, vector<1024x64xbf16>
      tpu.vector_store %arg4[%swap3A_203, %swap3A_204], %convert_element_type3A_202 {strides = array<i32>} : memref<1024x4096xbf16, #tpu.memory_space<vmem>>, vector<1024x64xbf16>,
      %get3A_206 = arith.constant 0 : index
      %get3A_207 = arith.constant 2432 : index
      %get3A_208 = vector.load %arg2[%get3A_206, %get3A_207] : memref<1024x3072xf32, #tpu.memory_space<vmem>>, vector<1024x64xf32>
      %convert_element_type3A_209 = arith.truncf %get3A_208 : vector<1024x64xf32> to vector<1024x64xbf16>
      %swap3A_210 = arith.constant 0 : index
      %swap3A_211 = arith.constant 1664 : index
      %swap3A_212 = vector.load %arg4[%swap3A_210, %swap3A_211] : memref<1024x4096xbf16, #tpu.memory_space<vmem>>, vector<1024x64xbf16>
      tpu.vector_store %arg4[%swap3A_210, %swap3A_211], %convert_element_type3A_209 {strides = array<i32>} : memref<1024x4096xbf16, #tpu.memory_space<vmem>>, vector<1024x64xbf16>,
      %broadcast_in_dim3A_213 = arith.constant 0.000000e+00 : bf16
      %broadcast_in_dim3A_214 = vector.broadcast %broadcast_in_dim3A_213 : bf16 to vector<1024x64xbf16>
      %swap3A_215 = arith.constant 0 : index
      %swap3A_216 = arith.constant 1728 : index
      %swap3A_217 = vector.load %arg4[%swap3A_215, %swap3A_216] : memref<1024x4096xbf16, #tpu.memory_space<vmem>>, vector<1024x64xbf16>
      tpu.vector_store %arg4[%swap3A_215, %swap3A_216], %broadcast_in_dim3A_214 {strides = array<i32>} : memref<1024x4096xbf16, #tpu.memory_space<vmem>>, vector<1024x64xbf16>,
      %get3A_218 = arith.constant 0 : index
      %get3A_219 = arith.constant 448 : index
      %get3A_220 = vector.load %arg2[%get3A_218, %get3A_219] : memref<1024x3072xf32, #tpu.memory_space<vmem>>, vector<1024x64xf32>
      %convert_element_type3A_221 = arith.truncf %get3A_220 : vector<1024x64xf32> to vector<1024x64xbf16>
      %swap3A_222 = arith.constant 0 : index
      %swap3A_223 = arith.constant 1792 : index
      %swap3A_224 = vector.load %arg4[%swap3A_222, %swap3A_223] : memref<1024x4096xbf16, #tpu.memory_space<vmem>>, vector<1024x64xbf16>
      tpu.vector_store %arg4[%swap3A_222, %swap3A_223], %convert_element_type3A_221 {strides = array<i32>} : memref<1024x4096xbf16, #tpu.memory_space<vmem>>, vector<1024x64xbf16>,
      %get3A_225 = arith.constant 0 : index
      %get3A_226 = arith.constant 1472 : index
      %get3A_227 = vector.load %arg2[%get3A_225, %get3A_226] : memref<1024x3072xf32, #tpu.memory_space<vmem>>, vector<1024x64xf32>
      %convert_element_type3A_228 = arith.truncf %get3A_227 : vector<1024x64xf32> to vector<1024x64xbf16>
      %swap3A_229 = arith.constant 0 : index
      %swap3A_230 = arith.constant 1856 : index
      %swap3A_231 = vector.load %arg4[%swap3A_229, %swap3A_230] : memref<1024x4096xbf16, #tpu.memory_space<vmem>>, vector<1024x64xbf16>
      tpu.vector_store %arg4[%swap3A_229, %swap3A_230], %convert_element_type3A_228 {strides = array<i32>} : memref<1024x4096xbf16, #tpu.memory_space<vmem>>, vector<1024x64xbf16>,
      %get3A_232 = arith.constant 0 : index
      %get3A_233 = arith.constant 2496 : index
      %get3A_234 = vector.load %arg2[%get3A_232, %get3A_233] : memref<1024x3072xf32, #tpu.memory_space<vmem>>, vector<1024x64xf32>
      %convert_element_type3A_235 = arith.truncf %get3A_234 : vector<1024x64xf32> to vector<1024x64xbf16>
      %swap3A_236 = arith.constant 0 : index
      %swap3A_237 = arith.constant 1920 : index
      %swap3A_238 = vector.load %arg4[%swap3A_236, %swap3A_237] : memref<1024x4096xbf16, #tpu.memory_space<vmem>>, vector<1024x64xbf16>
      tpu.vector_store %arg4[%swap3A_236, %swap3A_237], %convert_element_type3A_235 {strides = array<i32>} : memref<1024x4096xbf16, #tpu.memory_space<vmem>>, vector<1024x64xbf16>,
      %broadcast_in_dim3A_239 = arith.constant 0.000000e+00 : bf16
      %broadcast_in_dim3A_240 = vector.broadcast %broadcast_in_dim3A_239 : bf16 to vector<1024x64xbf16>
      %swap3A_241 = arith.constant 0 : index
      %swap3A_242 = arith.constant 1984 : index
      %swap3A_243 = vector.load %arg4[%swap3A_241, %swap3A_242] : memref<1024x4096xbf16, #tpu.memory_space<vmem>>, vector<1024x64xbf16>
      tpu.vector_store %arg4[%swap3A_241, %swap3A_242], %broadcast_in_dim3A_240 {strides = array<i32>} : memref<1024x4096xbf16, #tpu.memory_space<vmem>>, vector<1024x64xbf16>,
      %get3A_244 = arith.constant 0 : index
      %get3A_245 = arith.constant 512 : index
      %get3A_246 = vector.load %arg2[%get3A_244, %get3A_245] : memref<1024x3072xf32, #tpu.memory_space<vmem>>, vector<1024x64xf32>
      %convert_element_type3A_247 = arith.truncf %get3A_246 : vector<1024x64xf32> to vector<1024x64xbf16>
      %swap3A_248 = arith.constant 0 : index
      %swap3A_249 = arith.constant 2048 : index
      %swap3A_250 = vector.load %arg4[%swap3A_248, %swap3A_249] : memref<1024x4096xbf16, #tpu.memory_space<vmem>>, vector<1024x64xbf16>
      tpu.vector_store %arg4[%swap3A_248, %swap3A_249], %convert_element_type3A_247 {strides = array<i32>} : memref<1024x4096xbf16, #tpu.memory_space<vmem>>, vector<1024x64xbf16>,
      %get3A_251 = arith.constant 0 : index
      %get3A_252 = arith.constant 1536 : index
      %get3A_253 = vector.load %arg2[%get3A_251, %get3A_252] : memref<1024x3072xf32, #tpu.memory_space<vmem>>, vector<1024x64xf32>
      %convert_element_type3A_254 = arith.truncf %get3A_253 : vector<1024x64xf32> to vector<1024x64xbf16>
      %swap3A_255 = arith.constant 0 : index
      %swap3A_256 = arith.constant 2112 : index
      %swap3A_257 = vector.load %arg4[%swap3A_255, %swap3A_256] : memref<1024x4096xbf16, #tpu.memory_space<vmem>>, vector<1024x64xbf16>
      tpu.vector_store %arg4[%swap3A_255, %swap3A_256], %convert_element_type3A_254 {strides = array<i32>} : memref<1024x4096xbf16, #tpu.memory_space<vmem>>, vector<1024x64xbf16>,
      %get3A_258 = arith.constant 0 : index
      %get3A_259 = arith.constant 2560 : index
      %get3A_260 = vector.load %arg2[%get3A_258, %get3A_259] : memref<1024x3072xf32, #tpu.memory_space<vmem>>, vector<1024x64xf32>
      %convert_element_type3A_261 = arith.truncf %get3A_260 : vector<1024x64xf32> to vector<1024x64xbf16>
      %swap3A_262 = arith.constant 0 : index
      %swap3A_263 = arith.constant 2176 : index
      %swap3A_264 = vector.load %arg4[%swap3A_262, %swap3A_263] : memref<1024x4096xbf16, #tpu.memory_space<vmem>>, vector<1024x64xbf16>
      tpu.vector_store %arg4[%swap3A_262, %swap3A_263], %convert_element_type3A_261 {strides = array<i32>} : memref<1024x4096xbf16, #tpu.memory_space<vmem>>, vector<1024x64xbf16>,
      %broadcast_in_dim3A_265 = arith.constant 0.000000e+00 : bf16
      %broadcast_in_dim3A_266 = vector.broadcast %broadcast_in_dim3A_265 : bf16 to vector<1024x64xbf16>
      %swap3A_267 = arith.constant 0 : index
      %swap3A_268 = arith.constant 2240 : index
      %swap3A_269 = vector.load %arg4[%swap3A_267, %swap3A_268] : memref<1024x4096xbf16, #tpu.memory_space<vmem>>, vector<1024x64xbf16>
      tpu.vector_store %arg4[%swap3A_267, %swap3A_268], %broadcast_in_dim3A_266 {strides = array<i32>} : memref<1024x4096xbf16, #tpu.memory_space<vmem>>, vector<1024x64xbf16>,
      %get3A_270 = arith.constant 0 : index
      %get3A_271 = arith.constant 576 : index
      %get3A_272 = vector.load %arg2[%get3A_270, %get3A_271] : memref<1024x3072xf32, #tpu.memory_space<vmem>>, vector<1024x64xf32>
      %convert_element_type3A_273 = arith.truncf %get3A_272 : vector<1024x64xf32> to vector<1024x64xbf16>
      %swap3A_274 = arith.constant 0 : index
      %swap3A_275 = arith.constant 2304 : index
      %swap3A_276 = vector.load %arg4[%swap3A_274, %swap3A_275] : memref<1024x4096xbf16, #tpu.memory_space<vmem>>, vector<1024x64xbf16>
      tpu.vector_store %arg4[%swap3A_274, %swap3A_275], %convert_element_type3A_273 {strides = array<i32>} : memref<1024x4096xbf16, #tpu.memory_space<vmem>>, vector<1024x64xbf16>,
      %get3A_277 = arith.constant 0 : index
      %get3A_278 = arith.constant 1600 : index
      %get3A_279 = vector.load %arg2[%get3A_277, %get3A_278] : memref<1024x3072xf32, #tpu.memory_space<vmem>>, vector<1024x64xf32>
      %convert_element_type3A_280 = arith.truncf %get3A_279 : vector<1024x64xf32> to vector<1024x64xbf16>
      %swap3A_281 = arith.constant 0 : index
      %swap3A_282 = arith.constant 2368 : index
      %swap3A_283 = vector.load %arg4[%swap3A_281, %swap3A_282] : memref<1024x4096xbf16, #tpu.memory_space<vmem>>, vector<1024x64xbf16>
      tpu.vector_store %arg4[%swap3A_281, %swap3A_282], %convert_element_type3A_280 {strides = array<i32>} : memref<1024x4096xbf16, #tpu.memory_space<vmem>>, vector<1024x64xbf16>,
      %get3A_284 = arith.constant 0 : index
      %get3A_285 = arith.constant 2624 : index
      %get3A_286 = vector.load %arg2[%get3A_284, %get3A_285] : memref<1024x3072xf32, #tpu.memory_space<vmem>>, vector<1024x64xf32>
      %convert_element_type3A_287 = arith.truncf %get3A_286 : vector<1024x64xf32> to vector<1024x64xbf16>
      %swap3A_288 = arith.constant 0 : index
      %swap3A_289 = arith.constant 2432 : index
      %swap3A_290 = vector.load %arg4[%swap3A_288, %swap3A_289] : memref<1024x4096xbf16, #tpu.memory_space<vmem>>, vector<1024x64xbf16>
      tpu.vector_store %arg4[%swap3A_288, %swap3A_289], %convert_element_type3A_287 {strides = array<i32>} : memref<1024x4096xbf16, #tpu.memory_space<vmem>>, vector<1024x64xbf16>,
      %broadcast_in_dim3A_291 = arith.constant 0.000000e+00 : bf16
      %broadcast_in_dim3A_292 = vector.broadcast %broadcast_in_dim3A_291 : bf16 to vector<1024x64xbf16>
      %swap3A_293 = arith.constant 0 : index
      %swap3A_294 = arith.constant 2496 : index
      %swap3A_295 = vector.load %arg4[%swap3A_293, %swap3A_294] : memref<1024x4096xbf16, #tpu.memory_space<vmem>>, vector<1024x64xbf16>
      tpu.vector_store %arg4[%swap3A_293, %swap3A_294], %broadcast_in_dim3A_292 {strides = array<i32>} : memref<1024x4096xbf16, #tpu.memory_space<vmem>>, vector<1024x64xbf16>,
      %get3A_296 = arith.constant 0 : index
      %get3A_297 = arith.constant 640 : index
      %get3A_298 = vector.load %arg2[%get3A_296, %get3A_297] : memref<1024x3072xf32, #tpu.memory_space<vmem>>, vector<1024x64xf32>
      %convert_element_type3A_299 = arith.truncf %get3A_298 : vector<1024x64xf32> to vector<1024x64xbf16>
      %swap3A_300 = arith.constant 0 : index
      %swap3A_301 = arith.constant 2560 : index
      %swap3A_302 = vector.load %arg4[%swap3A_300, %swap3A_301] : memref<1024x4096xbf16, #tpu.memory_space<vmem>>, vector<1024x64xbf16>
      tpu.vector_store %arg4[%swap3A_300, %swap3A_301], %convert_element_type3A_299 {strides = array<i32>} : memref<1024x4096xbf16, #tpu.memory_space<vmem>>, vector<1024x64xbf16>,
      %get3A_303 = arith.constant 0 : index
      %get3A_304 = arith.constant 1664 : index
      %get3A_305 = vector.load %arg2[%get3A_303, %get3A_304] : memref<1024x3072xf32, #tpu.memory_space<vmem>>, vector<1024x64xf32>
      %convert_element_type3A_306 = arith.truncf %get3A_305 : vector<1024x64xf32> to vector<1024x64xbf16>
      %swap3A_307 = arith.constant 0 : index
      %swap3A_308 = arith.constant 2624 : index
      %swap3A_309 = vector.load %arg4[%swap3A_307, %swap3A_308] : memref<1024x4096xbf16, #tpu.memory_space<vmem>>, vector<1024x64xbf16>
      tpu.vector_store %arg4[%swap3A_307, %swap3A_308], %convert_element_type3A_306 {strides = array<i32>} : memref<1024x4096xbf16, #tpu.memory_space<vmem>>, vector<1024x64xbf16>,
      %get3A_310 = arith.constant 0 : index
      %get3A_311 = arith.constant 2688 : index
      %get3A_312 = vector.load %arg2[%get3A_310, %get3A_311] : memref<1024x3072xf32, #tpu.memory_space<vmem>>, vector<1024x64xf32>
      %convert_element_type3A_313 = arith.truncf %get3A_312 : vector<1024x64xf32> to vector<1024x64xbf16>
      %swap3A_314 = arith.constant 0 : index
      %swap3A_315 = arith.constant 2688 : index
      %swap3A_316 = vector.load %arg4[%swap3A_314, %swap3A_315] : memref<1024x4096xbf16, #tpu.memory_space<vmem>>, vector<1024x64xbf16>
      tpu.vector_store %arg4[%swap3A_314, %swap3A_315], %convert_element_type3A_313 {strides = array<i32>} : memref<1024x4096xbf16, #tpu.memory_space<vmem>>, vector<1024x64xbf16>,
      %broadcast_in_dim3A_317 = arith.constant 0.000000e+00 : bf16
      %broadcast_in_dim3A_318 = vector.broadcast %broadcast_in_dim3A_317 : bf16 to vector<1024x64xbf16>
      %swap3A_319 = arith.constant 0 : index
      %swap3A_320 = arith.constant 2752 : index
      %swap3A_321 = vector.load %arg4[%swap3A_319, %swap3A_320] : memref<1024x4096xbf16, #tpu.memory_space<vmem>>, vector<1024x64xbf16>
      tpu.vector_store %arg4[%swap3A_319, %swap3A_320], %broadcast_in_dim3A_318 {strides = array<i32>} : memref<1024x4096xbf16, #tpu.memory_space<vmem>>, vector<1024x64xbf16>,
      %get3A_322 = arith.constant 0 : index
      %get3A_323 = arith.constant 704 : index
      %get3A_324 = vector.load %arg2[%get3A_322, %get3A_323] : memref<1024x3072xf32, #tpu.memory_space<vmem>>, vector<1024x64xf32>
      %convert_element_type3A_325 = arith.truncf %get3A_324 : vector<1024x64xf32> to vector<1024x64xbf16>
      %swap3A_326 = arith.constant 0 : index
      %swap3A_327 = arith.constant 2816 : index
      %swap3A_328 = vector.load %arg4[%swap3A_326, %swap3A_327] : memref<1024x4096xbf16, #tpu.memory_space<vmem>>, vector<1024x64xbf16>
      tpu.vector_store %arg4[%swap3A_326, %swap3A_327], %convert_element_type3A_325 {strides = array<i32>} : memref<1024x4096xbf16, #tpu.memory_space<vmem>>, vector<1024x64xbf16>,
      %get3A_329 = arith.constant 0 : index
      %get3A_330 = arith.constant 1728 : index
      %get3A_331 = vector.load %arg2[%get3A_329, %get3A_330] : memref<1024x3072xf32, #tpu.memory_space<vmem>>, vector<1024x64xf32>
      %convert_element_type3A_332 = arith.truncf %get3A_331 : vector<1024x64xf32> to vector<1024x64xbf16>
      %swap3A_333 = arith.constant 0 : index
      %swap3A_334 = arith.constant 2880 : index
      %swap3A_335 = vector.load %arg4[%swap3A_333, %swap3A_334] : memref<1024x4096xbf16, #tpu.memory_space<vmem>>, vector<1024x64xbf16>
      tpu.vector_store %arg4[%swap3A_333, %swap3A_334], %convert_element_type3A_332 {strides = array<i32>} : memref<1024x4096xbf16, #tpu.memory_space<vmem>>, vector<1024x64xbf16>,
      %get3A_336 = arith.constant 0 : index
      %get3A_337 = arith.constant 2752 : index
      %get3A_338 = vector.load %arg2[%get3A_336, %get3A_337] : memref<1024x3072xf32, #tpu.memory_space<vmem>>, vector<1024x64xf32>
      %convert_element_type3A_339 = arith.truncf %get3A_338 : vector<1024x64xf32> to vector<1024x64xbf16>
      %swap3A_340 = arith.constant 0 : index
      %swap3A_341 = arith.constant 2944 : index
      %swap3A_342 = vector.load %arg4[%swap3A_340, %swap3A_341] : memref<1024x4096xbf16, #tpu.memory_space<vmem>>, vector<1024x64xbf16>
      tpu.vector_store %arg4[%swap3A_340, %swap3A_341], %convert_element_type3A_339 {strides = array<i32>} : memref<1024x4096xbf16, #tpu.memory_space<vmem>>, vector<1024x64xbf16>,
      %broadcast_in_dim3A_343 = arith.constant 0.000000e+00 : bf16
      %broadcast_in_dim3A_344 = vector.broadcast %broadcast_in_dim3A_343 : bf16 to vector<1024x64xbf16>
      %swap3A_345 = arith.constant 0 : index
      %swap3A_346 = arith.constant 3008 : index
      %swap3A_347 = vector.load %arg4[%swap3A_345, %swap3A_346] : memref<1024x4096xbf16, #tpu.memory_space<vmem>>, vector<1024x64xbf16>
      tpu.vector_store %arg4[%swap3A_345, %swap3A_346], %broadcast_in_dim3A_344 {strides = array<i32>} : memref<1024x4096xbf16, #tpu.memory_space<vmem>>, vector<1024x64xbf16>,
      %get3A_348 = arith.constant 0 : index
      %get3A_349 = arith.constant 768 : index
      %get3A_350 = vector.load %arg2[%get3A_348, %get3A_349] : memref<1024x3072xf32, #tpu.memory_space<vmem>>, vector<1024x64xf32>
      %convert_element_type3A_351 = arith.truncf %get3A_350 : vector<1024x64xf32> to vector<1024x64xbf16>
      %swap3A_352 = arith.constant 0 : index
      %swap3A_353 = arith.constant 3072 : index
      %swap3A_354 = vector.load %arg4[%swap3A_352, %swap3A_353] : memref<1024x4096xbf16, #tpu.memory_space<vmem>>, vector<1024x64xbf16>
      tpu.vector_store %arg4[%swap3A_352, %swap3A_353], %convert_element_type3A_351 {strides = array<i32>} : memref<1024x4096xbf16, #tpu.memory_space<vmem>>, vector<1024x64xbf16>,
      %get3A_355 = arith.constant 0 : index
      %get3A_356 = arith.constant 1792 : index
      %get3A_357 = vector.load %arg2[%get3A_355, %get3A_356] : memref<1024x3072xf32, #tpu.memory_space<vmem>>, vector<1024x64xf32>
      %convert_element_type3A_358 = arith.truncf %get3A_357 : vector<1024x64xf32> to vector<1024x64xbf16>
      %swap3A_359 = arith.constant 0 : index
      %swap3A_360 = arith.constant 3136 : index
      %swap3A_361 = vector.load %arg4[%swap3A_359, %swap3A_360] : memref<1024x4096xbf16, #tpu.memory_space<vmem>>, vector<1024x64xbf16>
      tpu.vector_store %arg4[%swap3A_359, %swap3A_360], %convert_element_type3A_358 {strides = array<i32>} : memref<1024x4096xbf16, #tpu.memory_space<vmem>>, vector<1024x64xbf16>,
      %get3A_362 = arith.constant 0 : index
      %get3A_363 = arith.constant 2816 : index
      %get3A_364 = vector.load %arg2[%get3A_362, %get3A_363] : memref<1024x3072xf32, #tpu.memory_space<vmem>>, vector<1024x64xf32>
      %convert_element_type3A_365 = arith.truncf %get3A_364 : vector<1024x64xf32> to vector<1024x64xbf16>
      %swap3A_366 = arith.constant 0 : index
      %swap3A_367 = arith.constant 3200 : index
      %swap3A_368 = vector.load %arg4[%swap3A_366, %swap3A_367] : memref<1024x4096xbf16, #tpu.memory_space<vmem>>, vector<1024x64xbf16>
      tpu.vector_store %arg4[%swap3A_366, %swap3A_367], %convert_element_type3A_365 {strides = array<i32>} : memref<1024x4096xbf16, #tpu.memory_space<vmem>>, vector<1024x64xbf16>,
      %broadcast_in_dim3A_369 = arith.constant 0.000000e+00 : bf16
      %broadcast_in_dim3A_370 = vector.broadcast %broadcast_in_dim3A_369 : bf16 to vector<1024x64xbf16>
      %swap3A_371 = arith.constant 0 : index
      %swap3A_372 = arith.constant 3264 : index
      %swap3A_373 = vector.load %arg4[%swap3A_371, %swap3A_372] : memref<1024x4096xbf16, #tpu.memory_space<vmem>>, vector<1024x64xbf16>
      tpu.vector_store %arg4[%swap3A_371, %swap3A_372], %broadcast_in_dim3A_370 {strides = array<i32>} : memref<1024x4096xbf16, #tpu.memory_space<vmem>>, vector<1024x64xbf16>,
      %get3A_374 = arith.constant 0 : index
      %get3A_375 = arith.constant 832 : index
      %get3A_376 = vector.load %arg2[%get3A_374, %get3A_375] : memref<1024x3072xf32, #tpu.memory_space<vmem>>, vector<1024x64xf32>
      %convert_element_type3A_377 = arith.truncf %get3A_376 : vector<1024x64xf32> to vector<1024x64xbf16>
      %swap3A_378 = arith.constant 0 : index
      %swap3A_379 = arith.constant 3328 : index
      %swap3A_380 = vector.load %arg4[%swap3A_378, %swap3A_379] : memref<1024x4096xbf16, #tpu.memory_space<vmem>>, vector<1024x64xbf16>
      tpu.vector_store %arg4[%swap3A_378, %swap3A_379], %convert_element_type3A_377 {strides = array<i32>} : memref<1024x4096xbf16, #tpu.memory_space<vmem>>, vector<1024x64xbf16>,
      %get3A_381 = arith.constant 0 : index
      %get3A_382 = arith.constant 1856 : index
      %get3A_383 = vector.load %arg2[%get3A_381, %get3A_382] : memref<1024x3072xf32, #tpu.memory_space<vmem>>, vector<1024x64xf32>
      %convert_element_type3A_384 = arith.truncf %get3A_383 : vector<1024x64xf32> to vector<1024x64xbf16>
      %swap3A_385 = arith.constant 0 : index
      %swap3A_386 = arith.constant 3392 : index
      %swap3A_387 = vector.load %arg4[%swap3A_385, %swap3A_386] : memref<1024x4096xbf16, #tpu.memory_space<vmem>>, vector<1024x64xbf16>
      tpu.vector_store %arg4[%swap3A_385, %swap3A_386], %convert_element_type3A_384 {strides = array<i32>} : memref<1024x4096xbf16, #tpu.memory_space<vmem>>, vector<1024x64xbf16>,
      %get3A_388 = arith.constant 0 : index
      %get3A_389 = arith.constant 2880 : index
      %get3A_390 = vector.load %arg2[%get3A_388, %get3A_389] : memref<1024x3072xf32, #tpu.memory_space<vmem>>, vector<1024x64xf32>
      %convert_element_type3A_391 = arith.truncf %get3A_390 : vector<1024x64xf32> to vector<1024x64xbf16>
      %swap3A_392 = arith.constant 0 : index
      %swap3A_393 = arith.constant 3456 : index
      %swap3A_394 = vector.load %arg4[%swap3A_392, %swap3A_393] : memref<1024x4096xbf16, #tpu.memory_space<vmem>>, vector<1024x64xbf16>
      tpu.vector_store %arg4[%swap3A_392, %swap3A_393], %convert_element_type3A_391 {strides = array<i32>} : memref<1024x4096xbf16, #tpu.memory_space<vmem>>, vector<1024x64xbf16>,
      %broadcast_in_dim3A_395 = arith.constant 0.000000e+00 : bf16
      %broadcast_in_dim3A_396 = vector.broadcast %broadcast_in_dim3A_395 : bf16 to vector<1024x64xbf16>
      %swap3A_397 = arith.constant 0 : index
      %swap3A_398 = arith.constant 3520 : index
      %swap3A_399 = vector.load %arg4[%swap3A_397, %swap3A_398] : memref<1024x4096xbf16, #tpu.memory_space<vmem>>, vector<1024x64xbf16>
      tpu.vector_store %arg4[%swap3A_397, %swap3A_398], %broadcast_in_dim3A_396 {strides = array<i32>} : memref<1024x4096xbf16, #tpu.memory_space<vmem>>, vector<1024x64xbf16>,
      %get3A_400 = arith.constant 0 : index
      %get3A_401 = arith.constant 896 : index
      %get3A_402 = vector.load %arg2[%get3A_400, %get3A_401] : memref<1024x3072xf32, #tpu.memory_space<vmem>>, vector<1024x64xf32>
      %convert_element_type3A_403 = arith.truncf %get3A_402 : vector<1024x64xf32> to vector<1024x64xbf16>
      %swap3A_404 = arith.constant 0 : index
      %swap3A_405 = arith.constant 3584 : index
      %swap3A_406 = vector.load %arg4[%swap3A_404, %swap3A_405] : memref<1024x4096xbf16, #tpu.memory_space<vmem>>, vector<1024x64xbf16>
      tpu.vector_store %arg4[%swap3A_404, %swap3A_405], %convert_element_type3A_403 {strides = array<i32>} : memref<1024x4096xbf16, #tpu.memory_space<vmem>>, vector<1024x64xbf16>,
      %get3A_407 = arith.constant 0 : index
      %get3A_408 = arith.constant 1920 : index
      %get3A_409 = vector.load %arg2[%get3A_407, %get3A_408] : memref<1024x3072xf32, #tpu.memory_space<vmem>>, vector<1024x64xf32>
      %convert_element_type3A_410 = arith.truncf %get3A_409 : vector<1024x64xf32> to vector<1024x64xbf16>
      %swap3A_411 = arith.constant 0 : index
      %swap3A_412 = arith.constant 3648 : index
      %swap3A_413 = vector.load %arg4[%swap3A_411, %swap3A_412] : memref<1024x4096xbf16, #tpu.memory_space<vmem>>, vector<1024x64xbf16>
      tpu.vector_store %arg4[%swap3A_411, %swap3A_412], %convert_element_type3A_410 {strides = array<i32>} : memref<1024x4096xbf16, #tpu.memory_space<vmem>>, vector<1024x64xbf16>,
      %get3A_414 = arith.constant 0 : index
      %get3A_415 = arith.constant 2944 : index
      %get3A_416 = vector.load %arg2[%get3A_414, %get3A_415] : memref<1024x3072xf32, #tpu.memory_space<vmem>>, vector<1024x64xf32>
      %convert_element_type3A_417 = arith.truncf %get3A_416 : vector<1024x64xf32> to vector<1024x64xbf16>
      %swap3A_418 = arith.constant 0 : index
      %swap3A_419 = arith.constant 3712 : index
      %swap3A_420 = vector.load %arg4[%swap3A_418, %swap3A_419] : memref<1024x4096xbf16, #tpu.memory_space<vmem>>, vector<1024x64xbf16>
      tpu.vector_store %arg4[%swap3A_418, %swap3A_419], %convert_element_type3A_417 {strides = array<i32>} : memref<1024x4096xbf16, #tpu.memory_space<vmem>>, vector<1024x64xbf16>,
      %broadcast_in_dim3A_421 = arith.constant 0.000000e+00 : bf16
      %broadcast_in_dim3A_422 = vector.broadcast %broadcast_in_dim3A_421 : bf16 to vector<1024x64xbf16>
      %swap3A_423 = arith.constant 0 : index
      %swap3A_424 = arith.constant 3776 : index
      %swap3A_425 = vector.load %arg4[%swap3A_423, %swap3A_424] : memref<1024x4096xbf16, #tpu.memory_space<vmem>>, vector<1024x64xbf16>
      tpu.vector_store %arg4[%swap3A_423, %swap3A_424], %broadcast_in_dim3A_422 {strides = array<i32>} : memref<1024x4096xbf16, #tpu.memory_space<vmem>>, vector<1024x64xbf16>,
      %get3A_426 = arith.constant 0 : index
      %get3A_427 = arith.constant 960 : index
      %get3A_428 = vector.load %arg2[%get3A_426, %get3A_427] : memref<1024x3072xf32, #tpu.memory_space<vmem>>, vector<1024x64xf32>
      %convert_element_type3A_429 = arith.truncf %get3A_428 : vector<1024x64xf32> to vector<1024x64xbf16>
      %swap3A_430 = arith.constant 0 : index
      %swap3A_431 = arith.constant 3840 : index
      %swap3A_432 = vector.load %arg4[%swap3A_430, %swap3A_431] : memref<1024x4096xbf16, #tpu.memory_space<vmem>>, vector<1024x64xbf16>
      tpu.vector_store %arg4[%swap3A_430, %swap3A_431], %convert_element_type3A_429 {strides = array<i32>} : memref<1024x4096xbf16, #tpu.memory_space<vmem>>, vector<1024x64xbf16>,
      %get3A_433 = arith.constant 0 : index
      %get3A_434 = arith.constant 1984 : index
      %get3A_435 = vector.load %arg2[%get3A_433, %get3A_434] : memref<1024x3072xf32, #tpu.memory_space<vmem>>, vector<1024x64xf32>
      %convert_element_type3A_436 = arith.truncf %get3A_435 : vector<1024x64xf32> to vector<1024x64xbf16>
      %swap3A_437 = arith.constant 0 : index
      %swap3A_438 = arith.constant 3904 : index
      %swap3A_439 = vector.load %arg4[%swap3A_437, %swap3A_438] : memref<1024x4096xbf16, #tpu.memory_space<vmem>>, vector<1024x64xbf16>
      tpu.vector_store %arg4[%swap3A_437, %swap3A_438], %convert_element_type3A_436 {strides = array<i32>} : memref<1024x4096xbf16, #tpu.memory_space<vmem>>, vector<1024x64xbf16>,
      %get3A_440 = arith.constant 0 : index
      %get3A_441 = arith.constant 3008 : index
      %get3A_442 = vector.load %arg2[%get3A_440, %get3A_441] : memref<1024x3072xf32, #tpu.memory_space<vmem>>, vector<1024x64xf32>
      %convert_element_type3A_443 = arith.truncf %get3A_442 : vector<1024x64xf32> to vector<1024x64xbf16>
      %swap3A_444 = arith.constant 0 : index
      %swap3A_445 = arith.constant 3968 : index
      %swap3A_446 = vector.load %arg4[%swap3A_444, %swap3A_445] : memref<1024x4096xbf16, #tpu.memory_space<vmem>>, vector<1024x64xbf16>
      tpu.vector_store %arg4[%swap3A_444, %swap3A_445], %convert_element_type3A_443 {strides = array<i32>} : memref<1024x4096xbf16, #tpu.memory_space<vmem>>, vector<1024x64xbf16>,
      %broadcast_in_dim3A_447 = arith.constant 0.000000e+00 : bf16
      %broadcast_in_dim3A_448 = vector.broadcast %broadcast_in_dim3A_447 : bf16 to vector<1024x64xbf16>
      %swap3A_449 = arith.constant 0 : index
      %swap3A_450 = arith.constant 4032 : index
      %swap3A_451 = vector.load %arg4[%swap3A_449, %swap3A_450] : memref<1024x4096xbf16, #tpu.memory_space<vmem>>, vector<1024x64xbf16>
      tpu.vector_store %arg4[%swap3A_449, %swap3A_450], %broadcast_in_dim3A_448 {strides = array<i32>} : memref<1024x4096xbf16, #tpu.memory_space<vmem>>, vector<1024x64xbf16>,
    } else {
    }
    %get3A = arith.constant 0 : index
    %get3A_2 = arith.constant 0 : index
    %get3A_3 = vector.load %arg1[%get3A, %get3A_2] : memref<256x1024xf32, #tpu.memory_space<vmem>>, vector<256x1024xf32>
    %convert_element_type3A_4 = arith.truncf %get3A_3 : vector<256x1024xf32> to vector<256x1024xbf16>
    %get3A_5 = arith.constant 0 : index
    %get3A_6 = arith.constant 0 : index
    %get3A_7 = vector.load %arg4[%get3A_5, %get3A_6] : memref<1024x4096xbf16, #tpu.memory_space<vmem>>, vector<1024x4096xbf16>
    %dot_general3A = arith.constant dense<0.000000e+00> : vector<256x4096xf32>
    %dot_general3A_8 = tpu.matmul %convert_element_type3A_4, %get3A_7, %dot_general3A {dimension_numbers = #tpu.dot_dimension_numbers<[1], [0], [0], [1], [0, 0, 1, 1], [], []>, transpose_lhs_hint = false} : vector<256x1024xbf16>, vector<1024x4096xbf16>, vector<256x4096xf32> -> vector<256x4096xf32>
    %mul3A = arith.constant 256 : i32
    %mul3A_9 = arith.muli %arg0, %mul3A : i32
    %iota3A = tpu.iota {dimensions = array<i32: 0>} : vector<256x4096xi32>
    %add3A = vector.broadcast %mul3A_9 : i32 to vector<256x4096xi32>
    %add3A_10 = arith.addi %add3A, %iota3A : vector<256x4096xi32>
    %convert_element_type3A_11 = arith.sitofp %add3A_10 : vector<256x4096xi32> to vector<256x4096xf32>
    %iota3A_12 = tpu.iota {dimensions = array<i32: 1>} : vector<256x4096xi32>
    %jit3A = arith.constant 256 : i32
    %eq3A_13 = arith.constant 0 : i32
    %eq3A_14 = arith.cmpi eq, %jit3A, %eq3A_13 : i32
    %jit3A_15 = arith.constant 1 : i32
    %select_n3A = arith.select %eq3A_14, %jit3A_15, %jit3A : i32
    %rem3A = vector.broadcast %select_n3A : i32 to vector<256x4096xi32>
    %rem3A_16 = arith.remsi %iota3A_12, %rem3A : vector<256x4096xi32>
    %ne3A = arith.constant 0 : i32
    %ne3A_17 = vector.broadcast %ne3A : i32 to vector<256x4096xi32>
    %ne3A_18 = arith.cmpi ne, %rem3A_16, %ne3A_17 : vector<256x4096xi32>
    %lt3A = arith.constant 0 : i32
    %lt3A_19 = vector.broadcast %lt3A : i32 to vector<256x4096xi32>
    %lt3A_20 = arith.cmpi slt, %rem3A_16, %lt3A_19 : vector<256x4096xi32>
    %lt3A_21 = arith.constant 0 : i32
    %lt3A_22 = arith.cmpi slt, %select_n3A, %lt3A_21 : i32
    %ne3A_23 = vector.broadcast %lt3A_22 : i1 to vector<256x4096xi1>
    %ne3A_24 = vector.broadcast %ne3A_23 : vector<256x4096xi1> to vector<256x4096xi1>
    %ne3A_25 = arith.xori %lt3A_20, %ne3A_24 : vector<256x4096xi1>
    %and3A = arith.andi %ne3A_25, %ne3A_18 : vector<256x4096xi1>
    %add3A_26 = vector.broadcast %select_n3A : i32 to vector<256x4096xi32>
    %add3A_27 = arith.addi %rem3A_16, %add3A_26 : vector<256x4096xi32>
    %select_n3A_28 = arith.select %and3A, %add3A_27, %rem3A_16 : vector<256x4096xi1>, vector<256x4096xi32>
    %ge3A = arith.constant 192 : i32
    %ge3A_29 = vector.broadcast %ge3A : i32 to vector<256x4096xi32>
    %ge3A_30 = arith.cmpi sge, %select_n3A_28, %ge3A_29 : vector<256x4096xi32>
    %jit3A_31 = arith.constant 0.000000e+00 : f32
    %broadcast_in_dim3A = vector.broadcast %jit3A_31 : f32 to vector<256x4096xf32>
    %select_n3A_32 = arith.select %ge3A_30, %convert_element_type3A_11, %broadcast_in_dim3A : vector<256x4096xi1>, vector<256x4096xf32>
    %add3A_33 = arith.addf %dot_general3A_8, %select_n3A_32 : vector<256x4096xf32>
    %swap3A = arith.constant 0 : index
    %swap3A_34 = arith.constant 0 : index
    %swap3A_35 = vector.load %arg3[%swap3A, %swap3A_34] : memref<256x4096xf32, #tpu.memory_space<vmem>>, vector<256x4096xf32>
    tpu.vector_store %arg3[%swap3A, %swap3A_34], %add3A_33 {strides = array<i32>} : memref<256x4096xf32, #tpu.memory_space<vmem>>, vector<256x4096xf32>,
    return
  }
  func.func @transform_0(%arg0: i32) -> (i32, i32) {
    %c0_i32 = arith.constant 0 : i32
    %c0_i32_0 = arith.constant 0 : i32
    return %arg0, %c0_i32 : i32, i32
  }
  func.func @transform_1(%arg0: i32) -> (i32, i32) {
    %c0_i32 = arith.constant 0 : i32
    %c0_i32_0 = arith.constant 0 : i32
    %c0_i32_1 = arith.constant 0 : i32
    return %c0_i32, %c0_i32_0 : i32, i32
  }
  func.func @transform_2(%arg0: i32) -> (i32, i32) {
    %c0_i32 = arith.constant 0 : i32
    %c0_i32_0 = arith.constant 0 : i32
    return %arg0, %c0_i32 : i32, i32
  }
}

module attributes {stable_mosaic.version = 14 : i64} {
  func.func @_attn_body(%arg0: i32, %arg1: memref<1x2048x256xf32, #tpu.memory_space<vmem>>, %arg2: memref<768x320xf32, #tpu.memory_space<vmem>>, %arg3: memref<1x2048x128xf32, #tpu.memory_space<vmem>>) attributes {dimension_semantics = [#tpu.dimension_semantics<arbitrary>], iteration_bounds = array<i64: 16>, scalar_prefetch = 0 : i64, scratch_operands = 0 : i64, tpu.core_type = #tpu.core_type<tc>, window_params = [{transform_indices = @transform_0, window_bounds = array<i64: 1, 2048, 256>}, {pipeline_mode = #tpu.pipeline_mode<synchronous>, transform_indices = @transform_1, window_bounds = array<i64: 768, 320>}, {transform_indices = @transform_2, window_bounds = array<i64: 1, 2048, 128>}]} {
    %scan3A = arith.constant 0 : i32
    %scan3A_0 = arith.constant 4 : i32
    %scan3A_1 = arith.addi %scan3A, %scan3A_0 : i32
    %scan3A_2 = arith.constant 1 : i32
    scf.for %scan3A_4 = %scan3A to %scan3A_1 step %scan3A_2  : i32 {
      %mul3A = arith.constant 2 : i32
      %mul3A_5 = arith.muli %scan3A_4, %mul3A : i32
      %mul3A_6 = arith.constant 256 : i32
      %mul3A_7 = arith.muli %mul3A_5, %mul3A_6 : i32
      %multiple_of3A = tpu.assume_multiple %mul3A_7, 512 : i32
      %mul3A_8 = arith.constant 2 : i32
      %mul3A_9 = arith.muli %scan3A_4, %mul3A_8 : i32
      %eq3A = arith.constant 0 : i32
      %eq3A_10 = arith.cmpi eq, %mul3A_9, %eq3A : i32
      %jit3A = arith.constant 0 : i32
      %jit3A_11 = arith.constant 1 : i32
      %select_n3A = arith.select %eq3A_10, %jit3A, %jit3A_11 : i32
      %sub3A = arith.constant 32 : i32
      %sub3A_12 = arith.subi %multiple_of3A, %sub3A : i32
      %jit3A_13 = arith.constant 0 : i32
      %jit3A_14 = arith.constant 1728 : i32
      %max3A = arith.maxsi %jit3A_13, %sub3A_12 : i32
      %min3A = arith.minsi %jit3A_14, %max3A : i32
      %multiple_of3A_15 = tpu.assume_multiple %min3A, 32 : i32
      %get3A = arith.constant 0 : index
      %get3A_16 = arith.index_cast %multiple_of3A : i32 to index
      %get3A_17 = arith.constant 0 : index
      %get3A_18 = vector.load %arg1[%get3A, %get3A_16, %get3A_17] : memref<1x2048x256xf32, #tpu.memory_space<vmem>>, vector<1x256x64xf32>
      %get3A_19 = vector.shape_cast %get3A_18 : vector<1x256x64xf32> to vector<256x64xf32>
      %mul3A_20 = arith.constant 1.250000e-01 : f32
      %mul3A_21 = vector.broadcast %mul3A_20 : f32 to vector<256x64xf32>
      %mul3A_22 = arith.mulf %get3A_19, %mul3A_21 : vector<256x64xf32>
      %convert_element_type3A = arith.truncf %mul3A_22 : vector<256x64xf32> to vector<256x64xbf16>
      %get3A_23 = arith.constant 0 : index
      %get3A_24 = arith.index_cast %multiple_of3A : i32 to index
      %get3A_25 = arith.constant 192 : index
      %get3A_26 = vector.load %arg1[%get3A_23, %get3A_24, %get3A_25] : memref<1x2048x256xf32, #tpu.memory_space<vmem>>, vector<1x256x64xf32>
      %get3A_27 = vector.shape_cast %get3A_26 : vector<1x256x64xf32> to vector<256x64xf32>
      %reduce_min3A = arith.constant dense<0x7F800000> : vector<256xf32>
      %reduce_min3A_28 = vector.multi_reduction <minimumf>, %get3A_27, %reduce_min3A [1] : vector<256x64xf32> to vector<256xf32>
      %broadcast_in_dim3A = vector.shape_cast %reduce_min3A_28 : vector<256xf32> to vector<256x1xf32>
      %get3A_29 = arith.constant 0 : index
      %get3A_30 = arith.index_cast %multiple_of3A_15 : i32 to index
      %get3A_31 = arith.constant 64 : index
      %get3A_32 = vector.load %arg1[%get3A_29, %get3A_30, %get3A_31] : memref<1x2048x256xf32, #tpu.memory_space<vmem>>, vector<1x320x64xf32>
      %get3A_33 = vector.shape_cast %get3A_32 : vector<1x320x64xf32> to vector<320x64xf32>
      %convert_element_type3A_34 = arith.truncf %get3A_33 : vector<320x64xf32> to vector<320x64xbf16>
      %get3A_35 = arith.constant 0 : index
      %get3A_36 = arith.index_cast %multiple_of3A_15 : i32 to index
      %get3A_37 = arith.constant 128 : index
      %get3A_38 = vector.load %arg1[%get3A_35, %get3A_36, %get3A_37] : memref<1x2048x256xf32, #tpu.memory_space<vmem>>, vector<1x320x64xf32>
      %get3A_39 = vector.shape_cast %get3A_38 : vector<1x320x64xf32> to vector<320x64xf32>
      %convert_element_type3A_40 = arith.truncf %get3A_39 : vector<320x64xf32> to vector<320x64xbf16>
      %get3A_41 = arith.constant 0 : index
      %get3A_42 = arith.index_cast %multiple_of3A_15 : i32 to index
      %get3A_43 = arith.constant 192 : index
      %get3A_44 = vector.load %arg1[%get3A_41, %get3A_42, %get3A_43] : memref<1x2048x256xf32, #tpu.memory_space<vmem>>, vector<1x320x64xf32>
      %get3A_45 = vector.shape_cast %get3A_44 : vector<1x320x64xf32> to vector<320x64xf32>
      %transpose3A = tpu.transpose %get3A_45, [1, 0] : vector<320x64xf32> -> vector<64x320xf32>
      %slice3A = vector.extract_strided_slice %transpose3A {offsets = [0, 0], sizes = [1, 320], strides = [1, 1]} : vector<64x320xf32> to vector<1x320xf32>
      %dot_general3A = arith.constant dense<0.000000e+00> : vector<256x320xf32>
      %dot_general3A_46 = tpu.matmul %convert_element_type3A, %convert_element_type3A_34, %dot_general3A {dimension_numbers = #tpu.dot_dimension_numbers<[1], [1], [0], [0], [0, 0, 1, 0], [], []>, transpose_lhs_hint = false} : vector<256x64xbf16>, vector<320x64xbf16>, vector<256x320xf32> -> vector<256x320xf32>
      %mul3A_47 = arith.constant 256 : i32
      %mul3A_48 = arith.muli %select_n3A, %mul3A_47 : i32
      %multiple_of3A_49 = tpu.assume_multiple %mul3A_48, 256 : i32
      %get3A_50 = arith.index_cast %multiple_of3A_49 : i32 to index
      %get3A_51 = arith.constant 0 : index
      %get3A_52 = vector.load %arg2[%get3A_50, %get3A_51] : memref<768x320xf32, #tpu.memory_space<vmem>>, vector<256x320xf32>
      %le3A = vector.broadcast %slice3A : vector<1x320xf32> to vector<256x320xf32>
      %le3A_53 = vector.broadcast %broadcast_in_dim3A : vector<256x1xf32> to vector<256x320xf32>
      %le3A_54 = arith.cmpf ole, %le3A, %le3A_53 : vector<256x320xf32>
      %add3A = arith.addf %dot_general3A_46, %get3A_52 : vector<256x320xf32>
      %jit3A_55 = arith.constant -1.000000e+30 : f32
      %broadcast_in_dim3A_56 = vector.broadcast %jit3A_55 : f32 to vector<256x320xf32>
      %select_n3A_57 = arith.select %le3A_54, %add3A, %broadcast_in_dim3A_56 : vector<256x320xi1>, vector<256x320xf32>
      %reduce_max3A = arith.constant dense<0xFF800000> : vector<256xf32>
      %reduce_max3A_58 = vector.multi_reduction <maximumf>, %select_n3A_57, %reduce_max3A [1] : vector<256x320xf32> to vector<256xf32>
      %broadcast_in_dim3A_59 = vector.shape_cast %reduce_max3A_58 : vector<256xf32> to vector<256x1xf32>
      %sub3A_60 = vector.broadcast %broadcast_in_dim3A_59 : vector<256x1xf32> to vector<256x320xf32>
      %sub3A_61 = arith.subf %select_n3A_57, %sub3A_60 : vector<256x320xf32>
      %exp3A = math.exp %sub3A_61 : vector<256x320xf32>
      %reduce_sum3A = arith.constant dense<0.000000e+00> : vector<256xf32>
      %reduce_sum3A_62 = vector.multi_reduction <add>, %exp3A, %reduce_sum3A [1] : vector<256x320xf32> to vector<256xf32>
      %broadcast_in_dim3A_63 = vector.shape_cast %reduce_sum3A_62 : vector<256xf32> to vector<256x1xf32>
      %convert_element_type3A_64 = arith.truncf %exp3A : vector<256x320xf32> to vector<256x320xbf16>
      %dot_general3A_65 = arith.constant dense<0.000000e+00> : vector<256x64xf32>
      %dot_general3A_66 = tpu.matmul %convert_element_type3A_64, %convert_element_type3A_40, %dot_general3A_65 {dimension_numbers = #tpu.dot_dimension_numbers<[1], [0], [0], [1], [0, 0, 1, 1], [], []>, transpose_lhs_hint = false} : vector<256x320xbf16>, vector<320x64xbf16>, vector<256x64xf32> -> vector<256x64xf32>
      %div3A = vector.broadcast %broadcast_in_dim3A_63 : vector<256x1xf32> to vector<256x64xf32>
      %div3A_67 = arith.divf %dot_general3A_66, %div3A : vector<256x64xf32>
      %swap3A = arith.constant 0 : index
      %swap3A_68 = arith.index_cast %multiple_of3A : i32 to index
      %swap3A_69 = arith.constant 0 : index
      %swap3A_70 = vector.load %arg3[%swap3A, %swap3A_68, %swap3A_69] : memref<1x2048x128xf32, #tpu.memory_space<vmem>>, vector<1x256x64xf32>
      %swap3A_71 = vector.shape_cast %swap3A_70 : vector<1x256x64xf32> to vector<256x64xf32>
      %swap3A_72 = vector.shape_cast %div3A_67 : vector<256x64xf32> to vector<1x256x64xf32>
      tpu.vector_store %arg3[%swap3A, %swap3A_68, %swap3A_69], %swap3A_72 {strides = array<i32>} : memref<1x2048x128xf32, #tpu.memory_space<vmem>>, vector<1x256x64xf32>,
      %add3A_73 = arith.constant 256 : i32
      %add3A_74 = arith.addi %multiple_of3A, %add3A_73 : i32
      %multiple_of3A_75 = tpu.assume_multiple %add3A_74, 256 : i32
      %add3A_76 = arith.constant 1 : i32
      %add3A_77 = arith.addi %mul3A_9, %add3A_76 : i32
      %eq3A_78 = arith.constant 7 : i32
      %eq3A_79 = arith.cmpi eq, %add3A_77, %eq3A_78 : i32
      %jit3A_80 = arith.constant 2 : i32
      %jit3A_81 = arith.constant 1 : i32
      %select_n3A_82 = arith.select %eq3A_79, %jit3A_80, %jit3A_81 : i32
      %sub3A_83 = arith.constant 32 : i32
      %sub3A_84 = arith.subi %multiple_of3A_75, %sub3A_83 : i32
      %jit3A_85 = arith.constant 0 : i32
      %jit3A_86 = arith.constant 1728 : i32
      %max3A_87 = arith.maxsi %jit3A_85, %sub3A_84 : i32
      %min3A_88 = arith.minsi %jit3A_86, %max3A_87 : i32
      %multiple_of3A_89 = tpu.assume_multiple %min3A_88, 32 : i32
      %get3A_90 = arith.constant 0 : index
      %get3A_91 = arith.index_cast %multiple_of3A_75 : i32 to index
      %get3A_92 = arith.constant 0 : index
      %get3A_93 = vector.load %arg1[%get3A_90, %get3A_91, %get3A_92] : memref<1x2048x256xf32, #tpu.memory_space<vmem>>, vector<1x256x64xf32>
      %get3A_94 = vector.shape_cast %get3A_93 : vector<1x256x64xf32> to vector<256x64xf32>
      %mul3A_95 = arith.constant 1.250000e-01 : f32
      %mul3A_96 = vector.broadcast %mul3A_95 : f32 to vector<256x64xf32>
      %mul3A_97 = arith.mulf %get3A_94, %mul3A_96 : vector<256x64xf32>
      %convert_element_type3A_98 = arith.truncf %mul3A_97 : vector<256x64xf32> to vector<256x64xbf16>
      %get3A_99 = arith.constant 0 : index
      %get3A_100 = arith.index_cast %multiple_of3A_75 : i32 to index
      %get3A_101 = arith.constant 192 : index
      %get3A_102 = vector.load %arg1[%get3A_99, %get3A_100, %get3A_101] : memref<1x2048x256xf32, #tpu.memory_space<vmem>>, vector<1x256x64xf32>
      %get3A_103 = vector.shape_cast %get3A_102 : vector<1x256x64xf32> to vector<256x64xf32>
      %reduce_min3A_104 = arith.constant dense<0x7F800000> : vector<256xf32>
      %reduce_min3A_105 = vector.multi_reduction <minimumf>, %get3A_103, %reduce_min3A_104 [1] : vector<256x64xf32> to vector<256xf32>
      %broadcast_in_dim3A_106 = vector.shape_cast %reduce_min3A_105 : vector<256xf32> to vector<256x1xf32>
      %get3A_107 = arith.constant 0 : index
      %get3A_108 = arith.index_cast %multiple_of3A_89 : i32 to index
      %get3A_109 = arith.constant 64 : index
      %get3A_110 = vector.load %arg1[%get3A_107, %get3A_108, %get3A_109] : memref<1x2048x256xf32, #tpu.memory_space<vmem>>, vector<1x320x64xf32>
      %get3A_111 = vector.shape_cast %get3A_110 : vector<1x320x64xf32> to vector<320x64xf32>
      %convert_element_type3A_112 = arith.truncf %get3A_111 : vector<320x64xf32> to vector<320x64xbf16>
      %get3A_113 = arith.constant 0 : index
      %get3A_114 = arith.index_cast %multiple_of3A_89 : i32 to index
      %get3A_115 = arith.constant 128 : index
      %get3A_116 = vector.load %arg1[%get3A_113, %get3A_114, %get3A_115] : memref<1x2048x256xf32, #tpu.memory_space<vmem>>, vector<1x320x64xf32>
      %get3A_117 = vector.shape_cast %get3A_116 : vector<1x320x64xf32> to vector<320x64xf32>
      %convert_element_type3A_118 = arith.truncf %get3A_117 : vector<320x64xf32> to vector<320x64xbf16>
      %get3A_119 = arith.constant 0 : index
      %get3A_120 = arith.index_cast %multiple_of3A_89 : i32 to index
      %get3A_121 = arith.constant 192 : index
      %get3A_122 = vector.load %arg1[%get3A_119, %get3A_120, %get3A_121] : memref<1x2048x256xf32, #tpu.memory_space<vmem>>, vector<1x320x64xf32>
      %get3A_123 = vector.shape_cast %get3A_122 : vector<1x320x64xf32> to vector<320x64xf32>
      %transpose3A_124 = tpu.transpose %get3A_123, [1, 0] : vector<320x64xf32> -> vector<64x320xf32>
      %slice3A_125 = vector.extract_strided_slice %transpose3A_124 {offsets = [0, 0], sizes = [1, 320], strides = [1, 1]} : vector<64x320xf32> to vector<1x320xf32>
      %dot_general3A_126 = arith.constant dense<0.000000e+00> : vector<256x320xf32>
      %dot_general3A_127 = tpu.matmul %convert_element_type3A_98, %convert_element_type3A_112, %dot_general3A_126 {dimension_numbers = #tpu.dot_dimension_numbers<[1], [1], [0], [0], [0, 0, 1, 0], [], []>, transpose_lhs_hint = false} : vector<256x64xbf16>, vector<320x64xbf16>, vector<256x320xf32> -> vector<256x320xf32>
      %mul3A_128 = arith.constant 256 : i32
      %mul3A_129 = arith.muli %select_n3A_82, %mul3A_128 : i32
      %multiple_of3A_130 = tpu.assume_multiple %mul3A_129, 256 : i32
      %get3A_131 = arith.index_cast %multiple_of3A_130 : i32 to index
      %get3A_132 = arith.constant 0 : index
      %get3A_133 = vector.load %arg2[%get3A_131, %get3A_132] : memref<768x320xf32, #tpu.memory_space<vmem>>, vector<256x320xf32>
      %le3A_134 = vector.broadcast %slice3A_125 : vector<1x320xf32> to vector<256x320xf32>
      %le3A_135 = vector.broadcast %broadcast_in_dim3A_106 : vector<256x1xf32> to vector<256x320xf32>
      %le3A_136 = arith.cmpf ole, %le3A_134, %le3A_135 : vector<256x320xf32>
      %add3A_137 = arith.addf %dot_general3A_127, %get3A_133 : vector<256x320xf32>
      %jit3A_138 = arith.constant -1.000000e+30 : f32
      %broadcast_in_dim3A_139 = vector.broadcast %jit3A_138 : f32 to vector<256x320xf32>
      %select_n3A_140 = arith.select %le3A_136, %add3A_137, %broadcast_in_dim3A_139 : vector<256x320xi1>, vector<256x320xf32>
      %reduce_max3A_141 = arith.constant dense<0xFF800000> : vector<256xf32>
      %reduce_max3A_142 = vector.multi_reduction <maximumf>, %select_n3A_140, %reduce_max3A_141 [1] : vector<256x320xf32> to vector<256xf32>
      %broadcast_in_dim3A_143 = vector.shape_cast %reduce_max3A_142 : vector<256xf32> to vector<256x1xf32>
      %sub3A_144 = vector.broadcast %broadcast_in_dim3A_143 : vector<256x1xf32> to vector<256x320xf32>
      %sub3A_145 = arith.subf %select_n3A_140, %sub3A_144 : vector<256x320xf32>
      %exp3A_146 = math.exp %sub3A_145 : vector<256x320xf32>
      %reduce_sum3A_147 = arith.constant dense<0.000000e+00> : vector<256xf32>
      %reduce_sum3A_148 = vector.multi_reduction <add>, %exp3A_146, %reduce_sum3A_147 [1] : vector<256x320xf32> to vector<256xf32>
      %broadcast_in_dim3A_149 = vector.shape_cast %reduce_sum3A_148 : vector<256xf32> to vector<256x1xf32>
      %convert_element_type3A_150 = arith.truncf %exp3A_146 : vector<256x320xf32> to vector<256x320xbf16>
      %dot_general3A_151 = arith.constant dense<0.000000e+00> : vector<256x64xf32>
      %dot_general3A_152 = tpu.matmul %convert_element_type3A_150, %convert_element_type3A_118, %dot_general3A_151 {dimension_numbers = #tpu.dot_dimension_numbers<[1], [0], [0], [1], [0, 0, 1, 1], [], []>, transpose_lhs_hint = false} : vector<256x320xbf16>, vector<320x64xbf16>, vector<256x64xf32> -> vector<256x64xf32>
      %div3A_153 = vector.broadcast %broadcast_in_dim3A_149 : vector<256x1xf32> to vector<256x64xf32>
      %div3A_154 = arith.divf %dot_general3A_152, %div3A_153 : vector<256x64xf32>
      %swap3A_155 = arith.constant 0 : index
      %swap3A_156 = arith.index_cast %multiple_of3A_75 : i32 to index
      %swap3A_157 = arith.constant 0 : index
      %swap3A_158 = vector.load %arg3[%swap3A_155, %swap3A_156, %swap3A_157] : memref<1x2048x128xf32, #tpu.memory_space<vmem>>, vector<1x256x64xf32>
      %swap3A_159 = vector.shape_cast %swap3A_158 : vector<1x256x64xf32> to vector<256x64xf32>
      %swap3A_160 = vector.shape_cast %div3A_154 : vector<256x64xf32> to vector<1x256x64xf32>
      tpu.vector_store %arg3[%swap3A_155, %swap3A_156, %swap3A_157], %swap3A_160 {strides = array<i32>} : memref<1x2048x128xf32, #tpu.memory_space<vmem>>, vector<1x256x64xf32>,
    }
    %scan3A_3 = arith.constant 4 : i32
    return
  }
  func.func @transform_0(%arg0: i32) -> (i32, i32, i32) {
    %c0_i32 = arith.constant 0 : i32
    %c0_i32_0 = arith.constant 0 : i32
    %c0_i32_1 = arith.constant 0 : i32
    return %arg0, %c0_i32, %c0_i32_0 : i32, i32, i32
  }
  func.func @transform_1(%arg0: i32) -> (i32, i32) {
    %c0_i32 = arith.constant 0 : i32
    %c0_i32_0 = arith.constant 0 : i32
    %c0_i32_1 = arith.constant 0 : i32
    return %c0_i32, %c0_i32_0 : i32, i32
  }
  func.func @transform_2(%arg0: i32) -> (i32, i32, i32) {
    %c0_i32 = arith.constant 0 : i32
    %c0_i32_0 = arith.constant 0 : i32
    %c0_i32_1 = arith.constant 0 : i32
    return %arg0, %c0_i32, %c0_i32_0 : i32, i32, i32
  }
}

module attributes {stable_mosaic.version = 14 : i64} {
  func.func @_out_body(%arg0: i32, %arg1: memref<256x2048xf32, #tpu.memory_space<vmem>>, %arg2: memref<1024x1024xf32, #tpu.memory_space<vmem>>, %arg3: memref<256x1024xf32, #tpu.memory_space<vmem>>, %arg4: memref<1024x1024xbf16, #tpu.memory_space<vmem>>) attributes {dimension_semantics = [#tpu.dimension_semantics<arbitrary>], iteration_bounds = array<i64: 8>, scalar_prefetch = 0 : i64, scratch_operands = 1 : i64, tpu.core_type = #tpu.core_type<tc>, window_params = [{transform_indices = @transform_0, window_bounds = array<i64: 256, 2048>}, {pipeline_mode = #tpu.pipeline_mode<synchronous>, transform_indices = @transform_1, window_bounds = array<i64: 1024, 1024>}, {transform_indices = @transform_2, window_bounds = array<i64: 256, 1024>}]} {
    %eq3A = arith.constant 0 : i32
    %eq3A_0 = arith.cmpi eq, %arg0, %eq3A : i32
    %convert_element_type3A = arith.extui %eq3A_0 : i1 to i32
    %cond3A = arith.constant 0 : i32
    %cond3A_1 = arith.cmpi ne, %convert_element_type3A, %cond3A : i32
    scf.if %cond3A_1 {
      %get3A_56 = arith.constant 0 : index
      %get3A_57 = arith.constant 0 : index
      %get3A_58 = vector.load %arg2[%get3A_56, %get3A_57] : memref<1024x1024xf32, #tpu.memory_space<vmem>>, vector<1024x1024xf32>
      %convert_element_type3A_59 = arith.truncf %get3A_58 : vector<1024x1024xf32> to vector<1024x1024xbf16>
      %swap3A_60 = arith.constant 0 : index
      %swap3A_61 = arith.constant 0 : index
      %swap3A_62 = vector.load %arg4[%swap3A_60, %swap3A_61] : memref<1024x1024xbf16, #tpu.memory_space<vmem>>, vector<1024x1024xbf16>
      tpu.vector_store %arg4[%swap3A_60, %swap3A_61], %convert_element_type3A_59 {strides = array<i32>} : memref<1024x1024xbf16, #tpu.memory_space<vmem>>, vector<1024x1024xbf16>,
    } else {
    }
    %get3A = arith.constant 0 : index
    %get3A_2 = arith.constant 0 : index
    %get3A_3 = vector.load %arg1[%get3A, %get3A_2] : memref<256x2048xf32, #tpu.memory_space<vmem>>, vector<256x64xf32>
    %get3A_4 = arith.constant 0 : index
    %get3A_5 = arith.constant 128 : index
    %get3A_6 = vector.load %arg1[%get3A_4, %get3A_5] : memref<256x2048xf32, #tpu.memory_space<vmem>>, vector<256x64xf32>
    %get3A_7 = arith.constant 0 : index
    %get3A_8 = arith.constant 256 : index
    %get3A_9 = vector.load %arg1[%get3A_7, %get3A_8] : memref<256x2048xf32, #tpu.memory_space<vmem>>, vector<256x64xf32>
    %get3A_10 = arith.constant 0 : index
    %get3A_11 = arith.constant 384 : index
    %get3A_12 = vector.load %arg1[%get3A_10, %get3A_11] : memref<256x2048xf32, #tpu.memory_space<vmem>>, vector<256x64xf32>
    %get3A_13 = arith.constant 0 : index
    %get3A_14 = arith.constant 512 : index
    %get3A_15 = vector.load %arg1[%get3A_13, %get3A_14] : memref<256x2048xf32, #tpu.memory_space<vmem>>, vector<256x64xf32>
    %get3A_16 = arith.constant 0 : index
    %get3A_17 = arith.constant 640 : index
    %get3A_18 = vector.load %arg1[%get3A_16, %get3A_17] : memref<256x2048xf32, #tpu.memory_space<vmem>>, vector<256x64xf32>
    %get3A_19 = arith.constant 0 : index
    %get3A_20 = arith.constant 768 : index
    %get3A_21 = vector.load %arg1[%get3A_19, %get3A_20] : memref<256x2048xf32, #tpu.memory_space<vmem>>, vector<256x64xf32>
    %get3A_22 = arith.constant 0 : index
    %get3A_23 = arith.constant 896 : index
    %get3A_24 = vector.load %arg1[%get3A_22, %get3A_23] : memref<256x2048xf32, #tpu.memory_space<vmem>>, vector<256x64xf32>
    %get3A_25 = arith.constant 0 : index
    %get3A_26 = arith.constant 1024 : index
    %get3A_27 = vector.load %arg1[%get3A_25, %get3A_26] : memref<256x2048xf32, #tpu.memory_space<vmem>>, vector<256x64xf32>
    %get3A_28 = arith.constant 0 : index
    %get3A_29 = arith.constant 1152 : index
    %get3A_30 = vector.load %arg1[%get3A_28, %get3A_29] : memref<256x2048xf32, #tpu.memory_space<vmem>>, vector<256x64xf32>
    %get3A_31 = arith.constant 0 : index
    %get3A_32 = arith.constant 1280 : index
    %get3A_33 = vector.load %arg1[%get3A_31, %get3A_32] : memref<256x2048xf32, #tpu.memory_space<vmem>>, vector<256x64xf32>
    %get3A_34 = arith.constant 0 : index
    %get3A_35 = arith.constant 1408 : index
    %get3A_36 = vector.load %arg1[%get3A_34, %get3A_35] : memref<256x2048xf32, #tpu.memory_space<vmem>>, vector<256x64xf32>
    %get3A_37 = arith.constant 0 : index
    %get3A_38 = arith.constant 1536 : index
    %get3A_39 = vector.load %arg1[%get3A_37, %get3A_38] : memref<256x2048xf32, #tpu.memory_space<vmem>>, vector<256x64xf32>
    %get3A_40 = arith.constant 0 : index
    %get3A_41 = arith.constant 1664 : index
    %get3A_42 = vector.load %arg1[%get3A_40, %get3A_41] : memref<256x2048xf32, #tpu.memory_space<vmem>>, vector<256x64xf32>
    %get3A_43 = arith.constant 0 : index
    %get3A_44 = arith.constant 1792 : index
    %get3A_45 = vector.load %arg1[%get3A_43, %get3A_44] : memref<256x2048xf32, #tpu.memory_space<vmem>>, vector<256x64xf32>
    %get3A_46 = arith.constant 0 : index
    %get3A_47 = arith.constant 1920 : index
    %get3A_48 = vector.load %arg1[%get3A_46, %get3A_47] : memref<256x2048xf32, #tpu.memory_space<vmem>>, vector<256x64xf32>
    %concatenate3A = tpu.concatenate %get3A_3, %get3A_6, %get3A_9, %get3A_12, %get3A_15, %get3A_18, %get3A_21, %get3A_24, %get3A_27, %get3A_30, %get3A_33, %get3A_36, %get3A_39, %get3A_42, %get3A_45, %get3A_48 in 1 : vector<256x64xf32>, vector<256x64xf32>, vector<256x64xf32>, vector<256x64xf32>, vector<256x64xf32>, vector<256x64xf32>, vector<256x64xf32>, vector<256x64xf32>, vector<256x64xf32>, vector<256x64xf32>, vector<256x64xf32>, vector<256x64xf32>, vector<256x64xf32>, vector<256x64xf32>, vector<256x64xf32>, vector<256x64xf32> -> vector<256x1024xf32>
    %convert_element_type3A_49 = arith.truncf %concatenate3A : vector<256x1024xf32> to vector<256x1024xbf16>
    %get3A_50 = arith.constant 0 : index
    %get3A_51 = arith.constant 0 : index
    %get3A_52 = vector.load %arg4[%get3A_50, %get3A_51] : memref<1024x1024xbf16, #tpu.memory_space<vmem>>, vector<1024x1024xbf16>
    %dot_general3A = arith.constant dense<0.000000e+00> : vector<256x1024xf32>
    %dot_general3A_53 = tpu.matmul %convert_element_type3A_49, %get3A_52, %dot_general3A {dimension_numbers = #tpu.dot_dimension_numbers<[1], [0], [0], [1], [0, 0, 1, 1], [], []>, transpose_lhs_hint = false} : vector<256x1024xbf16>, vector<1024x1024xbf16>, vector<256x1024xf32> -> vector<256x1024xf32>
    %swap3A = arith.constant 0 : index
    %swap3A_54 = arith.constant 0 : index
    %swap3A_55 = vector.load %arg3[%swap3A, %swap3A_54] : memref<256x1024xf32, #tpu.memory_space<vmem>>, vector<256x1024xf32>
    tpu.vector_store %arg3[%swap3A, %swap3A_54], %dot_general3A_53 {strides = array<i32>} : memref<256x1024xf32, #tpu.memory_space<vmem>>, vector<256x1024xf32>,
    return
  }
  func.func @transform_0(%arg0: i32) -> (i32, i32) {
    %c0_i32 = arith.constant 0 : i32
    %c0_i32_0 = arith.constant 0 : i32
    return %arg0, %c0_i32 : i32, i32
  }
  func.func @transform_1(%arg0: i32) -> (i32, i32) {
    %c0_i32 = arith.constant 0 : i32
    %c0_i32_0 = arith.constant 0 : i32
    %c0_i32_1 = arith.constant 0 : i32
    return %c0_i32, %c0_i32_0 : i32, i32
  }
  func.func @transform_2(%arg0: i32) -> (i32, i32) {
    %c0_i32 = arith.constant 0 : i32
    %c0_i32_0 = arith.constant 0 : i32
    return %arg0, %c0_i32 : i32, i32
  }
}

</mosaic_0001>

<sc_bundles>
// kernel: kernel.10.cloned.1.call-start
scs
__scs_entry_jumppad:
0x0: {  	(pc) =	sbr.rel $0x88, $3  }
0x1: {  	(tag) =	ssettag $0x0;
	lr =	simm.s32 $0x1  }
0x2: {  	[smem:$0x3F9D] =	sst lr;
	_ =	strace $0xD0000000  }
0x3: {  	_ = 	snop  }
0x4: {  	_ = 	snop  }
0x5: {  	_ = 	snop  }
0x6: {  	_ = 	snop  }
0x7: {  	_ = 	snop  }
__scs_overlays_trampoline_lowered:
0x8: {  	[smem:$0x3FAC] =	sst s0  }
0x9: {  	[smem:$0x3FAD] =	sst s1  }
0xa: {  	[smem:$0x3FAE] =	sst s2  }
0xb: {  	[smem:$0x3FAF] =	sst s3  }
0xc: {  	[smem:$0x3FB0] =	sst s4  }
0xd: {  	[smem:$0x3FB1] =	sst s5  }
0xe: {  	[smem:$0x3FB2] =	sst s6  }
0xf: {  	[smem:$0x3FB3] =	sst s7  }
0x10: {  	[smem:$0x3FB4] =	sst s8  }
0x11: {  	[smem:$0x3FB5] =	sst s9;
	s0 =	simm.s32 @!p0 $0x0  }
0x12: {  	s1 =	sld [smem:$0x3F9B];
	s0 =	simm.s32 @p0 $0x1  }
0x13: {  	[smem:$0x3FB6] =	sst s0;
	s0 =	simm.s32 @!p1 $0x0  }
0x14: {  	s2 =	sld [smem:$0x3F9A];
	s0 =	simm.s32 @p1 $0x1  }
0x15: {  	[smem:$0x3FB7] =	sst s0;
	s0 =	simm.s32 @!p2 $0x0  }
0x16: {  	s3 =	sld [smem:$0x3FDB];
	s0 =	simm.s32 @p2 $0x1  }
0x17: {  	s4 =	simm.s32 $0x1BF5;
	[smem:$0x3FB9] =	sst s0  }
0x18: {  	s0 =	sld [smem:$0x3F9C];
	_ =	swait.ge [sflag:s4], $0x0  }
0x19: {  	s7 =	sld [smem:$0x3F9D]  }
0x1a: {  	s8 =	sadd.s32 $0xFFFFE003, lr  }
0x1b: {  	s9 =	sadd.s32 $0xFFFFFEF7, lr;
	s5 =	simm.s32 $0xFFFFFFFF;
	p2 =	slt.u32 s8, $0xFFFFF086  }
0x1c: {  	p1 =	slt.u32 s9, $0xF7A;
	s5 =	simm.s32 @!p2 $0x0  }
0x1d: {  	s5 =	simm.s32 @p1 $0x1;
	p0 =	seq.s32 s7, s2  }
0x1e: {  	s7 =	smul.u32 @!p0 $0xF7A, s2;
	p2 =	seq.s32 @!p0 s5, $0x0  }
0x1f: {  	s9 =	smul.u32 $0xF7A, s1;
	s8 =	simm.s32 @!p0 $0x1BF5;
	p2 =	por !p2, p0  }
0x20: {  	[sflag:s8] =	ssyncset.s32 @!p0 $0xFFFFF086;
	s6 =	sadd.s32 @!p0 s3, s7;
	s7 =	simm.s32 @!p0 $0x108  }
0x21: {  	s3 =	sadd.s32 s3, s9;
	s6 =	sadd.s32 @!p0 $0x88, s6;
	s7 =	simm.s32 @p2 $0x1082  }
0x22: {  	[simem:s7], [sflag:s8] =	dma.local @!p0 [hbm:s6], $0xF7A  }
0x23: {  	s9 =	sor.u32 $0xD0000000, s2;
	s6 =	simm.s32 $0x108;
	_ =	swait.ge @!p0 [sflag:s8], $0x0  }
0x24: {  	s3 =	sadd.s32 $0x88, s3;
	s6 =	simm.s32 @!p1 $0x1082;
	[sflag:s4] =	ssyncset.s32 $0xFFFFF086  }
0x25: {  	[simem:s6], [sflag:s4] =	dma.local [hbm:s3], $0xF7A  }
0x26: {  	[smem:$0x3F9D] =	sst s1;
	(tag) =	ssettag s2;
	_ =	strace s9  }
0x27: {  	s1 =	sld [smem:$0x3FAD]  }
0x28: {  	s2 =	sld [smem:$0x3FAE]  }
0x29: {  	s4 =	sld [smem:$0x3FB0]  }
0x2a: {  	p0 =	seq.s32 s5, $0x0;
	s5 =	sld [smem:$0x3FB1]  }
0x2b: {  	s6 =	sld [smem:$0x3FB2]  }
0x2c: {  	s7 =	sld [smem:$0x3FB3]  }
0x2d: {  	s3 =	simm.s32 $0x108;
	s8 =	sld [smem:$0x3FB4]  }
0x2e: {  	s3 =	simm.s32 @!p0 $0x1082;
	s9 =	sld [smem:$0x3FB5]  }
0x2f: {  	lr =	sadd.s32 s0, s3;
	s0 =	sld [smem:$0x3FAC]  }
0x30: {  	s3 =	sld [smem:$0x3FAF]  }
0x31: {  	[smem:$0x3FB8] =	sst s10  }
0x32: {  	s10 =	sld [smem:$0x3FB6];
	_ =	sdelay $0x3  }
0x33: {  	p0 =	seq.s32 s10, $0x1;
	s10 =	sld [smem:$0x3FB8];
	_ =	sdelay $0x3  }
0x34: {  	[smem:$0x3FB8] =	sst s10  }
0x35: {  	s10 =	sld [smem:$0x3FB7];
	_ =	sdelay $0x3  }
0x36: {  	p1 =	seq.s32 s10, $0x1;
	s10 =	sld [smem:$0x3FB8];
	_ =	sdelay $0x3  }
0x37: {  	[smem:$0x3FB8] =	sst s10  }
0x38: {  	s10 =	sld [smem:$0x3FB9]  }
0x39: {  	_ = 	snop;
	(pc) =	sbr.ind lr, $3  }
0x3a: {  	_ = 	snop  }
0x3b: {  	_ = 	snop  }
0x3c: {  	p2 =	seq.s32 s10, $0x1;
	s10 =	sld [smem:$0x3FB8]  }
0x3d: {  	_ =	shalt  }
0x3e: {  	_ =	shalt  }
0x3f: {  	_ =	shalt  }
0x40: {  	_ =	shalt  }
0x41: {  	_ =	shalt  }
0x42: {  	_ =	shalt  }
0x43: {  	_ =	shalt  }
0x44: {  	_ =	shalt  }
0x45: {  	_ =	shalt  }
0x46: {  	_ =	shalt  }
0x47: {  	_ =	shalt  }
0x48: {  	_ =	shalt  }
0x49: {  	_ =	shalt  }
0x4a: {  	_ =	shalt  }
0x4b: {  	_ =	shalt  }
0x4c: {  	_ =	shalt  }
0x4d: {  	_ =	shalt  }
0x4e: {  	_ =	shalt  }
0x4f: {  	_ =	shalt  }
0x50: {  	_ =	shalt  }
0x51: {  	_ =	shalt  }
0x52: {  	_ =	shalt  }
0x53: {  	_ =	shalt  }
0x54: {  	_ =	shalt  }
0x55: {  	_ =	shalt  }
0x56: {  	_ =	shalt  }
0x57: {  	_ =	shalt  }
0x58: {  	_ =	shalt  }
0x59: {  	_ =	shalt  }
0x5a: {  	_ =	shalt  }
0x5b: {  	_ =	shalt  }
0x5c: {  	_ =	shalt  }
0x5d: {  	_ =	shalt  }
0x5e: {  	_ =	shalt  }
0x5f: {  	_ =	shalt  }
0x60: {  	_ =	shalt  }
0x61: {  	_ =	shalt  }
0x62: {  	_ =	shalt  }
0x63: {  	_ =	shalt  }
0x64: {  	_ =	shalt  }
0x65: {  	_ =	shalt  }
0x66: {  	_ =	shalt  }
0x67: {  	_ =	shalt  }
0x68: {  	_ =	shalt  }
0x69: {  	_ =	shalt  }
0x6a: {  	_ =	shalt  }
0x6b: {  	_ =	shalt  }
0x6c: {  	_ =	shalt  }
0x6d: {  	_ =	shalt  }
0x6e: {  	_ =	shalt  }
0x6f: {  	_ =	shalt  }
0x70: {  	_ =	shalt  }
0x71: {  	_ =	shalt  }
0x72: {  	_ =	shalt  }
0x73: {  	_ =	shalt  }
0x74: {  	_ =	shalt  }
0x75: {  	_ =	shalt  }
0x76: {  	_ =	shalt  }
0x77: {  	_ =	shalt  }
0x78: {  	_ =	shalt  }
0x79: {  	_ =	shalt  }
0x7a: {  	_ =	shalt  }
0x7b: {  	_ =	shalt  }
0x7c: {  	_ =	shalt  }
0x7d: {  	_ =	shalt  }
0x7e: {  	_ =	shalt  }
0x7f: {  	_ =	shalt  }
0x80: {  	_ =	shalt  }
0x81: {  	_ =	shalt  }
0x82: {  	_ =	shalt  }
0x83: {  	_ =	shalt  }
0x84: {  	_ =	shalt  }
0x85: {  	_ =	shalt  }
0x86: {  	_ =	shalt  }
0x87: {  	_ =	shalt  }
.Lfunc_end0:
.L_simem_size_0:
called_computation.1_lowered:
.L_overlay_start_0:
0x88: {  	s2 =	sld [smem:$0x3FD9]  }
0x89: {  	s3 =	sld [smem:$0x3FFE];
	_ =	sdelay $0x1  }
0x8a: {  	s1 =	srdreg.scid  }
0x8b: {  	s0 =	sand.u32 $0x1, s1  }
0x8c: {  	s17 =	sshll.u32 s0, $0xA;
	s2 =	sadd.s32 s3, s2  }
0x8d: {  	s2 =	sadd.s32 s2, s17  }
0x8e: {  	[smem:$0x3FC4] =	sst s2  }
0x8f: {  	_ = 	snop  }
0x90: {  	s2 =	sld [smem:$0x3FD0];
	(tm) =	ssettm $0x1  }
0x91: {  	s18 =	sld [smem:$0x3FFB];
	_ =	sdelay $0x3  }
0x92: {  	_ =	strace s18  }
0x93: {  	s3 =	sld [smem:$0x3FFC];
	_ =	sdelay $0x3  }
0x94: {  	_ =	strace s3  }
0x95: {  	s3 =	sld [smem:$0x3FFD];
	_ =	sdelay $0x3  }
0x96: {  	_ =	strace s3  }
0x97: {  	_ =	strace $0x8FFFFFFF  }
0x98: {  	s19 =	sld [smem:$0x3FDB];
	_ =	sdelay $0x1  }
0x99: {  	s4 =	simm.s32 $_scs_section_size  }
0x9a: {  	s5 =	simm.s32 $_size__tile_overlayer_lowered;
	s6 =	simm.s32 $_tile_overlayer_lowered  }
0x9b: {  	s22 =	simm.s32 $0x1BFF;
	s21 =	sshll.u32 s6, $0x1;
	s3 =	sadd.s32 s4, s19  }
0x9c: {  	s7 =	simm.s32 $0x0;
	s20 =	sshll.u32 s5, $0x1;
	s5 =	sadd.s32 s21, s3  }
0x9d: {  	[timem:s7], [sflag:s22] =	dma.local [hbm:s5], s20  }
0x9e: {  	_ =	swait.ge [sflag:s22], s20  }
0x9f: {  	s4 =	ssub.s32 $0x0, s20;
	[sflag:s22] =	ssyncset.done $0x0  }
0xa0: {  	[sflag:s22] =	ssyncadd.s32 s4;
	_ =	sdelay $0x1  }
0xa1: {  	s23 =	simm.s32 $0x1B8B  }
0xa2: {  	_ =	swait.ge [sflag:s23], $0x1  }
0xa3: {  	[sflag:s23] =	ssyncset.done $0x0  }
0xa4: {  	s25 =	simm.s32 $0x1B8E;
	s24 =	sld [smem:$0x3FFE];
	[sflag:s23] =	ssyncadd.s32 $0xFFFFFFFF  }
0xa5: {  	s26 =	simm.s32 $execute0_lowered;
	[smem:$0x3FD2] =	sst s25  }
0xa6: {  	s5 =	sshll.u32 s26, $0x1;
	_ =	strace $0x80000049;
	[dreg:$0x1] =	wrdreg $0xFFFFFFFF  }
0xa7: {  	s28 =	simm.s32 $_size_execute0_lowered;
	s3 =	sadd.s32 s3, s5;
	[dreg:$0x0] =	wrdreg $0x0  }
0xa8: {  	s5 =	sshll.u32 s28, $0x1;
	[dreg:$0x2] =	wrdreg s3  }
0xa9: {  	[dreg:$0x3] =	wrdreg s5  }
0xaa: {  	[dreg:$0x4] =	wrdreg $0xC0  }
0xab: {  	_ =	task [dreg:s7], $0x5FFFF  }
0xac: {  	[dreg:$0x1] =	wrdreg $0xFFFFFFFF  }
0xad: {  	[dreg:$0x0] =	wrdreg $0x60  }
0xae: {  	[dreg:$0x2] =	wrdreg s24  }
0xaf: {  	[dreg:$0x3] =	wrdreg s2  }
0xb0: {  	[dreg:$0x4] =	wrdreg $0x9  }
0xb1: {  	_ =	task.clear_ibuf [dreg:s7], $0x5FFFF;
	_ =	strace $0x90000049  }
0xb2: {  	s29 =	simm.s32 $0x9;
	_ =	strace $0x8000004B  }
0xb3: {  	_ =	swait.ge [sflag:s29], $0x1  }
0xb4: {  	[sflag:s29] =	ssyncadd.s32 $0xFFFFFFFF  }
0xb5: {  	_ =	strace $0x9000004B  }
0xb6: {  	_ =	sfence  }
0xb7: {  	s30 =	sld [smem:$0x0];
	_ =	sdelay $0x2  }
0xb8: {  	s31 =	sshll.u32 s1, $0xD;
	s1 =	sshrl.u32 s1, $0x2  }
0xb9: {  	s3 =	sand.u32 $0x4000, s31;
	s1 =	sadd.s32 s1, s30  }
0xba: {  	s0 =	sor.u32 s3, s0;
	s1 =	sshll.u32 s1, $0x11  }
0xbb: {  	s0 =	sor.u32 s1, s0  }
0xbc: {  	s0 =	sadd.s32 $0x8F2B, s0  }
0xbd: {  	[sflag:s0] =	ssyncadd.remote.s32 $0x1  }
0xbe: {  	_ =	sfence.sel $0xFFFF  }
0xbf: {  	[dreg:$0x0] =	wrdreg $0xFFFFFFFF;
	(pc) =	sbr.abs _section_cstart, $3  }
0xc0: {  	[dreg:$0x1] =	wrdreg $0xFFFFFFFF  }
0xc1: {  	_ =	task.clear_ibuf [dreg:s7], $0x2FFFF;
	_ =	strace $0x9FFFFFFF  }
0xc2: {  	(tm) =	ssettm $0x7FFFFFFF  }
0xc3: {  	_ =	shalt  }
tec
execute0_lowered:
.L_overlay_start_1:
0x0: {  	(tag) =	ssettag $0x1  }
0x1: {  	s3 =	rddreg [dreg:$0x0]  }
0x2: {  	s5 =	rddreg [dreg:$0x1]  }
0x3: {  	s0 =	rddreg [dreg:$0x2];
	s2 =	simm.s32 $0x0;
	s4 =	srdreg.scid  }
0x4: {  	s1 =	stileid.u32;
	s8 =	simm.s32 $0x1;
	s15 =	simm.s32 $0x3  }
0x5: {  	s16 =	simm.s32 $0x400;
	s17 =	simm.s32 $0x4400;
	s18 =	simm.s32 $0x80  }
0x6: {  	s19 =	simm.s32 $0x2;
	s20 =	simm.s32 $0x100;
	s21 =	simm.s32 $0x180  }
0x7: {  	s22 =	simm.s32 $0x200;
	s24 =	simm.s32 $0x300;
	s25 =	simm.s32 $0x380  }
0x8: {  	[smem:$0x7FF] =	sst s2;
	s4 =	sand.u32 $0x1, s4;
	s6 =	sshll.u32 s1, $0x1  }
0x9: {  	_ =	strace $0x8000004A;
	s6 =	sor.u32 s4, s6;
	p1 =	seq.s32 s4, $0x1  }
0xa: {  	s4 =	ssub.s32 $0x2, s4;
	s7 =	sshll.u32 s6, $0xE;
	p0 =	seq.s32 s6, $0x0  }
0xb: {  	s31 =	sshrl.u32 s4, $0x1;
	s6 =	sshll.u32 s6, $0x7;
	s13 =	sadd.s32 s7, s3  }
0xc: {  	p0 =	por !p0, !p1;
	s3 =	sadd.s32 $0x81400, s3;
	s14 =	ssub.s32 s4, s31  }
0xd: {  	s4 =	simm.s32 $0x1;
	s5 =	sadd.s32 s5, s6;
	p0 =	por !p0, !p0  }
0xe: {  	s6 =	sadd.s32 $0x1400, s13;
	s7 =	sadd.s32 $0x1C00, s13;
	s9 =	sadd.s32 $0x2C00, s13  }
0xf: {  	s10 =	sadd.s32 $0x3400, s13;
	s11 =	sadd.s32 $0x3C00, s13;
	s8 =	simm.s32 @!p0 $0x0  }
0x10: {  	s12 =	sadd.s32 $0x4400, s13;
	s14 =	smax.u32 s14, $0x1;
	s23 =	ssub.s32 s1, s8  }
0x11: {  	s8 =	sadd.s32 $0x2400, s13;
	s13 =	sadd.s32 $0x4C00, s13;
	v0 =	vmov s23;
	s23 =	simm.s32 $0x280  }
.LBB2_1:
0x12: {  	[tilespmem:s2], [sflag:$0x3] =	stream.linear.gather [hbm4b:s5+s2], $0x400, $0x38;
	[tilespmem:$0x8400] =	vst v63  }
0x13: {  	_ =	swait.ge [sflag:s15], $0x400  }
0x14: {  	[sflag:s15] =	ssyncset.done $0x0  }
0x15: {  	[sflag:s15] =	ssyncadd.s32 $0xFFFFFC00  }
0x16: {  	v1 =	vld [tilespmem:$0x0]  }
0x17: {  	v2 =	vld [tilespmem:$0x10]  }
0x18: {  	v3 =	vld [tilespmem:$0x20]  }
0x19: {  	v4 =	vld [tilespmem:$0x30]  }
0x1a: {  	v5 =	vld [tilespmem:$0x40]  }
0x1b: {  	v6 =	vld [tilespmem:$0x50];
	v1 =	vshll.u32 v1, $0x4  }
0x1c: {  	v7 =	vld [tilespmem:$0x60];
	v2 =	vshll.u32 v2, $0x4;
	v1 =	vadd.s32 v0, v1  }
0x1d: {  	[tilespmem:$0x0] =	vst v1;
	v1 =	vadd.s32 v0, v2;
	v2 =	vshll.u32 v3, $0x4;
	v3 =	vld [tilespmem:$0x70]  }
0x1e: {  	v19 =	vld [tilespmem:$0x80];
	[tilespmem:$0x10] =	vst v1;
	v1 =	vadd.s32 v0, v2;
	v2 =	vshll.u32 v4, $0x4  }
0x1f: {  	v20 =	vld [tilespmem:$0x90];
	[tilespmem:$0x20] =	vst v1;
	v1 =	vadd.s32 v0, v2;
	v2 =	vshll.u32 v5, $0x4  }
0x20: {  	v21 =	vld [tilespmem:$0xA0];
	[tilespmem:$0x30] =	vst v1;
	v1 =	vadd.s32 v0, v2;
	v2 =	vshll.u32 v6, $0x4  }
0x21: {  	v22 =	vld [tilespmem:$0xB0];
	[tilespmem:$0x40] =	vst v1;
	v1 =	vadd.s32 v0, v2;
	v2 =	vshll.u32 v7, $0x4  }
0x22: {  	[tilespmem:$0x50] =	vst v1;
	v1 =	vadd.s32 v0, v2;
	v2 =	vshll.u32 v3, $0x4;
	v3 =	vld [tilespmem:$0xC0]  }
0x23: {  	v23 =	vld [tilespmem:$0xD0];
	[tilespmem:$0x60] =	vst v1;
	v1 =	vadd.s32 v0, v2;
	v2 =	vshll.u32 v19, $0x4  }
0x24: {  	v24 =	vld [tilespmem:$0xE0];
	[tilespmem:$0x70] =	vst v1;
	v1 =	vadd.s32 v0, v2;
	v2 =	vshll.u32 v20, $0x4  }
0x25: {  	v25 =	vld [tilespmem:$0xF0];
	[tilespmem:$0x80] =	vst v1;
	v1 =	vadd.s32 v0, v2;
	v2 =	vshll.u32 v21, $0x4  }
0x26: {  	v26 =	vld [tilespmem:$0x100];
	[tilespmem:$0x90] =	vst v1;
	v1 =	vadd.s32 v0, v2;
	v2 =	vshll.u32 v22, $0x4  }
0x27: {  	[tilespmem:$0xA0] =	vst v1;
	v1 =	vadd.s32 v0, v2;
	v2 =	vshll.u32 v3, $0x4;
	v3 =	vld [tilespmem:$0x110]  }
0x28: {  	v27 =	vld [tilespmem:$0x120];
	[tilespmem:$0xB0] =	vst v1;
	v1 =	vadd.s32 v0, v2;
	v2 =	vshll.u32 v23, $0x4  }
0x29: {  	v28 =	vld [tilespmem:$0x130];
	[tilespmem:$0xC0] =	vst v1;
	v1 =	vadd.s32 v0, v2;
	v2 =	vshll.u32 v24, $0x4  }
0x2a: {  	v29 =	vld [tilespmem:$0x140];
	[tilespmem:$0xD0] =	vst v1;
	v1 =	vadd.s32 v0, v2;
	v2 =	vshll.u32 v25, $0x4  }
0x2b: {  	v30 =	vld [tilespmem:$0x150];
	[tilespmem:$0xE0] =	vst v1;
	v1 =	vadd.s32 v0, v2;
	v2 =	vshll.u32 v26, $0x4  }
0x2c: {  	[tilespmem:$0xF0] =	vst v1;
	v1 =	vadd.s32 v0, v2;
	v2 =	vshll.u32 v3, $0x4;
	v3 =	vld [tilespmem:$0x160]  }
0x2d: {  	v31 =	vld [tilespmem:$0x170];
	[tilespmem:$0x100] =	vst v1;
	v1 =	vadd.s32 v0, v2;
	v2 =	vshll.u32 v27, $0x4  }
0x2e: {  	v32 =	vld [tilespmem:$0x180];
	[tilespmem:$0x110] =	vst v1;
	v1 =	vadd.s32 v0, v2;
	v2 =	vshll.u32 v28, $0x4  }
0x2f: {  	v33 =	vld [tilespmem:$0x190];
	[tilespmem:$0x120] =	vst v1;
	v1 =	vadd.s32 v0, v2;
	v2 =	vshll.u32 v29, $0x4  }
0x30: {  	v34 =	vld [tilespmem:$0x1A0];
	[tilespmem:$0x130] =	vst v1;
	v1 =	vadd.s32 v0, v2;
	v2 =	vshll.u32 v30, $0x4  }
0x31: {  	[tilespmem:$0x140] =	vst v1;
	v1 =	vadd.s32 v0, v2;
	v2 =	vshll.u32 v3, $0x4;
	v3 =	vld [tilespmem:$0x1B0]  }
0x32: {  	v35 =	vld [tilespmem:$0x1C0];
	[tilespmem:$0x150] =	vst v1;
	v1 =	vadd.s32 v0, v2;
	v2 =	vshll.u32 v31, $0x4  }
0x33: {  	v36 =	vld [tilespmem:$0x1D0];
	[tilespmem:$0x160] =	vst v1;
	v1 =	vadd.s32 v0, v2;
	v2 =	vshll.u32 v32, $0x4  }
0x34: {  	v37 =	vld [tilespmem:$0x1E0];
	[tilespmem:$0x170] =	vst v1;
	v1 =	vadd.s32 v0, v2;
	v2 =	vshll.u32 v33, $0x4  }
0x35: {  	v38 =	vld [tilespmem:$0x1F0];
	[tilespmem:$0x180] =	vst v1;
	v1 =	vadd.s32 v0, v2;
	v2 =	vshll.u32 v34, $0x4  }
0x36: {  	[tilespmem:$0x190] =	vst v1;
	v1 =	vadd.s32 v0, v2;
	v2 =	vshll.u32 v3, $0x4;
	v3 =	vld [tilespmem:$0x200]  }
0x37: {  	v39 =	vld [tilespmem:$0x210];
	[tilespmem:$0x1A0] =	vst v1;
	v1 =	vadd.s32 v0, v2;
	v2 =	vshll.u32 v35, $0x4  }
0x38: {  	v40 =	vld [tilespmem:$0x220];
	[tilespmem:$0x1B0] =	vst v1;
	v1 =	vadd.s32 v0, v2;
	v2 =	vshll.u32 v36, $0x4  }
0x39: {  	v41 =	vld [tilespmem:$0x230];
	[tilespmem:$0x1C0] =	vst v1;
	v1 =	vadd.s32 v0, v2;
	v2 =	vshll.u32 v37, $0x4  }
0x3a: {  	v42 =	vld [tilespmem:$0x240];
	[tilespmem:$0x1D0] =	vst v1;
	v1 =	vadd.s32 v0, v2;
	v2 =	vshll.u32 v38, $0x4  }
0x3b: {  	[tilespmem:$0x1E0] =	vst v1;
	v1 =	vadd.s32 v0, v2;
	v2 =	vshll.u32 v3, $0x4;
	v3 =	vld [tilespmem:$0x250]  }
0x3c: {  	v43 =	vld [tilespmem:$0x260];
	[tilespmem:$0x1F0] =	vst v1;
	v1 =	vadd.s32 v0, v2;
	v2 =	vshll.u32 v39, $0x4  }
0x3d: {  	v44 =	vld [tilespmem:$0x270];
	[tilespmem:$0x200] =	vst v1;
	v1 =	vadd.s32 v0, v2;
	v2 =	vshll.u32 v40, $0x4  }
0x3e: {  	v45 =	vld [tilespmem:$0x280];
	[tilespmem:$0x210] =	vst v1;
	v1 =	vadd.s32 v0, v2;
	v2 =	vshll.u32 v41, $0x4  }
0x3f: {  	v46 =	vld [tilespmem:$0x290];
	[tilespmem:$0x220] =	vst v1;
	v1 =	vadd.s32 v0, v2;
	v2 =	vshll.u32 v42, $0x4  }
0x40: {  	[tilespmem:$0x230] =	vst v1;
	v1 =	vadd.s32 v0, v2;
	v2 =	vshll.u32 v3, $0x4;
	v3 =	vld [tilespmem:$0x2A0]  }
0x41: {  	v47 =	vld [tilespmem:$0x2B0];
	[tilespmem:$0x240] =	vst v1;
	v1 =	vadd.s32 v0, v2;
	v2 =	vshll.u32 v43, $0x4  }
0x42: {  	v48 =	vld [tilespmem:$0x2C0];
	[tilespmem:$0x250] =	vst v1;
	v1 =	vadd.s32 v0, v2;
	v2 =	vshll.u32 v44, $0x4  }
0x43: {  	v49 =	vld [tilespmem:$0x2D0];
	[tilespmem:$0x260] =	vst v1;
	v1 =	vadd.s32 v0, v2;
	v2 =	vshll.u32 v45, $0x4  }
0x44: {  	v50 =	vld [tilespmem:$0x2E0];
	[tilespmem:$0x270] =	vst v1;
	v1 =	vadd.s32 v0, v2;
	v2 =	vshll.u32 v46, $0x4  }
0x45: {  	[tilespmem:$0x280] =	vst v1;
	v1 =	vadd.s32 v0, v2;
	v2 =	vshll.u32 v3, $0x4;
	v3 =	vld [tilespmem:$0x2F0]  }
0x46: {  	v51 =	vld [tilespmem:$0x300];
	[tilespmem:$0x290] =	vst v1;
	v1 =	vadd.s32 v0, v2;
	v2 =	vshll.u32 v47, $0x4  }
0x47: {  	v52 =	vld [tilespmem:$0x310];
	[tilespmem:$0x2A0] =	vst v1;
	v1 =	vadd.s32 v0, v2;
	v2 =	vshll.u32 v48, $0x4  }
0x48: {  	v53 =	vld [tilespmem:$0x320];
	[tilespmem:$0x2B0] =	vst v1;
	v1 =	vadd.s32 v0, v2;
	v2 =	vshll.u32 v49, $0x4  }
0x49: {  	v54 =	vld [tilespmem:$0x330];
	[tilespmem:$0x2C0] =	vst v1;
	v1 =	vadd.s32 v0, v2;
	v2 =	vshll.u32 v50, $0x4  }
0x4a: {  	[tilespmem:$0x2D0] =	vst v1;
	v1 =	vadd.s32 v0, v2;
	v2 =	vshll.u32 v3, $0x4;
	v3 =	vld [tilespmem:$0x340]  }
0x4b: {  	v55 =	vld [tilespmem:$0x350];
	[tilespmem:$0x2E0] =	vst v1;
	v1 =	vadd.s32 v0, v2;
	v2 =	vshll.u32 v51, $0x4  }
0x4c: {  	v56 =	vld [tilespmem:$0x360];
	[tilespmem:$0x2F0] =	vst v1;
	v1 =	vadd.s32 v0, v2;
	v2 =	vshll.u32 v52, $0x4  }
0x4d: {  	v57 =	vld [tilespmem:$0x370];
	[tilespmem:$0x300] =	vst v1;
	v1 =	vadd.s32 v0, v2;
	v2 =	vshll.u32 v53, $0x4  }
0x4e: {  	v58 =	vld [tilespmem:$0x380];
	[tilespmem:$0x310] =	vst v1;
	v1 =	vadd.s32 v0, v2;
	v2 =	vshll.u32 v54, $0x4  }
0x4f: {  	[tilespmem:$0x320] =	vst v1;
	v1 =	vadd.s32 v0, v2;
	v2 =	vshll.u32 v3, $0x4;
	v3 =	vld [tilespmem:$0x390]  }
0x50: {  	v59 =	vld [tilespmem:$0x3A0];
	[tilespmem:$0x330] =	vst v1;
	v1 =	vadd.s32 v0, v2;
	v2 =	vshll.u32 v55, $0x4  }
0x51: {  	v60 =	vld [tilespmem:$0x3B0];
	[tilespmem:$0x340] =	vst v1;
	v1 =	vadd.s32 v0, v2;
	v2 =	vshll.u32 v56, $0x4  }
0x52: {  	v61 =	vld [tilespmem:$0x3C0];
	[tilespmem:$0x350] =	vst v1;
	v1 =	vadd.s32 v0, v2;
	v2 =	vshll.u32 v57, $0x4  }
0x53: {  	v62 =	vld [tilespmem:$0x3D0];
	[tilespmem:$0x360] =	vst v1;
	v1 =	vadd.s32 v0, v2;
	v2 =	vshll.u32 v58, $0x4  }
0x54: {  	[tilespmem:$0x370] =	vst v1;
	v1 =	vadd.s32 v0, v2;
	v2 =	vshll.u32 v3, $0x4;
	v3 =	vld [tilespmem:$0x3E0]  }
0x55: {  	v63 =	vld [tilespmem:$0x3F0];
	[tilespmem:$0x380] =	vst v1;
	v1 =	vadd.s32 v0, v2;
	v2 =	vshll.u32 v59, $0x4  }
0x56: {  	[tilespmem:$0x390] =	vst v1;
	v1 =	vadd.s32 v0, v2;
	v2 =	vshll.u32 v60, $0x4  }
0x57: {  	[tilespmem:$0x3A0] =	vst v1;
	v1 =	vadd.s32 v0, v2;
	v2 =	vshll.u32 v61, $0x4  }
0x58: {  	[tilespmem:$0x3B0] =	vst v1;
	v1 =	vadd.s32 v0, v2;
	v2 =	vshll.u32 v62, $0x4  }
0x59: {  	[tilespmem:$0x3C0] =	vst v1;
	v1 =	vadd.s32 v0, v2;
	v2 =	vshll.u32 v3, $0x4  }
0x5a: {  	[tilespmem:$0x3D0] =	vst v1;
	v1 =	vadd.s32 v0, v2;
	v2 =	vshll.u32 v63, $0x4  }
0x5b: {  	[tilespmem:$0x3E0] =	vst v1;
	v1 =	vadd.s32 v0, v2  }
0x5c: {  	[tilespmem:$0x3F0] =	vst v1  }
0x5d: {  	[tilespmem:s16], [sflag:$0x1] =	stream.linear.gather [hbm4b:s6+s2], $0x4000, $0x38;
	[tilespmem:$0x8400] =	vst v63  }
0x5e: {  	_ = 	snop  }
0x5f: {  	[tilespmem:s17], [sflag:$0x2] =	stream.linear.gather [hbm4b:s7+s2], $0x4000, $0x38;
	[tilespmem:$0x8400] =	vst v63  }
0x60: {  	_ =	swait.ge [sflag:s4], $0x4000  }
0x61: {  	[sflag:s4] =	ssyncset.done $0x0  }
0x62: {  	[sflag:s4] =	ssyncadd.s32 $0xFFFFC000  }
0x63: {  	[hbm4b:s3+s18] =	stream.indirect.scatter [tilespmem:s16], [sflag:$0x1], $0x80, s2, s18, $0xb8;
	[tilespmem:$0x8400] =	vst v63  }
0x64: {  	_ =	swait.ge [sflag:s4], $0x4000  }
0x65: {  	[sflag:s4] =	ssyncset.done $0x0  }
0x66: {  	[sflag:s4] =	ssyncadd.s32 $0xFFFFC000  }
0x67: {  	[tilespmem:s16], [sflag:$0x1] =	stream.linear.gather [hbm4b:s8+s2], $0x4000, $0x38;
	[tilespmem:$0x8400] =	vst v63  }
0x68: {  	_ =	swait.ge [sflag:s19], $0x4000  }
0x69: {  	[sflag:s19] =	ssyncset.done $0x0  }
0x6a: {  	[sflag:s19] =	ssyncadd.s32 $0xFFFFC000  }
0x6b: {  	[hbm4b:s3+s18] =	stream.indirect.scatter [tilespmem:s17], [sflag:$0x2], $0x80, s18, s18, $0xb8;
	[tilespmem:$0x8400] =	vst v63  }
0x6c: {  	_ =	swait.ge [sflag:s19], $0x4000  }
0x6d: {  	[sflag:s19] =	ssyncset.done $0x0  }
0x6e: {  	[sflag:s19] =	ssyncadd.s32 $0xFFFFC000  }
0x6f: {  	[tilespmem:s17], [sflag:$0x2] =	stream.linear.gather [hbm4b:s9+s2], $0x4000, $0x38;
	[tilespmem:$0x8400] =	vst v63  }
0x70: {  	_ =	swait.ge [sflag:s4], $0x4000  }
0x71: {  	[sflag:s4] =	ssyncset.done $0x0  }
0x72: {  	[sflag:s4] =	ssyncadd.s32 $0xFFFFC000  }
0x73: {  	[hbm4b:s3+s18] =	stream.indirect.scatter [tilespmem:s16], [sflag:$0x1], $0x80, s20, s18, $0xb8;
	[tilespmem:$0x8400] =	vst v63  }
0x74: {  	_ =	swait.ge [sflag:s4], $0x4000  }
0x75: {  	[sflag:s4] =	ssyncset.done $0x0  }
0x76: {  	[sflag:s4] =	ssyncadd.s32 $0xFFFFC000  }
0x77: {  	[tilespmem:s16], [sflag:$0x1] =	stream.linear.gather [hbm4b:s10+s2], $0x4000, $0x38;
	[tilespmem:$0x8400] =	vst v63  }
0x78: {  	_ =	swait.ge [sflag:s19], $0x4000  }
0x79: {  	[sflag:s19] =	ssyncset.done $0x0  }
0x7a: {  	[sflag:s19] =	ssyncadd.s32 $0xFFFFC000  }
0x7b: {  	[hbm4b:s3+s18] =	stream.indirect.scatter [tilespmem:s17], [sflag:$0x2], $0x80, s21, s18, $0xb8;
	[tilespmem:$0x8400] =	vst v63  }
0x7c: {  	_ =	swait.ge [sflag:s19], $0x4000  }
0x7d: {  	[sflag:s19] =	ssyncset.done $0x0  }
0x7e: {  	[sflag:s19] =	ssyncadd.s32 $0xFFFFC000  }
0x7f: {  	[tilespmem:s17], [sflag:$0x2] =	stream.linear.gather [hbm4b:s11+s2], $0x4000, $0x38;
	[tilespmem:$0x8400] =	vst v63  }
0x80: {  	_ =	swait.ge [sflag:s4], $0x4000  }
0x81: {  	[sflag:s4] =	ssyncset.done $0x0  }
0x82: {  	[sflag:s4] =	ssyncadd.s32 $0xFFFFC000  }
0x83: {  	[hbm4b:s3+s18] =	stream.indirect.scatter [tilespmem:s16], [sflag:$0x1], $0x80, s22, s18, $0xb8;
	[tilespmem:$0x8400] =	vst v63  }
0x84: {  	_ =	swait.ge [sflag:s4], $0x4000  }
0x85: {  	[sflag:s4] =	ssyncset.done $0x0  }
0x86: {  	[sflag:s4] =	ssyncadd.s32 $0xFFFFC000  }
0x87: {  	[tilespmem:s16], [sflag:$0x1] =	stream.linear.gather [hbm4b:s12+s2], $0x4000, $0x38;
	[tilespmem:$0x8400] =	vst v63  }
0x88: {  	_ =	swait.ge [sflag:s19], $0x4000  }
0x89: {  	[sflag:s19] =	ssyncset.done $0x0  }
0x8a: {  	[sflag:s19] =	ssyncadd.s32 $0xFFFFC000  }
0x8b: {  	[hbm4b:s3+s18] =	stream.indirect.scatter [tilespmem:s17], [sflag:$0x2], $0x80, s23, s18, $0xb8;
	[tilespmem:$0x8400] =	vst v63  }
0x8c: {  	_ =	swait.ge [sflag:s19], $0x4000  }
0x8d: {  	[sflag:s19] =	ssyncset.done $0x0  }
0x8e: {  	[sflag:s19] =	ssyncadd.s32 $0xFFFFC000  }
0x8f: {  	[tilespmem:s17], [sflag:$0x2] =	stream.linear.gather [hbm4b:s13+s2], $0x4000, $0x38;
	[tilespmem:$0x8400] =	vst v63  }
0x90: {  	_ =	swait.ge [sflag:s4], $0x4000  }
0x91: {  	[sflag:s4] =	ssyncset.done $0x0  }
0x92: {  	[sflag:s4] =	ssyncadd.s32 $0xFFFFC000  }
0x93: {  	[hbm4b:s3+s18] =	stream.indirect.scatter [tilespmem:s16], [sflag:$0x1], $0x80, s24, s18, $0xb8;
	[tilespmem:$0x8400] =	vst v63  }
0x94: {  	_ =	swait.ge [sflag:s4], $0x4000  }
0x95: {  	[sflag:s4] =	ssyncset.done $0x0  }
0x96: {  	[sflag:s4] =	ssyncadd.s32 $0xFFFFC000  }
0x97: {  	_ =	swait.ge [sflag:s19], $0x4000  }
0x98: {  	p0 =	sne.s32 s14, $0x1;
	[sflag:s19] =	ssyncset.done $0x0  }
.Ltmp0:
0x99: {  	[sflag:s19] =	ssyncadd.s32 $0xFFFFC000;
	(pc) =	sbr.rel @p0 .LBB2_1-.Ltmp0, $4  }
0x9a: {  	[hbm4b:s3+s18] =	stream.indirect.scatter [tilespmem:s17], [sflag:$0x2], $0x80, s25, s18, $0xb8;
	[tilespmem:$0x8400] =	vst v63  }
0x9b: {  	_ =	swait.ge [sflag:s19], $0x4000  }
0x9c: {  	[sflag:s19] =	ssyncset.done $0x0  }
0x9d: {  	s14 =	sadd.s32 $0xFFFFFFFF, s14;
	[sflag:s19] =	ssyncadd.s32 $0xFFFFC000  }
0x9e: {  	_ =	sfence.sel $0x180000  }
0x9f: {  	[bflag:$0x0] =	sbarrier.arrive $0xFFFF  }
0xa0: {  	p0 =	sne.s32 s1, $0x0;
	_ =	strace $0x9000004A  }
0xa1: {  	s0 =	sadd.s32 @!p0 $0x100000, s0;
	[bflag:$0x2] =	sbarrier.arrive $0xFFFF  }
0xa2: {  	[sflag:s0] =	ssyncadd.tile.s32 @!p0 $0x1;
	_ =	shalt  }
.Lfunc_end2:
_tile_overlayer_lowered:
.L_overlay_start_2:
0xa3: {  	(tag) =	ssettag $0x2  }
0xa4: {  	s0 =	rddreg [dreg:$0x0];
	s2 =	stileid.u32  }
0xa5: {  	s1 =	rddreg [dreg:$0x1];
	p0 =	sne.s32 s2, $0x0  }
0xa6: {  	s3 =	rddreg [dreg:$0x2];
	[bflag:$0x3] =	sbarrier.arrive $0xFFFF;
	s2 =	simm.s32 @!p0 $0x1C03  }
0xa7: {  	[timem:s3], [sflag:s2] =	dma.local @!p0 [hbm:s0], s1  }
0xa8: {  	s0 =	simm.s32 @!p0 $0x3  }
0xa9: {  	_ =	swait.ge @!p0 [sflag:s0], s1  }
0xaa: {  	s1 =	ssub.s32 @!p0 $0x0, s1;
	[sflag:s0] =	ssyncset.done @!p0 $0x0  }
0xab: {  	[sflag:s0] =	ssyncadd.s32 @!p0 s1  }
0xac: {  	[bflag:$0x3] =	sbarrier.arrive $0xFFFF  }
0xad: {  	_ =	shalt  }

// kernel: kernel.7.cloned.1.call-start
scs
__scs_entry_jumppad:
0x0: {  	(pc) =	sbr.rel $0x88, $3  }
0x1: {  	(tag) =	ssettag $0x0;
	lr =	simm.s32 $0x1  }
0x2: {  	[smem:$0x3F9D] =	sst lr;
	_ =	strace $0xD0000000  }
0x3: {  	_ = 	snop  }
0x4: {  	_ = 	snop  }
0x5: {  	_ = 	snop  }
0x6: {  	_ = 	snop  }
0x7: {  	_ = 	snop  }
__scs_overlays_trampoline_lowered:
0x8: {  	[smem:$0x3FAC] =	sst s0  }
0x9: {  	[smem:$0x3FAD] =	sst s1  }
0xa: {  	[smem:$0x3FAE] =	sst s2  }
0xb: {  	[smem:$0x3FAF] =	sst s3  }
0xc: {  	[smem:$0x3FB0] =	sst s4  }
0xd: {  	[smem:$0x3FB1] =	sst s5  }
0xe: {  	[smem:$0x3FB2] =	sst s6  }
0xf: {  	[smem:$0x3FB3] =	sst s7  }
0x10: {  	[smem:$0x3FB4] =	sst s8  }
0x11: {  	[smem:$0x3FB5] =	sst s9;
	s0 =	simm.s32 @!p0 $0x0  }
0x12: {  	s1 =	sld [smem:$0x3F9B];
	s0 =	simm.s32 @p0 $0x1  }
0x13: {  	[smem:$0x3FB6] =	sst s0;
	s0 =	simm.s32 @!p1 $0x0  }
0x14: {  	s2 =	sld [smem:$0x3F9A];
	s0 =	simm.s32 @p1 $0x1  }
0x15: {  	[smem:$0x3FB7] =	sst s0;
	s0 =	simm.s32 @!p2 $0x0  }
0x16: {  	s3 =	sld [smem:$0x3FDB];
	s0 =	simm.s32 @p2 $0x1  }
0x17: {  	s4 =	simm.s32 $0x1BF5;
	[smem:$0x3FB9] =	sst s0  }
0x18: {  	s0 =	sld [smem:$0x3F9C];
	_ =	swait.ge [sflag:s4], $0x0  }
0x19: {  	s7 =	sld [smem:$0x3F9D]  }
0x1a: {  	s8 =	sadd.s32 $0xFFFFE003, lr  }
0x1b: {  	s9 =	sadd.s32 $0xFFFFFEF7, lr;
	s5 =	simm.s32 $0xFFFFFFFF;
	p2 =	slt.u32 s8, $0xFFFFF086  }
0x1c: {  	p1 =	slt.u32 s9, $0xF7A;
	s5 =	simm.s32 @!p2 $0x0  }
0x1d: {  	s5 =	simm.s32 @p1 $0x1;
	p0 =	seq.s32 s7, s2  }
0x1e: {  	s7 =	smul.u32 @!p0 $0xF7A, s2;
	p2 =	seq.s32 @!p0 s5, $0x0  }
0x1f: {  	s9 =	smul.u32 $0xF7A, s1;
	s8 =	simm.s32 @!p0 $0x1BF5;
	p2 =	por !p2, p0  }
0x20: {  	[sflag:s8] =	ssyncset.s32 @!p0 $0xFFFFF086;
	s6 =	sadd.s32 @!p0 s3, s7;
	s7 =	simm.s32 @!p0 $0x108  }
0x21: {  	s3 =	sadd.s32 s3, s9;
	s6 =	sadd.s32 @!p0 $0x88, s6;
	s7 =	simm.s32 @p2 $0x1082  }
0x22: {  	[simem:s7], [sflag:s8] =	dma.local @!p0 [hbm:s6], $0xF7A  }
0x23: {  	s9 =	sor.u32 $0xD0000000, s2;
	s6 =	simm.s32 $0x108;
	_ =	swait.ge @!p0 [sflag:s8], $0x0  }
0x24: {  	s3 =	sadd.s32 $0x88, s3;
	s6 =	simm.s32 @!p1 $0x1082;
	[sflag:s4] =	ssyncset.s32 $0xFFFFF086  }
0x25: {  	[simem:s6], [sflag:s4] =	dma.local [hbm:s3], $0xF7A  }
0x26: {  	[smem:$0x3F9D] =	sst s1;
	(tag) =	ssettag s2;
	_ =	strace s9  }
0x27: {  	s1 =	sld [smem:$0x3FAD]  }
0x28: {  	s2 =	sld [smem:$0x3FAE]  }
0x29: {  	s4 =	sld [smem:$0x3FB0]  }
0x2a: {  	p0 =	seq.s32 s5, $0x0;
	s5 =	sld [smem:$0x3FB1]  }
0x2b: {  	s6 =	sld [smem:$0x3FB2]  }
0x2c: {  	s7 =	sld [smem:$0x3FB3]  }
0x2d: {  	s3 =	simm.s32 $0x108;
	s8 =	sld [smem:$0x3FB4]  }
0x2e: {  	s3 =	simm.s32 @!p0 $0x1082;
	s9 =	sld [smem:$0x3FB5]  }
0x2f: {  	lr =	sadd.s32 s0, s3;
	s0 =	sld [smem:$0x3FAC]  }
0x30: {  	s3 =	sld [smem:$0x3FAF]  }
0x31: {  	[smem:$0x3FB8] =	sst s10  }
0x32: {  	s10 =	sld [smem:$0x3FB6];
	_ =	sdelay $0x3  }
0x33: {  	p0 =	seq.s32 s10, $0x1;
	s10 =	sld [smem:$0x3FB8];
	_ =	sdelay $0x3  }
0x34: {  	[smem:$0x3FB8] =	sst s10  }
0x35: {  	s10 =	sld [smem:$0x3FB7];
	_ =	sdelay $0x3  }
0x36: {  	p1 =	seq.s32 s10, $0x1;
	s10 =	sld [smem:$0x3FB8];
	_ =	sdelay $0x3  }
0x37: {  	[smem:$0x3FB8] =	sst s10  }
0x38: {  	s10 =	sld [smem:$0x3FB9]  }
0x39: {  	_ = 	snop;
	(pc) =	sbr.ind lr, $3  }
0x3a: {  	_ = 	snop  }
0x3b: {  	_ = 	snop  }
0x3c: {  	p2 =	seq.s32 s10, $0x1;
	s10 =	sld [smem:$0x3FB8]  }
0x3d: {  	_ =	shalt  }
0x3e: {  	_ =	shalt  }
0x3f: {  	_ =	shalt  }
0x40: {  	_ =	shalt  }
0x41: {  	_ =	shalt  }
0x42: {  	_ =	shalt  }
0x43: {  	_ =	shalt  }
0x44: {  	_ =	shalt  }
0x45: {  	_ =	shalt  }
0x46: {  	_ =	shalt  }
0x47: {  	_ =	shalt  }
0x48: {  	_ =	shalt  }
0x49: {  	_ =	shalt  }
0x4a: {  	_ =	shalt  }
0x4b: {  	_ =	shalt  }
0x4c: {  	_ =	shalt  }
0x4d: {  	_ =	shalt  }
0x4e: {  	_ =	shalt  }
0x4f: {  	_ =	shalt  }
0x50: {  	_ =	shalt  }
0x51: {  	_ =	shalt  }
0x52: {  	_ =	shalt  }
0x53: {  	_ =	shalt  }
0x54: {  	_ =	shalt  }
0x55: {  	_ =	shalt  }
0x56: {  	_ =	shalt  }
0x57: {  	_ =	shalt  }
0x58: {  	_ =	shalt  }
0x59: {  	_ =	shalt  }
0x5a: {  	_ =	shalt  }
0x5b: {  	_ =	shalt  }
0x5c: {  	_ =	shalt  }
0x5d: {  	_ =	shalt  }
0x5e: {  	_ =	shalt  }
0x5f: {  	_ =	shalt  }
0x60: {  	_ =	shalt  }
0x61: {  	_ =	shalt  }
0x62: {  	_ =	shalt  }
0x63: {  	_ =	shalt  }
0x64: {  	_ =	shalt  }
0x65: {  	_ =	shalt  }
0x66: {  	_ =	shalt  }
0x67: {  	_ =	shalt  }
0x68: {  	_ =	shalt  }
0x69: {  	_ =	shalt  }
0x6a: {  	_ =	shalt  }
0x6b: {  	_ =	shalt  }
0x6c: {  	_ =	shalt  }
0x6d: {  	_ =	shalt  }
0x6e: {  	_ =	shalt  }
0x6f: {  	_ =	shalt  }
0x70: {  	_ =	shalt  }
0x71: {  	_ =	shalt  }
0x72: {  	_ =	shalt  }
0x73: {  	_ =	shalt  }
0x74: {  	_ =	shalt  }
0x75: {  	_ =	shalt  }
0x76: {  	_ =	shalt  }
0x77: {  	_ =	shalt  }
0x78: {  	_ =	shalt  }
0x79: {  	_ =	shalt  }
0x7a: {  	_ =	shalt  }
0x7b: {  	_ =	shalt  }
0x7c: {  	_ =	shalt  }
0x7d: {  	_ =	shalt  }
0x7e: {  	_ =	shalt  }
0x7f: {  	_ =	shalt  }
0x80: {  	_ =	shalt  }
0x81: {  	_ =	shalt  }
0x82: {  	_ =	shalt  }
0x83: {  	_ =	shalt  }
0x84: {  	_ =	shalt  }
0x85: {  	_ =	shalt  }
0x86: {  	_ =	shalt  }
0x87: {  	_ =	shalt  }
.Lfunc_end0:
.L_simem_size_0:
called_computation_lowered:
.L_overlay_start_0:
0x88: {  	s2 =	sld [smem:$0x3FD9]  }
0x89: {  	s3 =	sld [smem:$0x3FFE];
	_ =	sdelay $0x1  }
0x8a: {  	s1 =	srdreg.scid  }
0x8b: {  	s0 =	sand.u32 $0x1, s1  }
0x8c: {  	s17 =	sshll.u32 s0, $0xA;
	s2 =	sadd.s32 s3, s2  }
0x8d: {  	s2 =	sadd.s32 s2, s17  }
0x8e: {  	[smem:$0x3FC4] =	sst s2  }
0x8f: {  	_ = 	snop  }
0x90: {  	s2 =	sld [smem:$0x3FD0];
	(tm) =	ssettm $0x1  }
0x91: {  	s18 =	sld [smem:$0x3FFB];
	_ =	sdelay $0x3  }
0x92: {  	_ =	strace s18  }
0x93: {  	s3 =	sld [smem:$0x3FFC];
	_ =	sdelay $0x3  }
0x94: {  	_ =	strace s3  }
0x95: {  	s3 =	sld [smem:$0x3FFD];
	_ =	sdelay $0x3  }
0x96: {  	_ =	strace s3  }
0x97: {  	_ =	strace $0x8FFFFFFF  }
0x98: {  	s19 =	sld [smem:$0x3FDB];
	_ =	sdelay $0x1  }
0x99: {  	s4 =	simm.s32 $_scs_section_size  }
0x9a: {  	s5 =	simm.s32 $_size__tile_overlayer_lowered;
	s6 =	simm.s32 $_tile_overlayer_lowered  }
0x9b: {  	s22 =	simm.s32 $0x1BFF;
	s21 =	sshll.u32 s6, $0x1;
	s3 =	sadd.s32 s4, s19  }
0x9c: {  	s7 =	simm.s32 $0x0;
	s20 =	sshll.u32 s5, $0x1;
	s5 =	sadd.s32 s21, s3  }
0x9d: {  	[timem:s7], [sflag:s22] =	dma.local [hbm:s5], s20  }
0x9e: {  	_ =	swait.ge [sflag:s22], s20  }
0x9f: {  	s4 =	ssub.s32 $0x0, s20;
	[sflag:s22] =	ssyncset.done $0x0  }
0xa0: {  	[sflag:s22] =	ssyncadd.s32 s4;
	_ =	sdelay $0x1  }
0xa1: {  	s23 =	simm.s32 $0x1B8B  }
0xa2: {  	_ =	swait.ge [sflag:s23], $0x1  }
0xa3: {  	[sflag:s23] =	ssyncset.done $0x0  }
0xa4: {  	s25 =	simm.s32 $0x1B8E;
	s24 =	sld [smem:$0x3FFE];
	[sflag:s23] =	ssyncadd.s32 $0xFFFFFFFF  }
0xa5: {  	s26 =	simm.s32 $execute0_lowered;
	[smem:$0x3FD2] =	sst s25  }
0xa6: {  	s5 =	sshll.u32 s26, $0x1;
	_ =	strace $0x80000046;
	[dreg:$0x1] =	wrdreg $0xFFFFFFFF  }
0xa7: {  	s28 =	simm.s32 $_size_execute0_lowered;
	s3 =	sadd.s32 s3, s5;
	[dreg:$0x0] =	wrdreg $0x0  }
0xa8: {  	s5 =	sshll.u32 s28, $0x1;
	[dreg:$0x2] =	wrdreg s3  }
0xa9: {  	[dreg:$0x3] =	wrdreg s5  }
0xaa: {  	[dreg:$0x4] =	wrdreg $0xC0  }
0xab: {  	_ =	task [dreg:s7], $0x5FFFF  }
0xac: {  	[dreg:$0x1] =	wrdreg $0xFFFFFFFF  }
0xad: {  	[dreg:$0x0] =	wrdreg $0x60  }
0xae: {  	[dreg:$0x2] =	wrdreg s24  }
0xaf: {  	[dreg:$0x3] =	wrdreg s2  }
0xb0: {  	[dreg:$0x4] =	wrdreg $0x9  }
0xb1: {  	_ =	task.clear_ibuf [dreg:s7], $0x5FFFF;
	_ =	strace $0x90000046  }
0xb2: {  	s29 =	simm.s32 $0x9;
	_ =	strace $0x80000048  }
0xb3: {  	_ =	swait.ge [sflag:s29], $0x1  }
0xb4: {  	[sflag:s29] =	ssyncadd.s32 $0xFFFFFFFF  }
0xb5: {  	_ =	strace $0x90000048  }
0xb6: {  	_ =	sfence  }
0xb7: {  	s30 =	sld [smem:$0x0];
	_ =	sdelay $0x2  }
0xb8: {  	s31 =	sshll.u32 s1, $0xD;
	s1 =	sshrl.u32 s1, $0x2  }
0xb9: {  	s3 =	sand.u32 $0x4000, s31;
	s1 =	sadd.s32 s1, s30  }
0xba: {  	s0 =	sor.u32 s3, s0;
	s1 =	sshll.u32 s1, $0x11  }
0xbb: {  	s0 =	sor.u32 s1, s0  }
0xbc: {  	s0 =	sadd.s32 $0x8F2B, s0  }
0xbd: {  	[sflag:s0] =	ssyncadd.remote.s32 $0x1  }
0xbe: {  	_ =	sfence.sel $0xFFFF  }
0xbf: {  	[dreg:$0x0] =	wrdreg $0xFFFFFFFF;
	(pc) =	sbr.abs _section_cstart, $3  }
0xc0: {  	[dreg:$0x1] =	wrdreg $0xFFFFFFFF  }
0xc1: {  	_ =	task.clear_ibuf [dreg:s7], $0x2FFFF;
	_ =	strace $0x9FFFFFFF  }
0xc2: {  	(tm) =	ssettm $0x7FFFFFFF  }
0xc3: {  	_ =	shalt  }
tec
execute0_lowered:
.L_overlay_start_1:
0x0: {  	(tag) =	ssettag $0x1  }
0x1: {  	s0 =	rddreg [dreg:$0x0]  }
0x2: {  	s1 =	rddreg [dreg:$0x1]  }
0x3: {  	s2 =	simm.s32 $0x0;
	s3 =	srdreg.scid;
	s10 =	stileid.u32  }
0x4: {  	s11 =	simm.s32 $0x1;
	s4 =	sand.u32 $0x1, s3;
	s5 =	sshll.u32 s10, $0x1  }
0x5: {  	[smem:$0x7FF] =	sst s2;
	s3 =	sadd.s32 $0x101400, s0;
	s5 =	sor.u32 s4, s5  }
0x6: {  	_ =	strace $0x80000047;
	s7 =	sshll.u32 s5, $0xF;
	s9 =	sshll.u32 s5, $0x7  }
0x7: {  	s6 =	ssub.s32 $0x2, s4;
	s0 =	sadd.s32 s7, s0;
	s1 =	sadd.s32 s1, s9  }
0x8: {  	p1 =	seq.s32 s4, $0x1;
	[dreg:$0x3] =	wrdreg s1;
	s23 =	sadd.s32 $0x1400, s0  }
0x9: {  	s8 =	sshrl.u32 s6, $0x1;
	s24 =	sadd.s32 $0x2400, s0;
	[dreg:$0x4] =	wrdreg s23  }
0xa: {  	p0 =	seq.s32 s5, $0x0;
	s25 =	sadd.s32 $0x3400, s0;
	[dreg:$0x5] =	wrdreg s24  }
0xb: {  	s5 =	simm.s32 $0x1;
	s26 =	sadd.s32 $0x4400, s0;
	[dreg:$0x6] =	wrdreg s25  }
0xc: {  	p0 =	por !p0, !p1;
	s28 =	sadd.s32 $0x5400, s0;
	[dreg:$0x7] =	wrdreg s26  }
0xd: {  	p0 =	por !p0, !p0;
	s29 =	sadd.s32 $0x6400, s0;
	[dreg:$0x8] =	wrdreg s28  }
0xe: {  	s30 =	sadd.s32 $0x7400, s0;
	s5 =	simm.s32 @!p0 $0x0;
	[dreg:$0x9] =	wrdreg s29  }
0xf: {  	v4 =	vlaneseq.u32;
	vm0 =	vmmov $0xffff;
	s0 =	sadd.s32 $0x8400, s0;
	[dreg:$0xa] =	wrdreg s30;
	s31 =	ssub.s32 s10, s5  }
0x10: {  	s14 =	simm.s32 $0x2;
	v2 =	vand.u32 $0x7, v4;
	v3 =	vshrl.u32 v4, $0x3;
	s6 =	ssub.s32 s6, s8;
	[dreg:$0xb] =	wrdreg s0;
	v0 =	vmov s31  }
0x11: {  	v4 =	vor.u32 $0x8, v4;
	v3 =	vmul.u32 $0x8, v3;
	s23 =	simm.s32 $0x400;
	s5 =	smax.u32 s6, $0x1;
	s6 =	simm.s32 $0x3;
	v1 =	vand.u32 $0x7, v0  }
.LBB2_1:
0x12: {  	s15 =	rddreg [dreg:$0x3]  }
0x13: {  	[tilespmem:s2], [sflag:$0x3] =	stream.linear.gather [hbm4b:s15+s2], $0x400, $0x38;
	[tilespmem:$0x10400] =	vst v63  }
0x14: {  	_ =	swait.ge [sflag:s6], $0x400  }
0x15: {  	[sflag:s6] =	ssyncset.done $0x0  }
0x16: {  	[sflag:s6] =	ssyncadd.s32 $0xFFFFFC00  }
0x17: {  	v6 =	vld [tilespmem:$0x10]  }
0x18: {  	v7 =	vld [tilespmem:$0x20]  }
0x19: {  	v8 =	vld [tilespmem:$0x30]  }
0x1a: {  	v9 =	vld [tilespmem:$0x40]  }
0x1b: {  	v10 =	vld [tilespmem:$0x50]  }
0x1c: {  	v11 =	vld [tilespmem:$0x60];
	v6 =	vshll.u32 v6, $0x4  }
0x1d: {  	v12 =	vld [tilespmem:$0x70];
	v7 =	vshll.u32 v7, $0x4;
	v6 =	vadd.s32 v0, v6  }
0x1e: {  	v54 =	vld [tilespmem:$0x80];
	[tilespmem:$0x10] =	vst v6;
	v6 =	vadd.s32 v0, v7;
	v7 =	vshll.u32 v8, $0x4  }
0x1f: {  	v55 =	vld [tilespmem:$0x90];
	[tilespmem:$0x20] =	vst v6;
	v6 =	vadd.s32 v0, v7;
	v7 =	vshll.u32 v9, $0x4  }
0x20: {  	v56 =	vld [tilespmem:$0xA0];
	[tilespmem:$0x30] =	vst v6;
	v6 =	vadd.s32 v0, v7;
	v7 =	vshll.u32 v10, $0x4  }
0x21: {  	v57 =	vld [tilespmem:$0xB0];
	[tilespmem:$0x40] =	vst v6;
	v6 =	vadd.s32 v0, v7;
	v7 =	vshll.u32 v11, $0x4  }
0x22: {  	v58 =	vld [tilespmem:$0xC0];
	[tilespmem:$0x50] =	vst v6;
	v6 =	vadd.s32 v0, v7;
	v7 =	vshll.u32 v12, $0x4  }
0x23: {  	v59 =	vld [tilespmem:$0xD0];
	[tilespmem:$0x60] =	vst v6;
	v6 =	vadd.s32 v0, v7;
	v7 =	vshll.u32 v54, $0x4  }
0x24: {  	v60 =	vld [tilespmem:$0xE0];
	[tilespmem:$0x70] =	vst v6;
	v6 =	vadd.s32 v0, v7;
	v7 =	vshll.u32 v55, $0x4  }
0x25: {  	v61 =	vld [tilespmem:$0xF0];
	[tilespmem:$0x80] =	vst v6;
	v6 =	vadd.s32 v0, v7;
	v7 =	vshll.u32 v56, $0x4  }
0x26: {  	v62 =	vld [tilespmem:$0x100];
	[tilespmem:$0x90] =	vst v6;
	v6 =	vadd.s32 v0, v7;
	v7 =	vshll.u32 v57, $0x4  }
0x27: {  	v63 =	vld [tilespmem:$0x110];
	[tilespmem:$0xA0] =	vst v6;
	v6 =	vadd.s32 v0, v7;
	v7 =	vshll.u32 v58, $0x4  }
0x28: {  	v16 =	vld [tilespmem:$0x120];
	[tilespmem:$0xB0] =	vst v6;
	v6 =	vadd.s32 v0, v7;
	v7 =	vshll.u32 v59, $0x4  }
0x29: {  	v17 =	vld [tilespmem:$0x130];
	[tilespmem:$0xC0] =	vst v6;
	v6 =	vadd.s32 v0, v7;
	v7 =	vshll.u32 v60, $0x4  }
0x2a: {  	v18 =	vld [tilespmem:$0x140];
	[tilespmem:$0xD0] =	vst v6;
	v6 =	vadd.s32 v0, v7;
	v7 =	vshll.u32 v61, $0x4  }
0x2b: {  	v19 =	vld [tilespmem:$0x150];
	[tilespmem:$0xE0] =	vst v6;
	v6 =	vadd.s32 v0, v7;
	v7 =	vshll.u32 v62, $0x4  }
0x2c: {  	v20 =	vld [tilespmem:$0x160];
	[tilespmem:$0xF0] =	vst v6;
	v6 =	vadd.s32 v0, v7;
	v7 =	vshll.u32 v63, $0x4  }
0x2d: {  	v21 =	vld [tilespmem:$0x170];
	[tilespmem:$0x100] =	vst v6;
	v6 =	vadd.s32 v0, v7;
	v7 =	vshll.u32 v16, $0x4  }
0x2e: {  	v22 =	vld [tilespmem:$0x180];
	[tilespmem:$0x110] =	vst v6;
	v6 =	vadd.s32 v0, v7;
	v7 =	vshll.u32 v17, $0x4  }
0x2f: {  	v23 =	vld [tilespmem:$0x190];
	[tilespmem:$0x120] =	vst v6;
	v6 =	vadd.s32 v0, v7;
	v7 =	vshll.u32 v18, $0x4  }
0x30: {  	v24 =	vld [tilespmem:$0x1A0];
	[tilespmem:$0x130] =	vst v6;
	v6 =	vadd.s32 v0, v7;
	v7 =	vshll.u32 v19, $0x4  }
0x31: {  	v25 =	vld [tilespmem:$0x1B0];
	[tilespmem:$0x140] =	vst v6;
	v6 =	vadd.s32 v0, v7;
	v7 =	vshll.u32 v20, $0x4  }
0x32: {  	v26 =	vld [tilespmem:$0x1C0];
	[tilespmem:$0x150] =	vst v6;
	v6 =	vadd.s32 v0, v7;
	v7 =	vshll.u32 v21, $0x4  }
0x33: {  	v27 =	vld [tilespmem:$0x1D0];
	[tilespmem:$0x160] =	vst v6;
	v6 =	vadd.s32 v0, v7;
	v7 =	vshll.u32 v22, $0x4  }
0x34: {  	v28 =	vld [tilespmem:$0x1E0];
	[tilespmem:$0x170] =	vst v6;
	v6 =	vadd.s32 v0, v7;
	v7 =	vshll.u32 v23, $0x4  }
0x35: {  	v29 =	vld [tilespmem:$0x1F0];
	[tilespmem:$0x180] =	vst v6;
	v6 =	vadd.s32 v0, v7;
	v7 =	vshll.u32 v24, $0x4  }
0x36: {  	v30 =	vld [tilespmem:$0x200];
	[tilespmem:$0x190] =	vst v6;
	v6 =	vadd.s32 v0, v7;
	v7 =	vshll.u32 v25, $0x4  }
0x37: {  	v31 =	vld [tilespmem:$0x210];
	[tilespmem:$0x1A0] =	vst v6;
	v6 =	vadd.s32 v0, v7;
	v7 =	vshll.u32 v26, $0x4  }
0x38: {  	v32 =	vld [tilespmem:$0x220];
	[tilespmem:$0x1B0] =	vst v6;
	v6 =	vadd.s32 v0, v7;
	v7 =	vshll.u32 v27, $0x4  }
0x39: {  	v33 =	vld [tilespmem:$0x230];
	[tilespmem:$0x1C0] =	vst v6;
	v6 =	vadd.s32 v0, v7;
	v7 =	vshll.u32 v28, $0x4  }
0x3a: {  	v34 =	vld [tilespmem:$0x240];
	[tilespmem:$0x1D0] =	vst v6;
	v6 =	vadd.s32 v0, v7;
	v7 =	vshll.u32 v29, $0x4  }
0x3b: {  	v35 =	vld [tilespmem:$0x250];
	[tilespmem:$0x1E0] =	vst v6;
	v6 =	vadd.s32 v0, v7;
	v7 =	vshll.u32 v30, $0x4  }
0x3c: {  	v36 =	vld [tilespmem:$0x260];
	[tilespmem:$0x1F0] =	vst v6;
	v6 =	vadd.s32 v0, v7;
	v7 =	vshll.u32 v31, $0x4  }
0x3d: {  	v37 =	vld [tilespmem:$0x270];
	[tilespmem:$0x200] =	vst v6;
	v6 =	vadd.s32 v0, v7;
	v7 =	vshll.u32 v32, $0x4  }
0x3e: {  	v38 =	vld [tilespmem:$0x280];
	[tilespmem:$0x210] =	vst v6;
	v6 =	vadd.s32 v0, v7;
	v7 =	vshll.u32 v33, $0x4  }
0x3f: {  	v39 =	vld [tilespmem:$0x290];
	[tilespmem:$0x220] =	vst v6;
	v6 =	vadd.s32 v0, v7;
	v7 =	vshll.u32 v34, $0x4  }
0x40: {  	v40 =	vld [tilespmem:$0x2A0];
	[tilespmem:$0x230] =	vst v6;
	v6 =	vadd.s32 v0, v7;
	v7 =	vshll.u32 v35, $0x4  }
0x41: {  	v41 =	vld [tilespmem:$0x2B0];
	[tilespmem:$0x240] =	vst v6;
	v6 =	vadd.s32 v0, v7;
	v7 =	vshll.u32 v36, $0x4  }
0x42: {  	v42 =	vld [tilespmem:$0x2C0];
	[tilespmem:$0x250] =	vst v6;
	v6 =	vadd.s32 v0, v7;
	v7 =	vshll.u32 v37, $0x4  }
0x43: {  	v43 =	vld [tilespmem:$0x2D0];
	[tilespmem:$0x260] =	vst v6;
	v6 =	vadd.s32 v0, v7;
	v7 =	vshll.u32 v38, $0x4  }
0x44: {  	v44 =	vld [tilespmem:$0x2E0];
	[tilespmem:$0x270] =	vst v6;
	v6 =	vadd.s32 v0, v7;
	v7 =	vshll.u32 v39, $0x4  }
0x45: {  	v45 =	vld [tilespmem:$0x2F0];
	[tilespmem:$0x280] =	vst v6;
	v6 =	vadd.s32 v0, v7;
	v7 =	vshll.u32 v40, $0x4  }
0x46: {  	v46 =	vld [tilespmem:$0x300];
	[tilespmem:$0x290] =	vst v6;
	v6 =	vadd.s32 v0, v7;
	v7 =	vshll.u32 v41, $0x4  }
0x47: {  	v47 =	vld [tilespmem:$0x310];
	[tilespmem:$0x2A0] =	vst v6;
	v6 =	vadd.s32 v0, v7;
	v7 =	vshll.u32 v42, $0x4  }
0x48: {  	v48 =	vld [tilespmem:$0x320];
	[tilespmem:$0x2B0] =	vst v6;
	v6 =	vadd.s32 v0, v7;
	v7 =	vshll.u32 v43, $0x4  }
0x49: {  	v49 =	vld [tilespmem:$0x330];
	[tilespmem:$0x2C0] =	vst v6;
	v6 =	vadd.s32 v0, v7;
	v7 =	vshll.u32 v44, $0x4  }
0x4a: {  	v50 =	vld [tilespmem:$0x340];
	[tilespmem:$0x2D0] =	vst v6;
	v6 =	vadd.s32 v0, v7;
	v7 =	vshll.u32 v45, $0x4  }
0x4b: {  	v51 =	vld [tilespmem:$0x350];
	[tilespmem:$0x2E0] =	vst v6;
	v6 =	vadd.s32 v0, v7;
	v7 =	vshll.u32 v46, $0x4  }
0x4c: {  	v5 =	vld [tilespmem:$0x0];
	[tilespmem:$0x2F0] =	vst v6;
	v6 =	vadd.s32 v0, v7;
	v7 =	vshll.u32 v47, $0x4  }
0x4d: {  	v52 =	vld [tilespmem:$0x360];
	[tilespmem:$0x300] =	vst v6;
	v6 =	vadd.s32 v0, v7;
	v7 =	vshll.u32 v48, $0x4  }
0x4e: {  	v53 =	vld [tilespmem:$0x370];
	[tilespmem:$0x310] =	vst v6;
	v6 =	vadd.s32 v0, v7;
	v7 =	vshll.u32 v49, $0x4  }
0x4f: {  	v54 =	vld [tilespmem:$0x380];
	[tilespmem:$0x320] =	vst v6;
	v6 =	vadd.s32 v0, v7;
	v7 =	vshll.u32 v50, $0x4  }
0x50: {  	v55 =	vld [tilespmem:$0x390];
	[tilespmem:$0x330] =	vst v6;
	v6 =	vadd.s32 v0, v7;
	v7 =	vshll.u32 v51, $0x4  }
0x51: {  	v5 =	vshll.u32 v5, $0x4;
	v56 =	vld [tilespmem:$0x3A0];
	[tilespmem:$0x340] =	vst v6;
	v6 =	vadd.s32 v0, v7  }
0x52: {  	v5 =	vadd.s32 v0, v5;
	v7 =	vld [tilespmem:$0x3B0];
	[tilespmem:$0x350] =	vst v6;
	v6 =	vshll.u32 v52, $0x4  }
0x53: {  	[tilespmem:$0x0] =	vst v5;
	v10 =	vshll.u32 v53, $0x4;
	v57 =	vld [tilespmem:$0x3C0];
	v6 =	vadd.s32 v0, v6  }
0x54: {  	v5 =	vshll.u32 v5, $0x1;
	v11 =	vshll.u32 v54, $0x4;
	v59 =	vld [tilespmem:$0x3D0];
	[tilespmem:$0x360] =	vst v6;
	v6 =	vadd.s32 v0, v10  }
0x55: {  	v5 =	vand.u32 $0xFFFFFFF0, v5;
	v58 =	vadd.s32 v0, v11;
	v60 =	vld [tilespmem:$0x3E0];
	[tilespmem:$0x370] =	vst v6;
	v6 =	vshll.u32 v55, $0x4  }
0x56: {  	v5 =	vor.u32 v1, v5;
	v8 =	vshll.u32 v56, $0x4;
	[tilespmem:$0x380] =	vst v58;
	v61 =	vld [tilespmem:$0x3F0];
	v6 =	vadd.s32 v0, v6  }
0x57: {  	v8 =	vadd.s32 v0, v8;
	v62 =	vperm.xlane v5, v2;
	[tilespmem:$0x390] =	vst v6;
	v6 =	vshll.u32 v7, $0x4  }
0x58: {  	v5 =	vperm.xlane v5, v4;
	[tilespmem:$0x3A0] =	vst v8;
	v7 =	vshll.u32 v57, $0x4;
	v6 =	vadd.s32 v0, v6  }
0x59: {  	v63 =	vadd.s32 v3, v62;
	v7 =	vadd.s32 v0, v7;
	[tilespmem:$0x3B0] =	vst v6;
	v6 =	vshll.u32 v59, $0x4  }
0x5a: {  	[tilespmem:$0x3C0] =	vst v7;
	v7 =	vshll.u32 v60, $0x4;
	v6 =	vadd.s32 v0, v6  }
0x5b: {  	v5 =	vadd.s32 v3, v5;
	[tilespmem:$0x3D0] =	vst v6;
	v6 =	vadd.s32 v0, v7;
	v7 =	vshll.u32 v61, $0x4  }
0x5c: {  	[tilespmem:$0x3E0] =	vst v6;
	v6 =	vadd.s32 v0, v7  }
0x5d: {  	[tilespmem:$0x3F0] =	vst v6  }
0x5e: {  	[tilespmem:s23], [sflag:$0x1] =	stream.indirect_vreg.gather [hbm4b:s3+s2], $0x80, v63, vm0, $0xb8;
	[tilespmem:$0x10400] =	vst v63  }
0x5f: {  	s0 =	simm.s32 $0xC00  }
0x60: {  	[tilespmem:s0], [sflag:$0x1] =	stream.indirect_vreg.gather [hbm4b:s3+s2], $0x80, v5, vm0, $0xb8;
	[tilespmem:$0x10400] =	vst v63  }
0x61: {  	v5 =	vld [tilespmem:$0x10];
	_ =	sdelay $0x4  }
0x62: {  	v6 =	vshll.u32 v5, $0x1  }
0x63: {  	v5 =	vand.u32 $0x7, v5;
	v6 =	vand.u32 $0xFFFFFFF0, v6  }
0x64: {  	v5 =	vor.u32 v5, v6  }
0x65: {  	v6 =	vperm.xlane v5, v2;
	_ =	sdelay $0x1  }
0x66: {  	v5 =	vperm.xlane v5, v4;
	v6 =	vadd.s32 v3, v6;
	_ =	sdelay $0x1  }
0x67: {  	v5 =	vadd.s32 v3, v5;
	_ =	sdelay $0x1  }
0x68: {  	s21 =	simm.s32 $0x1400  }
0x69: {  	[tilespmem:s21], [sflag:$0x1] =	stream.indirect_vreg.gather [hbm4b:s3+s2], $0x80, v6, vm0, $0xb8;
	[tilespmem:$0x10400] =	vst v63  }
0x6a: {  	s22 =	simm.s32 $0x1C00  }
0x6b: {  	[tilespmem:s22], [sflag:$0x1] =	stream.indirect_vreg.gather [hbm4b:s3+s2], $0x80, v5, vm0, $0xb8;
	[tilespmem:$0x10400] =	vst v63  }
0x6c: {  	v5 =	vld [tilespmem:$0x20];
	_ =	sdelay $0x4  }
0x6d: {  	v6 =	vshll.u32 v5, $0x1  }
0x6e: {  	v5 =	vand.u32 $0x7, v5;
	v6 =	vand.u32 $0xFFFFFFF0, v6  }
0x6f: {  	v5 =	vor.u32 v5, v6  }
0x70: {  	v6 =	vperm.xlane v5, v2;
	_ =	sdelay $0x1  }
0x71: {  	v5 =	vperm.xlane v5, v4;
	v6 =	vadd.s32 v3, v6;
	_ =	sdelay $0x1  }
0x72: {  	v5 =	vadd.s32 v3, v5;
	_ =	sdelay $0x1  }
0x73: {  	s24 =	simm.s32 $0x2400  }
0x74: {  	[tilespmem:s24], [sflag:$0x1] =	stream.indirect_vreg.gather [hbm4b:s3+s2], $0x80, v6, vm0, $0xb8;
	[tilespmem:$0x10400] =	vst v63  }
0x75: {  	s25 =	simm.s32 $0x2C00  }
0x76: {  	[tilespmem:s25], [sflag:$0x1] =	stream.indirect_vreg.gather [hbm4b:s3+s2], $0x80, v5, vm0, $0xb8;
	[tilespmem:$0x10400] =	vst v63  }
0x77: {  	v5 =	vld [tilespmem:$0x30];
	_ =	sdelay $0x4  }
0x78: {  	v6 =	vshll.u32 v5, $0x1  }
0x79: {  	v5 =	vand.u32 $0x7, v5;
	v6 =	vand.u32 $0xFFFFFFF0, v6  }
0x7a: {  	v5 =	vor.u32 v5, v6  }
0x7b: {  	v6 =	vperm.xlane v5, v2;
	_ =	sdelay $0x1  }
0x7c: {  	v5 =	vperm.xlane v5, v4;
	v6 =	vadd.s32 v3, v6;
	_ =	sdelay $0x1  }
0x7d: {  	v5 =	vadd.s32 v3, v5;
	_ =	sdelay $0x1  }
0x7e: {  	s26 =	simm.s32 $0x3400  }
0x7f: {  	[tilespmem:s26], [sflag:$0x1] =	stream.indirect_vreg.gather [hbm4b:s3+s2], $0x80, v6, vm0, $0xb8;
	[tilespmem:$0x10400] =	vst v63  }
0x80: {  	s28 =	simm.s32 $0x3C00  }
0x81: {  	[tilespmem:s28], [sflag:$0x1] =	stream.indirect_vreg.gather [hbm4b:s3+s2], $0x80, v5, vm0, $0xb8;
	[tilespmem:$0x10400] =	vst v63  }
0x82: {  	v5 =	vld [tilespmem:$0x40];
	_ =	sdelay $0x4  }
0x83: {  	v6 =	vshll.u32 v5, $0x1  }
0x84: {  	v5 =	vand.u32 $0x7, v5;
	v6 =	vand.u32 $0xFFFFFFF0, v6  }
0x85: {  	v5 =	vor.u32 v5, v6  }
0x86: {  	v6 =	vperm.xlane v5, v2;
	_ =	sdelay $0x1  }
0x87: {  	v5 =	vperm.xlane v5, v4;
	v6 =	vadd.s32 v3, v6;
	_ =	sdelay $0x1  }
0x88: {  	v5 =	vadd.s32 v3, v5;
	_ =	sdelay $0x1  }
0x89: {  	s29 =	simm.s32 $0x4400  }
0x8a: {  	[tilespmem:s29], [sflag:$0x1] =	stream.indirect_vreg.gather [hbm4b:s3+s2], $0x80, v6, vm0, $0xb8;
	[tilespmem:$0x10400] =	vst v63  }
0x8b: {  	s30 =	simm.s32 $0x4C00  }
0x8c: {  	[tilespmem:s30], [sflag:$0x1] =	stream.indirect_vreg.gather [hbm4b:s3+s2], $0x80, v5, vm0, $0xb8;
	[tilespmem:$0x10400] =	vst v63  }
0x8d: {  	v5 =	vld [tilespmem:$0x50];
	_ =	sdelay $0x4  }
0x8e: {  	v6 =	vshll.u32 v5, $0x1  }
0x8f: {  	v5 =	vand.u32 $0x7, v5;
	v6 =	vand.u32 $0xFFFFFFF0, v6  }
0x90: {  	v5 =	vor.u32 v5, v6  }
0x91: {  	v6 =	vperm.xlane v5, v2;
	_ =	sdelay $0x1  }
0x92: {  	v5 =	vperm.xlane v5, v4;
	v6 =	vadd.s32 v3, v6;
	_ =	sdelay $0x1  }
0x93: {  	v5 =	vadd.s32 v3, v5;
	_ =	sdelay $0x1  }
0x94: {  	s31 =	simm.s32 $0x5400  }
0x95: {  	[tilespmem:s31], [sflag:$0x1] =	stream.indirect_vreg.gather [hbm4b:s3+s2], $0x80, v6, vm0, $0xb8;
	[tilespmem:$0x10400] =	vst v63  }
0x96: {  	s1 =	simm.s32 $0x5C00  }
0x97: {  	[tilespmem:s1], [sflag:$0x1] =	stream.indirect_vreg.gather [hbm4b:s3+s2], $0x80, v5, vm0, $0xb8;
	[tilespmem:$0x10400] =	vst v63  }
0x98: {  	v5 =	vld [tilespmem:$0x60];
	_ =	sdelay $0x4  }
0x99: {  	v6 =	vshll.u32 v5, $0x1  }
0x9a: {  	v5 =	vand.u32 $0x7, v5;
	v6 =	vand.u32 $0xFFFFFFF0, v6  }
0x9b: {  	v5 =	vor.u32 v5, v6  }
0x9c: {  	v6 =	vperm.xlane v5, v2;
	_ =	sdelay $0x1  }
0x9d: {  	v5 =	vperm.xlane v5, v4;
	v6 =	vadd.s32 v3, v6;
	_ =	sdelay $0x1  }
0x9e: {  	v5 =	vadd.s32 v3, v5;
	_ =	sdelay $0x1  }
0x9f: {  	s4 =	simm.s32 $0x6400  }
0xa0: {  	[tilespmem:s4], [sflag:$0x1] =	stream.indirect_vreg.gather [hbm4b:s3+s2], $0x80, v6, vm0, $0xb8;
	[tilespmem:$0x10400] =	vst v63  }
0xa1: {  	s7 =	simm.s32 $0x6C00  }
0xa2: {  	[tilespmem:s7], [sflag:$0x1] =	stream.indirect_vreg.gather [hbm4b:s3+s2], $0x80, v5, vm0, $0xb8;
	[tilespmem:$0x10400] =	vst v63  }
0xa3: {  	v5 =	vld [tilespmem:$0x70];
	_ =	sdelay $0x4  }
0xa4: {  	v6 =	vshll.u32 v5, $0x1  }
0xa5: {  	v5 =	vand.u32 $0x7, v5;
	v6 =	vand.u32 $0xFFFFFFF0, v6  }
0xa6: {  	v5 =	vor.u32 v5, v6  }
0xa7: {  	v6 =	vperm.xlane v5, v2;
	_ =	sdelay $0x1  }
0xa8: {  	v5 =	vperm.xlane v5, v4;
	v6 =	vadd.s32 v3, v6;
	_ =	sdelay $0x1  }
0xa9: {  	v5 =	vadd.s32 v3, v5;
	_ =	sdelay $0x1  }
0xaa: {  	s8 =	simm.s32 $0x7400  }
0xab: {  	[tilespmem:s8], [sflag:$0x1] =	stream.indirect_vreg.gather [hbm4b:s3+s2], $0x80, v6, vm0, $0xb8;
	[tilespmem:$0x10400] =	vst v63  }
0xac: {  	s9 =	simm.s32 $0x7C00  }
0xad: {  	[tilespmem:s9], [sflag:$0x1] =	stream.indirect_vreg.gather [hbm4b:s3+s2], $0x80, v5, vm0, $0xb8;
	[tilespmem:$0x10400] =	vst v63  }
0xae: {  	v5 =	vld [tilespmem:$0x80];
	_ =	sdelay $0x4  }
0xaf: {  	v6 =	vshll.u32 v5, $0x1  }
0xb0: {  	v5 =	vand.u32 $0x7, v5;
	v6 =	vand.u32 $0xFFFFFFF0, v6  }
0xb1: {  	v5 =	vor.u32 v5, v6  }
0xb2: {  	v6 =	vperm.xlane v5, v2;
	_ =	sdelay $0x1  }
0xb3: {  	v5 =	vperm.xlane v5, v4;
	v6 =	vadd.s32 v3, v6;
	_ =	sdelay $0x1  }
0xb4: {  	v5 =	vadd.s32 v3, v5;
	_ =	sdelay $0x1  }
0xb5: {  	s0 =	simm.s32 $0x8400  }
0xb6: {  	[tilespmem:s0], [sflag:$0x2] =	stream.indirect_vreg.gather [hbm4b:s3+s2], $0x80, v6, vm0, $0xb8;
	[tilespmem:$0x10400] =	vst v63  }
0xb7: {  	s7 =	simm.s32 $0x8C00  }
0xb8: {  	[tilespmem:s7], [sflag:$0x2] =	stream.indirect_vreg.gather [hbm4b:s3+s2], $0x80, v5, vm0, $0xb8;
	[tilespmem:$0x10400] =	vst v63  }
0xb9: {  	v5 =	vld [tilespmem:$0x90];
	_ =	sdelay $0x4  }
0xba: {  	v6 =	vshll.u32 v5, $0x1  }
0xbb: {  	v5 =	vand.u32 $0x7, v5;
	v6 =	vand.u32 $0xFFFFFFF0, v6  }
0xbc: {  	v5 =	vor.u32 v5, v6  }
0xbd: {  	v6 =	vperm.xlane v5, v2;
	_ =	sdelay $0x1  }
0xbe: {  	v5 =	vperm.xlane v5, v4;
	v6 =	vadd.s32 v3, v6;
	_ =	sdelay $0x1  }
0xbf: {  	v5 =	vadd.s32 v3, v5;
	_ =	sdelay $0x1  }
0xc0: {  	s1 =	simm.s32 $0x9400  }
0xc1: {  	[tilespmem:s1], [sflag:$0x2] =	stream.indirect_vreg.gather [hbm4b:s3+s2], $0x80, v6, vm0, $0xb8;
	[tilespmem:$0x10400] =	vst v63  }
0xc2: {  	s10 =	simm.s32 $0x9C00  }
0xc3: {  	[tilespmem:s10], [sflag:$0x2] =	stream.indirect_vreg.gather [hbm4b:s3+s2], $0x80, v5, vm0, $0xb8;
	[tilespmem:$0x10400] =	vst v63  }
0xc4: {  	v5 =	vld [tilespmem:$0xA0];
	_ =	sdelay $0x4  }
0xc5: {  	v6 =	vshll.u32 v5, $0x1  }
0xc6: {  	v5 =	vand.u32 $0x7, v5;
	v6 =	vand.u32 $0xFFFFFFF0, v6  }
0xc7: {  	v5 =	vor.u32 v5, v6  }
0xc8: {  	v6 =	vperm.xlane v5, v2;
	_ =	sdelay $0x1  }
0xc9: {  	v5 =	vperm.xlane v5, v4;
	v6 =	vadd.s32 v3, v6;
	_ =	sdelay $0x1  }
0xca: {  	v5 =	vadd.s32 v3, v5;
	_ =	sdelay $0x1  }
0xcb: {  	s12 =	simm.s32 $0xA400  }
0xcc: {  	[tilespmem:s12], [sflag:$0x2] =	stream.indirect_vreg.gather [hbm4b:s3+s2], $0x80, v6, vm0, $0xb8;
	[tilespmem:$0x10400] =	vst v63  }
0xcd: {  	s15 =	simm.s32 $0xAC00  }
0xce: {  	[tilespmem:s15], [sflag:$0x2] =	stream.indirect_vreg.gather [hbm4b:s3+s2], $0x80, v5, vm0, $0xb8;
	[tilespmem:$0x10400] =	vst v63  }
0xcf: {  	v5 =	vld [tilespmem:$0xB0];
	_ =	sdelay $0x4  }
0xd0: {  	v6 =	vshll.u32 v5, $0x1  }
0xd1: {  	v5 =	vand.u32 $0x7, v5;
	v6 =	vand.u32 $0xFFFFFFF0, v6  }
0xd2: {  	v5 =	vor.u32 v5, v6  }
0xd3: {  	v6 =	vperm.xlane v5, v2;
	_ =	sdelay $0x1  }
0xd4: {  	v5 =	vperm.xlane v5, v4;
	v6 =	vadd.s32 v3, v6;
	_ =	sdelay $0x1  }
0xd5: {  	v5 =	vadd.s32 v3, v5;
	_ =	sdelay $0x1  }
0xd6: {  	s16 =	simm.s32 $0xB400  }
0xd7: {  	[tilespmem:s16], [sflag:$0x2] =	stream.indirect_vreg.gather [hbm4b:s3+s2], $0x80, v6, vm0, $0xb8;
	[tilespmem:$0x10400] =	vst v63  }
0xd8: {  	s17 =	simm.s32 $0xBC00  }
0xd9: {  	[tilespmem:s17], [sflag:$0x2] =	stream.indirect_vreg.gather [hbm4b:s3+s2], $0x80, v5, vm0, $0xb8;
	[tilespmem:$0x10400] =	vst v63  }
0xda: {  	v5 =	vld [tilespmem:$0xC0];
	_ =	sdelay $0x4  }
0xdb: {  	v6 =	vshll.u32 v5, $0x1  }
0xdc: {  	v5 =	vand.u32 $0x7, v5;
	v6 =	vand.u32 $0xFFFFFFF0, v6  }
0xdd: {  	v5 =	vor.u32 v5, v6  }
0xde: {  	v6 =	vperm.xlane v5, v2;
	_ =	sdelay $0x1  }
0xdf: {  	v5 =	vperm.xlane v5, v4;
	v6 =	vadd.s32 v3, v6;
	_ =	sdelay $0x1  }
0xe0: {  	v5 =	vadd.s32 v3, v5;
	_ =	sdelay $0x1  }
0xe1: {  	s18 =	simm.s32 $0xC400  }
0xe2: {  	[tilespmem:s18], [sflag:$0x2] =	stream.indirect_vreg.gather [hbm4b:s3+s2], $0x80, v6, vm0, $0xb8;
	[tilespmem:$0x10400] =	vst v63  }
0xe3: {  	s20 =	simm.s32 $0xCC00  }
0xe4: {  	[tilespmem:s20], [sflag:$0x2] =	stream.indirect_vreg.gather [hbm4b:s3+s2], $0x80, v5, vm0, $0xb8;
	[tilespmem:$0x10400] =	vst v63  }
0xe5: {  	v5 =	vld [tilespmem:$0xD0];
	_ =	sdelay $0x4  }
0xe6: {  	v6 =	vshll.u32 v5, $0x1  }
0xe7: {  	v5 =	vand.u32 $0x7, v5;
	v6 =	vand.u32 $0xFFFFFFF0, v6  }
0xe8: {  	v5 =	vor.u32 v5, v6  }
0xe9: {  	v6 =	vperm.xlane v5, v2;
	_ =	sdelay $0x1  }
0xea: {  	v5 =	vperm.xlane v5, v4;
	v6 =	vadd.s32 v3, v6;
	_ =	sdelay $0x1  }
0xeb: {  	v5 =	vadd.s32 v3, v5;
	_ =	sdelay $0x1  }
0xec: {  	s24 =	simm.s32 $0xD400  }
0xed: {  	[tilespmem:s24], [sflag:$0x2] =	stream.indirect_vreg.gather [hbm4b:s3+s2], $0x80, v6, vm0, $0xb8;
	[tilespmem:$0x10400] =	vst v63  }
0xee: {  	s25 =	simm.s32 $0xDC00  }
0xef: {  	[tilespmem:s25], [sflag:$0x2] =	stream.indirect_vreg.gather [hbm4b:s3+s2], $0x80, v5, vm0, $0xb8;
	[tilespmem:$0x10400] =	vst v63  }
0xf0: {  	v5 =	vld [tilespmem:$0xE0];
	_ =	sdelay $0x4  }
0xf1: {  	v6 =	vshll.u32 v5, $0x1  }
0xf2: {  	v5 =	vand.u32 $0x7, v5;
	v6 =	vand.u32 $0xFFFFFFF0, v6  }
0xf3: {  	v5 =	vor.u32 v5, v6  }
0xf4: {  	v6 =	vperm.xlane v5, v2;
	_ =	sdelay $0x1  }
0xf5: {  	v5 =	vperm.xlane v5, v4;
	v6 =	vadd.s32 v3, v6;
	_ =	sdelay $0x1  }
0xf6: {  	v5 =	vadd.s32 v3, v5;
	_ =	sdelay $0x1  }
0xf7: {  	s26 =	simm.s32 $0xE400  }
0xf8: {  	[tilespmem:s26], [sflag:$0x2] =	stream.indirect_vreg.gather [hbm4b:s3+s2], $0x80, v6, vm0, $0xb8;
	[tilespmem:$0x10400] =	vst v63  }
0xf9: {  	s28 =	simm.s32 $0xEC00  }
0xfa: {  	[tilespmem:s28], [sflag:$0x2] =	stream.indirect_vreg.gather [hbm4b:s3+s2], $0x80, v5, vm0, $0xb8;
	[tilespmem:$0x10400] =	vst v63  }
0xfb: {  	v5 =	vld [tilespmem:$0xF0];
	_ =	sdelay $0x4  }
0xfc: {  	v6 =	vshll.u32 v5, $0x1  }
0xfd: {  	v5 =	vand.u32 $0x7, v5;
	v6 =	vand.u32 $0xFFFFFFF0, v6  }
0xfe: {  	v5 =	vor.u32 v5, v6  }
0xff: {  	v6 =	vperm.xlane v5, v2;
	_ =	sdelay $0x1  }
0x100: {  	v5 =	vperm.xlane v5, v4;
	v6 =	vadd.s32 v3, v6;
	_ =	sdelay $0x1  }
0x101: {  	v5 =	vadd.s32 v3, v5;
	_ =	sdelay $0x1  }
0x102: {  	s29 =	simm.s32 $0xF400  }
0x103: {  	[tilespmem:s29], [sflag:$0x2] =	stream.indirect_vreg.gather [hbm4b:s3+s2], $0x80, v6, vm0, $0xb8;
	[tilespmem:$0x10400] =	vst v63  }
0x104: {  	s30 =	simm.s32 $0xFC00  }
0x105: {  	[tilespmem:s30], [sflag:$0x2] =	stream.indirect_vreg.gather [hbm4b:s3+s2], $0x80, v5, vm0, $0xb8;
	[tilespmem:$0x10400] =	vst v63  }
0x106: {  	_ =	swait.ge [sflag:s11], $0x8000  }
0x107: {  	[sflag:s11] =	ssyncset.done $0x0  }
0x108: {  	s31 =	rddreg [dreg:$0x4];
	[sflag:s11] =	ssyncadd.s32 $0xFFFF8000  }
0x109: {  	[hbm4b:s31+s2] =	stream.linear.scatter [tilespmem:s23], [sflag:$0x3], $0x8000, $0x38;
	[tilespmem:$0x10400] =	vst v63  }
0x10a: {  	_ =	swait.ge [sflag:s6], $0x8000  }
0x10b: {  	[sflag:s6] =	ssyncset.done $0x0  }
0x10c: {  	[sflag:s6] =	ssyncadd.s32 $0xFFFF8000  }
0x10d: {  	v5 =	vld [tilespmem:$0x100];
	_ =	sdelay $0x4  }
0x10e: {  	v6 =	vshll.u32 v5, $0x1  }
0x10f: {  	v5 =	vand.u32 $0x7, v5;
	v6 =	vand.u32 $0xFFFFFFF0, v6  }
0x110: {  	v5 =	vor.u32 v5, v6  }
0x111: {  	v6 =	vperm.xlane v5, v2;
	_ =	sdelay $0x1  }
0x112: {  	v5 =	vperm.xlane v5, v4;
	v6 =	vadd.s32 v3, v6;
	_ =	sdelay $0x1  }
0x113: {  	v5 =	vadd.s32 v3, v5;
	_ =	sdelay $0x2  }
0x114: {  	[tilespmem:s23], [sflag:$0x1] =	stream.indirect_vreg.gather [hbm4b:s3+s2], $0x80, v6, vm0, $0xb8;
	[tilespmem:$0x10400] =	vst v63  }
0x115: {  	s19 =	simm.s32 $0xC00  }
0x116: {  	[tilespmem:s19], [sflag:$0x1] =	stream.indirect_vreg.gather [hbm4b:s3+s2], $0x80, v5, vm0, $0xb8;
	[tilespmem:$0x10400] =	vst v63  }
0x117: {  	v5 =	vld [tilespmem:$0x110];
	_ =	sdelay $0x4  }
0x118: {  	v6 =	vshll.u32 v5, $0x1  }
0x119: {  	v5 =	vand.u32 $0x7, v5;
	v6 =	vand.u32 $0xFFFFFFF0, v6  }
0x11a: {  	v5 =	vor.u32 v5, v6  }
0x11b: {  	v6 =	vperm.xlane v5, v2;
	_ =	sdelay $0x1  }
0x11c: {  	v5 =	vperm.xlane v5, v4;
	v6 =	vadd.s32 v3, v6;
	_ =	sdelay $0x1  }
0x11d: {  	v5 =	vadd.s32 v3, v5;
	_ =	sdelay $0x1  }
0x11e: {  	s13 =	simm.s32 $0x1400  }
0x11f: {  	[tilespmem:s13], [sflag:$0x1] =	stream.indirect_vreg.gather [hbm4b:s3+s2], $0x80, v6, vm0, $0xb8;
	[tilespmem:$0x10400] =	vst v63  }
0x120: {  	s20 =	simm.s32 $0x1C00  }
0x121: {  	[tilespmem:s20], [sflag:$0x1] =	stream.indirect_vreg.gather [hbm4b:s3+s2], $0x80, v5, vm0, $0xb8;
	[tilespmem:$0x10400] =	vst v63  }
0x122: {  	v5 =	vld [tilespmem:$0x120];
	_ =	sdelay $0x4  }
0x123: {  	v6 =	vshll.u32 v5, $0x1  }
0x124: {  	v5 =	vand.u32 $0x7, v5;
	v6 =	vand.u32 $0xFFFFFFF0, v6  }
0x125: {  	v5 =	vor.u32 v5, v6  }
0x126: {  	v6 =	vperm.xlane v5, v2;
	_ =	sdelay $0x1  }
0x127: {  	v5 =	vperm.xlane v5, v4;
	v6 =	vadd.s32 v3, v6;
	_ =	sdelay $0x1  }
0x128: {  	v5 =	vadd.s32 v3, v5;
	_ =	sdelay $0x1  }
0x129: {  	s19 =	simm.s32 $0x2400  }
0x12a: {  	[tilespmem:s19], [sflag:$0x1] =	stream.indirect_vreg.gather [hbm4b:s3+s2], $0x80, v6, vm0, $0xb8;
	[tilespmem:$0x10400] =	vst v63  }
0x12b: {  	s21 =	simm.s32 $0x2C00  }
0x12c: {  	[tilespmem:s21], [sflag:$0x1] =	stream.indirect_vreg.gather [hbm4b:s3+s2], $0x80, v5, vm0, $0xb8;
	[tilespmem:$0x10400] =	vst v63  }
0x12d: {  	v5 =	vld [tilespmem:$0x130];
	_ =	sdelay $0x4  }
0x12e: {  	v6 =	vshll.u32 v5, $0x1  }
0x12f: {  	v5 =	vand.u32 $0x7, v5;
	v6 =	vand.u32 $0xFFFFFFF0, v6  }
0x130: {  	v5 =	vor.u32 v5, v6  }
0x131: {  	v6 =	vperm.xlane v5, v2;
	_ =	sdelay $0x1  }
0x132: {  	v5 =	vperm.xlane v5, v4;
	v6 =	vadd.s32 v3, v6;
	_ =	sdelay $0x1  }
0x133: {  	v5 =	vadd.s32 v3, v5;
	_ =	sdelay $0x1  }
0x134: {  	s21 =	simm.s32 $0x3400  }
0x135: {  	[tilespmem:s21], [sflag:$0x1] =	stream.indirect_vreg.gather [hbm4b:s3+s2], $0x80, v6, vm0, $0xb8;
	[tilespmem:$0x10400] =	vst v63  }
0x136: {  	s24 =	simm.s32 $0x3C00  }
0x137: {  	[tilespmem:s24], [sflag:$0x1] =	stream.indirect_vreg.gather [hbm4b:s3+s2], $0x80, v5, vm0, $0xb8;
	[tilespmem:$0x10400] =	vst v63  }
0x138: {  	v5 =	vld [tilespmem:$0x140];
	_ =	sdelay $0x4  }
0x139: {  	v6 =	vshll.u32 v5, $0x1  }
0x13a: {  	v5 =	vand.u32 $0x7, v5;
	v6 =	vand.u32 $0xFFFFFFF0, v6  }
0x13b: {  	v5 =	vor.u32 v5, v6  }
0x13c: {  	v6 =	vperm.xlane v5, v2;
	_ =	sdelay $0x1  }
0x13d: {  	v5 =	vperm.xlane v5, v4;
	v6 =	vadd.s32 v3, v6;
	_ =	sdelay $0x1  }
0x13e: {  	v5 =	vadd.s32 v3, v5;
	_ =	sdelay $0x1  }
0x13f: {  	s22 =	simm.s32 $0x4400  }
0x140: {  	[tilespmem:s22], [sflag:$0x1] =	stream.indirect_vreg.gather [hbm4b:s3+s2], $0x80, v6, vm0, $0xb8;
	[tilespmem:$0x10400] =	vst v63  }
0x141: {  	s25 =	simm.s32 $0x4C00  }
0x142: {  	[tilespmem:s25], [sflag:$0x1] =	stream.indirect_vreg.gather [hbm4b:s3+s2], $0x80, v5, vm0, $0xb8;
	[tilespmem:$0x10400] =	vst v63  }
0x143: {  	v5 =	vld [tilespmem:$0x150];
	_ =	sdelay $0x4  }
0x144: {  	v6 =	vshll.u32 v5, $0x1  }
0x145: {  	v5 =	vand.u32 $0x7, v5;
	v6 =	vand.u32 $0xFFFFFFF0, v6  }
0x146: {  	v5 =	vor.u32 v5, v6  }
0x147: {  	v6 =	vperm.xlane v5, v2;
	_ =	sdelay $0x1  }
0x148: {  	v5 =	vperm.xlane v5, v4;
	v6 =	vadd.s32 v3, v6;
	_ =	sdelay $0x1  }
0x149: {  	v5 =	vadd.s32 v3, v5;
	_ =	sdelay $0x1  }
0x14a: {  	s26 =	simm.s32 $0x5400  }
0x14b: {  	[tilespmem:s26], [sflag:$0x1] =	stream.indirect_vreg.gather [hbm4b:s3+s2], $0x80, v6, vm0, $0xb8;
	[tilespmem:$0x10400] =	vst v63  }
0x14c: {  	s28 =	simm.s32 $0x5C00  }
0x14d: {  	[tilespmem:s28], [sflag:$0x1] =	stream.indirect_vreg.gather [hbm4b:s3+s2], $0x80, v5, vm0, $0xb8;
	[tilespmem:$0x10400] =	vst v63  }
0x14e: {  	v5 =	vld [tilespmem:$0x160];
	_ =	sdelay $0x4  }
0x14f: {  	v6 =	vshll.u32 v5, $0x1  }
0x150: {  	v5 =	vand.u32 $0x7, v5;
	v6 =	vand.u32 $0xFFFFFFF0, v6  }
0x151: {  	v5 =	vor.u32 v5, v6  }
0x152: {  	v6 =	vperm.xlane v5, v2;
	_ =	sdelay $0x1  }
0x153: {  	v5 =	vperm.xlane v5, v4;
	v6 =	vadd.s32 v3, v6;
	_ =	sdelay $0x1  }
0x154: {  	v5 =	vadd.s32 v3, v5;
	_ =	sdelay $0x1  }
0x155: {  	s29 =	simm.s32 $0x6400  }
0x156: {  	[tilespmem:s29], [sflag:$0x1] =	stream.indirect_vreg.gather [hbm4b:s3+s2], $0x80, v6, vm0, $0xb8;
	[tilespmem:$0x10400] =	vst v63  }
0x157: {  	s30 =	simm.s32 $0x6C00  }
0x158: {  	[tilespmem:s30], [sflag:$0x1] =	stream.indirect_vreg.gather [hbm4b:s3+s2], $0x80, v5, vm0, $0xb8;
	[tilespmem:$0x10400] =	vst v63  }
0x159: {  	v5 =	vld [tilespmem:$0x170];
	_ =	sdelay $0x4  }
0x15a: {  	v6 =	vshll.u32 v5, $0x1  }
0x15b: {  	v5 =	vand.u32 $0x7, v5;
	v6 =	vand.u32 $0xFFFFFFF0, v6  }
0x15c: {  	v5 =	vor.u32 v5, v6  }
0x15d: {  	v6 =	vperm.xlane v5, v2;
	_ =	sdelay $0x1  }
0x15e: {  	v5 =	vperm.xlane v5, v4;
	v6 =	vadd.s32 v3, v6;
	_ =	sdelay $0x1  }
0x15f: {  	v5 =	vadd.s32 v3, v5;
	_ =	sdelay $0x1  }
0x160: {  	s31 =	simm.s32 $0x7400  }
0x161: {  	[tilespmem:s31], [sflag:$0x1] =	stream.indirect_vreg.gather [hbm4b:s3+s2], $0x80, v6, vm0, $0xb8;
	[tilespmem:$0x10400] =	vst v63  }
0x162: {  	s22 =	simm.s32 $0x7C00  }
0x163: {  	[tilespmem:s22], [sflag:$0x1] =	stream.indirect_vreg.gather [hbm4b:s3+s2], $0x80, v5, vm0, $0xb8;
	[tilespmem:$0x10400] =	vst v63  }
0x164: {  	_ =	swait.ge [sflag:s14], $0x8000  }
0x165: {  	[sflag:s14] =	ssyncset.done $0x0  }
0x166: {  	s13 =	rddreg [dreg:$0x5];
	[sflag:s14] =	ssyncadd.s32 $0xFFFF8000  }
0x167: {  	[hbm4b:s13+s2] =	stream.linear.scatter [tilespmem:s0], [sflag:$0x3], $0x8000, $0x38;
	[tilespmem:$0x10400] =	vst v63  }
0x168: {  	_ =	swait.ge [sflag:s6], $0x8000  }
0x169: {  	[sflag:s6] =	ssyncset.done $0x0  }
0x16a: {  	[sflag:s6] =	ssyncadd.s32 $0xFFFF8000  }
0x16b: {  	v5 =	vld [tilespmem:$0x180];
	_ =	sdelay $0x4  }
0x16c: {  	v6 =	vshll.u32 v5, $0x1  }
0x16d: {  	v5 =	vand.u32 $0x7, v5;
	v6 =	vand.u32 $0xFFFFFFF0, v6  }
0x16e: {  	v5 =	vor.u32 v5, v6  }
0x16f: {  	v6 =	vperm.xlane v5, v2;
	_ =	sdelay $0x1  }
0x170: {  	v5 =	vperm.xlane v5, v4;
	v6 =	vadd.s32 v3, v6;
	_ =	sdelay $0x1  }
0x171: {  	v5 =	vadd.s32 v3, v5;
	_ =	sdelay $0x2  }
0x172: {  	[tilespmem:s0], [sflag:$0x2] =	stream.indirect_vreg.gather [hbm4b:s3+s2], $0x80, v6, vm0, $0xb8;
	[tilespmem:$0x10400] =	vst v63  }
0x173: {  	s4 =	simm.s32 $0x8C00  }
0x174: {  	[tilespmem:s4], [sflag:$0x2] =	stream.indirect_vreg.gather [hbm4b:s3+s2], $0x80, v5, vm0, $0xb8;
	[tilespmem:$0x10400] =	vst v63  }
0x175: {  	v5 =	vld [tilespmem:$0x190];
	_ =	sdelay $0x4  }
0x176: {  	v6 =	vshll.u32 v5, $0x1  }
0x177: {  	v5 =	vand.u32 $0x7, v5;
	v6 =	vand.u32 $0xFFFFFFF0, v6  }
0x178: {  	v5 =	vor.u32 v5, v6  }
0x179: {  	v6 =	vperm.xlane v5, v2;
	_ =	sdelay $0x1  }
0x17a: {  	v5 =	vperm.xlane v5, v4;
	v6 =	vadd.s32 v3, v6;
	_ =	sdelay $0x1  }
0x17b: {  	v5 =	vadd.s32 v3, v5;
	_ =	sdelay $0x1  }
0x17c: {  	s4 =	simm.s32 $0x9400  }
0x17d: {  	[tilespmem:s4], [sflag:$0x2] =	stream.indirect_vreg.gather [hbm4b:s3+s2], $0x80, v6, vm0, $0xb8;
	[tilespmem:$0x10400] =	vst v63  }
0x17e: {  	s10 =	simm.s32 $0x9C00  }
0x17f: {  	[tilespmem:s10], [sflag:$0x2] =	stream.indirect_vreg.gather [hbm4b:s3+s2], $0x80, v5, vm0, $0xb8;
	[tilespmem:$0x10400] =	vst v63  }
0x180: {  	v5 =	vld [tilespmem:$0x1A0];
	_ =	sdelay $0x4  }
0x181: {  	v6 =	vshll.u32 v5, $0x1  }
0x182: {  	v5 =	vand.u32 $0x7, v5;
	v6 =	vand.u32 $0xFFFFFFF0, v6  }
0x183: {  	v5 =	vor.u32 v5, v6  }
0x184: {  	v6 =	vperm.xlane v5, v2;
	_ =	sdelay $0x1  }
0x185: {  	v5 =	vperm.xlane v5, v4;
	v6 =	vadd.s32 v3, v6;
	_ =	sdelay $0x1  }
0x186: {  	v5 =	vadd.s32 v3, v5;
	_ =	sdelay $0x1  }
0x187: {  	s10 =	simm.s32 $0xA400  }
0x188: {  	[tilespmem:s10], [sflag:$0x2] =	stream.indirect_vreg.gather [hbm4b:s3+s2], $0x80, v6, vm0, $0xb8;
	[tilespmem:$0x10400] =	vst v63  }
0x189: {  	s12 =	simm.s32 $0xAC00  }
0x18a: {  	[tilespmem:s12], [sflag:$0x2] =	stream.indirect_vreg.gather [hbm4b:s3+s2], $0x80, v5, vm0, $0xb8;
	[tilespmem:$0x10400] =	vst v63  }
0x18b: {  	v5 =	vld [tilespmem:$0x1B0];
	_ =	sdelay $0x4  }
0x18c: {  	v6 =	vshll.u32 v5, $0x1  }
0x18d: {  	v5 =	vand.u32 $0x7, v5;
	v6 =	vand.u32 $0xFFFFFFF0, v6  }
0x18e: {  	v5 =	vor.u32 v5, v6  }
0x18f: {  	v6 =	vperm.xlane v5, v2;
	_ =	sdelay $0x1  }
0x190: {  	v5 =	vperm.xlane v5, v4;
	v6 =	vadd.s32 v3, v6;
	_ =	sdelay $0x1  }
0x191: {  	v5 =	vadd.s32 v3, v5;
	_ =	sdelay $0x1  }
0x192: {  	s12 =	simm.s32 $0xB400  }
0x193: {  	[tilespmem:s12], [sflag:$0x2] =	stream.indirect_vreg.gather [hbm4b:s3+s2], $0x80, v6, vm0, $0xb8;
	[tilespmem:$0x10400] =	vst v63  }
0x194: {  	s13 =	simm.s32 $0xBC00  }
0x195: {  	[tilespmem:s13], [sflag:$0x2] =	stream.indirect_vreg.gather [hbm4b:s3+s2], $0x80, v5, vm0, $0xb8;
	[tilespmem:$0x10400] =	vst v63  }
0x196: {  	v5 =	vld [tilespmem:$0x1C0];
	_ =	sdelay $0x4  }
0x197: {  	v6 =	vshll.u32 v5, $0x1  }
0x198: {  	v5 =	vand.u32 $0x7, v5;
	v6 =	vand.u32 $0xFFFFFFF0, v6  }
0x199: {  	v5 =	vor.u32 v5, v6  }
0x19a: {  	v6 =	vperm.xlane v5, v2;
	_ =	sdelay $0x1  }
0x19b: {  	v5 =	vperm.xlane v5, v4;
	v6 =	vadd.s32 v3, v6;
	_ =	sdelay $0x1  }
0x19c: {  	v5 =	vadd.s32 v3, v5;
	_ =	sdelay $0x1  }
0x19d: {  	s17 =	simm.s32 $0xC400  }
0x19e: {  	[tilespmem:s17], [sflag:$0x2] =	stream.indirect_vreg.gather [hbm4b:s3+s2], $0x80, v6, vm0, $0xb8;
	[tilespmem:$0x10400] =	vst v63  }
0x19f: {  	s1 =	simm.s32 $0xCC00  }
0x1a0: {  	[tilespmem:s1], [sflag:$0x2] =	stream.indirect_vreg.gather [hbm4b:s3+s2], $0x80, v5, vm0, $0xb8;
	[tilespmem:$0x10400] =	vst v63  }
0x1a1: {  	v5 =	vld [tilespmem:$0x1D0];
	_ =	sdelay $0x4  }
0x1a2: {  	v6 =	vshll.u32 v5, $0x1  }
0x1a3: {  	v5 =	vand.u32 $0x7, v5;
	v6 =	vand.u32 $0xFFFFFFF0, v6  }
0x1a4: {  	v5 =	vor.u32 v5, v6  }
0x1a5: {  	v6 =	vperm.xlane v5, v2;
	_ =	sdelay $0x1  }
0x1a6: {  	v5 =	vperm.xlane v5, v4;
	v6 =	vadd.s32 v3, v6;
	_ =	sdelay $0x1  }
0x1a7: {  	v5 =	vadd.s32 v3, v5;
	_ =	sdelay $0x1  }
0x1a8: {  	s15 =	simm.s32 $0xD400  }
0x1a9: {  	[tilespmem:s15], [sflag:$0x2] =	stream.indirect_vreg.gather [hbm4b:s3+s2], $0x80, v6, vm0, $0xb8;
	[tilespmem:$0x10400] =	vst v63  }
0x1aa: {  	s7 =	simm.s32 $0xDC00  }
0x1ab: {  	[tilespmem:s7], [sflag:$0x2] =	stream.indirect_vreg.gather [hbm4b:s3+s2], $0x80, v5, vm0, $0xb8;
	[tilespmem:$0x10400] =	vst v63  }
0x1ac: {  	v5 =	vld [tilespmem:$0x1E0];
	_ =	sdelay $0x4  }
0x1ad: {  	v6 =	vshll.u32 v5, $0x1  }
0x1ae: {  	v5 =	vand.u32 $0x7, v5;
	v6 =	vand.u32 $0xFFFFFFF0, v6  }
0x1af: {  	v5 =	vor.u32 v5, v6  }
0x1b0: {  	v6 =	vperm.xlane v5, v2;
	_ =	sdelay $0x1  }
0x1b1: {  	v5 =	vperm.xlane v5, v4;
	v6 =	vadd.s32 v3, v6;
	_ =	sdelay $0x1  }
0x1b2: {  	v5 =	vadd.s32 v3, v5;
	_ =	sdelay $0x1  }
0x1b3: {  	s16 =	simm.s32 $0xE400  }
0x1b4: {  	[tilespmem:s16], [sflag:$0x2] =	stream.indirect_vreg.gather [hbm4b:s3+s2], $0x80, v6, vm0, $0xb8;
	[tilespmem:$0x10400] =	vst v63  }
0x1b5: {  	s8 =	simm.s32 $0xEC00  }
0x1b6: {  	[tilespmem:s8], [sflag:$0x2] =	stream.indirect_vreg.gather [hbm4b:s3+s2], $0x80, v5, vm0, $0xb8;
	[tilespmem:$0x10400] =	vst v63  }
0x1b7: {  	v5 =	vld [tilespmem:$0x1F0];
	_ =	sdelay $0x4  }
0x1b8: {  	v6 =	vshll.u32 v5, $0x1  }
0x1b9: {  	v5 =	vand.u32 $0x7, v5;
	v6 =	vand.u32 $0xFFFFFFF0, v6  }
0x1ba: {  	v5 =	vor.u32 v5, v6  }
0x1bb: {  	v6 =	vperm.xlane v5, v2;
	_ =	sdelay $0x1  }
0x1bc: {  	v5 =	vperm.xlane v5, v4;
	v6 =	vadd.s32 v3, v6;
	_ =	sdelay $0x1  }
0x1bd: {  	v5 =	vadd.s32 v3, v5;
	_ =	sdelay $0x1  }
0x1be: {  	s16 =	simm.s32 $0xF400  }
0x1bf: {  	[tilespmem:s16], [sflag:$0x2] =	stream.indirect_vreg.gather [hbm4b:s3+s2], $0x80, v6, vm0, $0xb8;
	[tilespmem:$0x10400] =	vst v63  }
0x1c0: {  	s9 =	simm.s32 $0xFC00  }
0x1c1: {  	[tilespmem:s9], [sflag:$0x2] =	stream.indirect_vreg.gather [hbm4b:s3+s2], $0x80, v5, vm0, $0xb8;
	[tilespmem:$0x10400] =	vst v63  }
0x1c2: {  	_ =	swait.ge [sflag:s11], $0x8000  }
0x1c3: {  	[sflag:s11] =	ssyncset.done $0x0  }
0x1c4: {  	s9 =	rddreg [dreg:$0x6];
	[sflag:s11] =	ssyncadd.s32 $0xFFFF8000  }
0x1c5: {  	[hbm4b:s9+s2] =	stream.linear.scatter [tilespmem:s23], [sflag:$0x3], $0x8000, $0x38;
	[tilespmem:$0x10400] =	vst v63  }
0x1c6: {  	_ =	swait.ge [sflag:s6], $0x8000  }
0x1c7: {  	[sflag:s6] =	ssyncset.done $0x0  }
0x1c8: {  	[sflag:s6] =	ssyncadd.s32 $0xFFFF8000  }
0x1c9: {  	v5 =	vld [tilespmem:$0x200];
	_ =	sdelay $0x4  }
0x1ca: {  	v6 =	vshll.u32 v5, $0x1  }
0x1cb: {  	v5 =	vand.u32 $0x7, v5;
	v6 =	vand.u32 $0xFFFFFFF0, v6  }
0x1cc: {  	v5 =	vor.u32 v5, v6  }
0x1cd: {  	v6 =	vperm.xlane v5, v2;
	_ =	sdelay $0x1  }
0x1ce: {  	v5 =	vperm.xlane v5, v4;
	v6 =	vadd.s32 v3, v6;
	_ =	sdelay $0x1  }
0x1cf: {  	v5 =	vadd.s32 v3, v5;
	_ =	sdelay $0x2  }
0x1d0: {  	[tilespmem:s23], [sflag:$0x1] =	stream.indirect_vreg.gather [hbm4b:s3+s2], $0x80, v6, vm0, $0xb8;
	[tilespmem:$0x10400] =	vst v63  }
0x1d1: {  	s15 =	simm.s32 $0xC00  }
0x1d2: {  	[tilespmem:s15], [sflag:$0x1] =	stream.indirect_vreg.gather [hbm4b:s3+s2], $0x80, v5, vm0, $0xb8;
	[tilespmem:$0x10400] =	vst v63  }
0x1d3: {  	v5 =	vld [tilespmem:$0x210];
	_ =	sdelay $0x4  }
0x1d4: {  	v6 =	vshll.u32 v5, $0x1  }
0x1d5: {  	v5 =	vand.u32 $0x7, v5;
	v6 =	vand.u32 $0xFFFFFFF0, v6  }
0x1d6: {  	v5 =	vor.u32 v5, v6  }
0x1d7: {  	v6 =	vperm.xlane v5, v2;
	_ =	sdelay $0x1  }
0x1d8: {  	v5 =	vperm.xlane v5, v4;
	v6 =	vadd.s32 v3, v6;
	_ =	sdelay $0x1  }
0x1d9: {  	v5 =	vadd.s32 v3, v5;
	_ =	sdelay $0x1  }
0x1da: {  	s18 =	simm.s32 $0x1400  }
0x1db: {  	[tilespmem:s18], [sflag:$0x1] =	stream.indirect_vreg.gather [hbm4b:s3+s2], $0x80, v6, vm0, $0xb8;
	[tilespmem:$0x10400] =	vst v63  }
0x1dc: {  	_ = 	snop  }
0x1dd: {  	[tilespmem:s20], [sflag:$0x1] =	stream.indirect_vreg.gather [hbm4b:s3+s2], $0x80, v5, vm0, $0xb8;
	[tilespmem:$0x10400] =	vst v63  }
0x1de: {  	v5 =	vld [tilespmem:$0x220];
	_ =	sdelay $0x4  }
0x1df: {  	v6 =	vshll.u32 v5, $0x1  }
0x1e0: {  	v5 =	vand.u32 $0x7, v5;
	v6 =	vand.u32 $0xFFFFFFF0, v6  }
0x1e1: {  	v5 =	vor.u32 v5, v6  }
0x1e2: {  	v6 =	vperm.xlane v5, v2;
	_ =	sdelay $0x1  }
0x1e3: {  	v5 =	vperm.xlane v5, v4;
	v6 =	vadd.s32 v3, v6;
	_ =	sdelay $0x1  }
0x1e4: {  	v5 =	vadd.s32 v3, v5;
	_ =	sdelay $0x2  }
0x1e5: {  	[tilespmem:s19], [sflag:$0x1] =	stream.indirect_vreg.gather [hbm4b:s3+s2], $0x80, v6, vm0, $0xb8;
	[tilespmem:$0x10400] =	vst v63  }
0x1e6: {  	s19 =	simm.s32 $0x2C00  }
0x1e7: {  	[tilespmem:s19], [sflag:$0x1] =	stream.indirect_vreg.gather [hbm4b:s3+s2], $0x80, v5, vm0, $0xb8;
	[tilespmem:$0x10400] =	vst v63  }
0x1e8: {  	v5 =	vld [tilespmem:$0x230];
	_ =	sdelay $0x4  }
0x1e9: {  	v6 =	vshll.u32 v5, $0x1  }
0x1ea: {  	v5 =	vand.u32 $0x7, v5;
	v6 =	vand.u32 $0xFFFFFFF0, v6  }
0x1eb: {  	v5 =	vor.u32 v5, v6  }
0x1ec: {  	v6 =	vperm.xlane v5, v2;
	_ =	sdelay $0x1  }
0x1ed: {  	v5 =	vperm.xlane v5, v4;
	v6 =	vadd.s32 v3, v6;
	_ =	sdelay $0x1  }
0x1ee: {  	v5 =	vadd.s32 v3, v5;
	_ =	sdelay $0x2  }
0x1ef: {  	[tilespmem:s21], [sflag:$0x1] =	stream.indirect_vreg.gather [hbm4b:s3+s2], $0x80, v6, vm0, $0xb8;
	[tilespmem:$0x10400] =	vst v63  }
0x1f0: {  	_ = 	snop  }
0x1f1: {  	[tilespmem:s24], [sflag:$0x1] =	stream.indirect_vreg.gather [hbm4b:s3+s2], $0x80, v5, vm0, $0xb8;
	[tilespmem:$0x10400] =	vst v63  }
0x1f2: {  	v5 =	vld [tilespmem:$0x240];
	_ =	sdelay $0x4  }
0x1f3: {  	v6 =	vshll.u32 v5, $0x1  }
0x1f4: {  	v5 =	vand.u32 $0x7, v5;
	v6 =	vand.u32 $0xFFFFFFF0, v6  }
0x1f5: {  	v5 =	vor.u32 v5, v6  }
0x1f6: {  	v6 =	vperm.xlane v5, v2;
	_ =	sdelay $0x1  }
0x1f7: {  	v5 =	vperm.xlane v5, v4;
	v6 =	vadd.s32 v3, v6;
	_ =	sdelay $0x1  }
0x1f8: {  	v5 =	vadd.s32 v3, v5;
	_ =	sdelay $0x1  }
0x1f9: {  	s21 =	simm.s32 $0x4400  }
0x1fa: {  	[tilespmem:s21], [sflag:$0x1] =	stream.indirect_vreg.gather [hbm4b:s3+s2], $0x80, v6, vm0, $0xb8;
	[tilespmem:$0x10400] =	vst v63  }
0x1fb: {  	_ = 	snop  }
0x1fc: {  	[tilespmem:s25], [sflag:$0x1] =	stream.indirect_vreg.gather [hbm4b:s3+s2], $0x80, v5, vm0, $0xb8;
	[tilespmem:$0x10400] =	vst v63  }
0x1fd: {  	v5 =	vld [tilespmem:$0x250];
	_ =	sdelay $0x4  }
0x1fe: {  	v6 =	vshll.u32 v5, $0x1  }
0x1ff: {  	v5 =	vand.u32 $0x7, v5;
	v6 =	vand.u32 $0xFFFFFFF0, v6  }
0x200: {  	v5 =	vor.u32 v5, v6  }
0x201: {  	v6 =	vperm.xlane v5, v2;
	_ =	sdelay $0x1  }
0x202: {  	v5 =	vperm.xlane v5, v4;
	v6 =	vadd.s32 v3, v6;
	_ =	sdelay $0x1  }
0x203: {  	v5 =	vadd.s32 v3, v5;
	_ =	sdelay $0x2  }
0x204: {  	[tilespmem:s26], [sflag:$0x1] =	stream.indirect_vreg.gather [hbm4b:s3+s2], $0x80, v6, vm0, $0xb8;
	[tilespmem:$0x10400] =	vst v63  }
0x205: {  	_ = 	snop  }
0x206: {  	[tilespmem:s28], [sflag:$0x1] =	stream.indirect_vreg.gather [hbm4b:s3+s2], $0x80, v5, vm0, $0xb8;
	[tilespmem:$0x10400] =	vst v63  }
0x207: {  	v5 =	vld [tilespmem:$0x260];
	_ =	sdelay $0x4  }
0x208: {  	v6 =	vshll.u32 v5, $0x1  }
0x209: {  	v5 =	vand.u32 $0x7, v5;
	v6 =	vand.u32 $0xFFFFFFF0, v6  }
0x20a: {  	v5 =	vor.u32 v5, v6  }
0x20b: {  	v6 =	vperm.xlane v5, v2;
	_ =	sdelay $0x1  }
0x20c: {  	v5 =	vperm.xlane v5, v4;
	v6 =	vadd.s32 v3, v6;
	_ =	sdelay $0x1  }
0x20d: {  	v5 =	vadd.s32 v3, v5;
	_ =	sdelay $0x2  }
0x20e: {  	[tilespmem:s29], [sflag:$0x1] =	stream.indirect_vreg.gather [hbm4b:s3+s2], $0x80, v6, vm0, $0xb8;
	[tilespmem:$0x10400] =	vst v63  }
0x20f: {  	_ = 	snop  }
0x210: {  	[tilespmem:s30], [sflag:$0x1] =	stream.indirect_vreg.gather [hbm4b:s3+s2], $0x80, v5, vm0, $0xb8;
	[tilespmem:$0x10400] =	vst v63  }
0x211: {  	v5 =	vld [tilespmem:$0x270];
	_ =	sdelay $0x4  }
0x212: {  	v6 =	vshll.u32 v5, $0x1  }
0x213: {  	v5 =	vand.u32 $0x7, v5;
	v6 =	vand.u32 $0xFFFFFFF0, v6  }
0x214: {  	v5 =	vor.u32 v5, v6  }
0x215: {  	v6 =	vperm.xlane v5, v2;
	_ =	sdelay $0x1  }
0x216: {  	v5 =	vperm.xlane v5, v4;
	v6 =	vadd.s32 v3, v6;
	_ =	sdelay $0x1  }
0x217: {  	v5 =	vadd.s32 v3, v5;
	_ =	sdelay $0x2  }
0x218: {  	[tilespmem:s31], [sflag:$0x1] =	stream.indirect_vreg.gather [hbm4b:s3+s2], $0x80, v6, vm0, $0xb8;
	[tilespmem:$0x10400] =	vst v63  }
0x219: {  	_ = 	snop  }
0x21a: {  	[tilespmem:s22], [sflag:$0x1] =	stream.indirect_vreg.gather [hbm4b:s3+s2], $0x80, v5, vm0, $0xb8;
	[tilespmem:$0x10400] =	vst v63  }
0x21b: {  	_ =	swait.ge [sflag:s14], $0x8000  }
0x21c: {  	[sflag:s14] =	ssyncset.done $0x0  }
0x21d: {  	s9 =	rddreg [dreg:$0x7];
	[sflag:s14] =	ssyncadd.s32 $0xFFFF8000  }
0x21e: {  	[hbm4b:s9+s2] =	stream.linear.scatter [tilespmem:s0], [sflag:$0x3], $0x8000, $0x38;
	[tilespmem:$0x10400] =	vst v63  }
0x21f: {  	_ =	swait.ge [sflag:s6], $0x8000  }
0x220: {  	[sflag:s6] =	ssyncset.done $0x0  }
0x221: {  	[sflag:s6] =	ssyncadd.s32 $0xFFFF8000  }
0x222: {  	v5 =	vld [tilespmem:$0x280];
	_ =	sdelay $0x4  }
0x223: {  	v6 =	vshll.u32 v5, $0x1  }
0x224: {  	v5 =	vand.u32 $0x7, v5;
	v6 =	vand.u32 $0xFFFFFFF0, v6  }
0x225: {  	v5 =	vor.u32 v5, v6  }
0x226: {  	v6 =	vperm.xlane v5, v2;
	_ =	sdelay $0x1  }
0x227: {  	v5 =	vperm.xlane v5, v4;
	v6 =	vadd.s32 v3, v6;
	_ =	sdelay $0x1  }
0x228: {  	v5 =	vadd.s32 v3, v5;
	_ =	sdelay $0x2  }
0x229: {  	[tilespmem:s0], [sflag:$0x2] =	stream.indirect_vreg.gather [hbm4b:s3+s2], $0x80, v6, vm0, $0xb8;
	[tilespmem:$0x10400] =	vst v63  }
0x22a: {  	s22 =	simm.s32 $0x8C00  }
0x22b: {  	[tilespmem:s22], [sflag:$0x2] =	stream.indirect_vreg.gather [hbm4b:s3+s2], $0x80, v5, vm0, $0xb8;
	[tilespmem:$0x10400] =	vst v63  }
0x22c: {  	v5 =	vld [tilespmem:$0x290];
	_ =	sdelay $0x4  }
0x22d: {  	v6 =	vshll.u32 v5, $0x1  }
0x22e: {  	v5 =	vand.u32 $0x7, v5;
	v6 =	vand.u32 $0xFFFFFFF0, v6  }
0x22f: {  	v5 =	vor.u32 v5, v6  }
0x230: {  	v6 =	vperm.xlane v5, v2;
	_ =	sdelay $0x1  }
0x231: {  	v5 =	vperm.xlane v5, v4;
	v6 =	vadd.s32 v3, v6;
	_ =	sdelay $0x1  }
0x232: {  	v5 =	vadd.s32 v3, v5;
	_ =	sdelay $0x2  }
0x233: {  	[tilespmem:s4], [sflag:$0x2] =	stream.indirect_vreg.gather [hbm4b:s3+s2], $0x80, v6, vm0, $0xb8;
	[tilespmem:$0x10400] =	vst v63  }
0x234: {  	s9 =	simm.s32 $0x9C00  }
0x235: {  	[tilespmem:s9], [sflag:$0x2] =	stream.indirect_vreg.gather [hbm4b:s3+s2], $0x80, v5, vm0, $0xb8;
	[tilespmem:$0x10400] =	vst v63  }
0x236: {  	v5 =	vld [tilespmem:$0x2A0];
	_ =	sdelay $0x4  }
0x237: {  	v6 =	vshll.u32 v5, $0x1  }
0x238: {  	v5 =	vand.u32 $0x7, v5;
	v6 =	vand.u32 $0xFFFFFFF0, v6  }
0x239: {  	v5 =	vor.u32 v5, v6  }
0x23a: {  	v6 =	vperm.xlane v5, v2;
	_ =	sdelay $0x1  }
0x23b: {  	v5 =	vperm.xlane v5, v4;
	v6 =	vadd.s32 v3, v6;
	_ =	sdelay $0x1  }
0x23c: {  	v5 =	vadd.s32 v3, v5;
	_ =	sdelay $0x2  }
0x23d: {  	[tilespmem:s10], [sflag:$0x2] =	stream.indirect_vreg.gather [hbm4b:s3+s2], $0x80, v6, vm0, $0xb8;
	[tilespmem:$0x10400] =	vst v63  }
0x23e: {  	s15 =	simm.s32 $0xAC00  }
0x23f: {  	[tilespmem:s15], [sflag:$0x2] =	stream.indirect_vreg.gather [hbm4b:s3+s2], $0x80, v5, vm0, $0xb8;
	[tilespmem:$0x10400] =	vst v63  }
0x240: {  	v5 =	vld [tilespmem:$0x2B0];
	_ =	sdelay $0x4  }
0x241: {  	v6 =	vshll.u32 v5, $0x1  }
0x242: {  	v5 =	vand.u32 $0x7, v5;
	v6 =	vand.u32 $0xFFFFFFF0, v6  }
0x243: {  	v5 =	vor.u32 v5, v6  }
0x244: {  	v6 =	vperm.xlane v5, v2;
	_ =	sdelay $0x1  }
0x245: {  	v5 =	vperm.xlane v5, v4;
	v6 =	vadd.s32 v3, v6;
	_ =	sdelay $0x1  }
0x246: {  	v5 =	vadd.s32 v3, v5;
	_ =	sdelay $0x2  }
0x247: {  	[tilespmem:s12], [sflag:$0x2] =	stream.indirect_vreg.gather [hbm4b:s3+s2], $0x80, v6, vm0, $0xb8;
	[tilespmem:$0x10400] =	vst v63  }
0x248: {  	_ = 	snop  }
0x249: {  	[tilespmem:s13], [sflag:$0x2] =	stream.indirect_vreg.gather [hbm4b:s3+s2], $0x80, v5, vm0, $0xb8;
	[tilespmem:$0x10400] =	vst v63  }
0x24a: {  	v5 =	vld [tilespmem:$0x2C0];
	_ =	sdelay $0x4  }
0x24b: {  	v6 =	vshll.u32 v5, $0x1  }
0x24c: {  	v5 =	vand.u32 $0x7, v5;
	v6 =	vand.u32 $0xFFFFFFF0, v6  }
0x24d: {  	v5 =	vor.u32 v5, v6  }
0x24e: {  	v6 =	vperm.xlane v5, v2;
	_ =	sdelay $0x1  }
0x24f: {  	v5 =	vperm.xlane v5, v4;
	v6 =	vadd.s32 v3, v6;
	_ =	sdelay $0x1  }
0x250: {  	v5 =	vadd.s32 v3, v5;
	_ =	sdelay $0x1  }
0x251: {  	s17 =	simm.s32 $0xC400  }
0x252: {  	[tilespmem:s17], [sflag:$0x2] =	stream.indirect_vreg.gather [hbm4b:s3+s2], $0x80, v6, vm0, $0xb8;
	[tilespmem:$0x10400] =	vst v63  }
0x253: {  	s17 =	simm.s32 $0xCC00  }
0x254: {  	[tilespmem:s17], [sflag:$0x2] =	stream.indirect_vreg.gather [hbm4b:s3+s2], $0x80, v5, vm0, $0xb8;
	[tilespmem:$0x10400] =	vst v63  }
0x255: {  	v5 =	vld [tilespmem:$0x2D0];
	_ =	sdelay $0x4  }
0x256: {  	v6 =	vshll.u32 v5, $0x1  }
0x257: {  	v5 =	vand.u32 $0x7, v5;
	v6 =	vand.u32 $0xFFFFFFF0, v6  }
0x258: {  	v5 =	vor.u32 v5, v6  }
0x259: {  	v6 =	vperm.xlane v5, v2;
	_ =	sdelay $0x1  }
0x25a: {  	v5 =	vperm.xlane v5, v4;
	v6 =	vadd.s32 v3, v6;
	_ =	sdelay $0x1  }
0x25b: {  	v5 =	vadd.s32 v3, v5;
	_ =	sdelay $0x1  }
0x25c: {  	s1 =	simm.s32 $0xD400  }
0x25d: {  	[tilespmem:s1], [sflag:$0x2] =	stream.indirect_vreg.gather [hbm4b:s3+s2], $0x80, v6, vm0, $0xb8;
	[tilespmem:$0x10400] =	vst v63  }
0x25e: {  	s15 =	simm.s32 $0xDC00  }
0x25f: {  	[tilespmem:s15], [sflag:$0x2] =	stream.indirect_vreg.gather [hbm4b:s3+s2], $0x80, v5, vm0, $0xb8;
	[tilespmem:$0x10400] =	vst v63  }
0x260: {  	v5 =	vld [tilespmem:$0x2E0];
	_ =	sdelay $0x4  }
0x261: {  	v6 =	vshll.u32 v5, $0x1  }
0x262: {  	v5 =	vand.u32 $0x7, v5;
	v6 =	vand.u32 $0xFFFFFFF0, v6  }
0x263: {  	v5 =	vor.u32 v5, v6  }
0x264: {  	v6 =	vperm.xlane v5, v2;
	_ =	sdelay $0x1  }
0x265: {  	v5 =	vperm.xlane v5, v4;
	v6 =	vadd.s32 v3, v6;
	_ =	sdelay $0x1  }
0x266: {  	v5 =	vadd.s32 v3, v5;
	_ =	sdelay $0x1  }
0x267: {  	s7 =	simm.s32 $0xE400  }
0x268: {  	[tilespmem:s7], [sflag:$0x2] =	stream.indirect_vreg.gather [hbm4b:s3+s2], $0x80, v6, vm0, $0xb8;
	[tilespmem:$0x10400] =	vst v63  }
0x269: {  	s15 =	simm.s32 $0xEC00  }
0x26a: {  	[tilespmem:s15], [sflag:$0x2] =	stream.indirect_vreg.gather [hbm4b:s3+s2], $0x80, v5, vm0, $0xb8;
	[tilespmem:$0x10400] =	vst v63  }
0x26b: {  	v5 =	vld [tilespmem:$0x2F0];
	_ =	sdelay $0x4  }
0x26c: {  	v6 =	vshll.u32 v5, $0x1  }
0x26d: {  	v5 =	vand.u32 $0x7, v5;
	v6 =	vand.u32 $0xFFFFFFF0, v6  }
0x26e: {  	v5 =	vor.u32 v5, v6  }
0x26f: {  	v6 =	vperm.xlane v5, v2;
	_ =	sdelay $0x1  }
0x270: {  	v5 =	vperm.xlane v5, v4;
	v6 =	vadd.s32 v3, v6;
	_ =	sdelay $0x1  }
0x271: {  	v5 =	vadd.s32 v3, v5;
	_ =	sdelay $0x1  }
0x272: {  	s16 =	simm.s32 $0xF400  }
0x273: {  	[tilespmem:s16], [sflag:$0x2] =	stream.indirect_vreg.gather [hbm4b:s3+s2], $0x80, v6, vm0, $0xb8;
	[tilespmem:$0x10400] =	vst v63  }
0x274: {  	s16 =	simm.s32 $0xFC00  }
0x275: {  	[tilespmem:s16], [sflag:$0x2] =	stream.indirect_vreg.gather [hbm4b:s3+s2], $0x80, v5, vm0, $0xb8;
	[tilespmem:$0x10400] =	vst v63  }
0x276: {  	_ =	swait.ge [sflag:s11], $0x8000  }
0x277: {  	[sflag:s11] =	ssyncset.done $0x0  }
0x278: {  	s15 =	rddreg [dreg:$0x8];
	[sflag:s11] =	ssyncadd.s32 $0xFFFF8000  }
0x279: {  	[hbm4b:s15+s2] =	stream.linear.scatter [tilespmem:s23], [sflag:$0x3], $0x8000, $0x38;
	[tilespmem:$0x10400] =	vst v63  }
0x27a: {  	_ =	swait.ge [sflag:s6], $0x8000  }
0x27b: {  	[sflag:s6] =	ssyncset.done $0x0  }
0x27c: {  	[sflag:s6] =	ssyncadd.s32 $0xFFFF8000  }
0x27d: {  	v5 =	vld [tilespmem:$0x300];
	_ =	sdelay $0x4  }
0x27e: {  	v6 =	vshll.u32 v5, $0x1  }
0x27f: {  	v5 =	vand.u32 $0x7, v5;
	v6 =	vand.u32 $0xFFFFFFF0, v6  }
0x280: {  	v5 =	vor.u32 v5, v6  }
0x281: {  	v6 =	vperm.xlane v5, v2;
	_ =	sdelay $0x1  }
0x282: {  	v5 =	vperm.xlane v5, v4;
	v6 =	vadd.s32 v3, v6;
	_ =	sdelay $0x1  }
0x283: {  	v5 =	vadd.s32 v3, v5;
	_ =	sdelay $0x2  }
0x284: {  	[tilespmem:s23], [sflag:$0x1] =	stream.indirect_vreg.gather [hbm4b:s3+s2], $0x80, v6, vm0, $0xb8;
	[tilespmem:$0x10400] =	vst v63  }
0x285: {  	s15 =	simm.s32 $0xC00  }
0x286: {  	[tilespmem:s15], [sflag:$0x1] =	stream.indirect_vreg.gather [hbm4b:s3+s2], $0x80, v5, vm0, $0xb8;
	[tilespmem:$0x10400] =	vst v63  }
0x287: {  	v5 =	vld [tilespmem:$0x310];
	_ =	sdelay $0x4  }
0x288: {  	v6 =	vshll.u32 v5, $0x1  }
0x289: {  	v5 =	vand.u32 $0x7, v5;
	v6 =	vand.u32 $0xFFFFFFF0, v6  }
0x28a: {  	v5 =	vor.u32 v5, v6  }
0x28b: {  	v6 =	vperm.xlane v5, v2;
	_ =	sdelay $0x1  }
0x28c: {  	v5 =	vperm.xlane v5, v4;
	v6 =	vadd.s32 v3, v6;
	_ =	sdelay $0x1  }
0x28d: {  	v5 =	vadd.s32 v3, v5;
	_ =	sdelay $0x1  }
0x28e: {  	s15 =	simm.s32 $0x1400  }
0x28f: {  	[tilespmem:s15], [sflag:$0x1] =	stream.indirect_vreg.gather [hbm4b:s3+s2], $0x80, v6, vm0, $0xb8;
	[tilespmem:$0x10400] =	vst v63  }
0x290: {  	s20 =	simm.s32 $0x1C00  }
0x291: {  	[tilespmem:s20], [sflag:$0x1] =	stream.indirect_vreg.gather [hbm4b:s3+s2], $0x80, v5, vm0, $0xb8;
	[tilespmem:$0x10400] =	vst v63  }
0x292: {  	v5 =	vld [tilespmem:$0x320];
	_ =	sdelay $0x4  }
0x293: {  	v6 =	vshll.u32 v5, $0x1  }
0x294: {  	v5 =	vand.u32 $0x7, v5;
	v6 =	vand.u32 $0xFFFFFFF0, v6  }
0x295: {  	v5 =	vor.u32 v5, v6  }
0x296: {  	v6 =	vperm.xlane v5, v2;
	_ =	sdelay $0x1  }
0x297: {  	v5 =	vperm.xlane v5, v4;
	v6 =	vadd.s32 v3, v6;
	_ =	sdelay $0x1  }
0x298: {  	v5 =	vadd.s32 v3, v5;
	_ =	sdelay $0x1  }
0x299: {  	s18 =	simm.s32 $0x2400  }
0x29a: {  	[tilespmem:s18], [sflag:$0x1] =	stream.indirect_vreg.gather [hbm4b:s3+s2], $0x80, v6, vm0, $0xb8;
	[tilespmem:$0x10400] =	vst v63  }
0x29b: {  	s18 =	simm.s32 $0x2C00  }
0x29c: {  	[tilespmem:s18], [sflag:$0x1] =	stream.indirect_vreg.gather [hbm4b:s3+s2], $0x80, v5, vm0, $0xb8;
	[tilespmem:$0x10400] =	vst v63  }
0x29d: {  	v5 =	vld [tilespmem:$0x330];
	_ =	sdelay $0x4  }
0x29e: {  	v6 =	vshll.u32 v5, $0x1  }
0x29f: {  	v5 =	vand.u32 $0x7, v5;
	v6 =	vand.u32 $0xFFFFFFF0, v6  }
0x2a0: {  	v5 =	vor.u32 v5, v6  }
0x2a1: {  	v6 =	vperm.xlane v5, v2;
	_ =	sdelay $0x1  }
0x2a2: {  	v5 =	vperm.xlane v5, v4;
	v6 =	vadd.s32 v3, v6;
	_ =	sdelay $0x1  }
0x2a3: {  	v5 =	vadd.s32 v3, v5;
	_ =	sdelay $0x1  }
0x2a4: {  	s19 =	simm.s32 $0x3400  }
0x2a5: {  	[tilespmem:s19], [sflag:$0x1] =	stream.indirect_vreg.gather [hbm4b:s3+s2], $0x80, v6, vm0, $0xb8;
	[tilespmem:$0x10400] =	vst v63  }
0x2a6: {  	s24 =	simm.s32 $0x3C00  }
0x2a7: {  	[tilespmem:s24], [sflag:$0x1] =	stream.indirect_vreg.gather [hbm4b:s3+s2], $0x80, v5, vm0, $0xb8;
	[tilespmem:$0x10400] =	vst v63  }
0x2a8: {  	v5 =	vld [tilespmem:$0x340];
	_ =	sdelay $0x4  }
0x2a9: {  	v6 =	vshll.u32 v5, $0x1  }
0x2aa: {  	v5 =	vand.u32 $0x7, v5;
	v6 =	vand.u32 $0xFFFFFFF0, v6  }
0x2ab: {  	v5 =	vor.u32 v5, v6  }
0x2ac: {  	v6 =	vperm.xlane v5, v2;
	_ =	sdelay $0x1  }
0x2ad: {  	v5 =	vperm.xlane v5, v4;
	v6 =	vadd.s32 v3, v6;
	_ =	sdelay $0x1  }
0x2ae: {  	v5 =	vadd.s32 v3, v5;
	_ =	sdelay $0x1  }
0x2af: {  	s20 =	simm.s32 $0x4400  }
0x2b0: {  	[tilespmem:s20], [sflag:$0x1] =	stream.indirect_vreg.gather [hbm4b:s3+s2], $0x80, v6, vm0, $0xb8;
	[tilespmem:$0x10400] =	vst v63  }
0x2b1: {  	s25 =	simm.s32 $0x4C00  }
0x2b2: {  	[tilespmem:s25], [sflag:$0x1] =	stream.indirect_vreg.gather [hbm4b:s3+s2], $0x80, v5, vm0, $0xb8;
	[tilespmem:$0x10400] =	vst v63  }
0x2b3: {  	v5 =	vld [tilespmem:$0x350];
	_ =	sdelay $0x4  }
0x2b4: {  	v6 =	vshll.u32 v5, $0x1  }
0x2b5: {  	v5 =	vand.u32 $0x7, v5;
	v6 =	vand.u32 $0xFFFFFFF0, v6  }
0x2b6: {  	v5 =	vor.u32 v5, v6  }
0x2b7: {  	v6 =	vperm.xlane v5, v2;
	_ =	sdelay $0x1  }
0x2b8: {  	v5 =	vperm.xlane v5, v4;
	v6 =	vadd.s32 v3, v6;
	_ =	sdelay $0x1  }
0x2b9: {  	v5 =	vadd.s32 v3, v5;
	_ =	sdelay $0x1  }
0x2ba: {  	s26 =	simm.s32 $0x5400  }
0x2bb: {  	[tilespmem:s26], [sflag:$0x1] =	stream.indirect_vreg.gather [hbm4b:s3+s2], $0x80, v6, vm0, $0xb8;
	[tilespmem:$0x10400] =	vst v63  }
0x2bc: {  	s28 =	simm.s32 $0x5C00  }
0x2bd: {  	[tilespmem:s28], [sflag:$0x1] =	stream.indirect_vreg.gather [hbm4b:s3+s2], $0x80, v5, vm0, $0xb8;
	[tilespmem:$0x10400] =	vst v63  }
0x2be: {  	v5 =	vld [tilespmem:$0x360];
	_ =	sdelay $0x4  }
0x2bf: {  	v6 =	vshll.u32 v5, $0x1  }
0x2c0: {  	v5 =	vand.u32 $0x7, v5;
	v6 =	vand.u32 $0xFFFFFFF0, v6  }
0x2c1: {  	v5 =	vor.u32 v5, v6  }
0x2c2: {  	v6 =	vperm.xlane v5, v2;
	_ =	sdelay $0x1  }
0x2c3: {  	v5 =	vperm.xlane v5, v4;
	v6 =	vadd.s32 v3, v6;
	_ =	sdelay $0x1  }
0x2c4: {  	v5 =	vadd.s32 v3, v5;
	_ =	sdelay $0x1  }
0x2c5: {  	s29 =	simm.s32 $0x6400  }
0x2c6: {  	[tilespmem:s29], [sflag:$0x1] =	stream.indirect_vreg.gather [hbm4b:s3+s2], $0x80, v6, vm0, $0xb8;
	[tilespmem:$0x10400] =	vst v63  }
0x2c7: {  	s30 =	simm.s32 $0x6C00  }
0x2c8: {  	[tilespmem:s30], [sflag:$0x1] =	stream.indirect_vreg.gather [hbm4b:s3+s2], $0x80, v5, vm0, $0xb8;
	[tilespmem:$0x10400] =	vst v63  }
0x2c9: {  	v5 =	vld [tilespmem:$0x370];
	_ =	sdelay $0x4  }
0x2ca: {  	v6 =	vshll.u32 v5, $0x1  }
0x2cb: {  	v5 =	vand.u32 $0x7, v5;
	v6 =	vand.u32 $0xFFFFFFF0, v6  }
0x2cc: {  	v5 =	vor.u32 v5, v6  }
0x2cd: {  	v6 =	vperm.xlane v5, v2;
	_ =	sdelay $0x1  }
0x2ce: {  	v5 =	vperm.xlane v5, v4;
	v6 =	vadd.s32 v3, v6;
	_ =	sdelay $0x1  }
0x2cf: {  	v5 =	vadd.s32 v3, v5;
	_ =	sdelay $0x1  }
0x2d0: {  	s31 =	simm.s32 $0x7400  }
0x2d1: {  	[tilespmem:s31], [sflag:$0x1] =	stream.indirect_vreg.gather [hbm4b:s3+s2], $0x80, v6, vm0, $0xb8;
	[tilespmem:$0x10400] =	vst v63  }
0x2d2: {  	s21 =	simm.s32 $0x7C00  }
0x2d3: {  	[tilespmem:s21], [sflag:$0x1] =	stream.indirect_vreg.gather [hbm4b:s3+s2], $0x80, v5, vm0, $0xb8;
	[tilespmem:$0x10400] =	vst v63  }
0x2d4: {  	_ =	swait.ge [sflag:s14], $0x8000  }
0x2d5: {  	[sflag:s14] =	ssyncset.done $0x0  }
0x2d6: {  	s24 =	rddreg [dreg:$0x9];
	[sflag:s14] =	ssyncadd.s32 $0xFFFF8000  }
0x2d7: {  	[hbm4b:s24+s2] =	stream.linear.scatter [tilespmem:s0], [sflag:$0x3], $0x8000, $0x38;
	[tilespmem:$0x10400] =	vst v63  }
0x2d8: {  	_ =	swait.ge [sflag:s6], $0x8000  }
0x2d9: {  	[sflag:s6] =	ssyncset.done $0x0  }
0x2da: {  	[sflag:s6] =	ssyncadd.s32 $0xFFFF8000  }
0x2db: {  	v5 =	vld [tilespmem:$0x380];
	_ =	sdelay $0x4  }
0x2dc: {  	v6 =	vshll.u32 v5, $0x1  }
0x2dd: {  	v5 =	vand.u32 $0x7, v5;
	v6 =	vand.u32 $0xFFFFFFF0, v6  }
0x2de: {  	v5 =	vor.u32 v5, v6  }
0x2df: {  	v6 =	vperm.xlane v5, v2;
	_ =	sdelay $0x1  }
0x2e0: {  	v5 =	vperm.xlane v5, v4;
	v6 =	vadd.s32 v3, v6;
	_ =	sdelay $0x1  }
0x2e1: {  	v5 =	vadd.s32 v3, v5;
	_ =	sdelay $0x2  }
0x2e2: {  	[tilespmem:s0], [sflag:$0x2] =	stream.indirect_vreg.gather [hbm4b:s3+s2], $0x80, v6, vm0, $0xb8;
	[tilespmem:$0x10400] =	vst v63  }
0x2e3: {  	s22 =	simm.s32 $0x8C00  }
0x2e4: {  	[tilespmem:s22], [sflag:$0x2] =	stream.indirect_vreg.gather [hbm4b:s3+s2], $0x80, v5, vm0, $0xb8;
	[tilespmem:$0x10400] =	vst v63  }
0x2e5: {  	v5 =	vld [tilespmem:$0x390];
	_ =	sdelay $0x4  }
0x2e6: {  	v6 =	vshll.u32 v5, $0x1  }
0x2e7: {  	v5 =	vand.u32 $0x7, v5;
	v6 =	vand.u32 $0xFFFFFFF0, v6  }
0x2e8: {  	v5 =	vor.u32 v5, v6  }
0x2e9: {  	v6 =	vperm.xlane v5, v2;
	_ =	sdelay $0x1  }
0x2ea: {  	v5 =	vperm.xlane v5, v4;
	v6 =	vadd.s32 v3, v6;
	_ =	sdelay $0x1  }
0x2eb: {  	v5 =	vadd.s32 v3, v5;
	_ =	sdelay $0x1  }
0x2ec: {  	s4 =	simm.s32 $0x9400  }
0x2ed: {  	[tilespmem:s4], [sflag:$0x2] =	stream.indirect_vreg.gather [hbm4b:s3+s2], $0x80, v6, vm0, $0xb8;
	[tilespmem:$0x10400] =	vst v63  }
0x2ee: {  	s25 =	simm.s32 $0x9C00  }
0x2ef: {  	[tilespmem:s25], [sflag:$0x2] =	stream.indirect_vreg.gather [hbm4b:s3+s2], $0x80, v5, vm0, $0xb8;
	[tilespmem:$0x10400] =	vst v63  }
0x2f0: {  	v5 =	vld [tilespmem:$0x3A0];
	_ =	sdelay $0x4  }
0x2f1: {  	v6 =	vshll.u32 v5, $0x1  }
0x2f2: {  	v5 =	vand.u32 $0x7, v5;
	v6 =	vand.u32 $0xFFFFFFF0, v6  }
0x2f3: {  	v5 =	vor.u32 v5, v6  }
0x2f4: {  	v6 =	vperm.xlane v5, v2;
	_ =	sdelay $0x1  }
0x2f5: {  	v5 =	vperm.xlane v5, v4;
	v6 =	vadd.s32 v3, v6;
	_ =	sdelay $0x1  }
0x2f6: {  	v5 =	vadd.s32 v3, v5;
	_ =	sdelay $0x1  }
0x2f7: {  	s8 =	simm.s32 $0xA400  }
0x2f8: {  	[tilespmem:s8], [sflag:$0x2] =	stream.indirect_vreg.gather [hbm4b:s3+s2], $0x80, v6, vm0, $0xb8;
	[tilespmem:$0x10400] =	vst v63  }
0x2f9: {  	s26 =	simm.s32 $0xAC00  }
0x2fa: {  	[tilespmem:s26], [sflag:$0x2] =	stream.indirect_vreg.gather [hbm4b:s3+s2], $0x80, v5, vm0, $0xb8;
	[tilespmem:$0x10400] =	vst v63  }
0x2fb: {  	v5 =	vld [tilespmem:$0x3B0];
	_ =	sdelay $0x4  }
0x2fc: {  	v6 =	vshll.u32 v5, $0x1  }
0x2fd: {  	v5 =	vand.u32 $0x7, v5;
	v6 =	vand.u32 $0xFFFFFFF0, v6  }
0x2fe: {  	v5 =	vor.u32 v5, v6  }
0x2ff: {  	v6 =	vperm.xlane v5, v2;
	_ =	sdelay $0x1  }
0x300: {  	v5 =	vperm.xlane v5, v4;
	v6 =	vadd.s32 v3, v6;
	_ =	sdelay $0x1  }
0x301: {  	v5 =	vadd.s32 v3, v5;
	_ =	sdelay $0x1  }
0x302: {  	s9 =	simm.s32 $0xB400  }
0x303: {  	[tilespmem:s9], [sflag:$0x2] =	stream.indirect_vreg.gather [hbm4b:s3+s2], $0x80, v6, vm0, $0xb8;
	[tilespmem:$0x10400] =	vst v63  }
0x304: {  	s10 =	simm.s32 $0xBC00  }
0x305: {  	[tilespmem:s10], [sflag:$0x2] =	stream.indirect_vreg.gather [hbm4b:s3+s2], $0x80, v5, vm0, $0xb8;
	[tilespmem:$0x10400] =	vst v63  }
0x306: {  	v5 =	vld [tilespmem:$0x3C0];
	_ =	sdelay $0x4  }
0x307: {  	v6 =	vshll.u32 v5, $0x1  }
0x308: {  	v5 =	vand.u32 $0x7, v5;
	v6 =	vand.u32 $0xFFFFFFF0, v6  }
0x309: {  	v5 =	vor.u32 v5, v6  }
0x30a: {  	v6 =	vperm.xlane v5, v2;
	_ =	sdelay $0x1  }
0x30b: {  	v5 =	vperm.xlane v5, v4;
	v6 =	vadd.s32 v3, v6;
	_ =	sdelay $0x1  }
0x30c: {  	v5 =	vadd.s32 v3, v5;
	_ =	sdelay $0x1  }
0x30d: {  	s13 =	simm.s32 $0xC400  }
0x30e: {  	[tilespmem:s13], [sflag:$0x2] =	stream.indirect_vreg.gather [hbm4b:s3+s2], $0x80, v6, vm0, $0xb8;
	[tilespmem:$0x10400] =	vst v63  }
0x30f: {  	s17 =	simm.s32 $0xCC00  }
0x310: {  	[tilespmem:s17], [sflag:$0x2] =	stream.indirect_vreg.gather [hbm4b:s3+s2], $0x80, v5, vm0, $0xb8;
	[tilespmem:$0x10400] =	vst v63  }
0x311: {  	v5 =	vld [tilespmem:$0x3D0];
	_ =	sdelay $0x4  }
0x312: {  	v6 =	vshll.u32 v5, $0x1  }
0x313: {  	v5 =	vand.u32 $0x7, v5;
	v6 =	vand.u32 $0xFFFFFFF0, v6  }
0x314: {  	v5 =	vor.u32 v5, v6  }
0x315: {  	v6 =	vperm.xlane v5, v2;
	_ =	sdelay $0x1  }
0x316: {  	v5 =	vperm.xlane v5, v4;
	v6 =	vadd.s32 v3, v6;
	_ =	sdelay $0x1  }
0x317: {  	v5 =	vadd.s32 v3, v5;
	_ =	sdelay $0x1  }
0x318: {  	s12 =	simm.s32 $0xD400  }
0x319: {  	[tilespmem:s12], [sflag:$0x2] =	stream.indirect_vreg.gather [hbm4b:s3+s2], $0x80, v6, vm0, $0xb8;
	[tilespmem:$0x10400] =	vst v63  }
0x31a: {  	s28 =	simm.s32 $0xDC00  }
0x31b: {  	[tilespmem:s28], [sflag:$0x2] =	stream.indirect_vreg.gather [hbm4b:s3+s2], $0x80, v5, vm0, $0xb8;
	[tilespmem:$0x10400] =	vst v63  }
0x31c: {  	v5 =	vld [tilespmem:$0x3E0];
	_ =	sdelay $0x4  }
0x31d: {  	v6 =	vshll.u32 v5, $0x1  }
0x31e: {  	v5 =	vand.u32 $0x7, v5;
	v6 =	vand.u32 $0xFFFFFFF0, v6  }
0x31f: {  	v5 =	vor.u32 v5, v6  }
0x320: {  	v6 =	vperm.xlane v5, v2;
	_ =	sdelay $0x1  }
0x321: {  	v5 =	vperm.xlane v5, v4;
	v6 =	vadd.s32 v3, v6;
	_ =	sdelay $0x1  }
0x322: {  	v5 =	vadd.s32 v3, v5;
	_ =	sdelay $0x1  }
0x323: {  	s1 =	simm.s32 $0xE400  }
0x324: {  	[tilespmem:s1], [sflag:$0x2] =	stream.indirect_vreg.gather [hbm4b:s3+s2], $0x80, v6, vm0, $0xb8;
	[tilespmem:$0x10400] =	vst v63  }
0x325: {  	s29 =	simm.s32 $0xEC00  }
0x326: {  	[tilespmem:s29], [sflag:$0x2] =	stream.indirect_vreg.gather [hbm4b:s3+s2], $0x80, v5, vm0, $0xb8;
	[tilespmem:$0x10400] =	vst v63  }
0x327: {  	v5 =	vld [tilespmem:$0x3F0];
	_ =	sdelay $0x4  }
0x328: {  	v6 =	vshll.u32 v5, $0x1  }
0x329: {  	v5 =	vand.u32 $0x7, v5;
	v6 =	vand.u32 $0xFFFFFFF0, v6  }
0x32a: {  	v5 =	vor.u32 v5, v6  }
0x32b: {  	v6 =	vperm.xlane v5, v2;
	_ =	sdelay $0x1  }
0x32c: {  	v5 =	vperm.xlane v5, v4;
	v6 =	vadd.s32 v3, v6;
	_ =	sdelay $0x1  }
0x32d: {  	v5 =	vadd.s32 v3, v5;
	_ =	sdelay $0x1  }
0x32e: {  	s7 =	simm.s32 $0xF400  }
0x32f: {  	[tilespmem:s7], [sflag:$0x2] =	stream.indirect_vreg.gather [hbm4b:s3+s2], $0x80, v6, vm0, $0xb8;
	[tilespmem:$0x10400] =	vst v63  }
0x330: {  	s16 =	simm.s32 $0xFC00  }
0x331: {  	[tilespmem:s16], [sflag:$0x2] =	stream.indirect_vreg.gather [hbm4b:s3+s2], $0x80, v5, vm0, $0xb8;
	[tilespmem:$0x10400] =	vst v63  }
0x332: {  	_ =	swait.ge [sflag:s11], $0x8000  }
0x333: {  	[sflag:s11] =	ssyncset.done $0x0  }
0x334: {  	s30 =	rddreg [dreg:$0xa];
	[sflag:s11] =	ssyncadd.s32 $0xFFFF8000  }
0x335: {  	[hbm4b:s30+s2] =	stream.linear.scatter [tilespmem:s23], [sflag:$0x3], $0x8000, $0x38;
	[tilespmem:$0x10400] =	vst v63  }
0x336: {  	_ =	swait.ge [sflag:s6], $0x8000  }
0x337: {  	[sflag:s6] =	ssyncset.done $0x0  }
0x338: {  	[sflag:s6] =	ssyncadd.s32 $0xFFFF8000  }
0x339: {  	_ =	swait.ge [sflag:s14], $0x8000  }
0x33a: {  	p0 =	sne.s32 s5, $0x1;
	[sflag:s14] =	ssyncset.done $0x0  }
.Ltmp0:
0x33b: {  	s31 =	rddreg [dreg:$0xb];
	[sflag:s14] =	ssyncadd.s32 $0xFFFF8000;
	(pc) =	sbr.rel @p0 .LBB2_1-.Ltmp0, $4  }
0x33c: {  	[hbm4b:s31+s2] =	stream.linear.scatter [tilespmem:s0], [sflag:$0x3], $0x8000, $0x38;
	[tilespmem:$0x10400] =	vst v63  }
0x33d: {  	_ =	swait.ge [sflag:s6], $0x8000  }
0x33e: {  	[sflag:s6] =	ssyncset.done $0x0  }
0x33f: {  	s5 =	sadd.s32 $0xFFFFFFFF, s5;
	[sflag:s6] =	ssyncadd.s32 $0xFFFF8000  }
0x340: {  	_ =	sfence.sel $0x180000  }
0x341: {  	[bflag:$0x0] =	sbarrier.arrive $0xFFFF  }
0x342: {  	_ =	strace $0x90000047  }
0x343: {  	s0 =	stileid.u32;
	[bflag:$0x2] =	sbarrier.arrive $0xFFFF  }
0x344: {  	p0 =	sne.s32 s0, $0x0;
	s0 =	rddreg [dreg:$0x2]  }
0x345: {  	s0 =	sadd.s32 @!p0 $0x100000, s0  }
0x346: {  	[sflag:s0] =	ssyncadd.tile.s32 @!p0 $0x1;
	_ =	shalt  }
.Lfunc_end2:
_tile_overlayer_lowered:
.L_overlay_start_2:
0x347: {  	(tag) =	ssettag $0x2  }
0x348: {  	s0 =	rddreg [dreg:$0x0];
	s2 =	stileid.u32  }
0x349: {  	s1 =	rddreg [dreg:$0x1];
	p0 =	sne.s32 s2, $0x0  }
0x34a: {  	s3 =	rddreg [dreg:$0x2];
	[bflag:$0x3] =	sbarrier.arrive $0xFFFF;
	s2 =	simm.s32 @!p0 $0x1C03  }
0x34b: {  	[timem:s3], [sflag:s2] =	dma.local @!p0 [hbm:s0], s1  }
0x34c: {  	s0 =	simm.s32 @!p0 $0x3  }
0x34d: {  	_ =	swait.ge @!p0 [sflag:s0], s1  }
0x34e: {  	s1 =	ssub.s32 @!p0 $0x0, s1;
	[sflag:s0] =	ssyncset.done @!p0 $0x0  }
0x34f: {  	[sflag:s0] =	ssyncadd.s32 @!p0 s1  }
0x350: {  	[bflag:$0x3] =	sbarrier.arrive $0xFFFF  }
0x351: {  	_ =	shalt  }

</sc_bundles>
